<compile_context>
chip_gen: v7x
topology: tpu7x:2x2x1
jax: 0.10.2.dev20260603
libtpu: 0.0.44.dev20260713+nightly
codegen_flags: <defaults>
</compile_context>

<pallas_src>
import dataclasses
import functools

import jax
import jax.numpy as jnp
from jax import lax
from jax.experimental import pallas as pl
from jax.experimental.pallas import tpu as pltpu
from jax.experimental.pallas import tpu_sc as plsc

N = 10000
NP = 10240
E = 320000
C = 128

NC = 2
NS = 16
NT = NC * NS
CPT = C // NT
EPT = E // NT
EC = 4000
NCHUNK = E // EC

F32 = jnp.float32
I32 = jnp.int32

_MESH = plsc.VectorSubcoreMesh(core_axis_name="c", subcore_axis_name="s",
                               num_cores=NC, num_subcores=NS)

_SC_PARAMS = pltpu.CompilerParams()
if "needs_layout_passes" in pltpu.CompilerParams.__dataclass_fields__:
    _SC_PARAMS = dataclasses.replace(_SC_PARAMS, needs_layout_passes=False)


def _wid():
    return lax.axis_index("s") * NC + lax.axis_index("c")


@functools.partial(
    pl.kernel,
    out_type=jax.ShapeDtypeStruct((NT, NP), F32),
    mesh=_MESH,
    compiler_params=_SC_PARAMS,
    scratch_types=[
        pltpu.VMEM((NP,), F32),
        pltpu.VMEM((EPT,), I32),
        pltpu.VMEM((EPT,), F32),
    ],
)
def _deg_kernel(pk_hbm, ew_hbm, degp_hbm, degbuf, pkbuf, ewbuf):
    tid = _wid()
    base = tid * EPT

    @pl.loop(0, NP, step=16)
    def _zero(i):
        degbuf[pl.ds(i, 16)] = jnp.zeros((16,), F32)

    pltpu.sync_copy(pk_hbm.at[pl.ds(base, EPT)], pkbuf)
    pltpu.sync_copy(ew_hbm.at[pl.ds(base, EPT)], ewbuf)

    @pl.loop(0, EPT, step=16)
    def _acc(i):
        pk = pkbuf[pl.ds(i, 16)]
        srcv = jnp.bitwise_and(pk, 65535)
        wv = ewbuf[pl.ds(i, 16)]
        plsc.addupdate_scatter(degbuf, [srcv], wv)

    pltpu.sync_copy(degbuf, degp_hbm.at[tid])


def _prep_body(degp_ref, x_ref, dis_ref, xT_ref):
    deg = jnp.sum(degp_ref[...], axis=0)
    pos = deg > 0.0
    safe = jnp.where(pos, deg, 1.0)
    dis = jnp.where(pos, lax.rsqrt(safe), 0.0)
    dis_ref[...] = dis[None, :]
    xT_ref[:, pl.ds(0, N)] = x_ref[...].T
    xT_ref[:, pl.ds(N, NP - N)] = jnp.zeros((C, NP - N), F32)


_prep = pl.pallas_call(
    _prep_body,
    out_shape=[
        jax.ShapeDtypeStruct((1, NP), F32),
        jax.ShapeDtypeStruct((C, NP), F32),
    ],
)


@functools.partial(
    pl.kernel,
    out_type=jax.ShapeDtypeStruct((E,), F32),
    mesh=_MESH,
    compiler_params=_SC_PARAMS,
    scratch_types=[
        pltpu.VMEM((NP,), F32),
        pltpu.VMEM((EPT,), I32),
        pltpu.VMEM((EPT,), F32),
        pltpu.VMEM((EPT,), F32),
    ],
)
def _edgew_kernel(pk_hbm, ew_hbm, dis_hbm, wn_hbm, disbuf, pkbuf, ewbuf, wnbuf):
    tid = _wid()
    base = tid * EPT
    pltpu.sync_copy(dis_hbm.at[0], disbuf)
    pltpu.sync_copy(pk_hbm.at[pl.ds(base, EPT)], pkbuf)
    pltpu.sync_copy(ew_hbm.at[pl.ds(base, EPT)], ewbuf)

    @pl.loop(0, EPT, step=16)
    def _go(i):
        pk = pkbuf[pl.ds(i, 16)]
        srcv = jnp.bitwise_and(pk, 65535)
        dstv = lax.shift_right_logical(pk, 16)
        a = plsc.load_gather(disbuf, [srcv])
        b = plsc.load_gather(disbuf, [dstv])
        wv = ewbuf[pl.ds(i, 16)]
        wnbuf[pl.ds(i, 16)] = -(a * wv * b)

    pltpu.sync_copy(wnbuf, wn_hbm.at[pl.ds(base, EPT)])


@functools.partial(
    pl.kernel,
    out_type=jax.ShapeDtypeStruct((C, NP), F32),
    mesh=_MESH,
    compiler_params=_SC_PARAMS,
    scratch_types=[
        pltpu.VMEM((NP,), F32),
        pltpu.VMEM((NP,), F32),
        pltpu.VMEM((NP,), F32),
        pltpu.VMEM((NP,), F32),
        pltpu.VMEM((NP,), F32),
        pltpu.VMEM((NP,), F32),
        pltpu.VMEM((NP,), F32),
        pltpu.VMEM((NP,), F32),
        pltpu.VMEM((EC,), I32),
        pltpu.VMEM((EC,), I32),
        pltpu.VMEM((EC,), F32),
        pltpu.VMEM((EC,), F32),
        pltpu.SemaphoreType.DMA,
        pltpu.SemaphoreType.DMA,
        pltpu.SemaphoreType.DMA,
        pltpu.SemaphoreType.DMA,
    ],
)
def _mv_kernel(hT_hbm, pk_hbm, wn_hbm, outT_hbm,
               h0, h1, h2, h3, o0, o1, o2, o3,
               pkb0, pkb1, wb0, wb1, spk0, spk1, sw0, sw1):
    tid = _wid()
    row = tid * CPT
    hb = (h0, h1, h2, h3)
    ob = (o0, o1, o2, o3)
    pkb = (pkb0, pkb1)
    wb = (wb0, wb1)
    spk = (spk0, spk1)
    sw = (sw0, sw1)

    for c in range(CPT):
        pltpu.sync_copy(hT_hbm.at[row + c], hb[c])

    @pl.loop(0, NP, step=16)
    def _zero(i):
        z = jnp.zeros((16,), F32)
        for c in range(CPT):
            ob[c][pl.ds(i, 16)] = z

    def _issue(b, ci):
        pltpu.async_copy(pk_hbm.at[pl.ds(ci * EC, EC)], pkb[b], spk[b])
        pltpu.async_copy(wn_hbm.at[pl.ds(ci * EC, EC)], wb[b], sw[b])

    def _wait(b):
        pltpu.make_async_copy(pk_hbm.at[pl.ds(0, EC)], pkb[b], spk[b]).wait()
        pltpu.make_async_copy(wn_hbm.at[pl.ds(0, EC)], wb[b], sw[b]).wait()

    def _process(b):
        @pl.loop(0, EC, step=16)
        def _grp(i):
            pk = pkb[b][pl.ds(i, 16)]
            srcv = jnp.bitwise_and(pk, 65535)
            dstv = lax.shift_right_logical(pk, 16)
            wv = wb[b][pl.ds(i, 16)]
            for c in range(CPT):
                hv = plsc.load_gather(hb[c], [srcv])
                plsc.addupdate_scatter(ob[c], [dstv], hv * wv)

    _issue(0, 0)

    @pl.loop(0, NCHUNK // 2)
    def _pair(k):
        _issue(1, 2 * k + 1)
        _wait(0)
        _process(0)

        @pl.when(k < NCHUNK // 2 - 1)
        def _():
            _issue(0, 2 * k + 2)

        _wait(1)
        _process(1)

    for c in range(CPT):
        pltpu.sync_copy(ob[c], outT_hbm.at[row + c])


def _dotT(A, B):
    return lax.dot_general(
        A, B, (((0,), (0,)), ((), ())),
        precision=lax.Precision.HIGHEST,
        preferred_element_type=F32,
    )


def _layer1_body(xT_ref, t1_ref, m2_ref, W_ref, b_ref, hT_ref):
    W0, W1_, W2_ = W_ref[0], W_ref[1], W_ref[2]
    acc = _dotT(W0 - W2_, xT_ref[...])
    acc = acc + _dotT(W1_, t1_ref[...])
    acc = acc + _dotT(2.0 * W2_, m2_ref[...])
    acc = acc + b_ref[0][:, None]
    hT_ref[...] = jnp.maximum(acc, 0.0)


_layer1 = pl.pallas_call(
    _layer1_body, out_shape=jax.ShapeDtypeStruct((C, NP), F32))


def _layer2_body(hT_ref, t1_ref, m2_ref, W_ref, b_ref, out_ref):
    W0, W1_, W2_ = W_ref[0], W_ref[1], W_ref[2]
    acc = _dotT(W0 - W2_, hT_ref[...])
    acc = acc + _dotT(W1_, t1_ref[...])
    acc = acc + _dotT(2.0 * W2_, m2_ref[...])
    acc = acc + b_ref[0][:, None]
    out_ref[...] = acc[:, :N].T


_layer2 = pl.pallas_call(
    _layer2_body, out_shape=jax.ShapeDtypeStruct((N, C), F32))


def kernel(x, edge_index, edge_weight, W1, b1, W2, b2):
    src = edge_index[0].astype(I32)
    dst = edge_index[1].astype(I32)
    packed = jnp.bitwise_or(src, jnp.left_shift(dst, 16))
    ew = edge_weight.astype(F32)

    degp = _deg_kernel(packed, ew)
    dis, xT = _prep(degp, x)
    wn = _edgew_kernel(packed, ew, dis)

    t1T = _mv_kernel(xT, packed, wn)
    m2T = _mv_kernel(t1T, packed, wn)
    hT = _layer1(xT, t1T, m2T, W1, b1.reshape(1, C))
    t1T2 = _mv_kernel(hT, packed, wn)
    m2T2 = _mv_kernel(t1T2, packed, wn)
    return _layer2(hT, t1T2, m2T2, W2, b2.reshape(1, C))

# --- scband reference (transcript-rebuilt; emitter-appended) ---
"""Pipeline reference for scband-my-cheby-net-82102594830826 (READ-ONLY COPY).

The authoritative reference and input builder live on the scoring server;
editing this copy changes nothing except your own understanding.
"""

import jax, jax.numpy as jnp
import numpy as np

N_NODES = 10000
N_EDGES = 320000
IN_CH = 128
HID_CH = 128
OUT_CH = 128
K = 3


def setup_inputs(seed: int = 0):
    key = jax.random.key(seed)
    ks = jax.random.split(key, 8)
    x = jax.random.normal(ks[0], (N_NODES, IN_CH), dtype=jnp.float32)
    edge_index = jax.random.randint(ks[1], (2, N_EDGES), 0, N_NODES, dtype=jnp.int32)
    edge_weight = jax.random.uniform(ks[2], (N_EDGES,), dtype=jnp.float32)
    W1 = jax.random.normal(ks[3], (K, IN_CH, HID_CH), dtype=jnp.float32) * 0.05
    b1 = jnp.zeros((HID_CH,), dtype=jnp.float32)
    W2 = jax.random.normal(ks[4], (K, HID_CH, OUT_CH), dtype=jnp.float32) * 0.05
    b2 = jnp.zeros((OUT_CH,), dtype=jnp.float32)
    return {"x": x, "edge_index": edge_index, "edge_weight": edge_weight,
            "W1": W1, "b1": b1, "W2": W2, "b2": b2}


def _norm(edge_index, edge_weight, n):
    # PyG ChebConv.__norm__ with normalization='sym', lambda_max=2.0 (default):
    # L = I - D^{-1/2} A D^{-1/2}; L_hat = (2/lambda_max) L - I = -D^{-1/2} A D^{-1/2}
    # (diagonal entries cancel to 0 when lambda_max == 2).
    src, dst = edge_index[0], edge_index[1]
    deg = jnp.zeros((n,), edge_weight.dtype).at[src].add(edge_weight)
    safe = jnp.where(deg > 0, deg, 1.0)
    dis = jnp.where(deg > 0, 1.0 / jnp.sqrt(safe), 0.0)
    w = -(dis[src] * edge_weight * dis[dst])
    return src, dst, w


def _cheb_layer(x, src, dst, w_norm, W, b):
    Kk = W.shape[0]

    def matvec(h):
        msg = w_norm[:, None] * h[src]
        return jnp.zeros_like(h).at[dst].add(msg)

    Tx0 = x
    out = Tx0 @ W[0]
    if Kk > 1:
        Tx1 = matvec(x)
        out = out + Tx1 @ W[1]
        for k in range(2, Kk):
            Tx2 = 2.0 * matvec(Tx1) - Tx0
            out = out + Tx2 @ W[k]
            Tx0, Tx1 = Tx1, Tx2
    return out + b


def reference(x, edge_index, edge_weight, W1, b1, W2, b2):
    src, dst, w = _norm(edge_index, edge_weight, x.shape[0])
    h = _cheb_layer(x, src, dst, w, W1, b1)
    h = jax.nn.relu(h)
    # dropout is a no-op in eval mode (training=False)
    out = _cheb_layer(h, src, dst, w, W2, b2)
    return out

if __name__ == "__main__":
    import jax
    _d = setup_inputs()
    print(jax.jit(kernel)(*tuple(_d.values())))

</pallas_src>

<mosaic_0001>
#map = affine_map<(d0, d1) -> (0, 0)>
#map1 = affine_map<(d0, d1) -> (0)>
module attributes {stable_mosaic.version = 14 : i64} {
  func.func @_mv_kernel(%arg0: i32, %arg1: i32, %arg2: memref<128x10240xf32, #tpu.memory_space<hbm>>, %arg3: memref<320000xi32, #tpu.memory_space<hbm>>, %arg4: memref<320000xf32, #tpu.memory_space<hbm>>, %arg5: memref<128x10240xf32, #tpu.memory_space<hbm>>, %arg6: memref<10240xf32, #tpu.memory_space<vmem>>, %arg7: memref<10240xf32, #tpu.memory_space<vmem>>, %arg8: memref<10240xf32, #tpu.memory_space<vmem>>, %arg9: memref<10240xf32, #tpu.memory_space<vmem>>, %arg10: memref<10240xf32, #tpu.memory_space<vmem>>, %arg11: memref<10240xf32, #tpu.memory_space<vmem>>, %arg12: memref<10240xf32, #tpu.memory_space<vmem>>, %arg13: memref<10240xf32, #tpu.memory_space<vmem>>, %arg14: memref<4000xi32, #tpu.memory_space<vmem>>, %arg15: memref<4000xi32, #tpu.memory_space<vmem>>, %arg16: memref<4000xf32, #tpu.memory_space<vmem>>, %arg17: memref<4000xf32, #tpu.memory_space<vmem>>, %arg18: memref<!tpu.dma_semaphore, #tpu.memory_space<semaphore_mem>>, %arg19: memref<!tpu.dma_semaphore, #tpu.memory_space<semaphore_mem>>, %arg20: memref<!tpu.dma_semaphore, #tpu.memory_space<semaphore_mem>>, %arg21: memref<!tpu.dma_semaphore, #tpu.memory_space<semaphore_mem>>) attributes {dimension_semantics = [#tpu.dimension_semantics<core_parallel>, #tpu.dimension_semantics<subcore_parallel>], iteration_bounds = array<i64: 2, 16>, scalar_prefetch = 0 : i64, scratch_operands = 16 : i64, tpu.core_type = #tpu.core_type<sc_vector_subcore>, window_params = [{transform_indices = #map}, {transform_indices = #map1}, {transform_indices = #map1}, {transform_indices = #map}]} {
    %mul3A = arith.constant 2 : i32
    %mul3A_0 = arith.muli %arg1, %mul3A : i32
    %add3A = arith.addi %mul3A_0, %arg0 : i32
    %mul3A_1 = arith.constant 4 : i32
    %mul3A_2 = arith.muli %add3A, %mul3A_1 : i32
    %add3A_3 = arith.constant 0 : i32
    %add3A_4 = arith.addi %mul3A_2, %add3A_3 : i32
    "tpu.region"() ({
      %run_scoped3A = tpu.sem_alloc : memref<!tpu.dma_semaphore, #tpu.memory_space<semaphore_mem>>
      %dma_start3A_35 = arith.constant 0 : i32
      %dma_start3A_36 = tpu.memref_slice %arg2[%add3A_4, %dma_start3A_35] : memref<128x10240xf32, #tpu.memory_space<hbm>> -> memref<1x10240xf32, #tpu.memory_space<hbm>>
      %dma_start3A_37 = tpu.memref_squeeze %dma_start3A_36 : memref<1x10240xf32, #tpu.memory_space<hbm>> -> memref<10240xf32, #tpu.memory_space<hbm>>
      %dma_start3A_38 = arith.constant 0 : i32
      %dma_start3A_39 = tpu.memref_slice %arg2[%add3A_4, %dma_start3A_38] : memref<128x10240xf32, #tpu.memory_space<hbm>> -> memref<1x10240xf32, #tpu.memory_space<hbm>>
      %dma_start3A_40 = tpu.memref_squeeze %dma_start3A_39 : memref<1x10240xf32, #tpu.memory_space<hbm>> -> memref<10240xf32, #tpu.memory_space<hbm>>
      tpu.enqueue_dma source(%dma_start3A_40 : memref<10240xf32, #tpu.memory_space<hbm>>) target(%arg6 : memref<10240xf32, #tpu.memory_space<vmem>>) target_semaphore(%run_scoped3A : memref<!tpu.dma_semaphore, #tpu.memory_space<semaphore_mem>>)
      %dma_wait3A = arith.constant 0 : i32
      %dma_wait3A_41 = tpu.memref_slice %arg2[%add3A_4, %dma_wait3A] : memref<128x10240xf32, #tpu.memory_space<hbm>> -> memref<1x10240xf32, #tpu.memory_space<hbm>>
      %dma_wait3A_42 = tpu.memref_squeeze %dma_wait3A_41 : memref<1x10240xf32, #tpu.memory_space<hbm>> -> memref<10240xf32, #tpu.memory_space<hbm>>
      %dma_wait3A_43 = arith.constant 0 : i32
      %dma_wait3A_44 = tpu.memref_slice %arg2[%add3A_4, %dma_wait3A_43] : memref<128x10240xf32, #tpu.memory_space<hbm>> -> memref<1x10240xf32, #tpu.memory_space<hbm>>
      %dma_wait3A_45 = tpu.memref_squeeze %dma_wait3A_44 : memref<1x10240xf32, #tpu.memory_space<hbm>> -> memref<10240xf32, #tpu.memory_space<hbm>>
      tpu.wait_dma2 semaphore(%run_scoped3A : memref<!tpu.dma_semaphore, #tpu.memory_space<semaphore_mem>>) src(%dma_wait3A_45 : memref<10240xf32, #tpu.memory_space<hbm>>) dst(%arg6 : memref<10240xf32, #tpu.memory_space<vmem>>)
      tpu.yield
    }) : () -> ()
    %add3A_5 = arith.constant 1 : i32
    %add3A_6 = arith.addi %mul3A_2, %add3A_5 : i32
    "tpu.region"() ({
      %run_scoped3A = tpu.sem_alloc : memref<!tpu.dma_semaphore, #tpu.memory_space<semaphore_mem>>
      %dma_start3A_35 = arith.constant 0 : i32
      %dma_start3A_36 = tpu.memref_slice %arg2[%add3A_6, %dma_start3A_35] : memref<128x10240xf32, #tpu.memory_space<hbm>> -> memref<1x10240xf32, #tpu.memory_space<hbm>>
      %dma_start3A_37 = tpu.memref_squeeze %dma_start3A_36 : memref<1x10240xf32, #tpu.memory_space<hbm>> -> memref<10240xf32, #tpu.memory_space<hbm>>
      %dma_start3A_38 = arith.constant 0 : i32
      %dma_start3A_39 = tpu.memref_slice %arg2[%add3A_6, %dma_start3A_38] : memref<128x10240xf32, #tpu.memory_space<hbm>> -> memref<1x10240xf32, #tpu.memory_space<hbm>>
      %dma_start3A_40 = tpu.memref_squeeze %dma_start3A_39 : memref<1x10240xf32, #tpu.memory_space<hbm>> -> memref<10240xf32, #tpu.memory_space<hbm>>
      tpu.enqueue_dma source(%dma_start3A_40 : memref<10240xf32, #tpu.memory_space<hbm>>) target(%arg7 : memref<10240xf32, #tpu.memory_space<vmem>>) target_semaphore(%run_scoped3A : memref<!tpu.dma_semaphore, #tpu.memory_space<semaphore_mem>>)
      %dma_wait3A = arith.constant 0 : i32
      %dma_wait3A_41 = tpu.memref_slice %arg2[%add3A_6, %dma_wait3A] : memref<128x10240xf32, #tpu.memory_space<hbm>> -> memref<1x10240xf32, #tpu.memory_space<hbm>>
      %dma_wait3A_42 = tpu.memref_squeeze %dma_wait3A_41 : memref<1x10240xf32, #tpu.memory_space<hbm>> -> memref<10240xf32, #tpu.memory_space<hbm>>
      %dma_wait3A_43 = arith.constant 0 : i32
      %dma_wait3A_44 = tpu.memref_slice %arg2[%add3A_6, %dma_wait3A_43] : memref<128x10240xf32, #tpu.memory_space<hbm>> -> memref<1x10240xf32, #tpu.memory_space<hbm>>
      %dma_wait3A_45 = tpu.memref_squeeze %dma_wait3A_44 : memref<1x10240xf32, #tpu.memory_space<hbm>> -> memref<10240xf32, #tpu.memory_space<hbm>>
      tpu.wait_dma2 semaphore(%run_scoped3A : memref<!tpu.dma_semaphore, #tpu.memory_space<semaphore_mem>>) src(%dma_wait3A_45 : memref<10240xf32, #tpu.memory_space<hbm>>) dst(%arg7 : memref<10240xf32, #tpu.memory_space<vmem>>)
      tpu.yield
    }) : () -> ()
    %add3A_7 = arith.constant 2 : i32
    %add3A_8 = arith.addi %mul3A_2, %add3A_7 : i32
    "tpu.region"() ({
      %run_scoped3A = tpu.sem_alloc : memref<!tpu.dma_semaphore, #tpu.memory_space<semaphore_mem>>
      %dma_start3A_35 = arith.constant 0 : i32
      %dma_start3A_36 = tpu.memref_slice %arg2[%add3A_8, %dma_start3A_35] : memref<128x10240xf32, #tpu.memory_space<hbm>> -> memref<1x10240xf32, #tpu.memory_space<hbm>>
      %dma_start3A_37 = tpu.memref_squeeze %dma_start3A_36 : memref<1x10240xf32, #tpu.memory_space<hbm>> -> memref<10240xf32, #tpu.memory_space<hbm>>
      %dma_start3A_38 = arith.constant 0 : i32
      %dma_start3A_39 = tpu.memref_slice %arg2[%add3A_8, %dma_start3A_38] : memref<128x10240xf32, #tpu.memory_space<hbm>> -> memref<1x10240xf32, #tpu.memory_space<hbm>>
      %dma_start3A_40 = tpu.memref_squeeze %dma_start3A_39 : memref<1x10240xf32, #tpu.memory_space<hbm>> -> memref<10240xf32, #tpu.memory_space<hbm>>
      tpu.enqueue_dma source(%dma_start3A_40 : memref<10240xf32, #tpu.memory_space<hbm>>) target(%arg8 : memref<10240xf32, #tpu.memory_space<vmem>>) target_semaphore(%run_scoped3A : memref<!tpu.dma_semaphore, #tpu.memory_space<semaphore_mem>>)
      %dma_wait3A = arith.constant 0 : i32
      %dma_wait3A_41 = tpu.memref_slice %arg2[%add3A_8, %dma_wait3A] : memref<128x10240xf32, #tpu.memory_space<hbm>> -> memref<1x10240xf32, #tpu.memory_space<hbm>>
      %dma_wait3A_42 = tpu.memref_squeeze %dma_wait3A_41 : memref<1x10240xf32, #tpu.memory_space<hbm>> -> memref<10240xf32, #tpu.memory_space<hbm>>
      %dma_wait3A_43 = arith.constant 0 : i32
      %dma_wait3A_44 = tpu.memref_slice %arg2[%add3A_8, %dma_wait3A_43] : memref<128x10240xf32, #tpu.memory_space<hbm>> -> memref<1x10240xf32, #tpu.memory_space<hbm>>
      %dma_wait3A_45 = tpu.memref_squeeze %dma_wait3A_44 : memref<1x10240xf32, #tpu.memory_space<hbm>> -> memref<10240xf32, #tpu.memory_space<hbm>>
      tpu.wait_dma2 semaphore(%run_scoped3A : memref<!tpu.dma_semaphore, #tpu.memory_space<semaphore_mem>>) src(%dma_wait3A_45 : memref<10240xf32, #tpu.memory_space<hbm>>) dst(%arg8 : memref<10240xf32, #tpu.memory_space<vmem>>)
      tpu.yield
    }) : () -> ()
    %add3A_9 = arith.constant 3 : i32
    %add3A_10 = arith.addi %mul3A_2, %add3A_9 : i32
    "tpu.region"() ({
      %run_scoped3A = tpu.sem_alloc : memref<!tpu.dma_semaphore, #tpu.memory_space<semaphore_mem>>
      %dma_start3A_35 = arith.constant 0 : i32
      %dma_start3A_36 = tpu.memref_slice %arg2[%add3A_10, %dma_start3A_35] : memref<128x10240xf32, #tpu.memory_space<hbm>> -> memref<1x10240xf32, #tpu.memory_space<hbm>>
      %dma_start3A_37 = tpu.memref_squeeze %dma_start3A_36 : memref<1x10240xf32, #tpu.memory_space<hbm>> -> memref<10240xf32, #tpu.memory_space<hbm>>
      %dma_start3A_38 = arith.constant 0 : i32
      %dma_start3A_39 = tpu.memref_slice %arg2[%add3A_10, %dma_start3A_38] : memref<128x10240xf32, #tpu.memory_space<hbm>> -> memref<1x10240xf32, #tpu.memory_space<hbm>>
      %dma_start3A_40 = tpu.memref_squeeze %dma_start3A_39 : memref<1x10240xf32, #tpu.memory_space<hbm>> -> memref<10240xf32, #tpu.memory_space<hbm>>
      tpu.enqueue_dma source(%dma_start3A_40 : memref<10240xf32, #tpu.memory_space<hbm>>) target(%arg9 : memref<10240xf32, #tpu.memory_space<vmem>>) target_semaphore(%run_scoped3A : memref<!tpu.dma_semaphore, #tpu.memory_space<semaphore_mem>>)
      %dma_wait3A = arith.constant 0 : i32
      %dma_wait3A_41 = tpu.memref_slice %arg2[%add3A_10, %dma_wait3A] : memref<128x10240xf32, #tpu.memory_space<hbm>> -> memref<1x10240xf32, #tpu.memory_space<hbm>>
      %dma_wait3A_42 = tpu.memref_squeeze %dma_wait3A_41 : memref<1x10240xf32, #tpu.memory_space<hbm>> -> memref<10240xf32, #tpu.memory_space<hbm>>
      %dma_wait3A_43 = arith.constant 0 : i32
      %dma_wait3A_44 = tpu.memref_slice %arg2[%add3A_10, %dma_wait3A_43] : memref<128x10240xf32, #tpu.memory_space<hbm>> -> memref<1x10240xf32, #tpu.memory_space<hbm>>
      %dma_wait3A_45 = tpu.memref_squeeze %dma_wait3A_44 : memref<1x10240xf32, #tpu.memory_space<hbm>> -> memref<10240xf32, #tpu.memory_space<hbm>>
      tpu.wait_dma2 semaphore(%run_scoped3A : memref<!tpu.dma_semaphore, #tpu.memory_space<semaphore_mem>>) src(%dma_wait3A_45 : memref<10240xf32, #tpu.memory_space<hbm>>) dst(%arg9 : memref<10240xf32, #tpu.memory_space<vmem>>)
      tpu.yield
    }) : () -> ()
    %scan3A = arith.constant 0 : i32
    %scan3A_11 = arith.constant 640 : i32
    %scan3A_12 = arith.addi %scan3A, %scan3A_11 : i32
    %scan3A_13 = arith.constant 1 : i32
    scf.for %scan3A_35 = %scan3A to %scan3A_12 step %scan3A_13  : i32 {
      %mul3A_36 = arith.constant 16 : i32
      %mul3A_37 = arith.muli %scan3A_35, %mul3A_36 : i32
      %add3A_38 = arith.constant 0 : i32
      %add3A_39 = arith.addi %add3A_38, %mul3A_37 : i32
      %broadcast_in_dim3A = arith.constant 0.000000e+00 : f32
      %broadcast_in_dim3A_40 = vector.broadcast %broadcast_in_dim3A : f32 to vector<16xf32>
      %swap3A = arith.index_cast %add3A_39 : i32 to index
      %swap3A_41 = tpu.vector_load %arg10[%swap3A] {strides = array<i32>} : memref<10240xf32, #tpu.memory_space<vmem>>, vector<16xf32>,
      tpu.vector_store %arg10[%swap3A], %broadcast_in_dim3A_40 {strides = array<i32>} : memref<10240xf32, #tpu.memory_space<vmem>>, vector<16xf32>,
      %swap3A_42 = arith.index_cast %add3A_39 : i32 to index
      %swap3A_43 = tpu.vector_load %arg11[%swap3A_42] {strides = array<i32>} : memref<10240xf32, #tpu.memory_space<vmem>>, vector<16xf32>,
      tpu.vector_store %arg11[%swap3A_42], %broadcast_in_dim3A_40 {strides = array<i32>} : memref<10240xf32, #tpu.memory_space<vmem>>, vector<16xf32>,
      %swap3A_44 = arith.index_cast %add3A_39 : i32 to index
      %swap3A_45 = tpu.vector_load %arg12[%swap3A_44] {strides = array<i32>} : memref<10240xf32, #tpu.memory_space<vmem>>, vector<16xf32>,
      tpu.vector_store %arg12[%swap3A_44], %broadcast_in_dim3A_40 {strides = array<i32>} : memref<10240xf32, #tpu.memory_space<vmem>>, vector<16xf32>,
      %swap3A_46 = arith.index_cast %add3A_39 : i32 to index
      %swap3A_47 = tpu.vector_load %arg13[%swap3A_46] {strides = array<i32>} : memref<10240xf32, #tpu.memory_space<vmem>>, vector<16xf32>,
      tpu.vector_store %arg13[%swap3A_46], %broadcast_in_dim3A_40 {strides = array<i32>} : memref<10240xf32, #tpu.memory_space<vmem>>, vector<16xf32>,
    }
    %scan3A_14 = arith.constant 640 : i32
    %dma_start3A = arith.constant 0 : i32
    %dma_start3A_15 = tpu.memref_slice %arg3[%dma_start3A] : memref<320000xi32, #tpu.memory_space<hbm>> -> memref<4000xi32, #tpu.memory_space<hbm>>
    %dma_start3A_16 = arith.constant 0 : i32
    %dma_start3A_17 = tpu.memref_slice %arg3[%dma_start3A_16] : memref<320000xi32, #tpu.memory_space<hbm>> -> memref<4000xi32, #tpu.memory_space<hbm>>
    tpu.enqueue_dma source(%dma_start3A_17 : memref<4000xi32, #tpu.memory_space<hbm>>) target(%arg14 : memref<4000xi32, #tpu.memory_space<vmem>>) target_semaphore(%arg18 : memref<!tpu.dma_semaphore, #tpu.memory_space<semaphore_mem>>)
    %dma_start3A_18 = arith.constant 0 : i32
    %dma_start3A_19 = tpu.memref_slice %arg4[%dma_start3A_18] : memref<320000xf32, #tpu.memory_space<hbm>> -> memref<4000xf32, #tpu.memory_space<hbm>>
    %dma_start3A_20 = arith.constant 0 : i32
    %dma_start3A_21 = tpu.memref_slice %arg4[%dma_start3A_20] : memref<320000xf32, #tpu.memory_space<hbm>> -> memref<4000xf32, #tpu.memory_space<hbm>>
    tpu.enqueue_dma source(%dma_start3A_21 : memref<4000xf32, #tpu.memory_space<hbm>>) target(%arg16 : memref<4000xf32, #tpu.memory_space<vmem>>) target_semaphore(%arg20 : memref<!tpu.dma_semaphore, #tpu.memory_space<semaphore_mem>>)
    %scan3A_22 = arith.constant 0 : i32
    %scan3A_23 = arith.constant 40 : i32
    %scan3A_24 = arith.addi %scan3A_22, %scan3A_23 : i32
    %scan3A_25 = arith.constant 1 : i32
    scf.for %scan3A_35 = %scan3A_22 to %scan3A_24 step %scan3A_25  : i32 {
      %mul3A_36 = arith.constant 1 : i32
      %mul3A_37 = arith.muli %scan3A_35, %mul3A_36 : i32
      %add3A_38 = arith.constant 0 : i32
      %add3A_39 = arith.addi %add3A_38, %mul3A_37 : i32
      %mul3A_40 = arith.constant 2 : i32
      %mul3A_41 = arith.muli %mul3A_40, %add3A_39 : i32
      %add3A_42 = arith.constant 1 : i32
      %add3A_43 = arith.addi %mul3A_41, %add3A_42 : i32
      %mul3A_44 = arith.constant 4000 : i32
      %mul3A_45 = arith.muli %add3A_43, %mul3A_44 : i32
      %dma_start3A_46 = tpu.memref_slice %arg3[%mul3A_45] : memref<320000xi32, #tpu.memory_space<hbm>> -> memref<4000xi32, #tpu.memory_space<hbm>>
      %dma_start3A_47 = tpu.memref_slice %arg3[%mul3A_45] : memref<320000xi32, #tpu.memory_space<hbm>> -> memref<4000xi32, #tpu.memory_space<hbm>>
      tpu.enqueue_dma source(%dma_start3A_47 : memref<4000xi32, #tpu.memory_space<hbm>>) target(%arg15 : memref<4000xi32, #tpu.memory_space<vmem>>) target_semaphore(%arg19 : memref<!tpu.dma_semaphore, #tpu.memory_space<semaphore_mem>>)
      %mul3A_48 = arith.constant 4000 : i32
      %mul3A_49 = arith.muli %add3A_43, %mul3A_48 : i32
      %dma_start3A_50 = tpu.memref_slice %arg4[%mul3A_49] : memref<320000xf32, #tpu.memory_space<hbm>> -> memref<4000xf32, #tpu.memory_space<hbm>>
      %dma_start3A_51 = tpu.memref_slice %arg4[%mul3A_49] : memref<320000xf32, #tpu.memory_space<hbm>> -> memref<4000xf32, #tpu.memory_space<hbm>>
      tpu.enqueue_dma source(%dma_start3A_51 : memref<4000xf32, #tpu.memory_space<hbm>>) target(%arg17 : memref<4000xf32, #tpu.memory_space<vmem>>) target_semaphore(%arg21 : memref<!tpu.dma_semaphore, #tpu.memory_space<semaphore_mem>>)
      %dma_wait3A = arith.constant 0 : i32
      %dma_wait3A_52 = tpu.memref_slice %arg3[%dma_wait3A] : memref<320000xi32, #tpu.memory_space<hbm>> -> memref<4000xi32, #tpu.memory_space<hbm>>
      %dma_wait3A_53 = arith.constant 0 : i32
      %dma_wait3A_54 = tpu.memref_slice %arg3[%dma_wait3A_53] : memref<320000xi32, #tpu.memory_space<hbm>> -> memref<4000xi32, #tpu.memory_space<hbm>>
      tpu.wait_dma2 semaphore(%arg18 : memref<!tpu.dma_semaphore, #tpu.memory_space<semaphore_mem>>) src(%dma_wait3A_54 : memref<4000xi32, #tpu.memory_space<hbm>>) dst(%arg14 : memref<4000xi32, #tpu.memory_space<vmem>>)
      %dma_wait3A_55 = arith.constant 0 : i32
      %dma_wait3A_56 = tpu.memref_slice %arg4[%dma_wait3A_55] : memref<320000xf32, #tpu.memory_space<hbm>> -> memref<4000xf32, #tpu.memory_space<hbm>>
      %dma_wait3A_57 = arith.constant 0 : i32
      %dma_wait3A_58 = tpu.memref_slice %arg4[%dma_wait3A_57] : memref<320000xf32, #tpu.memory_space<hbm>> -> memref<4000xf32, #tpu.memory_space<hbm>>
      tpu.wait_dma2 semaphore(%arg20 : memref<!tpu.dma_semaphore, #tpu.memory_space<semaphore_mem>>) src(%dma_wait3A_58 : memref<4000xf32, #tpu.memory_space<hbm>>) dst(%arg16 : memref<4000xf32, #tpu.memory_space<vmem>>)
      %scan3A_59 = arith.constant 0 : i32
      %scan3A_60 = arith.constant 250 : i32
      %scan3A_61 = arith.addi %scan3A_59, %scan3A_60 : i32
      %scan3A_62 = arith.constant 1 : i32
      scf.for %scan3A_79 = %scan3A_59 to %scan3A_61 step %scan3A_62  : i32 {
        %mul3A_80 = arith.constant 16 : i32
        %mul3A_81 = arith.muli %scan3A_79, %mul3A_80 : i32
        %add3A_82 = arith.constant 0 : i32
        %add3A_83 = arith.addi %add3A_82, %mul3A_81 : i32
        %get3A = arith.index_cast %add3A_83 : i32 to index
        %get3A_84 = tpu.vector_load %arg14[%get3A] {strides = array<i32>} : memref<4000xi32, #tpu.memory_space<vmem>>, vector<16xi32>,
        %and3A = arith.constant 65535 : i32
        %and3A_85 = vector.broadcast %and3A : i32 to vector<16xi32>
        %and3A_86 = arith.andi %get3A_84, %and3A_85 : vector<16xi32>
        %shift_right_logical3A = arith.constant 16 : i32
        %shift_right_logical3A_87 = vector.broadcast %shift_right_logical3A : i32 to vector<16xi32>
        %shift_right_logical3A_88 = arith.shrui %get3A_84, %shift_right_logical3A_87 : vector<16xi32>
        %get3A_89 = arith.index_cast %add3A_83 : i32 to index
        %get3A_90 = tpu.vector_load %arg16[%get3A_89] {strides = array<i32>} : memref<4000xf32, #tpu.memory_space<vmem>>, vector<16xf32>,
        %gather3A = tpu.vector_load_idx %arg6[%and3A_86] : memref<10240xf32, #tpu.memory_space<vmem>>[vector<16xi32>], vector<16xf32>,
        %mul3A_91 = arith.mulf %gather3A, %get3A_90 : vector<16xf32>
        tpu.vector_store_idx %arg10[%shift_right_logical3A_88], %mul3A_91 {add = true} : memref<10240xf32, #tpu.memory_space<vmem>>[vector<16xi32>], vector<16xf32>,
        %gather3A_92 = tpu.vector_load_idx %arg7[%and3A_86] : memref<10240xf32, #tpu.memory_space<vmem>>[vector<16xi32>], vector<16xf32>,
        %mul3A_93 = arith.mulf %gather3A_92, %get3A_90 : vector<16xf32>
        tpu.vector_store_idx %arg11[%shift_right_logical3A_88], %mul3A_93 {add = true} : memref<10240xf32, #tpu.memory_space<vmem>>[vector<16xi32>], vector<16xf32>,
        %gather3A_94 = tpu.vector_load_idx %arg8[%and3A_86] : memref<10240xf32, #tpu.memory_space<vmem>>[vector<16xi32>], vector<16xf32>,
        %mul3A_95 = arith.mulf %gather3A_94, %get3A_90 : vector<16xf32>
        tpu.vector_store_idx %arg12[%shift_right_logical3A_88], %mul3A_95 {add = true} : memref<10240xf32, #tpu.memory_space<vmem>>[vector<16xi32>], vector<16xf32>,
        %gather3A_96 = tpu.vector_load_idx %arg9[%and3A_86] : memref<10240xf32, #tpu.memory_space<vmem>>[vector<16xi32>], vector<16xf32>,
        %mul3A_97 = arith.mulf %gather3A_96, %get3A_90 : vector<16xf32>
        tpu.vector_store_idx %arg13[%shift_right_logical3A_88], %mul3A_97 {add = true} : memref<10240xf32, #tpu.memory_space<vmem>>[vector<16xi32>], vector<16xf32>,
      }
      %scan3A_63 = arith.constant 250 : i32
      %lt3A = arith.constant 39 : i32
      %lt3A_64 = arith.cmpi slt, %add3A_39, %lt3A : i32
      %convert_element_type3A = arith.extui %lt3A_64 : i1 to i32
      %cond3A = arith.constant 0 : i32
      %cond3A_65 = arith.cmpi ne, %convert_element_type3A, %cond3A : i32
      scf.if %cond3A_65 {
        %mul3A_79 = arith.constant 2 : i32
        %mul3A_80 = arith.muli %mul3A_79, %add3A_39 : i32
        %add3A_81 = arith.constant 2 : i32
        %add3A_82 = arith.addi %mul3A_80, %add3A_81 : i32
        %mul3A_83 = arith.constant 4000 : i32
        %mul3A_84 = arith.muli %add3A_82, %mul3A_83 : i32
        %dma_start3A_85 = tpu.memref_slice %arg3[%mul3A_84] : memref<320000xi32, #tpu.memory_space<hbm>> -> memref<4000xi32, #tpu.memory_space<hbm>>
        %dma_start3A_86 = tpu.memref_slice %arg3[%mul3A_84] : memref<320000xi32, #tpu.memory_space<hbm>> -> memref<4000xi32, #tpu.memory_space<hbm>>
        tpu.enqueue_dma source(%dma_start3A_86 : memref<4000xi32, #tpu.memory_space<hbm>>) target(%arg14 : memref<4000xi32, #tpu.memory_space<vmem>>) target_semaphore(%arg18 : memref<!tpu.dma_semaphore, #tpu.memory_space<semaphore_mem>>)
        %mul3A_87 = arith.constant 4000 : i32
        %mul3A_88 = arith.muli %add3A_82, %mul3A_87 : i32
        %dma_start3A_89 = tpu.memref_slice %arg4[%mul3A_88] : memref<320000xf32, #tpu.memory_space<hbm>> -> memref<4000xf32, #tpu.memory_space<hbm>>
        %dma_start3A_90 = tpu.memref_slice %arg4[%mul3A_88] : memref<320000xf32, #tpu.memory_space<hbm>> -> memref<4000xf32, #tpu.memory_space<hbm>>
        tpu.enqueue_dma source(%dma_start3A_90 : memref<4000xf32, #tpu.memory_space<hbm>>) target(%arg16 : memref<4000xf32, #tpu.memory_space<vmem>>) target_semaphore(%arg20 : memref<!tpu.dma_semaphore, #tpu.memory_space<semaphore_mem>>)
      } else {
      }
      %dma_wait3A_66 = arith.constant 0 : i32
      %dma_wait3A_67 = tpu.memref_slice %arg3[%dma_wait3A_66] : memref<320000xi32, #tpu.memory_space<hbm>> -> memref<4000xi32, #tpu.memory_space<hbm>>
      %dma_wait3A_68 = arith.constant 0 : i32
      %dma_wait3A_69 = tpu.memref_slice %arg3[%dma_wait3A_68] : memref<320000xi32, #tpu.memory_space<hbm>> -> memref<4000xi32, #tpu.memory_space<hbm>>
      tpu.wait_dma2 semaphore(%arg19 : memref<!tpu.dma_semaphore, #tpu.memory_space<semaphore_mem>>) src(%dma_wait3A_69 : memref<4000xi32, #tpu.memory_space<hbm>>) dst(%arg15 : memref<4000xi32, #tpu.memory_space<vmem>>)
      %dma_wait3A_70 = arith.constant 0 : i32
      %dma_wait3A_71 = tpu.memref_slice %arg4[%dma_wait3A_70] : memref<320000xf32, #tpu.memory_space<hbm>> -> memref<4000xf32, #tpu.memory_space<hbm>>
      %dma_wait3A_72 = arith.constant 0 : i32
      %dma_wait3A_73 = tpu.memref_slice %arg4[%dma_wait3A_72] : memref<320000xf32, #tpu.memory_space<hbm>> -> memref<4000xf32, #tpu.memory_space<hbm>>
      tpu.wait_dma2 semaphore(%arg21 : memref<!tpu.dma_semaphore, #tpu.memory_space<semaphore_mem>>) src(%dma_wait3A_73 : memref<4000xf32, #tpu.memory_space<hbm>>) dst(%arg17 : memref<4000xf32, #tpu.memory_space<vmem>>)
      %scan3A_74 = arith.constant 0 : i32
      %scan3A_75 = arith.constant 250 : i32
      %scan3A_76 = arith.addi %scan3A_74, %scan3A_75 : i32
      %scan3A_77 = arith.constant 1 : i32
      scf.for %scan3A_79 = %scan3A_74 to %scan3A_76 step %scan3A_77  : i32 {
        %mul3A_80 = arith.constant 16 : i32
        %mul3A_81 = arith.muli %scan3A_79, %mul3A_80 : i32
        %add3A_82 = arith.constant 0 : i32
        %add3A_83 = arith.addi %add3A_82, %mul3A_81 : i32
        %get3A = arith.index_cast %add3A_83 : i32 to index
        %get3A_84 = tpu.vector_load %arg15[%get3A] {strides = array<i32>} : memref<4000xi32, #tpu.memory_space<vmem>>, vector<16xi32>,
        %and3A = arith.constant 65535 : i32
        %and3A_85 = vector.broadcast %and3A : i32 to vector<16xi32>
        %and3A_86 = arith.andi %get3A_84, %and3A_85 : vector<16xi32>
        %shift_right_logical3A = arith.constant 16 : i32
        %shift_right_logical3A_87 = vector.broadcast %shift_right_logical3A : i32 to vector<16xi32>
        %shift_right_logical3A_88 = arith.shrui %get3A_84, %shift_right_logical3A_87 : vector<16xi32>
        %get3A_89 = arith.index_cast %add3A_83 : i32 to index
        %get3A_90 = tpu.vector_load %arg17[%get3A_89] {strides = array<i32>} : memref<4000xf32, #tpu.memory_space<vmem>>, vector<16xf32>,
        %gather3A = tpu.vector_load_idx %arg6[%and3A_86] : memref<10240xf32, #tpu.memory_space<vmem>>[vector<16xi32>], vector<16xf32>,
        %mul3A_91 = arith.mulf %gather3A, %get3A_90 : vector<16xf32>
        tpu.vector_store_idx %arg10[%shift_right_logical3A_88], %mul3A_91 {add = true} : memref<10240xf32, #tpu.memory_space<vmem>>[vector<16xi32>], vector<16xf32>,
        %gather3A_92 = tpu.vector_load_idx %arg7[%and3A_86] : memref<10240xf32, #tpu.memory_space<vmem>>[vector<16xi32>], vector<16xf32>,
        %mul3A_93 = arith.mulf %gather3A_92, %get3A_90 : vector<16xf32>
        tpu.vector_store_idx %arg11[%shift_right_logical3A_88], %mul3A_93 {add = true} : memref<10240xf32, #tpu.memory_space<vmem>>[vector<16xi32>], vector<16xf32>,
        %gather3A_94 = tpu.vector_load_idx %arg8[%and3A_86] : memref<10240xf32, #tpu.memory_space<vmem>>[vector<16xi32>], vector<16xf32>,
        %mul3A_95 = arith.mulf %gather3A_94, %get3A_90 : vector<16xf32>
        tpu.vector_store_idx %arg12[%shift_right_logical3A_88], %mul3A_95 {add = true} : memref<10240xf32, #tpu.memory_space<vmem>>[vector<16xi32>], vector<16xf32>,
        %gather3A_96 = tpu.vector_load_idx %arg9[%and3A_86] : memref<10240xf32, #tpu.memory_space<vmem>>[vector<16xi32>], vector<16xf32>,
        %mul3A_97 = arith.mulf %gather3A_96, %get3A_90 : vector<16xf32>
        tpu.vector_store_idx %arg13[%shift_right_logical3A_88], %mul3A_97 {add = true} : memref<10240xf32, #tpu.memory_space<vmem>>[vector<16xi32>], vector<16xf32>,
      }
      %scan3A_78 = arith.constant 250 : i32
    }
    %scan3A_26 = arith.constant 40 : i32
    %add3A_27 = arith.constant 0 : i32
    %add3A_28 = arith.addi %mul3A_2, %add3A_27 : i32
    "tpu.region"() ({
      %run_scoped3A = tpu.sem_alloc : memref<!tpu.dma_semaphore, #tpu.memory_space<semaphore_mem>>
      %dma_start3A_35 = arith.constant 0 : i32
      %dma_start3A_36 = tpu.memref_slice %arg5[%add3A_28, %dma_start3A_35] : memref<128x10240xf32, #tpu.memory_space<hbm>> -> memref<1x10240xf32, #tpu.memory_space<hbm>>
      %dma_start3A_37 = tpu.memref_squeeze %dma_start3A_36 : memref<1x10240xf32, #tpu.memory_space<hbm>> -> memref<10240xf32, #tpu.memory_space<hbm>>
      %dma_start3A_38 = arith.constant 0 : i32
      %dma_start3A_39 = tpu.memref_slice %arg5[%add3A_28, %dma_start3A_38] : memref<128x10240xf32, #tpu.memory_space<hbm>> -> memref<1x10240xf32, #tpu.memory_space<hbm>>
      %dma_start3A_40 = tpu.memref_squeeze %dma_start3A_39 : memref<1x10240xf32, #tpu.memory_space<hbm>> -> memref<10240xf32, #tpu.memory_space<hbm>>
      tpu.enqueue_dma source(%arg10 : memref<10240xf32, #tpu.memory_space<vmem>>) target(%dma_start3A_40 : memref<10240xf32, #tpu.memory_space<hbm>>) target_semaphore(%run_scoped3A : memref<!tpu.dma_semaphore, #tpu.memory_space<semaphore_mem>>)
      %dma_wait3A = arith.constant 0 : i32
      %dma_wait3A_41 = tpu.memref_slice %arg5[%add3A_28, %dma_wait3A] : memref<128x10240xf32, #tpu.memory_space<hbm>> -> memref<1x10240xf32, #tpu.memory_space<hbm>>
      %dma_wait3A_42 = tpu.memref_squeeze %dma_wait3A_41 : memref<1x10240xf32, #tpu.memory_space<hbm>> -> memref<10240xf32, #tpu.memory_space<hbm>>
      %dma_wait3A_43 = arith.constant 0 : i32
      %dma_wait3A_44 = tpu.memref_slice %arg5[%add3A_28, %dma_wait3A_43] : memref<128x10240xf32, #tpu.memory_space<hbm>> -> memref<1x10240xf32, #tpu.memory_space<hbm>>
      %dma_wait3A_45 = tpu.memref_squeeze %dma_wait3A_44 : memref<1x10240xf32, #tpu.memory_space<hbm>> -> memref<10240xf32, #tpu.memory_space<hbm>>
      tpu.wait_dma2 semaphore(%run_scoped3A : memref<!tpu.dma_semaphore, #tpu.memory_space<semaphore_mem>>) src(%arg10 : memref<10240xf32, #tpu.memory_space<vmem>>) dst(%dma_wait3A_45 : memref<10240xf32, #tpu.memory_space<hbm>>)
      tpu.yield
    }) : () -> ()
    %add3A_29 = arith.constant 1 : i32
    %add3A_30 = arith.addi %mul3A_2, %add3A_29 : i32
    "tpu.region"() ({
      %run_scoped3A = tpu.sem_alloc : memref<!tpu.dma_semaphore, #tpu.memory_space<semaphore_mem>>
      %dma_start3A_35 = arith.constant 0 : i32
      %dma_start3A_36 = tpu.memref_slice %arg5[%add3A_30, %dma_start3A_35] : memref<128x10240xf32, #tpu.memory_space<hbm>> -> memref<1x10240xf32, #tpu.memory_space<hbm>>
      %dma_start3A_37 = tpu.memref_squeeze %dma_start3A_36 : memref<1x10240xf32, #tpu.memory_space<hbm>> -> memref<10240xf32, #tpu.memory_space<hbm>>
      %dma_start3A_38 = arith.constant 0 : i32
      %dma_start3A_39 = tpu.memref_slice %arg5[%add3A_30, %dma_start3A_38] : memref<128x10240xf32, #tpu.memory_space<hbm>> -> memref<1x10240xf32, #tpu.memory_space<hbm>>
      %dma_start3A_40 = tpu.memref_squeeze %dma_start3A_39 : memref<1x10240xf32, #tpu.memory_space<hbm>> -> memref<10240xf32, #tpu.memory_space<hbm>>
      tpu.enqueue_dma source(%arg11 : memref<10240xf32, #tpu.memory_space<vmem>>) target(%dma_start3A_40 : memref<10240xf32, #tpu.memory_space<hbm>>) target_semaphore(%run_scoped3A : memref<!tpu.dma_semaphore, #tpu.memory_space<semaphore_mem>>)
      %dma_wait3A = arith.constant 0 : i32
      %dma_wait3A_41 = tpu.memref_slice %arg5[%add3A_30, %dma_wait3A] : memref<128x10240xf32, #tpu.memory_space<hbm>> -> memref<1x10240xf32, #tpu.memory_space<hbm>>
      %dma_wait3A_42 = tpu.memref_squeeze %dma_wait3A_41 : memref<1x10240xf32, #tpu.memory_space<hbm>> -> memref<10240xf32, #tpu.memory_space<hbm>>
      %dma_wait3A_43 = arith.constant 0 : i32
      %dma_wait3A_44 = tpu.memref_slice %arg5[%add3A_30, %dma_wait3A_43] : memref<128x10240xf32, #tpu.memory_space<hbm>> -> memref<1x10240xf32, #tpu.memory_space<hbm>>
      %dma_wait3A_45 = tpu.memref_squeeze %dma_wait3A_44 : memref<1x10240xf32, #tpu.memory_space<hbm>> -> memref<10240xf32, #tpu.memory_space<hbm>>
      tpu.wait_dma2 semaphore(%run_scoped3A : memref<!tpu.dma_semaphore, #tpu.memory_space<semaphore_mem>>) src(%arg11 : memref<10240xf32, #tpu.memory_space<vmem>>) dst(%dma_wait3A_45 : memref<10240xf32, #tpu.memory_space<hbm>>)
      tpu.yield
    }) : () -> ()
    %add3A_31 = arith.constant 2 : i32
    %add3A_32 = arith.addi %mul3A_2, %add3A_31 : i32
    "tpu.region"() ({
      %run_scoped3A = tpu.sem_alloc : memref<!tpu.dma_semaphore, #tpu.memory_space<semaphore_mem>>
      %dma_start3A_35 = arith.constant 0 : i32
      %dma_start3A_36 = tpu.memref_slice %arg5[%add3A_32, %dma_start3A_35] : memref<128x10240xf32, #tpu.memory_space<hbm>> -> memref<1x10240xf32, #tpu.memory_space<hbm>>
      %dma_start3A_37 = tpu.memref_squeeze %dma_start3A_36 : memref<1x10240xf32, #tpu.memory_space<hbm>> -> memref<10240xf32, #tpu.memory_space<hbm>>
      %dma_start3A_38 = arith.constant 0 : i32
      %dma_start3A_39 = tpu.memref_slice %arg5[%add3A_32, %dma_start3A_38] : memref<128x10240xf32, #tpu.memory_space<hbm>> -> memref<1x10240xf32, #tpu.memory_space<hbm>>
      %dma_start3A_40 = tpu.memref_squeeze %dma_start3A_39 : memref<1x10240xf32, #tpu.memory_space<hbm>> -> memref<10240xf32, #tpu.memory_space<hbm>>
      tpu.enqueue_dma source(%arg12 : memref<10240xf32, #tpu.memory_space<vmem>>) target(%dma_start3A_40 : memref<10240xf32, #tpu.memory_space<hbm>>) target_semaphore(%run_scoped3A : memref<!tpu.dma_semaphore, #tpu.memory_space<semaphore_mem>>)
      %dma_wait3A = arith.constant 0 : i32
      %dma_wait3A_41 = tpu.memref_slice %arg5[%add3A_32, %dma_wait3A] : memref<128x10240xf32, #tpu.memory_space<hbm>> -> memref<1x10240xf32, #tpu.memory_space<hbm>>
      %dma_wait3A_42 = tpu.memref_squeeze %dma_wait3A_41 : memref<1x10240xf32, #tpu.memory_space<hbm>> -> memref<10240xf32, #tpu.memory_space<hbm>>
      %dma_wait3A_43 = arith.constant 0 : i32
      %dma_wait3A_44 = tpu.memref_slice %arg5[%add3A_32, %dma_wait3A_43] : memref<128x10240xf32, #tpu.memory_space<hbm>> -> memref<1x10240xf32, #tpu.memory_space<hbm>>
      %dma_wait3A_45 = tpu.memref_squeeze %dma_wait3A_44 : memref<1x10240xf32, #tpu.memory_space<hbm>> -> memref<10240xf32, #tpu.memory_space<hbm>>
      tpu.wait_dma2 semaphore(%run_scoped3A : memref<!tpu.dma_semaphore, #tpu.memory_space<semaphore_mem>>) src(%arg12 : memref<10240xf32, #tpu.memory_space<vmem>>) dst(%dma_wait3A_45 : memref<10240xf32, #tpu.memory_space<hbm>>)
      tpu.yield
    }) : () -> ()
    %add3A_33 = arith.constant 3 : i32
    %add3A_34 = arith.addi %mul3A_2, %add3A_33 : i32
    "tpu.region"() ({
      %run_scoped3A = tpu.sem_alloc : memref<!tpu.dma_semaphore, #tpu.memory_space<semaphore_mem>>
      %dma_start3A_35 = arith.constant 0 : i32
      %dma_start3A_36 = tpu.memref_slice %arg5[%add3A_34, %dma_start3A_35] : memref<128x10240xf32, #tpu.memory_space<hbm>> -> memref<1x10240xf32, #tpu.memory_space<hbm>>
      %dma_start3A_37 = tpu.memref_squeeze %dma_start3A_36 : memref<1x10240xf32, #tpu.memory_space<hbm>> -> memref<10240xf32, #tpu.memory_space<hbm>>
      %dma_start3A_38 = arith.constant 0 : i32
      %dma_start3A_39 = tpu.memref_slice %arg5[%add3A_34, %dma_start3A_38] : memref<128x10240xf32, #tpu.memory_space<hbm>> -> memref<1x10240xf32, #tpu.memory_space<hbm>>
      %dma_start3A_40 = tpu.memref_squeeze %dma_start3A_39 : memref<1x10240xf32, #tpu.memory_space<hbm>> -> memref<10240xf32, #tpu.memory_space<hbm>>
      tpu.enqueue_dma source(%arg13 : memref<10240xf32, #tpu.memory_space<vmem>>) target(%dma_start3A_40 : memref<10240xf32, #tpu.memory_space<hbm>>) target_semaphore(%run_scoped3A : memref<!tpu.dma_semaphore, #tpu.memory_space<semaphore_mem>>)
      %dma_wait3A = arith.constant 0 : i32
      %dma_wait3A_41 = tpu.memref_slice %arg5[%add3A_34, %dma_wait3A] : memref<128x10240xf32, #tpu.memory_space<hbm>> -> memref<1x10240xf32, #tpu.memory_space<hbm>>
      %dma_wait3A_42 = tpu.memref_squeeze %dma_wait3A_41 : memref<1x10240xf32, #tpu.memory_space<hbm>> -> memref<10240xf32, #tpu.memory_space<hbm>>
      %dma_wait3A_43 = arith.constant 0 : i32
      %dma_wait3A_44 = tpu.memref_slice %arg5[%add3A_34, %dma_wait3A_43] : memref<128x10240xf32, #tpu.memory_space<hbm>> -> memref<1x10240xf32, #tpu.memory_space<hbm>>
      %dma_wait3A_45 = tpu.memref_squeeze %dma_wait3A_44 : memref<1x10240xf32, #tpu.memory_space<hbm>> -> memref<10240xf32, #tpu.memory_space<hbm>>
      tpu.wait_dma2 semaphore(%run_scoped3A : memref<!tpu.dma_semaphore, #tpu.memory_space<semaphore_mem>>) src(%arg13 : memref<10240xf32, #tpu.memory_space<vmem>>) dst(%dma_wait3A_45 : memref<10240xf32, #tpu.memory_space<hbm>>)
      tpu.yield
    }) : () -> ()
    return
  }
}

#map = affine_map<(d0, d1) -> (0)>
#map1 = affine_map<(d0, d1) -> (0, 0)>
module attributes {stable_mosaic.version = 14 : i64} {
  func.func @_deg_kernel(%arg0: i32, %arg1: i32, %arg2: memref<320000xi32, #tpu.memory_space<hbm>>, %arg3: memref<320000xf32, #tpu.memory_space<hbm>>, %arg4: memref<32x10240xf32, #tpu.memory_space<hbm>>, %arg5: memref<10240xf32, #tpu.memory_space<vmem>>, %arg6: memref<10000xi32, #tpu.memory_space<vmem>>, %arg7: memref<10000xf32, #tpu.memory_space<vmem>>) attributes {dimension_semantics = [#tpu.dimension_semantics<core_parallel>, #tpu.dimension_semantics<subcore_parallel>], iteration_bounds = array<i64: 2, 16>, scalar_prefetch = 0 : i64, scratch_operands = 3 : i64, tpu.core_type = #tpu.core_type<sc_vector_subcore>, window_params = [{transform_indices = #map}, {transform_indices = #map}, {transform_indices = #map1}]} {
    %mul3A = arith.constant 2 : i32
    %mul3A_0 = arith.muli %arg1, %mul3A : i32
    %add3A = arith.addi %mul3A_0, %arg0 : i32
    %mul3A_1 = arith.constant 10000 : i32
    %mul3A_2 = arith.muli %add3A, %mul3A_1 : i32
    %scan3A = arith.constant 0 : i32
    %scan3A_3 = arith.constant 640 : i32
    %scan3A_4 = arith.addi %scan3A, %scan3A_3 : i32
    %scan3A_5 = arith.constant 1 : i32
    scf.for %scan3A_12 = %scan3A to %scan3A_4 step %scan3A_5  : i32 {
      %mul3A_13 = arith.constant 16 : i32
      %mul3A_14 = arith.muli %scan3A_12, %mul3A_13 : i32
      %add3A_15 = arith.constant 0 : i32
      %add3A_16 = arith.addi %add3A_15, %mul3A_14 : i32
      %broadcast_in_dim3A = arith.constant 0.000000e+00 : f32
      %broadcast_in_dim3A_17 = vector.broadcast %broadcast_in_dim3A : f32 to vector<16xf32>
      %swap3A = arith.index_cast %add3A_16 : i32 to index
      %swap3A_18 = tpu.vector_load %arg5[%swap3A] {strides = array<i32>} : memref<10240xf32, #tpu.memory_space<vmem>>, vector<16xf32>,
      tpu.vector_store %arg5[%swap3A], %broadcast_in_dim3A_17 {strides = array<i32>} : memref<10240xf32, #tpu.memory_space<vmem>>, vector<16xf32>,
    }
    %scan3A_6 = arith.constant 640 : i32
    "tpu.region"() ({
      %run_scoped3A = tpu.sem_alloc : memref<!tpu.dma_semaphore, #tpu.memory_space<semaphore_mem>>
      %dma_start3A = tpu.memref_slice %arg2[%mul3A_2] : memref<320000xi32, #tpu.memory_space<hbm>> -> memref<10000xi32, #tpu.memory_space<hbm>>
      %dma_start3A_12 = tpu.memref_slice %arg2[%mul3A_2] : memref<320000xi32, #tpu.memory_space<hbm>> -> memref<10000xi32, #tpu.memory_space<hbm>>
      tpu.enqueue_dma source(%dma_start3A_12 : memref<10000xi32, #tpu.memory_space<hbm>>) target(%arg6 : memref<10000xi32, #tpu.memory_space<vmem>>) target_semaphore(%run_scoped3A : memref<!tpu.dma_semaphore, #tpu.memory_space<semaphore_mem>>)
      %dma_wait3A = tpu.memref_slice %arg2[%mul3A_2] : memref<320000xi32, #tpu.memory_space<hbm>> -> memref<10000xi32, #tpu.memory_space<hbm>>
      %dma_wait3A_13 = tpu.memref_slice %arg2[%mul3A_2] : memref<320000xi32, #tpu.memory_space<hbm>> -> memref<10000xi32, #tpu.memory_space<hbm>>
      tpu.wait_dma2 semaphore(%run_scoped3A : memref<!tpu.dma_semaphore, #tpu.memory_space<semaphore_mem>>) src(%dma_wait3A_13 : memref<10000xi32, #tpu.memory_space<hbm>>) dst(%arg6 : memref<10000xi32, #tpu.memory_space<vmem>>)
      tpu.yield
    }) : () -> ()
    "tpu.region"() ({
      %run_scoped3A = tpu.sem_alloc : memref<!tpu.dma_semaphore, #tpu.memory_space<semaphore_mem>>
      %dma_start3A = tpu.memref_slice %arg3[%mul3A_2] : memref<320000xf32, #tpu.memory_space<hbm>> -> memref<10000xf32, #tpu.memory_space<hbm>>
      %dma_start3A_12 = tpu.memref_slice %arg3[%mul3A_2] : memref<320000xf32, #tpu.memory_space<hbm>> -> memref<10000xf32, #tpu.memory_space<hbm>>
      tpu.enqueue_dma source(%dma_start3A_12 : memref<10000xf32, #tpu.memory_space<hbm>>) target(%arg7 : memref<10000xf32, #tpu.memory_space<vmem>>) target_semaphore(%run_scoped3A : memref<!tpu.dma_semaphore, #tpu.memory_space<semaphore_mem>>)
      %dma_wait3A = tpu.memref_slice %arg3[%mul3A_2] : memref<320000xf32, #tpu.memory_space<hbm>> -> memref<10000xf32, #tpu.memory_space<hbm>>
      %dma_wait3A_13 = tpu.memref_slice %arg3[%mul3A_2] : memref<320000xf32, #tpu.memory_space<hbm>> -> memref<10000xf32, #tpu.memory_space<hbm>>
      tpu.wait_dma2 semaphore(%run_scoped3A : memref<!tpu.dma_semaphore, #tpu.memory_space<semaphore_mem>>) src(%dma_wait3A_13 : memref<10000xf32, #tpu.memory_space<hbm>>) dst(%arg7 : memref<10000xf32, #tpu.memory_space<vmem>>)
      tpu.yield
    }) : () -> ()
    %scan3A_7 = arith.constant 0 : i32
    %scan3A_8 = arith.constant 625 : i32
    %scan3A_9 = arith.addi %scan3A_7, %scan3A_8 : i32
    %scan3A_10 = arith.constant 1 : i32
    scf.for %scan3A_12 = %scan3A_7 to %scan3A_9 step %scan3A_10  : i32 {
      %mul3A_13 = arith.constant 16 : i32
      %mul3A_14 = arith.muli %scan3A_12, %mul3A_13 : i32
      %add3A_15 = arith.constant 0 : i32
      %add3A_16 = arith.addi %add3A_15, %mul3A_14 : i32
      %get3A = arith.index_cast %add3A_16 : i32 to index
      %get3A_17 = tpu.vector_load %arg6[%get3A] {strides = array<i32>} : memref<10000xi32, #tpu.memory_space<vmem>>, vector<16xi32>,
      %and3A = arith.constant 65535 : i32
      %and3A_18 = vector.broadcast %and3A : i32 to vector<16xi32>
      %and3A_19 = arith.andi %get3A_17, %and3A_18 : vector<16xi32>
      %get3A_20 = arith.index_cast %add3A_16 : i32 to index
      %get3A_21 = tpu.vector_load %arg7[%get3A_20] {strides = array<i32>} : memref<10000xf32, #tpu.memory_space<vmem>>, vector<16xf32>,
      tpu.vector_store_idx %arg5[%and3A_19], %get3A_21 {add = true} : memref<10240xf32, #tpu.memory_space<vmem>>[vector<16xi32>], vector<16xf32>,
    }
    %scan3A_11 = arith.constant 625 : i32
    "tpu.region"() ({
      %run_scoped3A = tpu.sem_alloc : memref<!tpu.dma_semaphore, #tpu.memory_space<semaphore_mem>>
      %dma_start3A = arith.constant 0 : i32
      %dma_start3A_12 = tpu.memref_slice %arg4[%add3A, %dma_start3A] : memref<32x10240xf32, #tpu.memory_space<hbm>> -> memref<1x10240xf32, #tpu.memory_space<hbm>>
      %dma_start3A_13 = tpu.memref_squeeze %dma_start3A_12 : memref<1x10240xf32, #tpu.memory_space<hbm>> -> memref<10240xf32, #tpu.memory_space<hbm>>
      %dma_start3A_14 = arith.constant 0 : i32
      %dma_start3A_15 = tpu.memref_slice %arg4[%add3A, %dma_start3A_14] : memref<32x10240xf32, #tpu.memory_space<hbm>> -> memref<1x10240xf32, #tpu.memory_space<hbm>>
      %dma_start3A_16 = tpu.memref_squeeze %dma_start3A_15 : memref<1x10240xf32, #tpu.memory_space<hbm>> -> memref<10240xf32, #tpu.memory_space<hbm>>
      tpu.enqueue_dma source(%arg5 : memref<10240xf32, #tpu.memory_space<vmem>>) target(%dma_start3A_16 : memref<10240xf32, #tpu.memory_space<hbm>>) target_semaphore(%run_scoped3A : memref<!tpu.dma_semaphore, #tpu.memory_space<semaphore_mem>>)
      %dma_wait3A = arith.constant 0 : i32
      %dma_wait3A_17 = tpu.memref_slice %arg4[%add3A, %dma_wait3A] : memref<32x10240xf32, #tpu.memory_space<hbm>> -> memref<1x10240xf32, #tpu.memory_space<hbm>>
      %dma_wait3A_18 = tpu.memref_squeeze %dma_wait3A_17 : memref<1x10240xf32, #tpu.memory_space<hbm>> -> memref<10240xf32, #tpu.memory_space<hbm>>
      %dma_wait3A_19 = arith.constant 0 : i32
      %dma_wait3A_20 = tpu.memref_slice %arg4[%add3A, %dma_wait3A_19] : memref<32x10240xf32, #tpu.memory_space<hbm>> -> memref<1x10240xf32, #tpu.memory_space<hbm>>
      %dma_wait3A_21 = tpu.memref_squeeze %dma_wait3A_20 : memref<1x10240xf32, #tpu.memory_space<hbm>> -> memref<10240xf32, #tpu.memory_space<hbm>>
      tpu.wait_dma2 semaphore(%run_scoped3A : memref<!tpu.dma_semaphore, #tpu.memory_space<semaphore_mem>>) src(%arg5 : memref<10240xf32, #tpu.memory_space<vmem>>) dst(%dma_wait3A_21 : memref<10240xf32, #tpu.memory_space<hbm>>)
      tpu.yield
    }) : () -> ()
    return
  }
}

#map = affine_map<(d0, d1) -> (0, 0)>
#map1 = affine_map<(d0, d1) -> (0)>
module attributes {stable_mosaic.version = 14 : i64} {
  func.func @_mv_kernel(%arg0: i32, %arg1: i32, %arg2: memref<128x10240xf32, #tpu.memory_space<hbm>>, %arg3: memref<320000xi32, #tpu.memory_space<hbm>>, %arg4: memref<320000xf32, #tpu.memory_space<hbm>>, %arg5: memref<128x10240xf32, #tpu.memory_space<hbm>>, %arg6: memref<10240xf32, #tpu.memory_space<vmem>>, %arg7: memref<10240xf32, #tpu.memory_space<vmem>>, %arg8: memref<10240xf32, #tpu.memory_space<vmem>>, %arg9: memref<10240xf32, #tpu.memory_space<vmem>>, %arg10: memref<10240xf32, #tpu.memory_space<vmem>>, %arg11: memref<10240xf32, #tpu.memory_space<vmem>>, %arg12: memref<10240xf32, #tpu.memory_space<vmem>>, %arg13: memref<10240xf32, #tpu.memory_space<vmem>>, %arg14: memref<4000xi32, #tpu.memory_space<vmem>>, %arg15: memref<4000xi32, #tpu.memory_space<vmem>>, %arg16: memref<4000xf32, #tpu.memory_space<vmem>>, %arg17: memref<4000xf32, #tpu.memory_space<vmem>>, %arg18: memref<!tpu.dma_semaphore, #tpu.memory_space<semaphore_mem>>, %arg19: memref<!tpu.dma_semaphore, #tpu.memory_space<semaphore_mem>>, %arg20: memref<!tpu.dma_semaphore, #tpu.memory_space<semaphore_mem>>, %arg21: memref<!tpu.dma_semaphore, #tpu.memory_space<semaphore_mem>>) attributes {dimension_semantics = [#tpu.dimension_semantics<core_parallel>, #tpu.dimension_semantics<subcore_parallel>], iteration_bounds = array<i64: 2, 16>, scalar_prefetch = 0 : i64, scratch_operands = 16 : i64, tpu.core_type = #tpu.core_type<sc_vector_subcore>, window_params = [{transform_indices = #map}, {transform_indices = #map1}, {transform_indices = #map1}, {transform_indices = #map}]} {
    %mul3A = arith.constant 2 : i32
    %mul3A_0 = arith.muli %arg1, %mul3A : i32
    %add3A = arith.addi %mul3A_0, %arg0 : i32
    %mul3A_1 = arith.constant 4 : i32
    %mul3A_2 = arith.muli %add3A, %mul3A_1 : i32
    %add3A_3 = arith.constant 0 : i32
    %add3A_4 = arith.addi %mul3A_2, %add3A_3 : i32
    "tpu.region"() ({
      %run_scoped3A = tpu.sem_alloc : memref<!tpu.dma_semaphore, #tpu.memory_space<semaphore_mem>>
      %dma_start3A_35 = arith.constant 0 : i32
      %dma_start3A_36 = tpu.memref_slice %arg2[%add3A_4, %dma_start3A_35] : memref<128x10240xf32, #tpu.memory_space<hbm>> -> memref<1x10240xf32, #tpu.memory_space<hbm>>
      %dma_start3A_37 = tpu.memref_squeeze %dma_start3A_36 : memref<1x10240xf32, #tpu.memory_space<hbm>> -> memref<10240xf32, #tpu.memory_space<hbm>>
      %dma_start3A_38 = arith.constant 0 : i32
      %dma_start3A_39 = tpu.memref_slice %arg2[%add3A_4, %dma_start3A_38] : memref<128x10240xf32, #tpu.memory_space<hbm>> -> memref<1x10240xf32, #tpu.memory_space<hbm>>
      %dma_start3A_40 = tpu.memref_squeeze %dma_start3A_39 : memref<1x10240xf32, #tpu.memory_space<hbm>> -> memref<10240xf32, #tpu.memory_space<hbm>>
      tpu.enqueue_dma source(%dma_start3A_40 : memref<10240xf32, #tpu.memory_space<hbm>>) target(%arg6 : memref<10240xf32, #tpu.memory_space<vmem>>) target_semaphore(%run_scoped3A : memref<!tpu.dma_semaphore, #tpu.memory_space<semaphore_mem>>)
      %dma_wait3A = arith.constant 0 : i32
      %dma_wait3A_41 = tpu.memref_slice %arg2[%add3A_4, %dma_wait3A] : memref<128x10240xf32, #tpu.memory_space<hbm>> -> memref<1x10240xf32, #tpu.memory_space<hbm>>
      %dma_wait3A_42 = tpu.memref_squeeze %dma_wait3A_41 : memref<1x10240xf32, #tpu.memory_space<hbm>> -> memref<10240xf32, #tpu.memory_space<hbm>>
      %dma_wait3A_43 = arith.constant 0 : i32
      %dma_wait3A_44 = tpu.memref_slice %arg2[%add3A_4, %dma_wait3A_43] : memref<128x10240xf32, #tpu.memory_space<hbm>> -> memref<1x10240xf32, #tpu.memory_space<hbm>>
      %dma_wait3A_45 = tpu.memref_squeeze %dma_wait3A_44 : memref<1x10240xf32, #tpu.memory_space<hbm>> -> memref<10240xf32, #tpu.memory_space<hbm>>
      tpu.wait_dma2 semaphore(%run_scoped3A : memref<!tpu.dma_semaphore, #tpu.memory_space<semaphore_mem>>) src(%dma_wait3A_45 : memref<10240xf32, #tpu.memory_space<hbm>>) dst(%arg6 : memref<10240xf32, #tpu.memory_space<vmem>>)
      tpu.yield
    }) : () -> ()
    %add3A_5 = arith.constant 1 : i32
    %add3A_6 = arith.addi %mul3A_2, %add3A_5 : i32
    "tpu.region"() ({
      %run_scoped3A = tpu.sem_alloc : memref<!tpu.dma_semaphore, #tpu.memory_space<semaphore_mem>>
      %dma_start3A_35 = arith.constant 0 : i32
      %dma_start3A_36 = tpu.memref_slice %arg2[%add3A_6, %dma_start3A_35] : memref<128x10240xf32, #tpu.memory_space<hbm>> -> memref<1x10240xf32, #tpu.memory_space<hbm>>
      %dma_start3A_37 = tpu.memref_squeeze %dma_start3A_36 : memref<1x10240xf32, #tpu.memory_space<hbm>> -> memref<10240xf32, #tpu.memory_space<hbm>>
      %dma_start3A_38 = arith.constant 0 : i32
      %dma_start3A_39 = tpu.memref_slice %arg2[%add3A_6, %dma_start3A_38] : memref<128x10240xf32, #tpu.memory_space<hbm>> -> memref<1x10240xf32, #tpu.memory_space<hbm>>
      %dma_start3A_40 = tpu.memref_squeeze %dma_start3A_39 : memref<1x10240xf32, #tpu.memory_space<hbm>> -> memref<10240xf32, #tpu.memory_space<hbm>>
      tpu.enqueue_dma source(%dma_start3A_40 : memref<10240xf32, #tpu.memory_space<hbm>>) target(%arg7 : memref<10240xf32, #tpu.memory_space<vmem>>) target_semaphore(%run_scoped3A : memref<!tpu.dma_semaphore, #tpu.memory_space<semaphore_mem>>)
      %dma_wait3A = arith.constant 0 : i32
      %dma_wait3A_41 = tpu.memref_slice %arg2[%add3A_6, %dma_wait3A] : memref<128x10240xf32, #tpu.memory_space<hbm>> -> memref<1x10240xf32, #tpu.memory_space<hbm>>
      %dma_wait3A_42 = tpu.memref_squeeze %dma_wait3A_41 : memref<1x10240xf32, #tpu.memory_space<hbm>> -> memref<10240xf32, #tpu.memory_space<hbm>>
      %dma_wait3A_43 = arith.constant 0 : i32
      %dma_wait3A_44 = tpu.memref_slice %arg2[%add3A_6, %dma_wait3A_43] : memref<128x10240xf32, #tpu.memory_space<hbm>> -> memref<1x10240xf32, #tpu.memory_space<hbm>>
      %dma_wait3A_45 = tpu.memref_squeeze %dma_wait3A_44 : memref<1x10240xf32, #tpu.memory_space<hbm>> -> memref<10240xf32, #tpu.memory_space<hbm>>
      tpu.wait_dma2 semaphore(%run_scoped3A : memref<!tpu.dma_semaphore, #tpu.memory_space<semaphore_mem>>) src(%dma_wait3A_45 : memref<10240xf32, #tpu.memory_space<hbm>>) dst(%arg7 : memref<10240xf32, #tpu.memory_space<vmem>>)
      tpu.yield
    }) : () -> ()
    %add3A_7 = arith.constant 2 : i32
    %add3A_8 = arith.addi %mul3A_2, %add3A_7 : i32
    "tpu.region"() ({
      %run_scoped3A = tpu.sem_alloc : memref<!tpu.dma_semaphore, #tpu.memory_space<semaphore_mem>>
      %dma_start3A_35 = arith.constant 0 : i32
      %dma_start3A_36 = tpu.memref_slice %arg2[%add3A_8, %dma_start3A_35] : memref<128x10240xf32, #tpu.memory_space<hbm>> -> memref<1x10240xf32, #tpu.memory_space<hbm>>
      %dma_start3A_37 = tpu.memref_squeeze %dma_start3A_36 : memref<1x10240xf32, #tpu.memory_space<hbm>> -> memref<10240xf32, #tpu.memory_space<hbm>>
      %dma_start3A_38 = arith.constant 0 : i32
      %dma_start3A_39 = tpu.memref_slice %arg2[%add3A_8, %dma_start3A_38] : memref<128x10240xf32, #tpu.memory_space<hbm>> -> memref<1x10240xf32, #tpu.memory_space<hbm>>
      %dma_start3A_40 = tpu.memref_squeeze %dma_start3A_39 : memref<1x10240xf32, #tpu.memory_space<hbm>> -> memref<10240xf32, #tpu.memory_space<hbm>>
      tpu.enqueue_dma source(%dma_start3A_40 : memref<10240xf32, #tpu.memory_space<hbm>>) target(%arg8 : memref<10240xf32, #tpu.memory_space<vmem>>) target_semaphore(%run_scoped3A : memref<!tpu.dma_semaphore, #tpu.memory_space<semaphore_mem>>)
      %dma_wait3A = arith.constant 0 : i32
      %dma_wait3A_41 = tpu.memref_slice %arg2[%add3A_8, %dma_wait3A] : memref<128x10240xf32, #tpu.memory_space<hbm>> -> memref<1x10240xf32, #tpu.memory_space<hbm>>
      %dma_wait3A_42 = tpu.memref_squeeze %dma_wait3A_41 : memref<1x10240xf32, #tpu.memory_space<hbm>> -> memref<10240xf32, #tpu.memory_space<hbm>>
      %dma_wait3A_43 = arith.constant 0 : i32
      %dma_wait3A_44 = tpu.memref_slice %arg2[%add3A_8, %dma_wait3A_43] : memref<128x10240xf32, #tpu.memory_space<hbm>> -> memref<1x10240xf32, #tpu.memory_space<hbm>>
      %dma_wait3A_45 = tpu.memref_squeeze %dma_wait3A_44 : memref<1x10240xf32, #tpu.memory_space<hbm>> -> memref<10240xf32, #tpu.memory_space<hbm>>
      tpu.wait_dma2 semaphore(%run_scoped3A : memref<!tpu.dma_semaphore, #tpu.memory_space<semaphore_mem>>) src(%dma_wait3A_45 : memref<10240xf32, #tpu.memory_space<hbm>>) dst(%arg8 : memref<10240xf32, #tpu.memory_space<vmem>>)
      tpu.yield
    }) : () -> ()
    %add3A_9 = arith.constant 3 : i32
    %add3A_10 = arith.addi %mul3A_2, %add3A_9 : i32
    "tpu.region"() ({
      %run_scoped3A = tpu.sem_alloc : memref<!tpu.dma_semaphore, #tpu.memory_space<semaphore_mem>>
      %dma_start3A_35 = arith.constant 0 : i32
      %dma_start3A_36 = tpu.memref_slice %arg2[%add3A_10, %dma_start3A_35] : memref<128x10240xf32, #tpu.memory_space<hbm>> -> memref<1x10240xf32, #tpu.memory_space<hbm>>
      %dma_start3A_37 = tpu.memref_squeeze %dma_start3A_36 : memref<1x10240xf32, #tpu.memory_space<hbm>> -> memref<10240xf32, #tpu.memory_space<hbm>>
      %dma_start3A_38 = arith.constant 0 : i32
      %dma_start3A_39 = tpu.memref_slice %arg2[%add3A_10, %dma_start3A_38] : memref<128x10240xf32, #tpu.memory_space<hbm>> -> memref<1x10240xf32, #tpu.memory_space<hbm>>
      %dma_start3A_40 = tpu.memref_squeeze %dma_start3A_39 : memref<1x10240xf32, #tpu.memory_space<hbm>> -> memref<10240xf32, #tpu.memory_space<hbm>>
      tpu.enqueue_dma source(%dma_start3A_40 : memref<10240xf32, #tpu.memory_space<hbm>>) target(%arg9 : memref<10240xf32, #tpu.memory_space<vmem>>) target_semaphore(%run_scoped3A : memref<!tpu.dma_semaphore, #tpu.memory_space<semaphore_mem>>)
      %dma_wait3A = arith.constant 0 : i32
      %dma_wait3A_41 = tpu.memref_slice %arg2[%add3A_10, %dma_wait3A] : memref<128x10240xf32, #tpu.memory_space<hbm>> -> memref<1x10240xf32, #tpu.memory_space<hbm>>
      %dma_wait3A_42 = tpu.memref_squeeze %dma_wait3A_41 : memref<1x10240xf32, #tpu.memory_space<hbm>> -> memref<10240xf32, #tpu.memory_space<hbm>>
      %dma_wait3A_43 = arith.constant 0 : i32
      %dma_wait3A_44 = tpu.memref_slice %arg2[%add3A_10, %dma_wait3A_43] : memref<128x10240xf32, #tpu.memory_space<hbm>> -> memref<1x10240xf32, #tpu.memory_space<hbm>>
      %dma_wait3A_45 = tpu.memref_squeeze %dma_wait3A_44 : memref<1x10240xf32, #tpu.memory_space<hbm>> -> memref<10240xf32, #tpu.memory_space<hbm>>
      tpu.wait_dma2 semaphore(%run_scoped3A : memref<!tpu.dma_semaphore, #tpu.memory_space<semaphore_mem>>) src(%dma_wait3A_45 : memref<10240xf32, #tpu.memory_space<hbm>>) dst(%arg9 : memref<10240xf32, #tpu.memory_space<vmem>>)
      tpu.yield
    }) : () -> ()
    %scan3A = arith.constant 0 : i32
    %scan3A_11 = arith.constant 640 : i32
    %scan3A_12 = arith.addi %scan3A, %scan3A_11 : i32
    %scan3A_13 = arith.constant 1 : i32
    scf.for %scan3A_35 = %scan3A to %scan3A_12 step %scan3A_13  : i32 {
      %mul3A_36 = arith.constant 16 : i32
      %mul3A_37 = arith.muli %scan3A_35, %mul3A_36 : i32
      %add3A_38 = arith.constant 0 : i32
      %add3A_39 = arith.addi %add3A_38, %mul3A_37 : i32
      %broadcast_in_dim3A = arith.constant 0.000000e+00 : f32
      %broadcast_in_dim3A_40 = vector.broadcast %broadcast_in_dim3A : f32 to vector<16xf32>
      %swap3A = arith.index_cast %add3A_39 : i32 to index
      %swap3A_41 = tpu.vector_load %arg10[%swap3A] {strides = array<i32>} : memref<10240xf32, #tpu.memory_space<vmem>>, vector<16xf32>,
      tpu.vector_store %arg10[%swap3A], %broadcast_in_dim3A_40 {strides = array<i32>} : memref<10240xf32, #tpu.memory_space<vmem>>, vector<16xf32>,
      %swap3A_42 = arith.index_cast %add3A_39 : i32 to index
      %swap3A_43 = tpu.vector_load %arg11[%swap3A_42] {strides = array<i32>} : memref<10240xf32, #tpu.memory_space<vmem>>, vector<16xf32>,
      tpu.vector_store %arg11[%swap3A_42], %broadcast_in_dim3A_40 {strides = array<i32>} : memref<10240xf32, #tpu.memory_space<vmem>>, vector<16xf32>,
      %swap3A_44 = arith.index_cast %add3A_39 : i32 to index
      %swap3A_45 = tpu.vector_load %arg12[%swap3A_44] {strides = array<i32>} : memref<10240xf32, #tpu.memory_space<vmem>>, vector<16xf32>,
      tpu.vector_store %arg12[%swap3A_44], %broadcast_in_dim3A_40 {strides = array<i32>} : memref<10240xf32, #tpu.memory_space<vmem>>, vector<16xf32>,
      %swap3A_46 = arith.index_cast %add3A_39 : i32 to index
      %swap3A_47 = tpu.vector_load %arg13[%swap3A_46] {strides = array<i32>} : memref<10240xf32, #tpu.memory_space<vmem>>, vector<16xf32>,
      tpu.vector_store %arg13[%swap3A_46], %broadcast_in_dim3A_40 {strides = array<i32>} : memref<10240xf32, #tpu.memory_space<vmem>>, vector<16xf32>,
    }
    %scan3A_14 = arith.constant 640 : i32
    %dma_start3A = arith.constant 0 : i32
    %dma_start3A_15 = tpu.memref_slice %arg3[%dma_start3A] : memref<320000xi32, #tpu.memory_space<hbm>> -> memref<4000xi32, #tpu.memory_space<hbm>>
    %dma_start3A_16 = arith.constant 0 : i32
    %dma_start3A_17 = tpu.memref_slice %arg3[%dma_start3A_16] : memref<320000xi32, #tpu.memory_space<hbm>> -> memref<4000xi32, #tpu.memory_space<hbm>>
    tpu.enqueue_dma source(%dma_start3A_17 : memref<4000xi32, #tpu.memory_space<hbm>>) target(%arg14 : memref<4000xi32, #tpu.memory_space<vmem>>) target_semaphore(%arg18 : memref<!tpu.dma_semaphore, #tpu.memory_space<semaphore_mem>>)
    %dma_start3A_18 = arith.constant 0 : i32
    %dma_start3A_19 = tpu.memref_slice %arg4[%dma_start3A_18] : memref<320000xf32, #tpu.memory_space<hbm>> -> memref<4000xf32, #tpu.memory_space<hbm>>
    %dma_start3A_20 = arith.constant 0 : i32
    %dma_start3A_21 = tpu.memref_slice %arg4[%dma_start3A_20] : memref<320000xf32, #tpu.memory_space<hbm>> -> memref<4000xf32, #tpu.memory_space<hbm>>
    tpu.enqueue_dma source(%dma_start3A_21 : memref<4000xf32, #tpu.memory_space<hbm>>) target(%arg16 : memref<4000xf32, #tpu.memory_space<vmem>>) target_semaphore(%arg20 : memref<!tpu.dma_semaphore, #tpu.memory_space<semaphore_mem>>)
    %scan3A_22 = arith.constant 0 : i32
    %scan3A_23 = arith.constant 40 : i32
    %scan3A_24 = arith.addi %scan3A_22, %scan3A_23 : i32
    %scan3A_25 = arith.constant 1 : i32
    scf.for %scan3A_35 = %scan3A_22 to %scan3A_24 step %scan3A_25  : i32 {
      %mul3A_36 = arith.constant 1 : i32
      %mul3A_37 = arith.muli %scan3A_35, %mul3A_36 : i32
      %add3A_38 = arith.constant 0 : i32
      %add3A_39 = arith.addi %add3A_38, %mul3A_37 : i32
      %mul3A_40 = arith.constant 2 : i32
      %mul3A_41 = arith.muli %mul3A_40, %add3A_39 : i32
      %add3A_42 = arith.constant 1 : i32
      %add3A_43 = arith.addi %mul3A_41, %add3A_42 : i32
      %mul3A_44 = arith.constant 4000 : i32
      %mul3A_45 = arith.muli %add3A_43, %mul3A_44 : i32
      %dma_start3A_46 = tpu.memref_slice %arg3[%mul3A_45] : memref<320000xi32, #tpu.memory_space<hbm>> -> memref<4000xi32, #tpu.memory_space<hbm>>
      %dma_start3A_47 = tpu.memref_slice %arg3[%mul3A_45] : memref<320000xi32, #tpu.memory_space<hbm>> -> memref<4000xi32, #tpu.memory_space<hbm>>
      tpu.enqueue_dma source(%dma_start3A_47 : memref<4000xi32, #tpu.memory_space<hbm>>) target(%arg15 : memref<4000xi32, #tpu.memory_space<vmem>>) target_semaphore(%arg19 : memref<!tpu.dma_semaphore, #tpu.memory_space<semaphore_mem>>)
      %mul3A_48 = arith.constant 4000 : i32
      %mul3A_49 = arith.muli %add3A_43, %mul3A_48 : i32
      %dma_start3A_50 = tpu.memref_slice %arg4[%mul3A_49] : memref<320000xf32, #tpu.memory_space<hbm>> -> memref<4000xf32, #tpu.memory_space<hbm>>
      %dma_start3A_51 = tpu.memref_slice %arg4[%mul3A_49] : memref<320000xf32, #tpu.memory_space<hbm>> -> memref<4000xf32, #tpu.memory_space<hbm>>
      tpu.enqueue_dma source(%dma_start3A_51 : memref<4000xf32, #tpu.memory_space<hbm>>) target(%arg17 : memref<4000xf32, #tpu.memory_space<vmem>>) target_semaphore(%arg21 : memref<!tpu.dma_semaphore, #tpu.memory_space<semaphore_mem>>)
      %dma_wait3A = arith.constant 0 : i32
      %dma_wait3A_52 = tpu.memref_slice %arg3[%dma_wait3A] : memref<320000xi32, #tpu.memory_space<hbm>> -> memref<4000xi32, #tpu.memory_space<hbm>>
      %dma_wait3A_53 = arith.constant 0 : i32
      %dma_wait3A_54 = tpu.memref_slice %arg3[%dma_wait3A_53] : memref<320000xi32, #tpu.memory_space<hbm>> -> memref<4000xi32, #tpu.memory_space<hbm>>
      tpu.wait_dma2 semaphore(%arg18 : memref<!tpu.dma_semaphore, #tpu.memory_space<semaphore_mem>>) src(%dma_wait3A_54 : memref<4000xi32, #tpu.memory_space<hbm>>) dst(%arg14 : memref<4000xi32, #tpu.memory_space<vmem>>)
      %dma_wait3A_55 = arith.constant 0 : i32
      %dma_wait3A_56 = tpu.memref_slice %arg4[%dma_wait3A_55] : memref<320000xf32, #tpu.memory_space<hbm>> -> memref<4000xf32, #tpu.memory_space<hbm>>
      %dma_wait3A_57 = arith.constant 0 : i32
      %dma_wait3A_58 = tpu.memref_slice %arg4[%dma_wait3A_57] : memref<320000xf32, #tpu.memory_space<hbm>> -> memref<4000xf32, #tpu.memory_space<hbm>>
      tpu.wait_dma2 semaphore(%arg20 : memref<!tpu.dma_semaphore, #tpu.memory_space<semaphore_mem>>) src(%dma_wait3A_58 : memref<4000xf32, #tpu.memory_space<hbm>>) dst(%arg16 : memref<4000xf32, #tpu.memory_space<vmem>>)
      %scan3A_59 = arith.constant 0 : i32
      %scan3A_60 = arith.constant 250 : i32
      %scan3A_61 = arith.addi %scan3A_59, %scan3A_60 : i32
      %scan3A_62 = arith.constant 1 : i32
      scf.for %scan3A_79 = %scan3A_59 to %scan3A_61 step %scan3A_62  : i32 {
        %mul3A_80 = arith.constant 16 : i32
        %mul3A_81 = arith.muli %scan3A_79, %mul3A_80 : i32
        %add3A_82 = arith.constant 0 : i32
        %add3A_83 = arith.addi %add3A_82, %mul3A_81 : i32
        %get3A = arith.index_cast %add3A_83 : i32 to index
        %get3A_84 = tpu.vector_load %arg14[%get3A] {strides = array<i32>} : memref<4000xi32, #tpu.memory_space<vmem>>, vector<16xi32>,
        %and3A = arith.constant 65535 : i32
        %and3A_85 = vector.broadcast %and3A : i32 to vector<16xi32>
        %and3A_86 = arith.andi %get3A_84, %and3A_85 : vector<16xi32>
        %shift_right_logical3A = arith.constant 16 : i32
        %shift_right_logical3A_87 = vector.broadcast %shift_right_logical3A : i32 to vector<16xi32>
        %shift_right_logical3A_88 = arith.shrui %get3A_84, %shift_right_logical3A_87 : vector<16xi32>
        %get3A_89 = arith.index_cast %add3A_83 : i32 to index
        %get3A_90 = tpu.vector_load %arg16[%get3A_89] {strides = array<i32>} : memref<4000xf32, #tpu.memory_space<vmem>>, vector<16xf32>,
        %gather3A = tpu.vector_load_idx %arg6[%and3A_86] : memref<10240xf32, #tpu.memory_space<vmem>>[vector<16xi32>], vector<16xf32>,
        %mul3A_91 = arith.mulf %gather3A, %get3A_90 : vector<16xf32>
        tpu.vector_store_idx %arg10[%shift_right_logical3A_88], %mul3A_91 {add = true} : memref<10240xf32, #tpu.memory_space<vmem>>[vector<16xi32>], vector<16xf32>,
        %gather3A_92 = tpu.vector_load_idx %arg7[%and3A_86] : memref<10240xf32, #tpu.memory_space<vmem>>[vector<16xi32>], vector<16xf32>,
        %mul3A_93 = arith.mulf %gather3A_92, %get3A_90 : vector<16xf32>
        tpu.vector_store_idx %arg11[%shift_right_logical3A_88], %mul3A_93 {add = true} : memref<10240xf32, #tpu.memory_space<vmem>>[vector<16xi32>], vector<16xf32>,
        %gather3A_94 = tpu.vector_load_idx %arg8[%and3A_86] : memref<10240xf32, #tpu.memory_space<vmem>>[vector<16xi32>], vector<16xf32>,
        %mul3A_95 = arith.mulf %gather3A_94, %get3A_90 : vector<16xf32>
        tpu.vector_store_idx %arg12[%shift_right_logical3A_88], %mul3A_95 {add = true} : memref<10240xf32, #tpu.memory_space<vmem>>[vector<16xi32>], vector<16xf32>,
        %gather3A_96 = tpu.vector_load_idx %arg9[%and3A_86] : memref<10240xf32, #tpu.memory_space<vmem>>[vector<16xi32>], vector<16xf32>,
        %mul3A_97 = arith.mulf %gather3A_96, %get3A_90 : vector<16xf32>
        tpu.vector_store_idx %arg13[%shift_right_logical3A_88], %mul3A_97 {add = true} : memref<10240xf32, #tpu.memory_space<vmem>>[vector<16xi32>], vector<16xf32>,
      }
      %scan3A_63 = arith.constant 250 : i32
      %lt3A = arith.constant 39 : i32
      %lt3A_64 = arith.cmpi slt, %add3A_39, %lt3A : i32
      %convert_element_type3A = arith.extui %lt3A_64 : i1 to i32
      %cond3A = arith.constant 0 : i32
      %cond3A_65 = arith.cmpi ne, %convert_element_type3A, %cond3A : i32
      scf.if %cond3A_65 {
        %mul3A_79 = arith.constant 2 : i32
        %mul3A_80 = arith.muli %mul3A_79, %add3A_39 : i32
        %add3A_81 = arith.constant 2 : i32
        %add3A_82 = arith.addi %mul3A_80, %add3A_81 : i32
        %mul3A_83 = arith.constant 4000 : i32
        %mul3A_84 = arith.muli %add3A_82, %mul3A_83 : i32
        %dma_start3A_85 = tpu.memref_slice %arg3[%mul3A_84] : memref<320000xi32, #tpu.memory_space<hbm>> -> memref<4000xi32, #tpu.memory_space<hbm>>
        %dma_start3A_86 = tpu.memref_slice %arg3[%mul3A_84] : memref<320000xi32, #tpu.memory_space<hbm>> -> memref<4000xi32, #tpu.memory_space<hbm>>
        tpu.enqueue_dma source(%dma_start3A_86 : memref<4000xi32, #tpu.memory_space<hbm>>) target(%arg14 : memref<4000xi32, #tpu.memory_space<vmem>>) target_semaphore(%arg18 : memref<!tpu.dma_semaphore, #tpu.memory_space<semaphore_mem>>)
        %mul3A_87 = arith.constant 4000 : i32
        %mul3A_88 = arith.muli %add3A_82, %mul3A_87 : i32
        %dma_start3A_89 = tpu.memref_slice %arg4[%mul3A_88] : memref<320000xf32, #tpu.memory_space<hbm>> -> memref<4000xf32, #tpu.memory_space<hbm>>
        %dma_start3A_90 = tpu.memref_slice %arg4[%mul3A_88] : memref<320000xf32, #tpu.memory_space<hbm>> -> memref<4000xf32, #tpu.memory_space<hbm>>
        tpu.enqueue_dma source(%dma_start3A_90 : memref<4000xf32, #tpu.memory_space<hbm>>) target(%arg16 : memref<4000xf32, #tpu.memory_space<vmem>>) target_semaphore(%arg20 : memref<!tpu.dma_semaphore, #tpu.memory_space<semaphore_mem>>)
      } else {
      }
      %dma_wait3A_66 = arith.constant 0 : i32
      %dma_wait3A_67 = tpu.memref_slice %arg3[%dma_wait3A_66] : memref<320000xi32, #tpu.memory_space<hbm>> -> memref<4000xi32, #tpu.memory_space<hbm>>
      %dma_wait3A_68 = arith.constant 0 : i32
      %dma_wait3A_69 = tpu.memref_slice %arg3[%dma_wait3A_68] : memref<320000xi32, #tpu.memory_space<hbm>> -> memref<4000xi32, #tpu.memory_space<hbm>>
      tpu.wait_dma2 semaphore(%arg19 : memref<!tpu.dma_semaphore, #tpu.memory_space<semaphore_mem>>) src(%dma_wait3A_69 : memref<4000xi32, #tpu.memory_space<hbm>>) dst(%arg15 : memref<4000xi32, #tpu.memory_space<vmem>>)
      %dma_wait3A_70 = arith.constant 0 : i32
      %dma_wait3A_71 = tpu.memref_slice %arg4[%dma_wait3A_70] : memref<320000xf32, #tpu.memory_space<hbm>> -> memref<4000xf32, #tpu.memory_space<hbm>>
      %dma_wait3A_72 = arith.constant 0 : i32
      %dma_wait3A_73 = tpu.memref_slice %arg4[%dma_wait3A_72] : memref<320000xf32, #tpu.memory_space<hbm>> -> memref<4000xf32, #tpu.memory_space<hbm>>
      tpu.wait_dma2 semaphore(%arg21 : memref<!tpu.dma_semaphore, #tpu.memory_space<semaphore_mem>>) src(%dma_wait3A_73 : memref<4000xf32, #tpu.memory_space<hbm>>) dst(%arg17 : memref<4000xf32, #tpu.memory_space<vmem>>)
      %scan3A_74 = arith.constant 0 : i32
      %scan3A_75 = arith.constant 250 : i32
      %scan3A_76 = arith.addi %scan3A_74, %scan3A_75 : i32
      %scan3A_77 = arith.constant 1 : i32
      scf.for %scan3A_79 = %scan3A_74 to %scan3A_76 step %scan3A_77  : i32 {
        %mul3A_80 = arith.constant 16 : i32
        %mul3A_81 = arith.muli %scan3A_79, %mul3A_80 : i32
        %add3A_82 = arith.constant 0 : i32
        %add3A_83 = arith.addi %add3A_82, %mul3A_81 : i32
        %get3A = arith.index_cast %add3A_83 : i32 to index
        %get3A_84 = tpu.vector_load %arg15[%get3A] {strides = array<i32>} : memref<4000xi32, #tpu.memory_space<vmem>>, vector<16xi32>,
        %and3A = arith.constant 65535 : i32
        %and3A_85 = vector.broadcast %and3A : i32 to vector<16xi32>
        %and3A_86 = arith.andi %get3A_84, %and3A_85 : vector<16xi32>
        %shift_right_logical3A = arith.constant 16 : i32
        %shift_right_logical3A_87 = vector.broadcast %shift_right_logical3A : i32 to vector<16xi32>
        %shift_right_logical3A_88 = arith.shrui %get3A_84, %shift_right_logical3A_87 : vector<16xi32>
        %get3A_89 = arith.index_cast %add3A_83 : i32 to index
        %get3A_90 = tpu.vector_load %arg17[%get3A_89] {strides = array<i32>} : memref<4000xf32, #tpu.memory_space<vmem>>, vector<16xf32>,
        %gather3A = tpu.vector_load_idx %arg6[%and3A_86] : memref<10240xf32, #tpu.memory_space<vmem>>[vector<16xi32>], vector<16xf32>,
        %mul3A_91 = arith.mulf %gather3A, %get3A_90 : vector<16xf32>
        tpu.vector_store_idx %arg10[%shift_right_logical3A_88], %mul3A_91 {add = true} : memref<10240xf32, #tpu.memory_space<vmem>>[vector<16xi32>], vector<16xf32>,
        %gather3A_92 = tpu.vector_load_idx %arg7[%and3A_86] : memref<10240xf32, #tpu.memory_space<vmem>>[vector<16xi32>], vector<16xf32>,
        %mul3A_93 = arith.mulf %gather3A_92, %get3A_90 : vector<16xf32>
        tpu.vector_store_idx %arg11[%shift_right_logical3A_88], %mul3A_93 {add = true} : memref<10240xf32, #tpu.memory_space<vmem>>[vector<16xi32>], vector<16xf32>,
        %gather3A_94 = tpu.vector_load_idx %arg8[%and3A_86] : memref<10240xf32, #tpu.memory_space<vmem>>[vector<16xi32>], vector<16xf32>,
        %mul3A_95 = arith.mulf %gather3A_94, %get3A_90 : vector<16xf32>
        tpu.vector_store_idx %arg12[%shift_right_logical3A_88], %mul3A_95 {add = true} : memref<10240xf32, #tpu.memory_space<vmem>>[vector<16xi32>], vector<16xf32>,
        %gather3A_96 = tpu.vector_load_idx %arg9[%and3A_86] : memref<10240xf32, #tpu.memory_space<vmem>>[vector<16xi32>], vector<16xf32>,
        %mul3A_97 = arith.mulf %gather3A_96, %get3A_90 : vector<16xf32>
        tpu.vector_store_idx %arg13[%shift_right_logical3A_88], %mul3A_97 {add = true} : memref<10240xf32, #tpu.memory_space<vmem>>[vector<16xi32>], vector<16xf32>,
      }
      %scan3A_78 = arith.constant 250 : i32
    }
    %scan3A_26 = arith.constant 40 : i32
    %add3A_27 = arith.constant 0 : i32
    %add3A_28 = arith.addi %mul3A_2, %add3A_27 : i32
    "tpu.region"() ({
      %run_scoped3A = tpu.sem_alloc : memref<!tpu.dma_semaphore, #tpu.memory_space<semaphore_mem>>
      %dma_start3A_35 = arith.constant 0 : i32
      %dma_start3A_36 = tpu.memref_slice %arg5[%add3A_28, %dma_start3A_35] : memref<128x10240xf32, #tpu.memory_space<hbm>> -> memref<1x10240xf32, #tpu.memory_space<hbm>>
      %dma_start3A_37 = tpu.memref_squeeze %dma_start3A_36 : memref<1x10240xf32, #tpu.memory_space<hbm>> -> memref<10240xf32, #tpu.memory_space<hbm>>
      %dma_start3A_38 = arith.constant 0 : i32
      %dma_start3A_39 = tpu.memref_slice %arg5[%add3A_28, %dma_start3A_38] : memref<128x10240xf32, #tpu.memory_space<hbm>> -> memref<1x10240xf32, #tpu.memory_space<hbm>>
      %dma_start3A_40 = tpu.memref_squeeze %dma_start3A_39 : memref<1x10240xf32, #tpu.memory_space<hbm>> -> memref<10240xf32, #tpu.memory_space<hbm>>
      tpu.enqueue_dma source(%arg10 : memref<10240xf32, #tpu.memory_space<vmem>>) target(%dma_start3A_40 : memref<10240xf32, #tpu.memory_space<hbm>>) target_semaphore(%run_scoped3A : memref<!tpu.dma_semaphore, #tpu.memory_space<semaphore_mem>>)
      %dma_wait3A = arith.constant 0 : i32
      %dma_wait3A_41 = tpu.memref_slice %arg5[%add3A_28, %dma_wait3A] : memref<128x10240xf32, #tpu.memory_space<hbm>> -> memref<1x10240xf32, #tpu.memory_space<hbm>>
      %dma_wait3A_42 = tpu.memref_squeeze %dma_wait3A_41 : memref<1x10240xf32, #tpu.memory_space<hbm>> -> memref<10240xf32, #tpu.memory_space<hbm>>
      %dma_wait3A_43 = arith.constant 0 : i32
      %dma_wait3A_44 = tpu.memref_slice %arg5[%add3A_28, %dma_wait3A_43] : memref<128x10240xf32, #tpu.memory_space<hbm>> -> memref<1x10240xf32, #tpu.memory_space<hbm>>
      %dma_wait3A_45 = tpu.memref_squeeze %dma_wait3A_44 : memref<1x10240xf32, #tpu.memory_space<hbm>> -> memref<10240xf32, #tpu.memory_space<hbm>>
      tpu.wait_dma2 semaphore(%run_scoped3A : memref<!tpu.dma_semaphore, #tpu.memory_space<semaphore_mem>>) src(%arg10 : memref<10240xf32, #tpu.memory_space<vmem>>) dst(%dma_wait3A_45 : memref<10240xf32, #tpu.memory_space<hbm>>)
      tpu.yield
    }) : () -> ()
    %add3A_29 = arith.constant 1 : i32
    %add3A_30 = arith.addi %mul3A_2, %add3A_29 : i32
    "tpu.region"() ({
      %run_scoped3A = tpu.sem_alloc : memref<!tpu.dma_semaphore, #tpu.memory_space<semaphore_mem>>
      %dma_start3A_35 = arith.constant 0 : i32
      %dma_start3A_36 = tpu.memref_slice %arg5[%add3A_30, %dma_start3A_35] : memref<128x10240xf32, #tpu.memory_space<hbm>> -> memref<1x10240xf32, #tpu.memory_space<hbm>>
      %dma_start3A_37 = tpu.memref_squeeze %dma_start3A_36 : memref<1x10240xf32, #tpu.memory_space<hbm>> -> memref<10240xf32, #tpu.memory_space<hbm>>
      %dma_start3A_38 = arith.constant 0 : i32
      %dma_start3A_39 = tpu.memref_slice %arg5[%add3A_30, %dma_start3A_38] : memref<128x10240xf32, #tpu.memory_space<hbm>> -> memref<1x10240xf32, #tpu.memory_space<hbm>>
      %dma_start3A_40 = tpu.memref_squeeze %dma_start3A_39 : memref<1x10240xf32, #tpu.memory_space<hbm>> -> memref<10240xf32, #tpu.memory_space<hbm>>
      tpu.enqueue_dma source(%arg11 : memref<10240xf32, #tpu.memory_space<vmem>>) target(%dma_start3A_40 : memref<10240xf32, #tpu.memory_space<hbm>>) target_semaphore(%run_scoped3A : memref<!tpu.dma_semaphore, #tpu.memory_space<semaphore_mem>>)
      %dma_wait3A = arith.constant 0 : i32
      %dma_wait3A_41 = tpu.memref_slice %arg5[%add3A_30, %dma_wait3A] : memref<128x10240xf32, #tpu.memory_space<hbm>> -> memref<1x10240xf32, #tpu.memory_space<hbm>>
      %dma_wait3A_42 = tpu.memref_squeeze %dma_wait3A_41 : memref<1x10240xf32, #tpu.memory_space<hbm>> -> memref<10240xf32, #tpu.memory_space<hbm>>
      %dma_wait3A_43 = arith.constant 0 : i32
      %dma_wait3A_44 = tpu.memref_slice %arg5[%add3A_30, %dma_wait3A_43] : memref<128x10240xf32, #tpu.memory_space<hbm>> -> memref<1x10240xf32, #tpu.memory_space<hbm>>
      %dma_wait3A_45 = tpu.memref_squeeze %dma_wait3A_44 : memref<1x10240xf32, #tpu.memory_space<hbm>> -> memref<10240xf32, #tpu.memory_space<hbm>>
      tpu.wait_dma2 semaphore(%run_scoped3A : memref<!tpu.dma_semaphore, #tpu.memory_space<semaphore_mem>>) src(%arg11 : memref<10240xf32, #tpu.memory_space<vmem>>) dst(%dma_wait3A_45 : memref<10240xf32, #tpu.memory_space<hbm>>)
      tpu.yield
    }) : () -> ()
    %add3A_31 = arith.constant 2 : i32
    %add3A_32 = arith.addi %mul3A_2, %add3A_31 : i32
    "tpu.region"() ({
      %run_scoped3A = tpu.sem_alloc : memref<!tpu.dma_semaphore, #tpu.memory_space<semaphore_mem>>
      %dma_start3A_35 = arith.constant 0 : i32
      %dma_start3A_36 = tpu.memref_slice %arg5[%add3A_32, %dma_start3A_35] : memref<128x10240xf32, #tpu.memory_space<hbm>> -> memref<1x10240xf32, #tpu.memory_space<hbm>>
      %dma_start3A_37 = tpu.memref_squeeze %dma_start3A_36 : memref<1x10240xf32, #tpu.memory_space<hbm>> -> memref<10240xf32, #tpu.memory_space<hbm>>
      %dma_start3A_38 = arith.constant 0 : i32
      %dma_start3A_39 = tpu.memref_slice %arg5[%add3A_32, %dma_start3A_38] : memref<128x10240xf32, #tpu.memory_space<hbm>> -> memref<1x10240xf32, #tpu.memory_space<hbm>>
      %dma_start3A_40 = tpu.memref_squeeze %dma_start3A_39 : memref<1x10240xf32, #tpu.memory_space<hbm>> -> memref<10240xf32, #tpu.memory_space<hbm>>
      tpu.enqueue_dma source(%arg12 : memref<10240xf32, #tpu.memory_space<vmem>>) target(%dma_start3A_40 : memref<10240xf32, #tpu.memory_space<hbm>>) target_semaphore(%run_scoped3A : memref<!tpu.dma_semaphore, #tpu.memory_space<semaphore_mem>>)
      %dma_wait3A = arith.constant 0 : i32
      %dma_wait3A_41 = tpu.memref_slice %arg5[%add3A_32, %dma_wait3A] : memref<128x10240xf32, #tpu.memory_space<hbm>> -> memref<1x10240xf32, #tpu.memory_space<hbm>>
      %dma_wait3A_42 = tpu.memref_squeeze %dma_wait3A_41 : memref<1x10240xf32, #tpu.memory_space<hbm>> -> memref<10240xf32, #tpu.memory_space<hbm>>
      %dma_wait3A_43 = arith.constant 0 : i32
      %dma_wait3A_44 = tpu.memref_slice %arg5[%add3A_32, %dma_wait3A_43] : memref<128x10240xf32, #tpu.memory_space<hbm>> -> memref<1x10240xf32, #tpu.memory_space<hbm>>
      %dma_wait3A_45 = tpu.memref_squeeze %dma_wait3A_44 : memref<1x10240xf32, #tpu.memory_space<hbm>> -> memref<10240xf32, #tpu.memory_space<hbm>>
      tpu.wait_dma2 semaphore(%run_scoped3A : memref<!tpu.dma_semaphore, #tpu.memory_space<semaphore_mem>>) src(%arg12 : memref<10240xf32, #tpu.memory_space<vmem>>) dst(%dma_wait3A_45 : memref<10240xf32, #tpu.memory_space<hbm>>)
      tpu.yield
    }) : () -> ()
    %add3A_33 = arith.constant 3 : i32
    %add3A_34 = arith.addi %mul3A_2, %add3A_33 : i32
    "tpu.region"() ({
      %run_scoped3A = tpu.sem_alloc : memref<!tpu.dma_semaphore, #tpu.memory_space<semaphore_mem>>
      %dma_start3A_35 = arith.constant 0 : i32
      %dma_start3A_36 = tpu.memref_slice %arg5[%add3A_34, %dma_start3A_35] : memref<128x10240xf32, #tpu.memory_space<hbm>> -> memref<1x10240xf32, #tpu.memory_space<hbm>>
      %dma_start3A_37 = tpu.memref_squeeze %dma_start3A_36 : memref<1x10240xf32, #tpu.memory_space<hbm>> -> memref<10240xf32, #tpu.memory_space<hbm>>
      %dma_start3A_38 = arith.constant 0 : i32
      %dma_start3A_39 = tpu.memref_slice %arg5[%add3A_34, %dma_start3A_38] : memref<128x10240xf32, #tpu.memory_space<hbm>> -> memref<1x10240xf32, #tpu.memory_space<hbm>>
      %dma_start3A_40 = tpu.memref_squeeze %dma_start3A_39 : memref<1x10240xf32, #tpu.memory_space<hbm>> -> memref<10240xf32, #tpu.memory_space<hbm>>
      tpu.enqueue_dma source(%arg13 : memref<10240xf32, #tpu.memory_space<vmem>>) target(%dma_start3A_40 : memref<10240xf32, #tpu.memory_space<hbm>>) target_semaphore(%run_scoped3A : memref<!tpu.dma_semaphore, #tpu.memory_space<semaphore_mem>>)
      %dma_wait3A = arith.constant 0 : i32
      %dma_wait3A_41 = tpu.memref_slice %arg5[%add3A_34, %dma_wait3A] : memref<128x10240xf32, #tpu.memory_space<hbm>> -> memref<1x10240xf32, #tpu.memory_space<hbm>>
      %dma_wait3A_42 = tpu.memref_squeeze %dma_wait3A_41 : memref<1x10240xf32, #tpu.memory_space<hbm>> -> memref<10240xf32, #tpu.memory_space<hbm>>
      %dma_wait3A_43 = arith.constant 0 : i32
      %dma_wait3A_44 = tpu.memref_slice %arg5[%add3A_34, %dma_wait3A_43] : memref<128x10240xf32, #tpu.memory_space<hbm>> -> memref<1x10240xf32, #tpu.memory_space<hbm>>
      %dma_wait3A_45 = tpu.memref_squeeze %dma_wait3A_44 : memref<1x10240xf32, #tpu.memory_space<hbm>> -> memref<10240xf32, #tpu.memory_space<hbm>>
      tpu.wait_dma2 semaphore(%run_scoped3A : memref<!tpu.dma_semaphore, #tpu.memory_space<semaphore_mem>>) src(%arg13 : memref<10240xf32, #tpu.memory_space<vmem>>) dst(%dma_wait3A_45 : memref<10240xf32, #tpu.memory_space<hbm>>)
      tpu.yield
    }) : () -> ()
    return
  }
}

#map = affine_map<(d0, d1) -> (0)>
#map1 = affine_map<(d0, d1) -> (0, 0)>
module attributes {stable_mosaic.version = 14 : i64} {
  func.func @_edgew_kernel(%arg0: i32, %arg1: i32, %arg2: memref<320000xi32, #tpu.memory_space<hbm>>, %arg3: memref<320000xf32, #tpu.memory_space<hbm>>, %arg4: memref<1x10240xf32, #tpu.memory_space<hbm>>, %arg5: memref<320000xf32, #tpu.memory_space<hbm>>, %arg6: memref<10240xf32, #tpu.memory_space<vmem>>, %arg7: memref<10000xi32, #tpu.memory_space<vmem>>, %arg8: memref<10000xf32, #tpu.memory_space<vmem>>, %arg9: memref<10000xf32, #tpu.memory_space<vmem>>) attributes {dimension_semantics = [#tpu.dimension_semantics<core_parallel>, #tpu.dimension_semantics<subcore_parallel>], iteration_bounds = array<i64: 2, 16>, scalar_prefetch = 0 : i64, scratch_operands = 4 : i64, tpu.core_type = #tpu.core_type<sc_vector_subcore>, window_params = [{transform_indices = #map}, {transform_indices = #map}, {transform_indices = #map1}, {transform_indices = #map}]} {
    %mul3A = arith.constant 2 : i32
    %mul3A_0 = arith.muli %arg1, %mul3A : i32
    %add3A = arith.addi %mul3A_0, %arg0 : i32
    %mul3A_1 = arith.constant 10000 : i32
    %mul3A_2 = arith.muli %add3A, %mul3A_1 : i32
    %run_scoped3A = arith.constant 0 : i32
    "tpu.region"() ({
      %run_scoped3A_7 = tpu.sem_alloc : memref<!tpu.dma_semaphore, #tpu.memory_space<semaphore_mem>>
      %dma_start3A = arith.constant 0 : i32
      %dma_start3A_8 = tpu.memref_slice %arg4[%run_scoped3A, %dma_start3A] : memref<1x10240xf32, #tpu.memory_space<hbm>> -> memref<1x10240xf32, #tpu.memory_space<hbm>>
      %dma_start3A_9 = tpu.memref_squeeze %dma_start3A_8 : memref<1x10240xf32, #tpu.memory_space<hbm>> -> memref<10240xf32, #tpu.memory_space<hbm>>
      %dma_start3A_10 = arith.constant 0 : i32
      %dma_start3A_11 = tpu.memref_slice %arg4[%run_scoped3A, %dma_start3A_10] : memref<1x10240xf32, #tpu.memory_space<hbm>> -> memref<1x10240xf32, #tpu.memory_space<hbm>>
      %dma_start3A_12 = tpu.memref_squeeze %dma_start3A_11 : memref<1x10240xf32, #tpu.memory_space<hbm>> -> memref<10240xf32, #tpu.memory_space<hbm>>
      tpu.enqueue_dma source(%dma_start3A_12 : memref<10240xf32, #tpu.memory_space<hbm>>) target(%arg6 : memref<10240xf32, #tpu.memory_space<vmem>>) target_semaphore(%run_scoped3A_7 : memref<!tpu.dma_semaphore, #tpu.memory_space<semaphore_mem>>)
      %dma_wait3A = arith.constant 0 : i32
      %dma_wait3A_13 = tpu.memref_slice %arg4[%run_scoped3A, %dma_wait3A] : memref<1x10240xf32, #tpu.memory_space<hbm>> -> memref<1x10240xf32, #tpu.memory_space<hbm>>
      %dma_wait3A_14 = tpu.memref_squeeze %dma_wait3A_13 : memref<1x10240xf32, #tpu.memory_space<hbm>> -> memref<10240xf32, #tpu.memory_space<hbm>>
      %dma_wait3A_15 = arith.constant 0 : i32
      %dma_wait3A_16 = tpu.memref_slice %arg4[%run_scoped3A, %dma_wait3A_15] : memref<1x10240xf32, #tpu.memory_space<hbm>> -> memref<1x10240xf32, #tpu.memory_space<hbm>>
      %dma_wait3A_17 = tpu.memref_squeeze %dma_wait3A_16 : memref<1x10240xf32, #tpu.memory_space<hbm>> -> memref<10240xf32, #tpu.memory_space<hbm>>
      tpu.wait_dma2 semaphore(%run_scoped3A_7 : memref<!tpu.dma_semaphore, #tpu.memory_space<semaphore_mem>>) src(%dma_wait3A_17 : memref<10240xf32, #tpu.memory_space<hbm>>) dst(%arg6 : memref<10240xf32, #tpu.memory_space<vmem>>)
      tpu.yield
    }) : () -> ()
    "tpu.region"() ({
      %run_scoped3A_7 = tpu.sem_alloc : memref<!tpu.dma_semaphore, #tpu.memory_space<semaphore_mem>>
      %dma_start3A = tpu.memref_slice %arg2[%mul3A_2] : memref<320000xi32, #tpu.memory_space<hbm>> -> memref<10000xi32, #tpu.memory_space<hbm>>
      %dma_start3A_8 = tpu.memref_slice %arg2[%mul3A_2] : memref<320000xi32, #tpu.memory_space<hbm>> -> memref<10000xi32, #tpu.memory_space<hbm>>
      tpu.enqueue_dma source(%dma_start3A_8 : memref<10000xi32, #tpu.memory_space<hbm>>) target(%arg7 : memref<10000xi32, #tpu.memory_space<vmem>>) target_semaphore(%run_scoped3A_7 : memref<!tpu.dma_semaphore, #tpu.memory_space<semaphore_mem>>)
      %dma_wait3A = tpu.memref_slice %arg2[%mul3A_2] : memref<320000xi32, #tpu.memory_space<hbm>> -> memref<10000xi32, #tpu.memory_space<hbm>>
      %dma_wait3A_9 = tpu.memref_slice %arg2[%mul3A_2] : memref<320000xi32, #tpu.memory_space<hbm>> -> memref<10000xi32, #tpu.memory_space<hbm>>
      tpu.wait_dma2 semaphore(%run_scoped3A_7 : memref<!tpu.dma_semaphore, #tpu.memory_space<semaphore_mem>>) src(%dma_wait3A_9 : memref<10000xi32, #tpu.memory_space<hbm>>) dst(%arg7 : memref<10000xi32, #tpu.memory_space<vmem>>)
      tpu.yield
    }) : () -> ()
    "tpu.region"() ({
      %run_scoped3A_7 = tpu.sem_alloc : memref<!tpu.dma_semaphore, #tpu.memory_space<semaphore_mem>>
      %dma_start3A = tpu.memref_slice %arg3[%mul3A_2] : memref<320000xf32, #tpu.memory_space<hbm>> -> memref<10000xf32, #tpu.memory_space<hbm>>
      %dma_start3A_8 = tpu.memref_slice %arg3[%mul3A_2] : memref<320000xf32, #tpu.memory_space<hbm>> -> memref<10000xf32, #tpu.memory_space<hbm>>
      tpu.enqueue_dma source(%dma_start3A_8 : memref<10000xf32, #tpu.memory_space<hbm>>) target(%arg8 : memref<10000xf32, #tpu.memory_space<vmem>>) target_semaphore(%run_scoped3A_7 : memref<!tpu.dma_semaphore, #tpu.memory_space<semaphore_mem>>)
      %dma_wait3A = tpu.memref_slice %arg3[%mul3A_2] : memref<320000xf32, #tpu.memory_space<hbm>> -> memref<10000xf32, #tpu.memory_space<hbm>>
      %dma_wait3A_9 = tpu.memref_slice %arg3[%mul3A_2] : memref<320000xf32, #tpu.memory_space<hbm>> -> memref<10000xf32, #tpu.memory_space<hbm>>
      tpu.wait_dma2 semaphore(%run_scoped3A_7 : memref<!tpu.dma_semaphore, #tpu.memory_space<semaphore_mem>>) src(%dma_wait3A_9 : memref<10000xf32, #tpu.memory_space<hbm>>) dst(%arg8 : memref<10000xf32, #tpu.memory_space<vmem>>)
      tpu.yield
    }) : () -> ()
    %scan3A = arith.constant 0 : i32
    %scan3A_3 = arith.constant 625 : i32
    %scan3A_4 = arith.addi %scan3A, %scan3A_3 : i32
    %scan3A_5 = arith.constant 1 : i32
    scf.for %scan3A_7 = %scan3A to %scan3A_4 step %scan3A_5  : i32 {
      %mul3A_8 = arith.constant 16 : i32
      %mul3A_9 = arith.muli %scan3A_7, %mul3A_8 : i32
      %add3A_10 = arith.constant 0 : i32
      %add3A_11 = arith.addi %add3A_10, %mul3A_9 : i32
      %get3A = arith.index_cast %add3A_11 : i32 to index
      %get3A_12 = tpu.vector_load %arg7[%get3A] {strides = array<i32>} : memref<10000xi32, #tpu.memory_space<vmem>>, vector<16xi32>,
      %and3A = arith.constant 65535 : i32
      %and3A_13 = vector.broadcast %and3A : i32 to vector<16xi32>
      %and3A_14 = arith.andi %get3A_12, %and3A_13 : vector<16xi32>
      %shift_right_logical3A = arith.constant 16 : i32
      %shift_right_logical3A_15 = vector.broadcast %shift_right_logical3A : i32 to vector<16xi32>
      %shift_right_logical3A_16 = arith.shrui %get3A_12, %shift_right_logical3A_15 : vector<16xi32>
      %gather3A = tpu.vector_load_idx %arg6[%and3A_14] : memref<10240xf32, #tpu.memory_space<vmem>>[vector<16xi32>], vector<16xf32>,
      %gather3A_17 = tpu.vector_load_idx %arg6[%shift_right_logical3A_16] : memref<10240xf32, #tpu.memory_space<vmem>>[vector<16xi32>], vector<16xf32>,
      %get3A_18 = arith.index_cast %add3A_11 : i32 to index
      %get3A_19 = tpu.vector_load %arg8[%get3A_18] {strides = array<i32>} : memref<10000xf32, #tpu.memory_space<vmem>>, vector<16xf32>,
      %mul3A_20 = arith.mulf %gather3A, %get3A_19 : vector<16xf32>
      %mul3A_21 = arith.mulf %mul3A_20, %gather3A_17 : vector<16xf32>
      %neg3A = arith.constant 0.000000e+00 : f32
      %neg3A_22 = vector.broadcast %neg3A : f32 to vector<16xf32>
      %neg3A_23 = arith.subf %neg3A_22, %mul3A_21 : vector<16xf32>
      %swap3A = arith.index_cast %add3A_11 : i32 to index
      %swap3A_24 = tpu.vector_load %arg9[%swap3A] {strides = array<i32>} : memref<10000xf32, #tpu.memory_space<vmem>>, vector<16xf32>,
      tpu.vector_store %arg9[%swap3A], %neg3A_23 {strides = array<i32>} : memref<10000xf32, #tpu.memory_space<vmem>>, vector<16xf32>,
    }
    %scan3A_6 = arith.constant 625 : i32
    "tpu.region"() ({
      %run_scoped3A_7 = tpu.sem_alloc : memref<!tpu.dma_semaphore, #tpu.memory_space<semaphore_mem>>
      %dma_start3A = tpu.memref_slice %arg5[%mul3A_2] : memref<320000xf32, #tpu.memory_space<hbm>> -> memref<10000xf32, #tpu.memory_space<hbm>>
      %dma_start3A_8 = tpu.memref_slice %arg5[%mul3A_2] : memref<320000xf32, #tpu.memory_space<hbm>> -> memref<10000xf32, #tpu.memory_space<hbm>>
      tpu.enqueue_dma source(%arg9 : memref<10000xf32, #tpu.memory_space<vmem>>) target(%dma_start3A_8 : memref<10000xf32, #tpu.memory_space<hbm>>) target_semaphore(%run_scoped3A_7 : memref<!tpu.dma_semaphore, #tpu.memory_space<semaphore_mem>>)
      %dma_wait3A = tpu.memref_slice %arg5[%mul3A_2] : memref<320000xf32, #tpu.memory_space<hbm>> -> memref<10000xf32, #tpu.memory_space<hbm>>
      %dma_wait3A_9 = tpu.memref_slice %arg5[%mul3A_2] : memref<320000xf32, #tpu.memory_space<hbm>> -> memref<10000xf32, #tpu.memory_space<hbm>>
      tpu.wait_dma2 semaphore(%run_scoped3A_7 : memref<!tpu.dma_semaphore, #tpu.memory_space<semaphore_mem>>) src(%arg9 : memref<10000xf32, #tpu.memory_space<vmem>>) dst(%dma_wait3A_9 : memref<10000xf32, #tpu.memory_space<hbm>>)
      tpu.yield
    }) : () -> ()
    return
  }
}

#map = affine_map<(d0, d1) -> (0, 0)>
#map1 = affine_map<(d0, d1) -> (0)>
module attributes {stable_mosaic.version = 14 : i64} {
  func.func @_mv_kernel(%arg0: i32, %arg1: i32, %arg2: memref<128x10240xf32, #tpu.memory_space<hbm>>, %arg3: memref<320000xi32, #tpu.memory_space<hbm>>, %arg4: memref<320000xf32, #tpu.memory_space<hbm>>, %arg5: memref<128x10240xf32, #tpu.memory_space<hbm>>, %arg6: memref<10240xf32, #tpu.memory_space<vmem>>, %arg7: memref<10240xf32, #tpu.memory_space<vmem>>, %arg8: memref<10240xf32, #tpu.memory_space<vmem>>, %arg9: memref<10240xf32, #tpu.memory_space<vmem>>, %arg10: memref<10240xf32, #tpu.memory_space<vmem>>, %arg11: memref<10240xf32, #tpu.memory_space<vmem>>, %arg12: memref<10240xf32, #tpu.memory_space<vmem>>, %arg13: memref<10240xf32, #tpu.memory_space<vmem>>, %arg14: memref<4000xi32, #tpu.memory_space<vmem>>, %arg15: memref<4000xi32, #tpu.memory_space<vmem>>, %arg16: memref<4000xf32, #tpu.memory_space<vmem>>, %arg17: memref<4000xf32, #tpu.memory_space<vmem>>, %arg18: memref<!tpu.dma_semaphore, #tpu.memory_space<semaphore_mem>>, %arg19: memref<!tpu.dma_semaphore, #tpu.memory_space<semaphore_mem>>, %arg20: memref<!tpu.dma_semaphore, #tpu.memory_space<semaphore_mem>>, %arg21: memref<!tpu.dma_semaphore, #tpu.memory_space<semaphore_mem>>) attributes {dimension_semantics = [#tpu.dimension_semantics<core_parallel>, #tpu.dimension_semantics<subcore_parallel>], iteration_bounds = array<i64: 2, 16>, scalar_prefetch = 0 : i64, scratch_operands = 16 : i64, tpu.core_type = #tpu.core_type<sc_vector_subcore>, window_params = [{transform_indices = #map}, {transform_indices = #map1}, {transform_indices = #map1}, {transform_indices = #map}]} {
    %mul3A = arith.constant 2 : i32
    %mul3A_0 = arith.muli %arg1, %mul3A : i32
    %add3A = arith.addi %mul3A_0, %arg0 : i32
    %mul3A_1 = arith.constant 4 : i32
    %mul3A_2 = arith.muli %add3A, %mul3A_1 : i32
    %add3A_3 = arith.constant 0 : i32
    %add3A_4 = arith.addi %mul3A_2, %add3A_3 : i32
    "tpu.region"() ({
      %run_scoped3A = tpu.sem_alloc : memref<!tpu.dma_semaphore, #tpu.memory_space<semaphore_mem>>
      %dma_start3A_35 = arith.constant 0 : i32
      %dma_start3A_36 = tpu.memref_slice %arg2[%add3A_4, %dma_start3A_35] : memref<128x10240xf32, #tpu.memory_space<hbm>> -> memref<1x10240xf32, #tpu.memory_space<hbm>>
      %dma_start3A_37 = tpu.memref_squeeze %dma_start3A_36 : memref<1x10240xf32, #tpu.memory_space<hbm>> -> memref<10240xf32, #tpu.memory_space<hbm>>
      %dma_start3A_38 = arith.constant 0 : i32
      %dma_start3A_39 = tpu.memref_slice %arg2[%add3A_4, %dma_start3A_38] : memref<128x10240xf32, #tpu.memory_space<hbm>> -> memref<1x10240xf32, #tpu.memory_space<hbm>>
      %dma_start3A_40 = tpu.memref_squeeze %dma_start3A_39 : memref<1x10240xf32, #tpu.memory_space<hbm>> -> memref<10240xf32, #tpu.memory_space<hbm>>
      tpu.enqueue_dma source(%dma_start3A_40 : memref<10240xf32, #tpu.memory_space<hbm>>) target(%arg6 : memref<10240xf32, #tpu.memory_space<vmem>>) target_semaphore(%run_scoped3A : memref<!tpu.dma_semaphore, #tpu.memory_space<semaphore_mem>>)
      %dma_wait3A = arith.constant 0 : i32
      %dma_wait3A_41 = tpu.memref_slice %arg2[%add3A_4, %dma_wait3A] : memref<128x10240xf32, #tpu.memory_space<hbm>> -> memref<1x10240xf32, #tpu.memory_space<hbm>>
      %dma_wait3A_42 = tpu.memref_squeeze %dma_wait3A_41 : memref<1x10240xf32, #tpu.memory_space<hbm>> -> memref<10240xf32, #tpu.memory_space<hbm>>
      %dma_wait3A_43 = arith.constant 0 : i32
      %dma_wait3A_44 = tpu.memref_slice %arg2[%add3A_4, %dma_wait3A_43] : memref<128x10240xf32, #tpu.memory_space<hbm>> -> memref<1x10240xf32, #tpu.memory_space<hbm>>
      %dma_wait3A_45 = tpu.memref_squeeze %dma_wait3A_44 : memref<1x10240xf32, #tpu.memory_space<hbm>> -> memref<10240xf32, #tpu.memory_space<hbm>>
      tpu.wait_dma2 semaphore(%run_scoped3A : memref<!tpu.dma_semaphore, #tpu.memory_space<semaphore_mem>>) src(%dma_wait3A_45 : memref<10240xf32, #tpu.memory_space<hbm>>) dst(%arg6 : memref<10240xf32, #tpu.memory_space<vmem>>)
      tpu.yield
    }) : () -> ()
    %add3A_5 = arith.constant 1 : i32
    %add3A_6 = arith.addi %mul3A_2, %add3A_5 : i32
    "tpu.region"() ({
      %run_scoped3A = tpu.sem_alloc : memref<!tpu.dma_semaphore, #tpu.memory_space<semaphore_mem>>
      %dma_start3A_35 = arith.constant 0 : i32
      %dma_start3A_36 = tpu.memref_slice %arg2[%add3A_6, %dma_start3A_35] : memref<128x10240xf32, #tpu.memory_space<hbm>> -> memref<1x10240xf32, #tpu.memory_space<hbm>>
      %dma_start3A_37 = tpu.memref_squeeze %dma_start3A_36 : memref<1x10240xf32, #tpu.memory_space<hbm>> -> memref<10240xf32, #tpu.memory_space<hbm>>
      %dma_start3A_38 = arith.constant 0 : i32
      %dma_start3A_39 = tpu.memref_slice %arg2[%add3A_6, %dma_start3A_38] : memref<128x10240xf32, #tpu.memory_space<hbm>> -> memref<1x10240xf32, #tpu.memory_space<hbm>>
      %dma_start3A_40 = tpu.memref_squeeze %dma_start3A_39 : memref<1x10240xf32, #tpu.memory_space<hbm>> -> memref<10240xf32, #tpu.memory_space<hbm>>
      tpu.enqueue_dma source(%dma_start3A_40 : memref<10240xf32, #tpu.memory_space<hbm>>) target(%arg7 : memref<10240xf32, #tpu.memory_space<vmem>>) target_semaphore(%run_scoped3A : memref<!tpu.dma_semaphore, #tpu.memory_space<semaphore_mem>>)
      %dma_wait3A = arith.constant 0 : i32
      %dma_wait3A_41 = tpu.memref_slice %arg2[%add3A_6, %dma_wait3A] : memref<128x10240xf32, #tpu.memory_space<hbm>> -> memref<1x10240xf32, #tpu.memory_space<hbm>>
      %dma_wait3A_42 = tpu.memref_squeeze %dma_wait3A_41 : memref<1x10240xf32, #tpu.memory_space<hbm>> -> memref<10240xf32, #tpu.memory_space<hbm>>
      %dma_wait3A_43 = arith.constant 0 : i32
      %dma_wait3A_44 = tpu.memref_slice %arg2[%add3A_6, %dma_wait3A_43] : memref<128x10240xf32, #tpu.memory_space<hbm>> -> memref<1x10240xf32, #tpu.memory_space<hbm>>
      %dma_wait3A_45 = tpu.memref_squeeze %dma_wait3A_44 : memref<1x10240xf32, #tpu.memory_space<hbm>> -> memref<10240xf32, #tpu.memory_space<hbm>>
      tpu.wait_dma2 semaphore(%run_scoped3A : memref<!tpu.dma_semaphore, #tpu.memory_space<semaphore_mem>>) src(%dma_wait3A_45 : memref<10240xf32, #tpu.memory_space<hbm>>) dst(%arg7 : memref<10240xf32, #tpu.memory_space<vmem>>)
      tpu.yield
    }) : () -> ()
    %add3A_7 = arith.constant 2 : i32
    %add3A_8 = arith.addi %mul3A_2, %add3A_7 : i32
    "tpu.region"() ({
      %run_scoped3A = tpu.sem_alloc : memref<!tpu.dma_semaphore, #tpu.memory_space<semaphore_mem>>
      %dma_start3A_35 = arith.constant 0 : i32
      %dma_start3A_36 = tpu.memref_slice %arg2[%add3A_8, %dma_start3A_35] : memref<128x10240xf32, #tpu.memory_space<hbm>> -> memref<1x10240xf32, #tpu.memory_space<hbm>>
      %dma_start3A_37 = tpu.memref_squeeze %dma_start3A_36 : memref<1x10240xf32, #tpu.memory_space<hbm>> -> memref<10240xf32, #tpu.memory_space<hbm>>
      %dma_start3A_38 = arith.constant 0 : i32
      %dma_start3A_39 = tpu.memref_slice %arg2[%add3A_8, %dma_start3A_38] : memref<128x10240xf32, #tpu.memory_space<hbm>> -> memref<1x10240xf32, #tpu.memory_space<hbm>>
      %dma_start3A_40 = tpu.memref_squeeze %dma_start3A_39 : memref<1x10240xf32, #tpu.memory_space<hbm>> -> memref<10240xf32, #tpu.memory_space<hbm>>
      tpu.enqueue_dma source(%dma_start3A_40 : memref<10240xf32, #tpu.memory_space<hbm>>) target(%arg8 : memref<10240xf32, #tpu.memory_space<vmem>>) target_semaphore(%run_scoped3A : memref<!tpu.dma_semaphore, #tpu.memory_space<semaphore_mem>>)
      %dma_wait3A = arith.constant 0 : i32
      %dma_wait3A_41 = tpu.memref_slice %arg2[%add3A_8, %dma_wait3A] : memref<128x10240xf32, #tpu.memory_space<hbm>> -> memref<1x10240xf32, #tpu.memory_space<hbm>>
      %dma_wait3A_42 = tpu.memref_squeeze %dma_wait3A_41 : memref<1x10240xf32, #tpu.memory_space<hbm>> -> memref<10240xf32, #tpu.memory_space<hbm>>
      %dma_wait3A_43 = arith.constant 0 : i32
      %dma_wait3A_44 = tpu.memref_slice %arg2[%add3A_8, %dma_wait3A_43] : memref<128x10240xf32, #tpu.memory_space<hbm>> -> memref<1x10240xf32, #tpu.memory_space<hbm>>
      %dma_wait3A_45 = tpu.memref_squeeze %dma_wait3A_44 : memref<1x10240xf32, #tpu.memory_space<hbm>> -> memref<10240xf32, #tpu.memory_space<hbm>>
      tpu.wait_dma2 semaphore(%run_scoped3A : memref<!tpu.dma_semaphore, #tpu.memory_space<semaphore_mem>>) src(%dma_wait3A_45 : memref<10240xf32, #tpu.memory_space<hbm>>) dst(%arg8 : memref<10240xf32, #tpu.memory_space<vmem>>)
      tpu.yield
    }) : () -> ()
    %add3A_9 = arith.constant 3 : i32
    %add3A_10 = arith.addi %mul3A_2, %add3A_9 : i32
    "tpu.region"() ({
      %run_scoped3A = tpu.sem_alloc : memref<!tpu.dma_semaphore, #tpu.memory_space<semaphore_mem>>
      %dma_start3A_35 = arith.constant 0 : i32
      %dma_start3A_36 = tpu.memref_slice %arg2[%add3A_10, %dma_start3A_35] : memref<128x10240xf32, #tpu.memory_space<hbm>> -> memref<1x10240xf32, #tpu.memory_space<hbm>>
      %dma_start3A_37 = tpu.memref_squeeze %dma_start3A_36 : memref<1x10240xf32, #tpu.memory_space<hbm>> -> memref<10240xf32, #tpu.memory_space<hbm>>
      %dma_start3A_38 = arith.constant 0 : i32
      %dma_start3A_39 = tpu.memref_slice %arg2[%add3A_10, %dma_start3A_38] : memref<128x10240xf32, #tpu.memory_space<hbm>> -> memref<1x10240xf32, #tpu.memory_space<hbm>>
      %dma_start3A_40 = tpu.memref_squeeze %dma_start3A_39 : memref<1x10240xf32, #tpu.memory_space<hbm>> -> memref<10240xf32, #tpu.memory_space<hbm>>
      tpu.enqueue_dma source(%dma_start3A_40 : memref<10240xf32, #tpu.memory_space<hbm>>) target(%arg9 : memref<10240xf32, #tpu.memory_space<vmem>>) target_semaphore(%run_scoped3A : memref<!tpu.dma_semaphore, #tpu.memory_space<semaphore_mem>>)
      %dma_wait3A = arith.constant 0 : i32
      %dma_wait3A_41 = tpu.memref_slice %arg2[%add3A_10, %dma_wait3A] : memref<128x10240xf32, #tpu.memory_space<hbm>> -> memref<1x10240xf32, #tpu.memory_space<hbm>>
      %dma_wait3A_42 = tpu.memref_squeeze %dma_wait3A_41 : memref<1x10240xf32, #tpu.memory_space<hbm>> -> memref<10240xf32, #tpu.memory_space<hbm>>
      %dma_wait3A_43 = arith.constant 0 : i32
      %dma_wait3A_44 = tpu.memref_slice %arg2[%add3A_10, %dma_wait3A_43] : memref<128x10240xf32, #tpu.memory_space<hbm>> -> memref<1x10240xf32, #tpu.memory_space<hbm>>
      %dma_wait3A_45 = tpu.memref_squeeze %dma_wait3A_44 : memref<1x10240xf32, #tpu.memory_space<hbm>> -> memref<10240xf32, #tpu.memory_space<hbm>>
      tpu.wait_dma2 semaphore(%run_scoped3A : memref<!tpu.dma_semaphore, #tpu.memory_space<semaphore_mem>>) src(%dma_wait3A_45 : memref<10240xf32, #tpu.memory_space<hbm>>) dst(%arg9 : memref<10240xf32, #tpu.memory_space<vmem>>)
      tpu.yield
    }) : () -> ()
    %scan3A = arith.constant 0 : i32
    %scan3A_11 = arith.constant 640 : i32
    %scan3A_12 = arith.addi %scan3A, %scan3A_11 : i32
    %scan3A_13 = arith.constant 1 : i32
    scf.for %scan3A_35 = %scan3A to %scan3A_12 step %scan3A_13  : i32 {
      %mul3A_36 = arith.constant 16 : i32
      %mul3A_37 = arith.muli %scan3A_35, %mul3A_36 : i32
      %add3A_38 = arith.constant 0 : i32
      %add3A_39 = arith.addi %add3A_38, %mul3A_37 : i32
      %broadcast_in_dim3A = arith.constant 0.000000e+00 : f32
      %broadcast_in_dim3A_40 = vector.broadcast %broadcast_in_dim3A : f32 to vector<16xf32>
      %swap3A = arith.index_cast %add3A_39 : i32 to index
      %swap3A_41 = tpu.vector_load %arg10[%swap3A] {strides = array<i32>} : memref<10240xf32, #tpu.memory_space<vmem>>, vector<16xf32>,
      tpu.vector_store %arg10[%swap3A], %broadcast_in_dim3A_40 {strides = array<i32>} : memref<10240xf32, #tpu.memory_space<vmem>>, vector<16xf32>,
      %swap3A_42 = arith.index_cast %add3A_39 : i32 to index
      %swap3A_43 = tpu.vector_load %arg11[%swap3A_42] {strides = array<i32>} : memref<10240xf32, #tpu.memory_space<vmem>>, vector<16xf32>,
      tpu.vector_store %arg11[%swap3A_42], %broadcast_in_dim3A_40 {strides = array<i32>} : memref<10240xf32, #tpu.memory_space<vmem>>, vector<16xf32>,
      %swap3A_44 = arith.index_cast %add3A_39 : i32 to index
      %swap3A_45 = tpu.vector_load %arg12[%swap3A_44] {strides = array<i32>} : memref<10240xf32, #tpu.memory_space<vmem>>, vector<16xf32>,
      tpu.vector_store %arg12[%swap3A_44], %broadcast_in_dim3A_40 {strides = array<i32>} : memref<10240xf32, #tpu.memory_space<vmem>>, vector<16xf32>,
      %swap3A_46 = arith.index_cast %add3A_39 : i32 to index
      %swap3A_47 = tpu.vector_load %arg13[%swap3A_46] {strides = array<i32>} : memref<10240xf32, #tpu.memory_space<vmem>>, vector<16xf32>,
      tpu.vector_store %arg13[%swap3A_46], %broadcast_in_dim3A_40 {strides = array<i32>} : memref<10240xf32, #tpu.memory_space<vmem>>, vector<16xf32>,
    }
    %scan3A_14 = arith.constant 640 : i32
    %dma_start3A = arith.constant 0 : i32
    %dma_start3A_15 = tpu.memref_slice %arg3[%dma_start3A] : memref<320000xi32, #tpu.memory_space<hbm>> -> memref<4000xi32, #tpu.memory_space<hbm>>
    %dma_start3A_16 = arith.constant 0 : i32
    %dma_start3A_17 = tpu.memref_slice %arg3[%dma_start3A_16] : memref<320000xi32, #tpu.memory_space<hbm>> -> memref<4000xi32, #tpu.memory_space<hbm>>
    tpu.enqueue_dma source(%dma_start3A_17 : memref<4000xi32, #tpu.memory_space<hbm>>) target(%arg14 : memref<4000xi32, #tpu.memory_space<vmem>>) target_semaphore(%arg18 : memref<!tpu.dma_semaphore, #tpu.memory_space<semaphore_mem>>)
    %dma_start3A_18 = arith.constant 0 : i32
    %dma_start3A_19 = tpu.memref_slice %arg4[%dma_start3A_18] : memref<320000xf32, #tpu.memory_space<hbm>> -> memref<4000xf32, #tpu.memory_space<hbm>>
    %dma_start3A_20 = arith.constant 0 : i32
    %dma_start3A_21 = tpu.memref_slice %arg4[%dma_start3A_20] : memref<320000xf32, #tpu.memory_space<hbm>> -> memref<4000xf32, #tpu.memory_space<hbm>>
    tpu.enqueue_dma source(%dma_start3A_21 : memref<4000xf32, #tpu.memory_space<hbm>>) target(%arg16 : memref<4000xf32, #tpu.memory_space<vmem>>) target_semaphore(%arg20 : memref<!tpu.dma_semaphore, #tpu.memory_space<semaphore_mem>>)
    %scan3A_22 = arith.constant 0 : i32
    %scan3A_23 = arith.constant 40 : i32
    %scan3A_24 = arith.addi %scan3A_22, %scan3A_23 : i32
    %scan3A_25 = arith.constant 1 : i32
    scf.for %scan3A_35 = %scan3A_22 to %scan3A_24 step %scan3A_25  : i32 {
      %mul3A_36 = arith.constant 1 : i32
      %mul3A_37 = arith.muli %scan3A_35, %mul3A_36 : i32
      %add3A_38 = arith.constant 0 : i32
      %add3A_39 = arith.addi %add3A_38, %mul3A_37 : i32
      %mul3A_40 = arith.constant 2 : i32
      %mul3A_41 = arith.muli %mul3A_40, %add3A_39 : i32
      %add3A_42 = arith.constant 1 : i32
      %add3A_43 = arith.addi %mul3A_41, %add3A_42 : i32
      %mul3A_44 = arith.constant 4000 : i32
      %mul3A_45 = arith.muli %add3A_43, %mul3A_44 : i32
      %dma_start3A_46 = tpu.memref_slice %arg3[%mul3A_45] : memref<320000xi32, #tpu.memory_space<hbm>> -> memref<4000xi32, #tpu.memory_space<hbm>>
      %dma_start3A_47 = tpu.memref_slice %arg3[%mul3A_45] : memref<320000xi32, #tpu.memory_space<hbm>> -> memref<4000xi32, #tpu.memory_space<hbm>>
      tpu.enqueue_dma source(%dma_start3A_47 : memref<4000xi32, #tpu.memory_space<hbm>>) target(%arg15 : memref<4000xi32, #tpu.memory_space<vmem>>) target_semaphore(%arg19 : memref<!tpu.dma_semaphore, #tpu.memory_space<semaphore_mem>>)
      %mul3A_48 = arith.constant 4000 : i32
      %mul3A_49 = arith.muli %add3A_43, %mul3A_48 : i32
      %dma_start3A_50 = tpu.memref_slice %arg4[%mul3A_49] : memref<320000xf32, #tpu.memory_space<hbm>> -> memref<4000xf32, #tpu.memory_space<hbm>>
      %dma_start3A_51 = tpu.memref_slice %arg4[%mul3A_49] : memref<320000xf32, #tpu.memory_space<hbm>> -> memref<4000xf32, #tpu.memory_space<hbm>>
      tpu.enqueue_dma source(%dma_start3A_51 : memref<4000xf32, #tpu.memory_space<hbm>>) target(%arg17 : memref<4000xf32, #tpu.memory_space<vmem>>) target_semaphore(%arg21 : memref<!tpu.dma_semaphore, #tpu.memory_space<semaphore_mem>>)
      %dma_wait3A = arith.constant 0 : i32
      %dma_wait3A_52 = tpu.memref_slice %arg3[%dma_wait3A] : memref<320000xi32, #tpu.memory_space<hbm>> -> memref<4000xi32, #tpu.memory_space<hbm>>
      %dma_wait3A_53 = arith.constant 0 : i32
      %dma_wait3A_54 = tpu.memref_slice %arg3[%dma_wait3A_53] : memref<320000xi32, #tpu.memory_space<hbm>> -> memref<4000xi32, #tpu.memory_space<hbm>>
      tpu.wait_dma2 semaphore(%arg18 : memref<!tpu.dma_semaphore, #tpu.memory_space<semaphore_mem>>) src(%dma_wait3A_54 : memref<4000xi32, #tpu.memory_space<hbm>>) dst(%arg14 : memref<4000xi32, #tpu.memory_space<vmem>>)
      %dma_wait3A_55 = arith.constant 0 : i32
      %dma_wait3A_56 = tpu.memref_slice %arg4[%dma_wait3A_55] : memref<320000xf32, #tpu.memory_space<hbm>> -> memref<4000xf32, #tpu.memory_space<hbm>>
      %dma_wait3A_57 = arith.constant 0 : i32
      %dma_wait3A_58 = tpu.memref_slice %arg4[%dma_wait3A_57] : memref<320000xf32, #tpu.memory_space<hbm>> -> memref<4000xf32, #tpu.memory_space<hbm>>
      tpu.wait_dma2 semaphore(%arg20 : memref<!tpu.dma_semaphore, #tpu.memory_space<semaphore_mem>>) src(%dma_wait3A_58 : memref<4000xf32, #tpu.memory_space<hbm>>) dst(%arg16 : memref<4000xf32, #tpu.memory_space<vmem>>)
      %scan3A_59 = arith.constant 0 : i32
      %scan3A_60 = arith.constant 250 : i32
      %scan3A_61 = arith.addi %scan3A_59, %scan3A_60 : i32
      %scan3A_62 = arith.constant 1 : i32
      scf.for %scan3A_79 = %scan3A_59 to %scan3A_61 step %scan3A_62  : i32 {
        %mul3A_80 = arith.constant 16 : i32
        %mul3A_81 = arith.muli %scan3A_79, %mul3A_80 : i32
        %add3A_82 = arith.constant 0 : i32
        %add3A_83 = arith.addi %add3A_82, %mul3A_81 : i32
        %get3A = arith.index_cast %add3A_83 : i32 to index
        %get3A_84 = tpu.vector_load %arg14[%get3A] {strides = array<i32>} : memref<4000xi32, #tpu.memory_space<vmem>>, vector<16xi32>,
        %and3A = arith.constant 65535 : i32
        %and3A_85 = vector.broadcast %and3A : i32 to vector<16xi32>
        %and3A_86 = arith.andi %get3A_84, %and3A_85 : vector<16xi32>
        %shift_right_logical3A = arith.constant 16 : i32
        %shift_right_logical3A_87 = vector.broadcast %shift_right_logical3A : i32 to vector<16xi32>
        %shift_right_logical3A_88 = arith.shrui %get3A_84, %shift_right_logical3A_87 : vector<16xi32>
        %get3A_89 = arith.index_cast %add3A_83 : i32 to index
        %get3A_90 = tpu.vector_load %arg16[%get3A_89] {strides = array<i32>} : memref<4000xf32, #tpu.memory_space<vmem>>, vector<16xf32>,
        %gather3A = tpu.vector_load_idx %arg6[%and3A_86] : memref<10240xf32, #tpu.memory_space<vmem>>[vector<16xi32>], vector<16xf32>,
        %mul3A_91 = arith.mulf %gather3A, %get3A_90 : vector<16xf32>
        tpu.vector_store_idx %arg10[%shift_right_logical3A_88], %mul3A_91 {add = true} : memref<10240xf32, #tpu.memory_space<vmem>>[vector<16xi32>], vector<16xf32>,
        %gather3A_92 = tpu.vector_load_idx %arg7[%and3A_86] : memref<10240xf32, #tpu.memory_space<vmem>>[vector<16xi32>], vector<16xf32>,
        %mul3A_93 = arith.mulf %gather3A_92, %get3A_90 : vector<16xf32>
        tpu.vector_store_idx %arg11[%shift_right_logical3A_88], %mul3A_93 {add = true} : memref<10240xf32, #tpu.memory_space<vmem>>[vector<16xi32>], vector<16xf32>,
        %gather3A_94 = tpu.vector_load_idx %arg8[%and3A_86] : memref<10240xf32, #tpu.memory_space<vmem>>[vector<16xi32>], vector<16xf32>,
        %mul3A_95 = arith.mulf %gather3A_94, %get3A_90 : vector<16xf32>
        tpu.vector_store_idx %arg12[%shift_right_logical3A_88], %mul3A_95 {add = true} : memref<10240xf32, #tpu.memory_space<vmem>>[vector<16xi32>], vector<16xf32>,
        %gather3A_96 = tpu.vector_load_idx %arg9[%and3A_86] : memref<10240xf32, #tpu.memory_space<vmem>>[vector<16xi32>], vector<16xf32>,
        %mul3A_97 = arith.mulf %gather3A_96, %get3A_90 : vector<16xf32>
        tpu.vector_store_idx %arg13[%shift_right_logical3A_88], %mul3A_97 {add = true} : memref<10240xf32, #tpu.memory_space<vmem>>[vector<16xi32>], vector<16xf32>,
      }
      %scan3A_63 = arith.constant 250 : i32
      %lt3A = arith.constant 39 : i32
      %lt3A_64 = arith.cmpi slt, %add3A_39, %lt3A : i32
      %convert_element_type3A = arith.extui %lt3A_64 : i1 to i32
      %cond3A = arith.constant 0 : i32
      %cond3A_65 = arith.cmpi ne, %convert_element_type3A, %cond3A : i32
      scf.if %cond3A_65 {
        %mul3A_79 = arith.constant 2 : i32
        %mul3A_80 = arith.muli %mul3A_79, %add3A_39 : i32
        %add3A_81 = arith.constant 2 : i32
        %add3A_82 = arith.addi %mul3A_80, %add3A_81 : i32
        %mul3A_83 = arith.constant 4000 : i32
        %mul3A_84 = arith.muli %add3A_82, %mul3A_83 : i32
        %dma_start3A_85 = tpu.memref_slice %arg3[%mul3A_84] : memref<320000xi32, #tpu.memory_space<hbm>> -> memref<4000xi32, #tpu.memory_space<hbm>>
        %dma_start3A_86 = tpu.memref_slice %arg3[%mul3A_84] : memref<320000xi32, #tpu.memory_space<hbm>> -> memref<4000xi32, #tpu.memory_space<hbm>>
        tpu.enqueue_dma source(%dma_start3A_86 : memref<4000xi32, #tpu.memory_space<hbm>>) target(%arg14 : memref<4000xi32, #tpu.memory_space<vmem>>) target_semaphore(%arg18 : memref<!tpu.dma_semaphore, #tpu.memory_space<semaphore_mem>>)
        %mul3A_87 = arith.constant 4000 : i32
        %mul3A_88 = arith.muli %add3A_82, %mul3A_87 : i32
        %dma_start3A_89 = tpu.memref_slice %arg4[%mul3A_88] : memref<320000xf32, #tpu.memory_space<hbm>> -> memref<4000xf32, #tpu.memory_space<hbm>>
        %dma_start3A_90 = tpu.memref_slice %arg4[%mul3A_88] : memref<320000xf32, #tpu.memory_space<hbm>> -> memref<4000xf32, #tpu.memory_space<hbm>>
        tpu.enqueue_dma source(%dma_start3A_90 : memref<4000xf32, #tpu.memory_space<hbm>>) target(%arg16 : memref<4000xf32, #tpu.memory_space<vmem>>) target_semaphore(%arg20 : memref<!tpu.dma_semaphore, #tpu.memory_space<semaphore_mem>>)
      } else {
      }
      %dma_wait3A_66 = arith.constant 0 : i32
      %dma_wait3A_67 = tpu.memref_slice %arg3[%dma_wait3A_66] : memref<320000xi32, #tpu.memory_space<hbm>> -> memref<4000xi32, #tpu.memory_space<hbm>>
      %dma_wait3A_68 = arith.constant 0 : i32
      %dma_wait3A_69 = tpu.memref_slice %arg3[%dma_wait3A_68] : memref<320000xi32, #tpu.memory_space<hbm>> -> memref<4000xi32, #tpu.memory_space<hbm>>
      tpu.wait_dma2 semaphore(%arg19 : memref<!tpu.dma_semaphore, #tpu.memory_space<semaphore_mem>>) src(%dma_wait3A_69 : memref<4000xi32, #tpu.memory_space<hbm>>) dst(%arg15 : memref<4000xi32, #tpu.memory_space<vmem>>)
      %dma_wait3A_70 = arith.constant 0 : i32
      %dma_wait3A_71 = tpu.memref_slice %arg4[%dma_wait3A_70] : memref<320000xf32, #tpu.memory_space<hbm>> -> memref<4000xf32, #tpu.memory_space<hbm>>
      %dma_wait3A_72 = arith.constant 0 : i32
      %dma_wait3A_73 = tpu.memref_slice %arg4[%dma_wait3A_72] : memref<320000xf32, #tpu.memory_space<hbm>> -> memref<4000xf32, #tpu.memory_space<hbm>>
      tpu.wait_dma2 semaphore(%arg21 : memref<!tpu.dma_semaphore, #tpu.memory_space<semaphore_mem>>) src(%dma_wait3A_73 : memref<4000xf32, #tpu.memory_space<hbm>>) dst(%arg17 : memref<4000xf32, #tpu.memory_space<vmem>>)
      %scan3A_74 = arith.constant 0 : i32
      %scan3A_75 = arith.constant 250 : i32
      %scan3A_76 = arith.addi %scan3A_74, %scan3A_75 : i32
      %scan3A_77 = arith.constant 1 : i32
      scf.for %scan3A_79 = %scan3A_74 to %scan3A_76 step %scan3A_77  : i32 {
        %mul3A_80 = arith.constant 16 : i32
        %mul3A_81 = arith.muli %scan3A_79, %mul3A_80 : i32
        %add3A_82 = arith.constant 0 : i32
        %add3A_83 = arith.addi %add3A_82, %mul3A_81 : i32
        %get3A = arith.index_cast %add3A_83 : i32 to index
        %get3A_84 = tpu.vector_load %arg15[%get3A] {strides = array<i32>} : memref<4000xi32, #tpu.memory_space<vmem>>, vector<16xi32>,
        %and3A = arith.constant 65535 : i32
        %and3A_85 = vector.broadcast %and3A : i32 to vector<16xi32>
        %and3A_86 = arith.andi %get3A_84, %and3A_85 : vector<16xi32>
        %shift_right_logical3A = arith.constant 16 : i32
        %shift_right_logical3A_87 = vector.broadcast %shift_right_logical3A : i32 to vector<16xi32>
        %shift_right_logical3A_88 = arith.shrui %get3A_84, %shift_right_logical3A_87 : vector<16xi32>
        %get3A_89 = arith.index_cast %add3A_83 : i32 to index
        %get3A_90 = tpu.vector_load %arg17[%get3A_89] {strides = array<i32>} : memref<4000xf32, #tpu.memory_space<vmem>>, vector<16xf32>,
        %gather3A = tpu.vector_load_idx %arg6[%and3A_86] : memref<10240xf32, #tpu.memory_space<vmem>>[vector<16xi32>], vector<16xf32>,
        %mul3A_91 = arith.mulf %gather3A, %get3A_90 : vector<16xf32>
        tpu.vector_store_idx %arg10[%shift_right_logical3A_88], %mul3A_91 {add = true} : memref<10240xf32, #tpu.memory_space<vmem>>[vector<16xi32>], vector<16xf32>,
        %gather3A_92 = tpu.vector_load_idx %arg7[%and3A_86] : memref<10240xf32, #tpu.memory_space<vmem>>[vector<16xi32>], vector<16xf32>,
        %mul3A_93 = arith.mulf %gather3A_92, %get3A_90 : vector<16xf32>
        tpu.vector_store_idx %arg11[%shift_right_logical3A_88], %mul3A_93 {add = true} : memref<10240xf32, #tpu.memory_space<vmem>>[vector<16xi32>], vector<16xf32>,
        %gather3A_94 = tpu.vector_load_idx %arg8[%and3A_86] : memref<10240xf32, #tpu.memory_space<vmem>>[vector<16xi32>], vector<16xf32>,
        %mul3A_95 = arith.mulf %gather3A_94, %get3A_90 : vector<16xf32>
        tpu.vector_store_idx %arg12[%shift_right_logical3A_88], %mul3A_95 {add = true} : memref<10240xf32, #tpu.memory_space<vmem>>[vector<16xi32>], vector<16xf32>,
        %gather3A_96 = tpu.vector_load_idx %arg9[%and3A_86] : memref<10240xf32, #tpu.memory_space<vmem>>[vector<16xi32>], vector<16xf32>,
        %mul3A_97 = arith.mulf %gather3A_96, %get3A_90 : vector<16xf32>
        tpu.vector_store_idx %arg13[%shift_right_logical3A_88], %mul3A_97 {add = true} : memref<10240xf32, #tpu.memory_space<vmem>>[vector<16xi32>], vector<16xf32>,
      }
      %scan3A_78 = arith.constant 250 : i32
    }
    %scan3A_26 = arith.constant 40 : i32
    %add3A_27 = arith.constant 0 : i32
    %add3A_28 = arith.addi %mul3A_2, %add3A_27 : i32
    "tpu.region"() ({
      %run_scoped3A = tpu.sem_alloc : memref<!tpu.dma_semaphore, #tpu.memory_space<semaphore_mem>>
      %dma_start3A_35 = arith.constant 0 : i32
      %dma_start3A_36 = tpu.memref_slice %arg5[%add3A_28, %dma_start3A_35] : memref<128x10240xf32, #tpu.memory_space<hbm>> -> memref<1x10240xf32, #tpu.memory_space<hbm>>
      %dma_start3A_37 = tpu.memref_squeeze %dma_start3A_36 : memref<1x10240xf32, #tpu.memory_space<hbm>> -> memref<10240xf32, #tpu.memory_space<hbm>>
      %dma_start3A_38 = arith.constant 0 : i32
      %dma_start3A_39 = tpu.memref_slice %arg5[%add3A_28, %dma_start3A_38] : memref<128x10240xf32, #tpu.memory_space<hbm>> -> memref<1x10240xf32, #tpu.memory_space<hbm>>
      %dma_start3A_40 = tpu.memref_squeeze %dma_start3A_39 : memref<1x10240xf32, #tpu.memory_space<hbm>> -> memref<10240xf32, #tpu.memory_space<hbm>>
      tpu.enqueue_dma source(%arg10 : memref<10240xf32, #tpu.memory_space<vmem>>) target(%dma_start3A_40 : memref<10240xf32, #tpu.memory_space<hbm>>) target_semaphore(%run_scoped3A : memref<!tpu.dma_semaphore, #tpu.memory_space<semaphore_mem>>)
      %dma_wait3A = arith.constant 0 : i32
      %dma_wait3A_41 = tpu.memref_slice %arg5[%add3A_28, %dma_wait3A] : memref<128x10240xf32, #tpu.memory_space<hbm>> -> memref<1x10240xf32, #tpu.memory_space<hbm>>
      %dma_wait3A_42 = tpu.memref_squeeze %dma_wait3A_41 : memref<1x10240xf32, #tpu.memory_space<hbm>> -> memref<10240xf32, #tpu.memory_space<hbm>>
      %dma_wait3A_43 = arith.constant 0 : i32
      %dma_wait3A_44 = tpu.memref_slice %arg5[%add3A_28, %dma_wait3A_43] : memref<128x10240xf32, #tpu.memory_space<hbm>> -> memref<1x10240xf32, #tpu.memory_space<hbm>>
      %dma_wait3A_45 = tpu.memref_squeeze %dma_wait3A_44 : memref<1x10240xf32, #tpu.memory_space<hbm>> -> memref<10240xf32, #tpu.memory_space<hbm>>
      tpu.wait_dma2 semaphore(%run_scoped3A : memref<!tpu.dma_semaphore, #tpu.memory_space<semaphore_mem>>) src(%arg10 : memref<10240xf32, #tpu.memory_space<vmem>>) dst(%dma_wait3A_45 : memref<10240xf32, #tpu.memory_space<hbm>>)
      tpu.yield
    }) : () -> ()
    %add3A_29 = arith.constant 1 : i32
    %add3A_30 = arith.addi %mul3A_2, %add3A_29 : i32
    "tpu.region"() ({
      %run_scoped3A = tpu.sem_alloc : memref<!tpu.dma_semaphore, #tpu.memory_space<semaphore_mem>>
      %dma_start3A_35 = arith.constant 0 : i32
      %dma_start3A_36 = tpu.memref_slice %arg5[%add3A_30, %dma_start3A_35] : memref<128x10240xf32, #tpu.memory_space<hbm>> -> memref<1x10240xf32, #tpu.memory_space<hbm>>
      %dma_start3A_37 = tpu.memref_squeeze %dma_start3A_36 : memref<1x10240xf32, #tpu.memory_space<hbm>> -> memref<10240xf32, #tpu.memory_space<hbm>>
      %dma_start3A_38 = arith.constant 0 : i32
      %dma_start3A_39 = tpu.memref_slice %arg5[%add3A_30, %dma_start3A_38] : memref<128x10240xf32, #tpu.memory_space<hbm>> -> memref<1x10240xf32, #tpu.memory_space<hbm>>
      %dma_start3A_40 = tpu.memref_squeeze %dma_start3A_39 : memref<1x10240xf32, #tpu.memory_space<hbm>> -> memref<10240xf32, #tpu.memory_space<hbm>>
      tpu.enqueue_dma source(%arg11 : memref<10240xf32, #tpu.memory_space<vmem>>) target(%dma_start3A_40 : memref<10240xf32, #tpu.memory_space<hbm>>) target_semaphore(%run_scoped3A : memref<!tpu.dma_semaphore, #tpu.memory_space<semaphore_mem>>)
      %dma_wait3A = arith.constant 0 : i32
      %dma_wait3A_41 = tpu.memref_slice %arg5[%add3A_30, %dma_wait3A] : memref<128x10240xf32, #tpu.memory_space<hbm>> -> memref<1x10240xf32, #tpu.memory_space<hbm>>
      %dma_wait3A_42 = tpu.memref_squeeze %dma_wait3A_41 : memref<1x10240xf32, #tpu.memory_space<hbm>> -> memref<10240xf32, #tpu.memory_space<hbm>>
      %dma_wait3A_43 = arith.constant 0 : i32
      %dma_wait3A_44 = tpu.memref_slice %arg5[%add3A_30, %dma_wait3A_43] : memref<128x10240xf32, #tpu.memory_space<hbm>> -> memref<1x10240xf32, #tpu.memory_space<hbm>>
      %dma_wait3A_45 = tpu.memref_squeeze %dma_wait3A_44 : memref<1x10240xf32, #tpu.memory_space<hbm>> -> memref<10240xf32, #tpu.memory_space<hbm>>
      tpu.wait_dma2 semaphore(%run_scoped3A : memref<!tpu.dma_semaphore, #tpu.memory_space<semaphore_mem>>) src(%arg11 : memref<10240xf32, #tpu.memory_space<vmem>>) dst(%dma_wait3A_45 : memref<10240xf32, #tpu.memory_space<hbm>>)
      tpu.yield
    }) : () -> ()
    %add3A_31 = arith.constant 2 : i32
    %add3A_32 = arith.addi %mul3A_2, %add3A_31 : i32
    "tpu.region"() ({
      %run_scoped3A = tpu.sem_alloc : memref<!tpu.dma_semaphore, #tpu.memory_space<semaphore_mem>>
      %dma_start3A_35 = arith.constant 0 : i32
      %dma_start3A_36 = tpu.memref_slice %arg5[%add3A_32, %dma_start3A_35] : memref<128x10240xf32, #tpu.memory_space<hbm>> -> memref<1x10240xf32, #tpu.memory_space<hbm>>
      %dma_start3A_37 = tpu.memref_squeeze %dma_start3A_36 : memref<1x10240xf32, #tpu.memory_space<hbm>> -> memref<10240xf32, #tpu.memory_space<hbm>>
      %dma_start3A_38 = arith.constant 0 : i32
      %dma_start3A_39 = tpu.memref_slice %arg5[%add3A_32, %dma_start3A_38] : memref<128x10240xf32, #tpu.memory_space<hbm>> -> memref<1x10240xf32, #tpu.memory_space<hbm>>
      %dma_start3A_40 = tpu.memref_squeeze %dma_start3A_39 : memref<1x10240xf32, #tpu.memory_space<hbm>> -> memref<10240xf32, #tpu.memory_space<hbm>>
      tpu.enqueue_dma source(%arg12 : memref<10240xf32, #tpu.memory_space<vmem>>) target(%dma_start3A_40 : memref<10240xf32, #tpu.memory_space<hbm>>) target_semaphore(%run_scoped3A : memref<!tpu.dma_semaphore, #tpu.memory_space<semaphore_mem>>)
      %dma_wait3A = arith.constant 0 : i32
      %dma_wait3A_41 = tpu.memref_slice %arg5[%add3A_32, %dma_wait3A] : memref<128x10240xf32, #tpu.memory_space<hbm>> -> memref<1x10240xf32, #tpu.memory_space<hbm>>
      %dma_wait3A_42 = tpu.memref_squeeze %dma_wait3A_41 : memref<1x10240xf32, #tpu.memory_space<hbm>> -> memref<10240xf32, #tpu.memory_space<hbm>>
      %dma_wait3A_43 = arith.constant 0 : i32
      %dma_wait3A_44 = tpu.memref_slice %arg5[%add3A_32, %dma_wait3A_43] : memref<128x10240xf32, #tpu.memory_space<hbm>> -> memref<1x10240xf32, #tpu.memory_space<hbm>>
      %dma_wait3A_45 = tpu.memref_squeeze %dma_wait3A_44 : memref<1x10240xf32, #tpu.memory_space<hbm>> -> memref<10240xf32, #tpu.memory_space<hbm>>
      tpu.wait_dma2 semaphore(%run_scoped3A : memref<!tpu.dma_semaphore, #tpu.memory_space<semaphore_mem>>) src(%arg12 : memref<10240xf32, #tpu.memory_space<vmem>>) dst(%dma_wait3A_45 : memref<10240xf32, #tpu.memory_space<hbm>>)
      tpu.yield
    }) : () -> ()
    %add3A_33 = arith.constant 3 : i32
    %add3A_34 = arith.addi %mul3A_2, %add3A_33 : i32
    "tpu.region"() ({
      %run_scoped3A = tpu.sem_alloc : memref<!tpu.dma_semaphore, #tpu.memory_space<semaphore_mem>>
      %dma_start3A_35 = arith.constant 0 : i32
      %dma_start3A_36 = tpu.memref_slice %arg5[%add3A_34, %dma_start3A_35] : memref<128x10240xf32, #tpu.memory_space<hbm>> -> memref<1x10240xf32, #tpu.memory_space<hbm>>
      %dma_start3A_37 = tpu.memref_squeeze %dma_start3A_36 : memref<1x10240xf32, #tpu.memory_space<hbm>> -> memref<10240xf32, #tpu.memory_space<hbm>>
      %dma_start3A_38 = arith.constant 0 : i32
      %dma_start3A_39 = tpu.memref_slice %arg5[%add3A_34, %dma_start3A_38] : memref<128x10240xf32, #tpu.memory_space<hbm>> -> memref<1x10240xf32, #tpu.memory_space<hbm>>
      %dma_start3A_40 = tpu.memref_squeeze %dma_start3A_39 : memref<1x10240xf32, #tpu.memory_space<hbm>> -> memref<10240xf32, #tpu.memory_space<hbm>>
      tpu.enqueue_dma source(%arg13 : memref<10240xf32, #tpu.memory_space<vmem>>) target(%dma_start3A_40 : memref<10240xf32, #tpu.memory_space<hbm>>) target_semaphore(%run_scoped3A : memref<!tpu.dma_semaphore, #tpu.memory_space<semaphore_mem>>)
      %dma_wait3A = arith.constant 0 : i32
      %dma_wait3A_41 = tpu.memref_slice %arg5[%add3A_34, %dma_wait3A] : memref<128x10240xf32, #tpu.memory_space<hbm>> -> memref<1x10240xf32, #tpu.memory_space<hbm>>
      %dma_wait3A_42 = tpu.memref_squeeze %dma_wait3A_41 : memref<1x10240xf32, #tpu.memory_space<hbm>> -> memref<10240xf32, #tpu.memory_space<hbm>>
      %dma_wait3A_43 = arith.constant 0 : i32
      %dma_wait3A_44 = tpu.memref_slice %arg5[%add3A_34, %dma_wait3A_43] : memref<128x10240xf32, #tpu.memory_space<hbm>> -> memref<1x10240xf32, #tpu.memory_space<hbm>>
      %dma_wait3A_45 = tpu.memref_squeeze %dma_wait3A_44 : memref<1x10240xf32, #tpu.memory_space<hbm>> -> memref<10240xf32, #tpu.memory_space<hbm>>
      tpu.wait_dma2 semaphore(%run_scoped3A : memref<!tpu.dma_semaphore, #tpu.memory_space<semaphore_mem>>) src(%arg13 : memref<10240xf32, #tpu.memory_space<vmem>>) dst(%dma_wait3A_45 : memref<10240xf32, #tpu.memory_space<hbm>>)
      tpu.yield
    }) : () -> ()
    return
  }
}

#map = affine_map<(d0, d1) -> (0, 0)>
#map1 = affine_map<(d0, d1) -> (0)>
module attributes {stable_mosaic.version = 14 : i64} {
  func.func @_mv_kernel(%arg0: i32, %arg1: i32, %arg2: memref<128x10240xf32, #tpu.memory_space<hbm>>, %arg3: memref<320000xi32, #tpu.memory_space<hbm>>, %arg4: memref<320000xf32, #tpu.memory_space<hbm>>, %arg5: memref<128x10240xf32, #tpu.memory_space<hbm>>, %arg6: memref<10240xf32, #tpu.memory_space<vmem>>, %arg7: memref<10240xf32, #tpu.memory_space<vmem>>, %arg8: memref<10240xf32, #tpu.memory_space<vmem>>, %arg9: memref<10240xf32, #tpu.memory_space<vmem>>, %arg10: memref<10240xf32, #tpu.memory_space<vmem>>, %arg11: memref<10240xf32, #tpu.memory_space<vmem>>, %arg12: memref<10240xf32, #tpu.memory_space<vmem>>, %arg13: memref<10240xf32, #tpu.memory_space<vmem>>, %arg14: memref<4000xi32, #tpu.memory_space<vmem>>, %arg15: memref<4000xi32, #tpu.memory_space<vmem>>, %arg16: memref<4000xf32, #tpu.memory_space<vmem>>, %arg17: memref<4000xf32, #tpu.memory_space<vmem>>, %arg18: memref<!tpu.dma_semaphore, #tpu.memory_space<semaphore_mem>>, %arg19: memref<!tpu.dma_semaphore, #tpu.memory_space<semaphore_mem>>, %arg20: memref<!tpu.dma_semaphore, #tpu.memory_space<semaphore_mem>>, %arg21: memref<!tpu.dma_semaphore, #tpu.memory_space<semaphore_mem>>) attributes {dimension_semantics = [#tpu.dimension_semantics<core_parallel>, #tpu.dimension_semantics<subcore_parallel>], iteration_bounds = array<i64: 2, 16>, scalar_prefetch = 0 : i64, scratch_operands = 16 : i64, tpu.core_type = #tpu.core_type<sc_vector_subcore>, window_params = [{transform_indices = #map}, {transform_indices = #map1}, {transform_indices = #map1}, {transform_indices = #map}]} {
    %mul3A = arith.constant 2 : i32
    %mul3A_0 = arith.muli %arg1, %mul3A : i32
    %add3A = arith.addi %mul3A_0, %arg0 : i32
    %mul3A_1 = arith.constant 4 : i32
    %mul3A_2 = arith.muli %add3A, %mul3A_1 : i32
    %add3A_3 = arith.constant 0 : i32
    %add3A_4 = arith.addi %mul3A_2, %add3A_3 : i32
    "tpu.region"() ({
      %run_scoped3A = tpu.sem_alloc : memref<!tpu.dma_semaphore, #tpu.memory_space<semaphore_mem>>
      %dma_start3A_35 = arith.constant 0 : i32
      %dma_start3A_36 = tpu.memref_slice %arg2[%add3A_4, %dma_start3A_35] : memref<128x10240xf32, #tpu.memory_space<hbm>> -> memref<1x10240xf32, #tpu.memory_space<hbm>>
      %dma_start3A_37 = tpu.memref_squeeze %dma_start3A_36 : memref<1x10240xf32, #tpu.memory_space<hbm>> -> memref<10240xf32, #tpu.memory_space<hbm>>
      %dma_start3A_38 = arith.constant 0 : i32
      %dma_start3A_39 = tpu.memref_slice %arg2[%add3A_4, %dma_start3A_38] : memref<128x10240xf32, #tpu.memory_space<hbm>> -> memref<1x10240xf32, #tpu.memory_space<hbm>>
      %dma_start3A_40 = tpu.memref_squeeze %dma_start3A_39 : memref<1x10240xf32, #tpu.memory_space<hbm>> -> memref<10240xf32, #tpu.memory_space<hbm>>
      tpu.enqueue_dma source(%dma_start3A_40 : memref<10240xf32, #tpu.memory_space<hbm>>) target(%arg6 : memref<10240xf32, #tpu.memory_space<vmem>>) target_semaphore(%run_scoped3A : memref<!tpu.dma_semaphore, #tpu.memory_space<semaphore_mem>>)
      %dma_wait3A = arith.constant 0 : i32
      %dma_wait3A_41 = tpu.memref_slice %arg2[%add3A_4, %dma_wait3A] : memref<128x10240xf32, #tpu.memory_space<hbm>> -> memref<1x10240xf32, #tpu.memory_space<hbm>>
      %dma_wait3A_42 = tpu.memref_squeeze %dma_wait3A_41 : memref<1x10240xf32, #tpu.memory_space<hbm>> -> memref<10240xf32, #tpu.memory_space<hbm>>
      %dma_wait3A_43 = arith.constant 0 : i32
      %dma_wait3A_44 = tpu.memref_slice %arg2[%add3A_4, %dma_wait3A_43] : memref<128x10240xf32, #tpu.memory_space<hbm>> -> memref<1x10240xf32, #tpu.memory_space<hbm>>
      %dma_wait3A_45 = tpu.memref_squeeze %dma_wait3A_44 : memref<1x10240xf32, #tpu.memory_space<hbm>> -> memref<10240xf32, #tpu.memory_space<hbm>>
      tpu.wait_dma2 semaphore(%run_scoped3A : memref<!tpu.dma_semaphore, #tpu.memory_space<semaphore_mem>>) src(%dma_wait3A_45 : memref<10240xf32, #tpu.memory_space<hbm>>) dst(%arg6 : memref<10240xf32, #tpu.memory_space<vmem>>)
      tpu.yield
    }) : () -> ()
    %add3A_5 = arith.constant 1 : i32
    %add3A_6 = arith.addi %mul3A_2, %add3A_5 : i32
    "tpu.region"() ({
      %run_scoped3A = tpu.sem_alloc : memref<!tpu.dma_semaphore, #tpu.memory_space<semaphore_mem>>
      %dma_start3A_35 = arith.constant 0 : i32
      %dma_start3A_36 = tpu.memref_slice %arg2[%add3A_6, %dma_start3A_35] : memref<128x10240xf32, #tpu.memory_space<hbm>> -> memref<1x10240xf32, #tpu.memory_space<hbm>>
      %dma_start3A_37 = tpu.memref_squeeze %dma_start3A_36 : memref<1x10240xf32, #tpu.memory_space<hbm>> -> memref<10240xf32, #tpu.memory_space<hbm>>
      %dma_start3A_38 = arith.constant 0 : i32
      %dma_start3A_39 = tpu.memref_slice %arg2[%add3A_6, %dma_start3A_38] : memref<128x10240xf32, #tpu.memory_space<hbm>> -> memref<1x10240xf32, #tpu.memory_space<hbm>>
      %dma_start3A_40 = tpu.memref_squeeze %dma_start3A_39 : memref<1x10240xf32, #tpu.memory_space<hbm>> -> memref<10240xf32, #tpu.memory_space<hbm>>
      tpu.enqueue_dma source(%dma_start3A_40 : memref<10240xf32, #tpu.memory_space<hbm>>) target(%arg7 : memref<10240xf32, #tpu.memory_space<vmem>>) target_semaphore(%run_scoped3A : memref<!tpu.dma_semaphore, #tpu.memory_space<semaphore_mem>>)
      %dma_wait3A = arith.constant 0 : i32
      %dma_wait3A_41 = tpu.memref_slice %arg2[%add3A_6, %dma_wait3A] : memref<128x10240xf32, #tpu.memory_space<hbm>> -> memref<1x10240xf32, #tpu.memory_space<hbm>>
      %dma_wait3A_42 = tpu.memref_squeeze %dma_wait3A_41 : memref<1x10240xf32, #tpu.memory_space<hbm>> -> memref<10240xf32, #tpu.memory_space<hbm>>
      %dma_wait3A_43 = arith.constant 0 : i32
      %dma_wait3A_44 = tpu.memref_slice %arg2[%add3A_6, %dma_wait3A_43] : memref<128x10240xf32, #tpu.memory_space<hbm>> -> memref<1x10240xf32, #tpu.memory_space<hbm>>
      %dma_wait3A_45 = tpu.memref_squeeze %dma_wait3A_44 : memref<1x10240xf32, #tpu.memory_space<hbm>> -> memref<10240xf32, #tpu.memory_space<hbm>>
      tpu.wait_dma2 semaphore(%run_scoped3A : memref<!tpu.dma_semaphore, #tpu.memory_space<semaphore_mem>>) src(%dma_wait3A_45 : memref<10240xf32, #tpu.memory_space<hbm>>) dst(%arg7 : memref<10240xf32, #tpu.memory_space<vmem>>)
      tpu.yield
    }) : () -> ()
    %add3A_7 = arith.constant 2 : i32
    %add3A_8 = arith.addi %mul3A_2, %add3A_7 : i32
    "tpu.region"() ({
      %run_scoped3A = tpu.sem_alloc : memref<!tpu.dma_semaphore, #tpu.memory_space<semaphore_mem>>
      %dma_start3A_35 = arith.constant 0 : i32
      %dma_start3A_36 = tpu.memref_slice %arg2[%add3A_8, %dma_start3A_35] : memref<128x10240xf32, #tpu.memory_space<hbm>> -> memref<1x10240xf32, #tpu.memory_space<hbm>>
      %dma_start3A_37 = tpu.memref_squeeze %dma_start3A_36 : memref<1x10240xf32, #tpu.memory_space<hbm>> -> memref<10240xf32, #tpu.memory_space<hbm>>
      %dma_start3A_38 = arith.constant 0 : i32
      %dma_start3A_39 = tpu.memref_slice %arg2[%add3A_8, %dma_start3A_38] : memref<128x10240xf32, #tpu.memory_space<hbm>> -> memref<1x10240xf32, #tpu.memory_space<hbm>>
      %dma_start3A_40 = tpu.memref_squeeze %dma_start3A_39 : memref<1x10240xf32, #tpu.memory_space<hbm>> -> memref<10240xf32, #tpu.memory_space<hbm>>
      tpu.enqueue_dma source(%dma_start3A_40 : memref<10240xf32, #tpu.memory_space<hbm>>) target(%arg8 : memref<10240xf32, #tpu.memory_space<vmem>>) target_semaphore(%run_scoped3A : memref<!tpu.dma_semaphore, #tpu.memory_space<semaphore_mem>>)
      %dma_wait3A = arith.constant 0 : i32
      %dma_wait3A_41 = tpu.memref_slice %arg2[%add3A_8, %dma_wait3A] : memref<128x10240xf32, #tpu.memory_space<hbm>> -> memref<1x10240xf32, #tpu.memory_space<hbm>>
      %dma_wait3A_42 = tpu.memref_squeeze %dma_wait3A_41 : memref<1x10240xf32, #tpu.memory_space<hbm>> -> memref<10240xf32, #tpu.memory_space<hbm>>
      %dma_wait3A_43 = arith.constant 0 : i32
      %dma_wait3A_44 = tpu.memref_slice %arg2[%add3A_8, %dma_wait3A_43] : memref<128x10240xf32, #tpu.memory_space<hbm>> -> memref<1x10240xf32, #tpu.memory_space<hbm>>
      %dma_wait3A_45 = tpu.memref_squeeze %dma_wait3A_44 : memref<1x10240xf32, #tpu.memory_space<hbm>> -> memref<10240xf32, #tpu.memory_space<hbm>>
      tpu.wait_dma2 semaphore(%run_scoped3A : memref<!tpu.dma_semaphore, #tpu.memory_space<semaphore_mem>>) src(%dma_wait3A_45 : memref<10240xf32, #tpu.memory_space<hbm>>) dst(%arg8 : memref<10240xf32, #tpu.memory_space<vmem>>)
      tpu.yield
    }) : () -> ()
    %add3A_9 = arith.constant 3 : i32
    %add3A_10 = arith.addi %mul3A_2, %add3A_9 : i32
    "tpu.region"() ({
      %run_scoped3A = tpu.sem_alloc : memref<!tpu.dma_semaphore, #tpu.memory_space<semaphore_mem>>
      %dma_start3A_35 = arith.constant 0 : i32
      %dma_start3A_36 = tpu.memref_slice %arg2[%add3A_10, %dma_start3A_35] : memref<128x10240xf32, #tpu.memory_space<hbm>> -> memref<1x10240xf32, #tpu.memory_space<hbm>>
      %dma_start3A_37 = tpu.memref_squeeze %dma_start3A_36 : memref<1x10240xf32, #tpu.memory_space<hbm>> -> memref<10240xf32, #tpu.memory_space<hbm>>
      %dma_start3A_38 = arith.constant 0 : i32
      %dma_start3A_39 = tpu.memref_slice %arg2[%add3A_10, %dma_start3A_38] : memref<128x10240xf32, #tpu.memory_space<hbm>> -> memref<1x10240xf32, #tpu.memory_space<hbm>>
      %dma_start3A_40 = tpu.memref_squeeze %dma_start3A_39 : memref<1x10240xf32, #tpu.memory_space<hbm>> -> memref<10240xf32, #tpu.memory_space<hbm>>
      tpu.enqueue_dma source(%dma_start3A_40 : memref<10240xf32, #tpu.memory_space<hbm>>) target(%arg9 : memref<10240xf32, #tpu.memory_space<vmem>>) target_semaphore(%run_scoped3A : memref<!tpu.dma_semaphore, #tpu.memory_space<semaphore_mem>>)
      %dma_wait3A = arith.constant 0 : i32
      %dma_wait3A_41 = tpu.memref_slice %arg2[%add3A_10, %dma_wait3A] : memref<128x10240xf32, #tpu.memory_space<hbm>> -> memref<1x10240xf32, #tpu.memory_space<hbm>>
      %dma_wait3A_42 = tpu.memref_squeeze %dma_wait3A_41 : memref<1x10240xf32, #tpu.memory_space<hbm>> -> memref<10240xf32, #tpu.memory_space<hbm>>
      %dma_wait3A_43 = arith.constant 0 : i32
      %dma_wait3A_44 = tpu.memref_slice %arg2[%add3A_10, %dma_wait3A_43] : memref<128x10240xf32, #tpu.memory_space<hbm>> -> memref<1x10240xf32, #tpu.memory_space<hbm>>
      %dma_wait3A_45 = tpu.memref_squeeze %dma_wait3A_44 : memref<1x10240xf32, #tpu.memory_space<hbm>> -> memref<10240xf32, #tpu.memory_space<hbm>>
      tpu.wait_dma2 semaphore(%run_scoped3A : memref<!tpu.dma_semaphore, #tpu.memory_space<semaphore_mem>>) src(%dma_wait3A_45 : memref<10240xf32, #tpu.memory_space<hbm>>) dst(%arg9 : memref<10240xf32, #tpu.memory_space<vmem>>)
      tpu.yield
    }) : () -> ()
    %scan3A = arith.constant 0 : i32
    %scan3A_11 = arith.constant 640 : i32
    %scan3A_12 = arith.addi %scan3A, %scan3A_11 : i32
    %scan3A_13 = arith.constant 1 : i32
    scf.for %scan3A_35 = %scan3A to %scan3A_12 step %scan3A_13  : i32 {
      %mul3A_36 = arith.constant 16 : i32
      %mul3A_37 = arith.muli %scan3A_35, %mul3A_36 : i32
      %add3A_38 = arith.constant 0 : i32
      %add3A_39 = arith.addi %add3A_38, %mul3A_37 : i32
      %broadcast_in_dim3A = arith.constant 0.000000e+00 : f32
      %broadcast_in_dim3A_40 = vector.broadcast %broadcast_in_dim3A : f32 to vector<16xf32>
      %swap3A = arith.index_cast %add3A_39 : i32 to index
      %swap3A_41 = tpu.vector_load %arg10[%swap3A] {strides = array<i32>} : memref<10240xf32, #tpu.memory_space<vmem>>, vector<16xf32>,
      tpu.vector_store %arg10[%swap3A], %broadcast_in_dim3A_40 {strides = array<i32>} : memref<10240xf32, #tpu.memory_space<vmem>>, vector<16xf32>,
      %swap3A_42 = arith.index_cast %add3A_39 : i32 to index
      %swap3A_43 = tpu.vector_load %arg11[%swap3A_42] {strides = array<i32>} : memref<10240xf32, #tpu.memory_space<vmem>>, vector<16xf32>,
      tpu.vector_store %arg11[%swap3A_42], %broadcast_in_dim3A_40 {strides = array<i32>} : memref<10240xf32, #tpu.memory_space<vmem>>, vector<16xf32>,
      %swap3A_44 = arith.index_cast %add3A_39 : i32 to index
      %swap3A_45 = tpu.vector_load %arg12[%swap3A_44] {strides = array<i32>} : memref<10240xf32, #tpu.memory_space<vmem>>, vector<16xf32>,
      tpu.vector_store %arg12[%swap3A_44], %broadcast_in_dim3A_40 {strides = array<i32>} : memref<10240xf32, #tpu.memory_space<vmem>>, vector<16xf32>,
      %swap3A_46 = arith.index_cast %add3A_39 : i32 to index
      %swap3A_47 = tpu.vector_load %arg13[%swap3A_46] {strides = array<i32>} : memref<10240xf32, #tpu.memory_space<vmem>>, vector<16xf32>,
      tpu.vector_store %arg13[%swap3A_46], %broadcast_in_dim3A_40 {strides = array<i32>} : memref<10240xf32, #tpu.memory_space<vmem>>, vector<16xf32>,
    }
    %scan3A_14 = arith.constant 640 : i32
    %dma_start3A = arith.constant 0 : i32
    %dma_start3A_15 = tpu.memref_slice %arg3[%dma_start3A] : memref<320000xi32, #tpu.memory_space<hbm>> -> memref<4000xi32, #tpu.memory_space<hbm>>
    %dma_start3A_16 = arith.constant 0 : i32
    %dma_start3A_17 = tpu.memref_slice %arg3[%dma_start3A_16] : memref<320000xi32, #tpu.memory_space<hbm>> -> memref<4000xi32, #tpu.memory_space<hbm>>
    tpu.enqueue_dma source(%dma_start3A_17 : memref<4000xi32, #tpu.memory_space<hbm>>) target(%arg14 : memref<4000xi32, #tpu.memory_space<vmem>>) target_semaphore(%arg18 : memref<!tpu.dma_semaphore, #tpu.memory_space<semaphore_mem>>)
    %dma_start3A_18 = arith.constant 0 : i32
    %dma_start3A_19 = tpu.memref_slice %arg4[%dma_start3A_18] : memref<320000xf32, #tpu.memory_space<hbm>> -> memref<4000xf32, #tpu.memory_space<hbm>>
    %dma_start3A_20 = arith.constant 0 : i32
    %dma_start3A_21 = tpu.memref_slice %arg4[%dma_start3A_20] : memref<320000xf32, #tpu.memory_space<hbm>> -> memref<4000xf32, #tpu.memory_space<hbm>>
    tpu.enqueue_dma source(%dma_start3A_21 : memref<4000xf32, #tpu.memory_space<hbm>>) target(%arg16 : memref<4000xf32, #tpu.memory_space<vmem>>) target_semaphore(%arg20 : memref<!tpu.dma_semaphore, #tpu.memory_space<semaphore_mem>>)
    %scan3A_22 = arith.constant 0 : i32
    %scan3A_23 = arith.constant 40 : i32
    %scan3A_24 = arith.addi %scan3A_22, %scan3A_23 : i32
    %scan3A_25 = arith.constant 1 : i32
    scf.for %scan3A_35 = %scan3A_22 to %scan3A_24 step %scan3A_25  : i32 {
      %mul3A_36 = arith.constant 1 : i32
      %mul3A_37 = arith.muli %scan3A_35, %mul3A_36 : i32
      %add3A_38 = arith.constant 0 : i32
      %add3A_39 = arith.addi %add3A_38, %mul3A_37 : i32
      %mul3A_40 = arith.constant 2 : i32
      %mul3A_41 = arith.muli %mul3A_40, %add3A_39 : i32
      %add3A_42 = arith.constant 1 : i32
      %add3A_43 = arith.addi %mul3A_41, %add3A_42 : i32
      %mul3A_44 = arith.constant 4000 : i32
      %mul3A_45 = arith.muli %add3A_43, %mul3A_44 : i32
      %dma_start3A_46 = tpu.memref_slice %arg3[%mul3A_45] : memref<320000xi32, #tpu.memory_space<hbm>> -> memref<4000xi32, #tpu.memory_space<hbm>>
      %dma_start3A_47 = tpu.memref_slice %arg3[%mul3A_45] : memref<320000xi32, #tpu.memory_space<hbm>> -> memref<4000xi32, #tpu.memory_space<hbm>>
      tpu.enqueue_dma source(%dma_start3A_47 : memref<4000xi32, #tpu.memory_space<hbm>>) target(%arg15 : memref<4000xi32, #tpu.memory_space<vmem>>) target_semaphore(%arg19 : memref<!tpu.dma_semaphore, #tpu.memory_space<semaphore_mem>>)
      %mul3A_48 = arith.constant 4000 : i32
      %mul3A_49 = arith.muli %add3A_43, %mul3A_48 : i32
      %dma_start3A_50 = tpu.memref_slice %arg4[%mul3A_49] : memref<320000xf32, #tpu.memory_space<hbm>> -> memref<4000xf32, #tpu.memory_space<hbm>>
      %dma_start3A_51 = tpu.memref_slice %arg4[%mul3A_49] : memref<320000xf32, #tpu.memory_space<hbm>> -> memref<4000xf32, #tpu.memory_space<hbm>>
      tpu.enqueue_dma source(%dma_start3A_51 : memref<4000xf32, #tpu.memory_space<hbm>>) target(%arg17 : memref<4000xf32, #tpu.memory_space<vmem>>) target_semaphore(%arg21 : memref<!tpu.dma_semaphore, #tpu.memory_space<semaphore_mem>>)
      %dma_wait3A = arith.constant 0 : i32
      %dma_wait3A_52 = tpu.memref_slice %arg3[%dma_wait3A] : memref<320000xi32, #tpu.memory_space<hbm>> -> memref<4000xi32, #tpu.memory_space<hbm>>
      %dma_wait3A_53 = arith.constant 0 : i32
      %dma_wait3A_54 = tpu.memref_slice %arg3[%dma_wait3A_53] : memref<320000xi32, #tpu.memory_space<hbm>> -> memref<4000xi32, #tpu.memory_space<hbm>>
      tpu.wait_dma2 semaphore(%arg18 : memref<!tpu.dma_semaphore, #tpu.memory_space<semaphore_mem>>) src(%dma_wait3A_54 : memref<4000xi32, #tpu.memory_space<hbm>>) dst(%arg14 : memref<4000xi32, #tpu.memory_space<vmem>>)
      %dma_wait3A_55 = arith.constant 0 : i32
      %dma_wait3A_56 = tpu.memref_slice %arg4[%dma_wait3A_55] : memref<320000xf32, #tpu.memory_space<hbm>> -> memref<4000xf32, #tpu.memory_space<hbm>>
      %dma_wait3A_57 = arith.constant 0 : i32
      %dma_wait3A_58 = tpu.memref_slice %arg4[%dma_wait3A_57] : memref<320000xf32, #tpu.memory_space<hbm>> -> memref<4000xf32, #tpu.memory_space<hbm>>
      tpu.wait_dma2 semaphore(%arg20 : memref<!tpu.dma_semaphore, #tpu.memory_space<semaphore_mem>>) src(%dma_wait3A_58 : memref<4000xf32, #tpu.memory_space<hbm>>) dst(%arg16 : memref<4000xf32, #tpu.memory_space<vmem>>)
      %scan3A_59 = arith.constant 0 : i32
      %scan3A_60 = arith.constant 250 : i32
      %scan3A_61 = arith.addi %scan3A_59, %scan3A_60 : i32
      %scan3A_62 = arith.constant 1 : i32
      scf.for %scan3A_79 = %scan3A_59 to %scan3A_61 step %scan3A_62  : i32 {
        %mul3A_80 = arith.constant 16 : i32
        %mul3A_81 = arith.muli %scan3A_79, %mul3A_80 : i32
        %add3A_82 = arith.constant 0 : i32
        %add3A_83 = arith.addi %add3A_82, %mul3A_81 : i32
        %get3A = arith.index_cast %add3A_83 : i32 to index
        %get3A_84 = tpu.vector_load %arg14[%get3A] {strides = array<i32>} : memref<4000xi32, #tpu.memory_space<vmem>>, vector<16xi32>,
        %and3A = arith.constant 65535 : i32
        %and3A_85 = vector.broadcast %and3A : i32 to vector<16xi32>
        %and3A_86 = arith.andi %get3A_84, %and3A_85 : vector<16xi32>
        %shift_right_logical3A = arith.constant 16 : i32
        %shift_right_logical3A_87 = vector.broadcast %shift_right_logical3A : i32 to vector<16xi32>
        %shift_right_logical3A_88 = arith.shrui %get3A_84, %shift_right_logical3A_87 : vector<16xi32>
        %get3A_89 = arith.index_cast %add3A_83 : i32 to index
        %get3A_90 = tpu.vector_load %arg16[%get3A_89] {strides = array<i32>} : memref<4000xf32, #tpu.memory_space<vmem>>, vector<16xf32>,
        %gather3A = tpu.vector_load_idx %arg6[%and3A_86] : memref<10240xf32, #tpu.memory_space<vmem>>[vector<16xi32>], vector<16xf32>,
        %mul3A_91 = arith.mulf %gather3A, %get3A_90 : vector<16xf32>
        tpu.vector_store_idx %arg10[%shift_right_logical3A_88], %mul3A_91 {add = true} : memref<10240xf32, #tpu.memory_space<vmem>>[vector<16xi32>], vector<16xf32>,
        %gather3A_92 = tpu.vector_load_idx %arg7[%and3A_86] : memref<10240xf32, #tpu.memory_space<vmem>>[vector<16xi32>], vector<16xf32>,
        %mul3A_93 = arith.mulf %gather3A_92, %get3A_90 : vector<16xf32>
        tpu.vector_store_idx %arg11[%shift_right_logical3A_88], %mul3A_93 {add = true} : memref<10240xf32, #tpu.memory_space<vmem>>[vector<16xi32>], vector<16xf32>,
        %gather3A_94 = tpu.vector_load_idx %arg8[%and3A_86] : memref<10240xf32, #tpu.memory_space<vmem>>[vector<16xi32>], vector<16xf32>,
        %mul3A_95 = arith.mulf %gather3A_94, %get3A_90 : vector<16xf32>
        tpu.vector_store_idx %arg12[%shift_right_logical3A_88], %mul3A_95 {add = true} : memref<10240xf32, #tpu.memory_space<vmem>>[vector<16xi32>], vector<16xf32>,
        %gather3A_96 = tpu.vector_load_idx %arg9[%and3A_86] : memref<10240xf32, #tpu.memory_space<vmem>>[vector<16xi32>], vector<16xf32>,
        %mul3A_97 = arith.mulf %gather3A_96, %get3A_90 : vector<16xf32>
        tpu.vector_store_idx %arg13[%shift_right_logical3A_88], %mul3A_97 {add = true} : memref<10240xf32, #tpu.memory_space<vmem>>[vector<16xi32>], vector<16xf32>,
      }
      %scan3A_63 = arith.constant 250 : i32
      %lt3A = arith.constant 39 : i32
      %lt3A_64 = arith.cmpi slt, %add3A_39, %lt3A : i32
      %convert_element_type3A = arith.extui %lt3A_64 : i1 to i32
      %cond3A = arith.constant 0 : i32
      %cond3A_65 = arith.cmpi ne, %convert_element_type3A, %cond3A : i32
      scf.if %cond3A_65 {
        %mul3A_79 = arith.constant 2 : i32
        %mul3A_80 = arith.muli %mul3A_79, %add3A_39 : i32
        %add3A_81 = arith.constant 2 : i32
        %add3A_82 = arith.addi %mul3A_80, %add3A_81 : i32
        %mul3A_83 = arith.constant 4000 : i32
        %mul3A_84 = arith.muli %add3A_82, %mul3A_83 : i32
        %dma_start3A_85 = tpu.memref_slice %arg3[%mul3A_84] : memref<320000xi32, #tpu.memory_space<hbm>> -> memref<4000xi32, #tpu.memory_space<hbm>>
        %dma_start3A_86 = tpu.memref_slice %arg3[%mul3A_84] : memref<320000xi32, #tpu.memory_space<hbm>> -> memref<4000xi32, #tpu.memory_space<hbm>>
        tpu.enqueue_dma source(%dma_start3A_86 : memref<4000xi32, #tpu.memory_space<hbm>>) target(%arg14 : memref<4000xi32, #tpu.memory_space<vmem>>) target_semaphore(%arg18 : memref<!tpu.dma_semaphore, #tpu.memory_space<semaphore_mem>>)
        %mul3A_87 = arith.constant 4000 : i32
        %mul3A_88 = arith.muli %add3A_82, %mul3A_87 : i32
        %dma_start3A_89 = tpu.memref_slice %arg4[%mul3A_88] : memref<320000xf32, #tpu.memory_space<hbm>> -> memref<4000xf32, #tpu.memory_space<hbm>>
        %dma_start3A_90 = tpu.memref_slice %arg4[%mul3A_88] : memref<320000xf32, #tpu.memory_space<hbm>> -> memref<4000xf32, #tpu.memory_space<hbm>>
        tpu.enqueue_dma source(%dma_start3A_90 : memref<4000xf32, #tpu.memory_space<hbm>>) target(%arg16 : memref<4000xf32, #tpu.memory_space<vmem>>) target_semaphore(%arg20 : memref<!tpu.dma_semaphore, #tpu.memory_space<semaphore_mem>>)
      } else {
      }
      %dma_wait3A_66 = arith.constant 0 : i32
      %dma_wait3A_67 = tpu.memref_slice %arg3[%dma_wait3A_66] : memref<320000xi32, #tpu.memory_space<hbm>> -> memref<4000xi32, #tpu.memory_space<hbm>>
      %dma_wait3A_68 = arith.constant 0 : i32
      %dma_wait3A_69 = tpu.memref_slice %arg3[%dma_wait3A_68] : memref<320000xi32, #tpu.memory_space<hbm>> -> memref<4000xi32, #tpu.memory_space<hbm>>
      tpu.wait_dma2 semaphore(%arg19 : memref<!tpu.dma_semaphore, #tpu.memory_space<semaphore_mem>>) src(%dma_wait3A_69 : memref<4000xi32, #tpu.memory_space<hbm>>) dst(%arg15 : memref<4000xi32, #tpu.memory_space<vmem>>)
      %dma_wait3A_70 = arith.constant 0 : i32
      %dma_wait3A_71 = tpu.memref_slice %arg4[%dma_wait3A_70] : memref<320000xf32, #tpu.memory_space<hbm>> -> memref<4000xf32, #tpu.memory_space<hbm>>
      %dma_wait3A_72 = arith.constant 0 : i32
      %dma_wait3A_73 = tpu.memref_slice %arg4[%dma_wait3A_72] : memref<320000xf32, #tpu.memory_space<hbm>> -> memref<4000xf32, #tpu.memory_space<hbm>>
      tpu.wait_dma2 semaphore(%arg21 : memref<!tpu.dma_semaphore, #tpu.memory_space<semaphore_mem>>) src(%dma_wait3A_73 : memref<4000xf32, #tpu.memory_space<hbm>>) dst(%arg17 : memref<4000xf32, #tpu.memory_space<vmem>>)
      %scan3A_74 = arith.constant 0 : i32
      %scan3A_75 = arith.constant 250 : i32
      %scan3A_76 = arith.addi %scan3A_74, %scan3A_75 : i32
      %scan3A_77 = arith.constant 1 : i32
      scf.for %scan3A_79 = %scan3A_74 to %scan3A_76 step %scan3A_77  : i32 {
        %mul3A_80 = arith.constant 16 : i32
        %mul3A_81 = arith.muli %scan3A_79, %mul3A_80 : i32
        %add3A_82 = arith.constant 0 : i32
        %add3A_83 = arith.addi %add3A_82, %mul3A_81 : i32
        %get3A = arith.index_cast %add3A_83 : i32 to index
        %get3A_84 = tpu.vector_load %arg15[%get3A] {strides = array<i32>} : memref<4000xi32, #tpu.memory_space<vmem>>, vector<16xi32>,
        %and3A = arith.constant 65535 : i32
        %and3A_85 = vector.broadcast %and3A : i32 to vector<16xi32>
        %and3A_86 = arith.andi %get3A_84, %and3A_85 : vector<16xi32>
        %shift_right_logical3A = arith.constant 16 : i32
        %shift_right_logical3A_87 = vector.broadcast %shift_right_logical3A : i32 to vector<16xi32>
        %shift_right_logical3A_88 = arith.shrui %get3A_84, %shift_right_logical3A_87 : vector<16xi32>
        %get3A_89 = arith.index_cast %add3A_83 : i32 to index
        %get3A_90 = tpu.vector_load %arg17[%get3A_89] {strides = array<i32>} : memref<4000xf32, #tpu.memory_space<vmem>>, vector<16xf32>,
        %gather3A = tpu.vector_load_idx %arg6[%and3A_86] : memref<10240xf32, #tpu.memory_space<vmem>>[vector<16xi32>], vector<16xf32>,
        %mul3A_91 = arith.mulf %gather3A, %get3A_90 : vector<16xf32>
        tpu.vector_store_idx %arg10[%shift_right_logical3A_88], %mul3A_91 {add = true} : memref<10240xf32, #tpu.memory_space<vmem>>[vector<16xi32>], vector<16xf32>,
        %gather3A_92 = tpu.vector_load_idx %arg7[%and3A_86] : memref<10240xf32, #tpu.memory_space<vmem>>[vector<16xi32>], vector<16xf32>,
        %mul3A_93 = arith.mulf %gather3A_92, %get3A_90 : vector<16xf32>
        tpu.vector_store_idx %arg11[%shift_right_logical3A_88], %mul3A_93 {add = true} : memref<10240xf32, #tpu.memory_space<vmem>>[vector<16xi32>], vector<16xf32>,
        %gather3A_94 = tpu.vector_load_idx %arg8[%and3A_86] : memref<10240xf32, #tpu.memory_space<vmem>>[vector<16xi32>], vector<16xf32>,
        %mul3A_95 = arith.mulf %gather3A_94, %get3A_90 : vector<16xf32>
        tpu.vector_store_idx %arg12[%shift_right_logical3A_88], %mul3A_95 {add = true} : memref<10240xf32, #tpu.memory_space<vmem>>[vector<16xi32>], vector<16xf32>,
        %gather3A_96 = tpu.vector_load_idx %arg9[%and3A_86] : memref<10240xf32, #tpu.memory_space<vmem>>[vector<16xi32>], vector<16xf32>,
        %mul3A_97 = arith.mulf %gather3A_96, %get3A_90 : vector<16xf32>
        tpu.vector_store_idx %arg13[%shift_right_logical3A_88], %mul3A_97 {add = true} : memref<10240xf32, #tpu.memory_space<vmem>>[vector<16xi32>], vector<16xf32>,
      }
      %scan3A_78 = arith.constant 250 : i32
    }
    %scan3A_26 = arith.constant 40 : i32
    %add3A_27 = arith.constant 0 : i32
    %add3A_28 = arith.addi %mul3A_2, %add3A_27 : i32
    "tpu.region"() ({
      %run_scoped3A = tpu.sem_alloc : memref<!tpu.dma_semaphore, #tpu.memory_space<semaphore_mem>>
      %dma_start3A_35 = arith.constant 0 : i32
      %dma_start3A_36 = tpu.memref_slice %arg5[%add3A_28, %dma_start3A_35] : memref<128x10240xf32, #tpu.memory_space<hbm>> -> memref<1x10240xf32, #tpu.memory_space<hbm>>
      %dma_start3A_37 = tpu.memref_squeeze %dma_start3A_36 : memref<1x10240xf32, #tpu.memory_space<hbm>> -> memref<10240xf32, #tpu.memory_space<hbm>>
      %dma_start3A_38 = arith.constant 0 : i32
      %dma_start3A_39 = tpu.memref_slice %arg5[%add3A_28, %dma_start3A_38] : memref<128x10240xf32, #tpu.memory_space<hbm>> -> memref<1x10240xf32, #tpu.memory_space<hbm>>
      %dma_start3A_40 = tpu.memref_squeeze %dma_start3A_39 : memref<1x10240xf32, #tpu.memory_space<hbm>> -> memref<10240xf32, #tpu.memory_space<hbm>>
      tpu.enqueue_dma source(%arg10 : memref<10240xf32, #tpu.memory_space<vmem>>) target(%dma_start3A_40 : memref<10240xf32, #tpu.memory_space<hbm>>) target_semaphore(%run_scoped3A : memref<!tpu.dma_semaphore, #tpu.memory_space<semaphore_mem>>)
      %dma_wait3A = arith.constant 0 : i32
      %dma_wait3A_41 = tpu.memref_slice %arg5[%add3A_28, %dma_wait3A] : memref<128x10240xf32, #tpu.memory_space<hbm>> -> memref<1x10240xf32, #tpu.memory_space<hbm>>
      %dma_wait3A_42 = tpu.memref_squeeze %dma_wait3A_41 : memref<1x10240xf32, #tpu.memory_space<hbm>> -> memref<10240xf32, #tpu.memory_space<hbm>>
      %dma_wait3A_43 = arith.constant 0 : i32
      %dma_wait3A_44 = tpu.memref_slice %arg5[%add3A_28, %dma_wait3A_43] : memref<128x10240xf32, #tpu.memory_space<hbm>> -> memref<1x10240xf32, #tpu.memory_space<hbm>>
      %dma_wait3A_45 = tpu.memref_squeeze %dma_wait3A_44 : memref<1x10240xf32, #tpu.memory_space<hbm>> -> memref<10240xf32, #tpu.memory_space<hbm>>
      tpu.wait_dma2 semaphore(%run_scoped3A : memref<!tpu.dma_semaphore, #tpu.memory_space<semaphore_mem>>) src(%arg10 : memref<10240xf32, #tpu.memory_space<vmem>>) dst(%dma_wait3A_45 : memref<10240xf32, #tpu.memory_space<hbm>>)
      tpu.yield
    }) : () -> ()
    %add3A_29 = arith.constant 1 : i32
    %add3A_30 = arith.addi %mul3A_2, %add3A_29 : i32
    "tpu.region"() ({
      %run_scoped3A = tpu.sem_alloc : memref<!tpu.dma_semaphore, #tpu.memory_space<semaphore_mem>>
      %dma_start3A_35 = arith.constant 0 : i32
      %dma_start3A_36 = tpu.memref_slice %arg5[%add3A_30, %dma_start3A_35] : memref<128x10240xf32, #tpu.memory_space<hbm>> -> memref<1x10240xf32, #tpu.memory_space<hbm>>
      %dma_start3A_37 = tpu.memref_squeeze %dma_start3A_36 : memref<1x10240xf32, #tpu.memory_space<hbm>> -> memref<10240xf32, #tpu.memory_space<hbm>>
      %dma_start3A_38 = arith.constant 0 : i32
      %dma_start3A_39 = tpu.memref_slice %arg5[%add3A_30, %dma_start3A_38] : memref<128x10240xf32, #tpu.memory_space<hbm>> -> memref<1x10240xf32, #tpu.memory_space<hbm>>
      %dma_start3A_40 = tpu.memref_squeeze %dma_start3A_39 : memref<1x10240xf32, #tpu.memory_space<hbm>> -> memref<10240xf32, #tpu.memory_space<hbm>>
      tpu.enqueue_dma source(%arg11 : memref<10240xf32, #tpu.memory_space<vmem>>) target(%dma_start3A_40 : memref<10240xf32, #tpu.memory_space<hbm>>) target_semaphore(%run_scoped3A : memref<!tpu.dma_semaphore, #tpu.memory_space<semaphore_mem>>)
      %dma_wait3A = arith.constant 0 : i32
      %dma_wait3A_41 = tpu.memref_slice %arg5[%add3A_30, %dma_wait3A] : memref<128x10240xf32, #tpu.memory_space<hbm>> -> memref<1x10240xf32, #tpu.memory_space<hbm>>
      %dma_wait3A_42 = tpu.memref_squeeze %dma_wait3A_41 : memref<1x10240xf32, #tpu.memory_space<hbm>> -> memref<10240xf32, #tpu.memory_space<hbm>>
      %dma_wait3A_43 = arith.constant 0 : i32
      %dma_wait3A_44 = tpu.memref_slice %arg5[%add3A_30, %dma_wait3A_43] : memref<128x10240xf32, #tpu.memory_space<hbm>> -> memref<1x10240xf32, #tpu.memory_space<hbm>>
      %dma_wait3A_45 = tpu.memref_squeeze %dma_wait3A_44 : memref<1x10240xf32, #tpu.memory_space<hbm>> -> memref<10240xf32, #tpu.memory_space<hbm>>
      tpu.wait_dma2 semaphore(%run_scoped3A : memref<!tpu.dma_semaphore, #tpu.memory_space<semaphore_mem>>) src(%arg11 : memref<10240xf32, #tpu.memory_space<vmem>>) dst(%dma_wait3A_45 : memref<10240xf32, #tpu.memory_space<hbm>>)
      tpu.yield
    }) : () -> ()
    %add3A_31 = arith.constant 2 : i32
    %add3A_32 = arith.addi %mul3A_2, %add3A_31 : i32
    "tpu.region"() ({
      %run_scoped3A = tpu.sem_alloc : memref<!tpu.dma_semaphore, #tpu.memory_space<semaphore_mem>>
      %dma_start3A_35 = arith.constant 0 : i32
      %dma_start3A_36 = tpu.memref_slice %arg5[%add3A_32, %dma_start3A_35] : memref<128x10240xf32, #tpu.memory_space<hbm>> -> memref<1x10240xf32, #tpu.memory_space<hbm>>
      %dma_start3A_37 = tpu.memref_squeeze %dma_start3A_36 : memref<1x10240xf32, #tpu.memory_space<hbm>> -> memref<10240xf32, #tpu.memory_space<hbm>>
      %dma_start3A_38 = arith.constant 0 : i32
      %dma_start3A_39 = tpu.memref_slice %arg5[%add3A_32, %dma_start3A_38] : memref<128x10240xf32, #tpu.memory_space<hbm>> -> memref<1x10240xf32, #tpu.memory_space<hbm>>
      %dma_start3A_40 = tpu.memref_squeeze %dma_start3A_39 : memref<1x10240xf32, #tpu.memory_space<hbm>> -> memref<10240xf32, #tpu.memory_space<hbm>>
      tpu.enqueue_dma source(%arg12 : memref<10240xf32, #tpu.memory_space<vmem>>) target(%dma_start3A_40 : memref<10240xf32, #tpu.memory_space<hbm>>) target_semaphore(%run_scoped3A : memref<!tpu.dma_semaphore, #tpu.memory_space<semaphore_mem>>)
      %dma_wait3A = arith.constant 0 : i32
      %dma_wait3A_41 = tpu.memref_slice %arg5[%add3A_32, %dma_wait3A] : memref<128x10240xf32, #tpu.memory_space<hbm>> -> memref<1x10240xf32, #tpu.memory_space<hbm>>
      %dma_wait3A_42 = tpu.memref_squeeze %dma_wait3A_41 : memref<1x10240xf32, #tpu.memory_space<hbm>> -> memref<10240xf32, #tpu.memory_space<hbm>>
      %dma_wait3A_43 = arith.constant 0 : i32
      %dma_wait3A_44 = tpu.memref_slice %arg5[%add3A_32, %dma_wait3A_43] : memref<128x10240xf32, #tpu.memory_space<hbm>> -> memref<1x10240xf32, #tpu.memory_space<hbm>>
      %dma_wait3A_45 = tpu.memref_squeeze %dma_wait3A_44 : memref<1x10240xf32, #tpu.memory_space<hbm>> -> memref<10240xf32, #tpu.memory_space<hbm>>
      tpu.wait_dma2 semaphore(%run_scoped3A : memref<!tpu.dma_semaphore, #tpu.memory_space<semaphore_mem>>) src(%arg12 : memref<10240xf32, #tpu.memory_space<vmem>>) dst(%dma_wait3A_45 : memref<10240xf32, #tpu.memory_space<hbm>>)
      tpu.yield
    }) : () -> ()
    %add3A_33 = arith.constant 3 : i32
    %add3A_34 = arith.addi %mul3A_2, %add3A_33 : i32
    "tpu.region"() ({
      %run_scoped3A = tpu.sem_alloc : memref<!tpu.dma_semaphore, #tpu.memory_space<semaphore_mem>>
      %dma_start3A_35 = arith.constant 0 : i32
      %dma_start3A_36 = tpu.memref_slice %arg5[%add3A_34, %dma_start3A_35] : memref<128x10240xf32, #tpu.memory_space<hbm>> -> memref<1x10240xf32, #tpu.memory_space<hbm>>
      %dma_start3A_37 = tpu.memref_squeeze %dma_start3A_36 : memref<1x10240xf32, #tpu.memory_space<hbm>> -> memref<10240xf32, #tpu.memory_space<hbm>>
      %dma_start3A_38 = arith.constant 0 : i32
      %dma_start3A_39 = tpu.memref_slice %arg5[%add3A_34, %dma_start3A_38] : memref<128x10240xf32, #tpu.memory_space<hbm>> -> memref<1x10240xf32, #tpu.memory_space<hbm>>
      %dma_start3A_40 = tpu.memref_squeeze %dma_start3A_39 : memref<1x10240xf32, #tpu.memory_space<hbm>> -> memref<10240xf32, #tpu.memory_space<hbm>>
      tpu.enqueue_dma source(%arg13 : memref<10240xf32, #tpu.memory_space<vmem>>) target(%dma_start3A_40 : memref<10240xf32, #tpu.memory_space<hbm>>) target_semaphore(%run_scoped3A : memref<!tpu.dma_semaphore, #tpu.memory_space<semaphore_mem>>)
      %dma_wait3A = arith.constant 0 : i32
      %dma_wait3A_41 = tpu.memref_slice %arg5[%add3A_34, %dma_wait3A] : memref<128x10240xf32, #tpu.memory_space<hbm>> -> memref<1x10240xf32, #tpu.memory_space<hbm>>
      %dma_wait3A_42 = tpu.memref_squeeze %dma_wait3A_41 : memref<1x10240xf32, #tpu.memory_space<hbm>> -> memref<10240xf32, #tpu.memory_space<hbm>>
      %dma_wait3A_43 = arith.constant 0 : i32
      %dma_wait3A_44 = tpu.memref_slice %arg5[%add3A_34, %dma_wait3A_43] : memref<128x10240xf32, #tpu.memory_space<hbm>> -> memref<1x10240xf32, #tpu.memory_space<hbm>>
      %dma_wait3A_45 = tpu.memref_squeeze %dma_wait3A_44 : memref<1x10240xf32, #tpu.memory_space<hbm>> -> memref<10240xf32, #tpu.memory_space<hbm>>
      tpu.wait_dma2 semaphore(%run_scoped3A : memref<!tpu.dma_semaphore, #tpu.memory_space<semaphore_mem>>) src(%arg13 : memref<10240xf32, #tpu.memory_space<vmem>>) dst(%dma_wait3A_45 : memref<10240xf32, #tpu.memory_space<hbm>>)
      tpu.yield
    }) : () -> ()
    return
  }
}

module attributes {stable_mosaic.version = 14 : i64} {
  func.func @_layer2_body(%arg0: memref<128x10240xf32, #tpu.memory_space<vmem>>, %arg1: memref<128x10240xf32, #tpu.memory_space<vmem>>, %arg2: memref<128x10240xf32, #tpu.memory_space<vmem>>, %arg3: memref<3x128x128xf32, #tpu.memory_space<vmem>>, %arg4: memref<1x128xf32, #tpu.memory_space<vmem>>, %arg5: memref<10000x128xf32, #tpu.memory_space<vmem>>) attributes {dimension_semantics = [], scalar_prefetch = 0 : i64, scratch_operands = 0 : i64, tpu.core_type = #tpu.core_type<tc>} {
    %get3A = arith.constant 0 : index
    %get3A_0 = arith.constant 0 : index
    %get3A_1 = arith.constant 0 : index
    %get3A_2 = vector.load %arg3[%get3A, %get3A_0, %get3A_1] : memref<3x128x128xf32, #tpu.memory_space<vmem>>, vector<1x128x128xf32>
    %get3A_3 = vector.shape_cast %get3A_2 : vector<1x128x128xf32> to vector<128x128xf32>
    %get3A_4 = arith.constant 1 : index
    %get3A_5 = arith.constant 0 : index
    %get3A_6 = arith.constant 0 : index
    %get3A_7 = vector.load %arg3[%get3A_4, %get3A_5, %get3A_6] : memref<3x128x128xf32, #tpu.memory_space<vmem>>, vector<1x128x128xf32>
    %get3A_8 = vector.shape_cast %get3A_7 : vector<1x128x128xf32> to vector<128x128xf32>
    %get3A_9 = arith.constant 2 : index
    %get3A_10 = arith.constant 0 : index
    %get3A_11 = arith.constant 0 : index
    %get3A_12 = vector.load %arg3[%get3A_9, %get3A_10, %get3A_11] : memref<3x128x128xf32, #tpu.memory_space<vmem>>, vector<1x128x128xf32>
    %get3A_13 = vector.shape_cast %get3A_12 : vector<1x128x128xf32> to vector<128x128xf32>
    %sub3A = arith.subf %get3A_3, %get3A_13 : vector<128x128xf32>
    %get3A_14 = arith.constant 0 : index
    %get3A_15 = arith.constant 0 : index
    %get3A_16 = vector.load %arg0[%get3A_14, %get3A_15] : memref<128x10240xf32, #tpu.memory_space<vmem>>, vector<128x10240xf32>
    %dot_general3A = arith.constant dense<0.000000e+00> : vector<128x10240xf32>
    %dot_general3A_17 = tpu.matmul %sub3A, %get3A_16, %dot_general3A {dimension_numbers = #tpu.dot_dimension_numbers<[0], [0], [1], [1], [0, 1, 1, 1], [], []>, precision = #tpu.contract_precision<fp32>, transpose_lhs_hint = false} : vector<128x128xf32>, vector<128x10240xf32>, vector<128x10240xf32> -> vector<128x10240xf32>
    %get3A_18 = arith.constant 0 : index
    %get3A_19 = arith.constant 0 : index
    %get3A_20 = vector.load %arg1[%get3A_18, %get3A_19] : memref<128x10240xf32, #tpu.memory_space<vmem>>, vector<128x10240xf32>
    %dot_general3A_21 = arith.constant dense<0.000000e+00> : vector<128x10240xf32>
    %dot_general3A_22 = tpu.matmul %get3A_8, %get3A_20, %dot_general3A_21 {dimension_numbers = #tpu.dot_dimension_numbers<[0], [0], [1], [1], [0, 1, 1, 1], [], []>, precision = #tpu.contract_precision<fp32>, transpose_lhs_hint = false} : vector<128x128xf32>, vector<128x10240xf32>, vector<128x10240xf32> -> vector<128x10240xf32>
    %add3A = arith.addf %dot_general3A_17, %dot_general3A_22 : vector<128x10240xf32>
    %mul3A = arith.constant 2.000000e+00 : f32
    %mul3A_23 = vector.broadcast %mul3A : f32 to vector<128x128xf32>
    %mul3A_24 = arith.mulf %mul3A_23, %get3A_13 : vector<128x128xf32>
    %get3A_25 = arith.constant 0 : index
    %get3A_26 = arith.constant 0 : index
    %get3A_27 = vector.load %arg2[%get3A_25, %get3A_26] : memref<128x10240xf32, #tpu.memory_space<vmem>>, vector<128x10240xf32>
    %dot_general3A_28 = arith.constant dense<0.000000e+00> : vector<128x10240xf32>
    %dot_general3A_29 = tpu.matmul %mul3A_24, %get3A_27, %dot_general3A_28 {dimension_numbers = #tpu.dot_dimension_numbers<[0], [0], [1], [1], [0, 1, 1, 1], [], []>, precision = #tpu.contract_precision<fp32>, transpose_lhs_hint = false} : vector<128x128xf32>, vector<128x10240xf32>, vector<128x10240xf32> -> vector<128x10240xf32>
    %add3A_30 = arith.addf %add3A, %dot_general3A_29 : vector<128x10240xf32>
    %get3A_31 = arith.constant 0 : index
    %get3A_32 = arith.constant 0 : index
    %get3A_33 = vector.load %arg4[%get3A_31, %get3A_32] : memref<1x128xf32, #tpu.memory_space<vmem>>, vector<1x128xf32>
    %get3A_34 = vector.shape_cast %get3A_33 : vector<1x128xf32> to vector<128xf32>
    %broadcast_in_dim3A = vector.shape_cast %get3A_34 : vector<128xf32> to vector<128x1xf32>
    %add3A_35 = vector.broadcast %broadcast_in_dim3A : vector<128x1xf32> to vector<128x10240xf32>
    %add3A_36 = arith.addf %add3A_30, %add3A_35 : vector<128x10240xf32>
    %slice3A = vector.extract_strided_slice %add3A_36 {offsets = [0, 0], sizes = [128, 10000], strides = [1, 1]} : vector<128x10240xf32> to vector<128x10000xf32>
    %transpose3A = tpu.transpose %slice3A, [1, 0] : vector<128x10000xf32> -> vector<10000x128xf32>
    %swap3A = arith.constant 0 : index
    %swap3A_37 = arith.constant 0 : index
    %swap3A_38 = vector.load %arg5[%swap3A, %swap3A_37] : memref<10000x128xf32, #tpu.memory_space<vmem>>, vector<10000x128xf32>
    tpu.vector_store %arg5[%swap3A, %swap3A_37], %transpose3A {strides = array<i32>} : memref<10000x128xf32, #tpu.memory_space<vmem>>, vector<10000x128xf32>,
    return
  }
}

module attributes {stable_mosaic.version = 14 : i64} {
  func.func @_layer1_body(%arg0: memref<128x10240xf32, #tpu.memory_space<vmem>>, %arg1: memref<128x10240xf32, #tpu.memory_space<vmem>>, %arg2: memref<128x10240xf32, #tpu.memory_space<vmem>>, %arg3: memref<3x128x128xf32, #tpu.memory_space<vmem>>, %arg4: memref<1x128xf32, #tpu.memory_space<vmem>>, %arg5: memref<128x10240xf32, #tpu.memory_space<vmem>>) attributes {dimension_semantics = [], scalar_prefetch = 0 : i64, scratch_operands = 0 : i64, tpu.core_type = #tpu.core_type<tc>} {
    %get3A = arith.constant 0 : index
    %get3A_0 = arith.constant 0 : index
    %get3A_1 = arith.constant 0 : index
    %get3A_2 = vector.load %arg3[%get3A, %get3A_0, %get3A_1] : memref<3x128x128xf32, #tpu.memory_space<vmem>>, vector<1x128x128xf32>
    %get3A_3 = vector.shape_cast %get3A_2 : vector<1x128x128xf32> to vector<128x128xf32>
    %get3A_4 = arith.constant 1 : index
    %get3A_5 = arith.constant 0 : index
    %get3A_6 = arith.constant 0 : index
    %get3A_7 = vector.load %arg3[%get3A_4, %get3A_5, %get3A_6] : memref<3x128x128xf32, #tpu.memory_space<vmem>>, vector<1x128x128xf32>
    %get3A_8 = vector.shape_cast %get3A_7 : vector<1x128x128xf32> to vector<128x128xf32>
    %get3A_9 = arith.constant 2 : index
    %get3A_10 = arith.constant 0 : index
    %get3A_11 = arith.constant 0 : index
    %get3A_12 = vector.load %arg3[%get3A_9, %get3A_10, %get3A_11] : memref<3x128x128xf32, #tpu.memory_space<vmem>>, vector<1x128x128xf32>
    %get3A_13 = vector.shape_cast %get3A_12 : vector<1x128x128xf32> to vector<128x128xf32>
    %sub3A = arith.subf %get3A_3, %get3A_13 : vector<128x128xf32>
    %get3A_14 = arith.constant 0 : index
    %get3A_15 = arith.constant 0 : index
    %get3A_16 = vector.load %arg0[%get3A_14, %get3A_15] : memref<128x10240xf32, #tpu.memory_space<vmem>>, vector<128x10240xf32>
    %dot_general3A = arith.constant dense<0.000000e+00> : vector<128x10240xf32>
    %dot_general3A_17 = tpu.matmul %sub3A, %get3A_16, %dot_general3A {dimension_numbers = #tpu.dot_dimension_numbers<[0], [0], [1], [1], [0, 1, 1, 1], [], []>, precision = #tpu.contract_precision<fp32>, transpose_lhs_hint = false} : vector<128x128xf32>, vector<128x10240xf32>, vector<128x10240xf32> -> vector<128x10240xf32>
    %get3A_18 = arith.constant 0 : index
    %get3A_19 = arith.constant 0 : index
    %get3A_20 = vector.load %arg1[%get3A_18, %get3A_19] : memref<128x10240xf32, #tpu.memory_space<vmem>>, vector<128x10240xf32>
    %dot_general3A_21 = arith.constant dense<0.000000e+00> : vector<128x10240xf32>
    %dot_general3A_22 = tpu.matmul %get3A_8, %get3A_20, %dot_general3A_21 {dimension_numbers = #tpu.dot_dimension_numbers<[0], [0], [1], [1], [0, 1, 1, 1], [], []>, precision = #tpu.contract_precision<fp32>, transpose_lhs_hint = false} : vector<128x128xf32>, vector<128x10240xf32>, vector<128x10240xf32> -> vector<128x10240xf32>
    %add3A = arith.addf %dot_general3A_17, %dot_general3A_22 : vector<128x10240xf32>
    %mul3A = arith.constant 2.000000e+00 : f32
    %mul3A_23 = vector.broadcast %mul3A : f32 to vector<128x128xf32>
    %mul3A_24 = arith.mulf %mul3A_23, %get3A_13 : vector<128x128xf32>
    %get3A_25 = arith.constant 0 : index
    %get3A_26 = arith.constant 0 : index
    %get3A_27 = vector.load %arg2[%get3A_25, %get3A_26] : memref<128x10240xf32, #tpu.memory_space<vmem>>, vector<128x10240xf32>
    %dot_general3A_28 = arith.constant dense<0.000000e+00> : vector<128x10240xf32>
    %dot_general3A_29 = tpu.matmul %mul3A_24, %get3A_27, %dot_general3A_28 {dimension_numbers = #tpu.dot_dimension_numbers<[0], [0], [1], [1], [0, 1, 1, 1], [], []>, precision = #tpu.contract_precision<fp32>, transpose_lhs_hint = false} : vector<128x128xf32>, vector<128x10240xf32>, vector<128x10240xf32> -> vector<128x10240xf32>
    %add3A_30 = arith.addf %add3A, %dot_general3A_29 : vector<128x10240xf32>
    %get3A_31 = arith.constant 0 : index
    %get3A_32 = arith.constant 0 : index
    %get3A_33 = vector.load %arg4[%get3A_31, %get3A_32] : memref<1x128xf32, #tpu.memory_space<vmem>>, vector<1x128xf32>
    %get3A_34 = vector.shape_cast %get3A_33 : vector<1x128xf32> to vector<128xf32>
    %broadcast_in_dim3A = vector.shape_cast %get3A_34 : vector<128xf32> to vector<128x1xf32>
    %add3A_35 = vector.broadcast %broadcast_in_dim3A : vector<128x1xf32> to vector<128x10240xf32>
    %add3A_36 = arith.addf %add3A_30, %add3A_35 : vector<128x10240xf32>
    %max3A = arith.constant 0.000000e+00 : f32
    %max3A_37 = vector.broadcast %max3A : f32 to vector<128x10240xf32>
    %max3A_38 = arith.maximumf %add3A_36, %max3A_37 : vector<128x10240xf32>
    %swap3A = arith.constant 0 : index
    %swap3A_39 = arith.constant 0 : index
    %swap3A_40 = vector.load %arg5[%swap3A, %swap3A_39] : memref<128x10240xf32, #tpu.memory_space<vmem>>, vector<128x10240xf32>
    tpu.vector_store %arg5[%swap3A, %swap3A_39], %max3A_38 {strides = array<i32>} : memref<128x10240xf32, #tpu.memory_space<vmem>>, vector<128x10240xf32>,
    return
  }
}

module attributes {stable_mosaic.version = 14 : i64} {
  func.func @_prep_body(%arg0: memref<32x10240xf32, #tpu.memory_space<vmem>>, %arg1: memref<10000x128xf32, #tpu.memory_space<vmem>>, %arg2: memref<1x10240xf32, #tpu.memory_space<vmem>>, %arg3: memref<128x10240xf32, #tpu.memory_space<vmem>>) attributes {dimension_semantics = [], scalar_prefetch = 0 : i64, scratch_operands = 0 : i64, tpu.core_type = #tpu.core_type<tc>} {
    %get3A = arith.constant 0 : index
    %get3A_0 = arith.constant 0 : index
    %get3A_1 = vector.load %arg0[%get3A, %get3A_0] : memref<32x10240xf32, #tpu.memory_space<vmem>>, vector<32x10240xf32>
    %reduce_sum3A = arith.constant dense<0.000000e+00> : vector<10240xf32>
    %reduce_sum3A_2 = vector.multi_reduction <add>, %get3A_1, %reduce_sum3A [0] : vector<32x10240xf32> to vector<10240xf32>
    %gt3A = arith.constant 0.000000e+00 : f32
    %gt3A_3 = vector.broadcast %gt3A : f32 to vector<10240xf32>
    %gt3A_4 = arith.cmpf ogt, %reduce_sum3A_2, %gt3A_3 : vector<10240xf32>
    %jit3A = arith.constant 1.000000e+00 : f32
    %broadcast_in_dim3A = vector.broadcast %jit3A : f32 to vector<10240xf32>
    %select_n3A = arith.select %gt3A_4, %reduce_sum3A_2, %broadcast_in_dim3A : vector<10240xi1>, vector<10240xf32>
    %rsqrt3A = math.rsqrt %select_n3A : vector<10240xf32>
    %jit3A_5 = arith.constant 0.000000e+00 : f32
    %broadcast_in_dim3A_6 = vector.broadcast %jit3A_5 : f32 to vector<10240xf32>
    %select_n3A_7 = arith.select %gt3A_4, %rsqrt3A, %broadcast_in_dim3A_6 : vector<10240xi1>, vector<10240xf32>
    %broadcast_in_dim3A_8 = vector.shape_cast %select_n3A_7 : vector<10240xf32> to vector<1x10240xf32>
    %swap3A = arith.constant 0 : index
    %swap3A_9 = arith.constant 0 : index
    %swap3A_10 = vector.load %arg2[%swap3A, %swap3A_9] : memref<1x10240xf32, #tpu.memory_space<vmem>>, vector<1x10240xf32>
    tpu.vector_store %arg2[%swap3A, %swap3A_9], %broadcast_in_dim3A_8 {strides = array<i32>} : memref<1x10240xf32, #tpu.memory_space<vmem>>, vector<1x10240xf32>,
    %get3A_11 = arith.constant 0 : index
    %get3A_12 = arith.constant 0 : index
    %get3A_13 = vector.load %arg1[%get3A_11, %get3A_12] : memref<10000x128xf32, #tpu.memory_space<vmem>>, vector<10000x128xf32>
    %transpose3A = tpu.transpose %get3A_13, [1, 0] : vector<10000x128xf32> -> vector<128x10000xf32>
    %swap3A_14 = arith.constant 0 : index
    %swap3A_15 = arith.constant 0 : index
    %swap3A_16 = vector.load %arg3[%swap3A_14, %swap3A_15] : memref<128x10240xf32, #tpu.memory_space<vmem>>, vector<128x10000xf32>
    tpu.vector_store %arg3[%swap3A_14, %swap3A_15], %transpose3A {strides = array<i32>} : memref<128x10240xf32, #tpu.memory_space<vmem>>, vector<128x10000xf32>,
    %broadcast_in_dim3A_17 = arith.constant 0.000000e+00 : f32
    %broadcast_in_dim3A_18 = vector.broadcast %broadcast_in_dim3A_17 : f32 to vector<128x240xf32>
    %swap3A_19 = arith.constant 0 : index
    %swap3A_20 = arith.constant 10000 : index
    %swap3A_21 = vector.load %arg3[%swap3A_19, %swap3A_20] : memref<128x10240xf32, #tpu.memory_space<vmem>>, vector<128x240xf32>
    tpu.vector_store %arg3[%swap3A_19, %swap3A_20], %broadcast_in_dim3A_18 {strides = array<i32>} : memref<128x10240xf32, #tpu.memory_space<vmem>>, vector<128x240xf32>,
    return
  }
}

</mosaic_0001>

<sc_bundles>
// kernel: kernel.11.cloned.1.call-start
scs
__scs_entry_jumppad:
0x0: {  	(pc) =	sbr.rel $0x88, $3  }
0x1: {  	(tag) =	ssettag $0x0;
	lr =	simm.s32 $0x1  }
0x2: {  	[smem:$0x3F9A] =	sst lr;
	_ =	strace $0xD0000000  }
0x3: {  	_ = 	snop  }
0x4: {  	_ = 	snop  }
0x5: {  	_ = 	snop  }
0x6: {  	_ = 	snop  }
0x7: {  	_ = 	snop  }
__scs_overlays_trampoline_lowered:
0x8: {  	[smem:$0x3FA9] =	sst s0  }
0x9: {  	[smem:$0x3FAA] =	sst s1  }
0xa: {  	[smem:$0x3FAB] =	sst s2  }
0xb: {  	[smem:$0x3FAC] =	sst s3  }
0xc: {  	[smem:$0x3FAD] =	sst s4  }
0xd: {  	[smem:$0x3FAE] =	sst s5  }
0xe: {  	[smem:$0x3FAF] =	sst s6  }
0xf: {  	[smem:$0x3FB0] =	sst s7  }
0x10: {  	[smem:$0x3FB1] =	sst s8  }
0x11: {  	[smem:$0x3FB2] =	sst s9;
	s0 =	simm.s32 @!p0 $0x0  }
0x12: {  	s1 =	sld [smem:$0x3F98];
	s0 =	simm.s32 @p0 $0x1  }
0x13: {  	[smem:$0x3FB3] =	sst s0;
	s0 =	simm.s32 @!p1 $0x0  }
0x14: {  	s2 =	sld [smem:$0x3F97];
	s0 =	simm.s32 @p1 $0x1  }
0x15: {  	[smem:$0x3FB4] =	sst s0;
	s0 =	simm.s32 @!p2 $0x0  }
0x16: {  	s3 =	sld [smem:$0x3FDB];
	s0 =	simm.s32 @p2 $0x1  }
0x17: {  	s4 =	simm.s32 $0x1BF5;
	[smem:$0x3FB6] =	sst s0  }
0x18: {  	s0 =	sld [smem:$0x3F99];
	_ =	swait.ge [sflag:s4], $0x0  }
0x19: {  	s7 =	sld [smem:$0x3F9A]  }
0x1a: {  	s8 =	sadd.s32 $0xFFFFE003, lr  }
0x1b: {  	s9 =	sadd.s32 $0xFFFFFEF7, lr;
	s5 =	simm.s32 $0xFFFFFFFF;
	p2 =	slt.u32 s8, $0xFFFFF086  }
0x1c: {  	p1 =	slt.u32 s9, $0xF7A;
	s5 =	simm.s32 @!p2 $0x0  }
0x1d: {  	s5 =	simm.s32 @p1 $0x1;
	p0 =	seq.s32 s7, s2  }
0x1e: {  	s7 =	smul.u32 @!p0 $0xF7A, s2;
	p2 =	seq.s32 @!p0 s5, $0x0  }
0x1f: {  	s9 =	smul.u32 $0xF7A, s1;
	s8 =	simm.s32 @!p0 $0x1BF5;
	p2 =	por !p2, p0  }
0x20: {  	[sflag:s8] =	ssyncset.s32 @!p0 $0xFFFFF086;
	s6 =	sadd.s32 @!p0 s3, s7;
	s7 =	simm.s32 @!p0 $0x108  }
0x21: {  	s3 =	sadd.s32 s3, s9;
	s6 =	sadd.s32 @!p0 $0x88, s6;
	s7 =	simm.s32 @p2 $0x1082  }
0x22: {  	[simem:s7], [sflag:s8] =	dma.local @!p0 [hbm:s6], $0xF7A  }
0x23: {  	s9 =	sor.u32 $0xD0000000, s2;
	s6 =	simm.s32 $0x108;
	_ =	swait.ge @!p0 [sflag:s8], $0x0  }
0x24: {  	s3 =	sadd.s32 $0x88, s3;
	s6 =	simm.s32 @!p1 $0x1082;
	[sflag:s4] =	ssyncset.s32 $0xFFFFF086  }
0x25: {  	[simem:s6], [sflag:s4] =	dma.local [hbm:s3], $0xF7A  }
0x26: {  	[smem:$0x3F9A] =	sst s1;
	(tag) =	ssettag s2;
	_ =	strace s9  }
0x27: {  	s1 =	sld [smem:$0x3FAA]  }
0x28: {  	s2 =	sld [smem:$0x3FAB]  }
0x29: {  	s4 =	sld [smem:$0x3FAD]  }
0x2a: {  	p0 =	seq.s32 s5, $0x0;
	s5 =	sld [smem:$0x3FAE]  }
0x2b: {  	s6 =	sld [smem:$0x3FAF]  }
0x2c: {  	s7 =	sld [smem:$0x3FB0]  }
0x2d: {  	s3 =	simm.s32 $0x108;
	s8 =	sld [smem:$0x3FB1]  }
0x2e: {  	s3 =	simm.s32 @!p0 $0x1082;
	s9 =	sld [smem:$0x3FB2]  }
0x2f: {  	lr =	sadd.s32 s0, s3;
	s0 =	sld [smem:$0x3FA9]  }
0x30: {  	s3 =	sld [smem:$0x3FAC]  }
0x31: {  	[smem:$0x3FB5] =	sst s10  }
0x32: {  	s10 =	sld [smem:$0x3FB3];
	_ =	sdelay $0x3  }
0x33: {  	p0 =	seq.s32 s10, $0x1;
	s10 =	sld [smem:$0x3FB5];
	_ =	sdelay $0x3  }
0x34: {  	[smem:$0x3FB5] =	sst s10  }
0x35: {  	s10 =	sld [smem:$0x3FB4];
	_ =	sdelay $0x3  }
0x36: {  	p1 =	seq.s32 s10, $0x1;
	s10 =	sld [smem:$0x3FB5];
	_ =	sdelay $0x3  }
0x37: {  	[smem:$0x3FB5] =	sst s10  }
0x38: {  	s10 =	sld [smem:$0x3FB6]  }
0x39: {  	_ = 	snop;
	(pc) =	sbr.ind lr, $3  }
0x3a: {  	_ = 	snop  }
0x3b: {  	_ = 	snop  }
0x3c: {  	p2 =	seq.s32 s10, $0x1;
	s10 =	sld [smem:$0x3FB5]  }
0x3d: {  	_ =	shalt  }
0x3e: {  	_ =	shalt  }
0x3f: {  	_ =	shalt  }
0x40: {  	_ =	shalt  }
0x41: {  	_ =	shalt  }
0x42: {  	_ =	shalt  }
0x43: {  	_ =	shalt  }
0x44: {  	_ =	shalt  }
0x45: {  	_ =	shalt  }
0x46: {  	_ =	shalt  }
0x47: {  	_ =	shalt  }
0x48: {  	_ =	shalt  }
0x49: {  	_ =	shalt  }
0x4a: {  	_ =	shalt  }
0x4b: {  	_ =	shalt  }
0x4c: {  	_ =	shalt  }
0x4d: {  	_ =	shalt  }
0x4e: {  	_ =	shalt  }
0x4f: {  	_ =	shalt  }
0x50: {  	_ =	shalt  }
0x51: {  	_ =	shalt  }
0x52: {  	_ =	shalt  }
0x53: {  	_ =	shalt  }
0x54: {  	_ =	shalt  }
0x55: {  	_ =	shalt  }
0x56: {  	_ =	shalt  }
0x57: {  	_ =	shalt  }
0x58: {  	_ =	shalt  }
0x59: {  	_ =	shalt  }
0x5a: {  	_ =	shalt  }
0x5b: {  	_ =	shalt  }
0x5c: {  	_ =	shalt  }
0x5d: {  	_ =	shalt  }
0x5e: {  	_ =	shalt  }
0x5f: {  	_ =	shalt  }
0x60: {  	_ =	shalt  }
0x61: {  	_ =	shalt  }
0x62: {  	_ =	shalt  }
0x63: {  	_ =	shalt  }
0x64: {  	_ =	shalt  }
0x65: {  	_ =	shalt  }
0x66: {  	_ =	shalt  }
0x67: {  	_ =	shalt  }
0x68: {  	_ =	shalt  }
0x69: {  	_ =	shalt  }
0x6a: {  	_ =	shalt  }
0x6b: {  	_ =	shalt  }
0x6c: {  	_ =	shalt  }
0x6d: {  	_ =	shalt  }
0x6e: {  	_ =	shalt  }
0x6f: {  	_ =	shalt  }
0x70: {  	_ =	shalt  }
0x71: {  	_ =	shalt  }
0x72: {  	_ =	shalt  }
0x73: {  	_ =	shalt  }
0x74: {  	_ =	shalt  }
0x75: {  	_ =	shalt  }
0x76: {  	_ =	shalt  }
0x77: {  	_ =	shalt  }
0x78: {  	_ =	shalt  }
0x79: {  	_ =	shalt  }
0x7a: {  	_ =	shalt  }
0x7b: {  	_ =	shalt  }
0x7c: {  	_ =	shalt  }
0x7d: {  	_ =	shalt  }
0x7e: {  	_ =	shalt  }
0x7f: {  	_ =	shalt  }
0x80: {  	_ =	shalt  }
0x81: {  	_ =	shalt  }
0x82: {  	_ =	shalt  }
0x83: {  	_ =	shalt  }
0x84: {  	_ =	shalt  }
0x85: {  	_ =	shalt  }
0x86: {  	_ =	shalt  }
0x87: {  	_ =	shalt  }
.Lfunc_end0:
.L_simem_size_0:
called_computation_lowered:
.L_overlay_start_0:
0x88: {  	s2 =	sld [smem:$0x3FD9]  }
0x89: {  	s3 =	sld [smem:$0x3FFE];
	_ =	sdelay $0x1  }
0x8a: {  	s1 =	srdreg.scid  }
0x8b: {  	s0 =	sand.u32 $0x1, s1  }
0x8c: {  	s17 =	sshll.u32 s0, $0xA;
	s2 =	sadd.s32 s3, s2  }
0x8d: {  	s2 =	sadd.s32 s2, s17  }
0x8e: {  	[smem:$0x3FC1] =	sst s2  }
0x8f: {  	_ = 	snop  }
0x90: {  	s2 =	sld [smem:$0x3FC7]  }
0x91: {  	s18 =	sld [smem:$0x3FD0];
	(tm) =	ssettm $0x1  }
0x92: {  	s4 =	sld [smem:$0x3FFB];
	_ =	sdelay $0x3  }
0x93: {  	_ =	strace s4  }
0x94: {  	s4 =	sld [smem:$0x3FFC];
	_ =	sdelay $0x3  }
0x95: {  	_ =	strace s4  }
0x96: {  	s4 =	sld [smem:$0x3FFD];
	_ =	sdelay $0x3  }
0x97: {  	_ =	strace s4  }
0x98: {  	_ =	strace $0x8FFFFFFF  }
0x99: {  	s19 =	sld [smem:$0x3FDB];
	_ =	sdelay $0x1  }
0x9a: {  	s5 =	simm.s32 $_scs_section_size  }
0x9b: {  	s6 =	simm.s32 $_size__tile_overlayer_lowered;
	s7 =	simm.s32 $_tile_overlayer_lowered  }
0x9c: {  	s22 =	simm.s32 $0x1BFF;
	s21 =	sshll.u32 s7, $0x1;
	s4 =	sadd.s32 s5, s19  }
0x9d: {  	s8 =	simm.s32 $0x0;
	s20 =	sshll.u32 s6, $0x1;
	s6 =	sadd.s32 s21, s4  }
0x9e: {  	[timem:s8], [sflag:s22] =	dma.local [hbm:s6], s20  }
0x9f: {  	_ =	swait.ge [sflag:s22], s20  }
0xa0: {  	s5 =	ssub.s32 $0x0, s20;
	[sflag:s22] =	ssyncset.done $0x0  }
0xa1: {  	[sflag:s22] =	ssyncadd.s32 s5;
	_ =	sdelay $0x1  }
0xa2: {  	s23 =	simm.s32 $0x1B8B  }
0xa3: {  	_ =	swait.ge [sflag:s23], $0x1  }
0xa4: {  	[sflag:s23] =	ssyncset.done $0x0  }
0xa5: {  	s25 =	simm.s32 $0x1B8E;
	s24 =	sld [smem:$0x3FFE];
	[sflag:s23] =	ssyncadd.s32 $0xFFFFFFFF  }
0xa6: {  	s26 =	simm.s32 $execute0_lowered;
	[smem:$0x3FD2] =	sst s25  }
0xa7: {  	s6 =	sshll.u32 s26, $0x1;
	_ =	strace $0x80000046;
	[dreg:$0x1] =	wrdreg $0xFFFFFFFF  }
0xa8: {  	s28 =	simm.s32 $_size_execute0_lowered;
	s4 =	sadd.s32 s4, s6;
	[dreg:$0x0] =	wrdreg $0x0  }
0xa9: {  	s6 =	sshll.u32 s28, $0x1;
	[dreg:$0x2] =	wrdreg s4  }
0xaa: {  	[dreg:$0x3] =	wrdreg s6  }
0xab: {  	[dreg:$0x4] =	wrdreg $0xC0  }
0xac: {  	_ =	task [dreg:s8], $0x5FFFF  }
0xad: {  	[dreg:$0x1] =	wrdreg $0xFFFFFFFF  }
0xae: {  	[dreg:$0x0] =	wrdreg $0x60  }
0xaf: {  	[dreg:$0x2] =	wrdreg s24  }
0xb0: {  	[dreg:$0x3] =	wrdreg s2  }
0xb1: {  	[dreg:$0x4] =	wrdreg s18  }
0xb2: {  	[dreg:$0x5] =	wrdreg $0x9  }
0xb3: {  	_ =	task.clear_ibuf [dreg:s8], $0x6FFFF;
	_ =	strace $0x90000046  }
0xb4: {  	s29 =	simm.s32 $0x9;
	_ =	strace $0x80000048  }
0xb5: {  	_ =	swait.ge [sflag:s29], $0x1  }
0xb6: {  	[sflag:s29] =	ssyncadd.s32 $0xFFFFFFFF  }
0xb7: {  	_ =	strace $0x90000048  }
0xb8: {  	_ =	sfence  }
0xb9: {  	s30 =	sld [smem:$0x0];
	_ =	sdelay $0x2  }
0xba: {  	s31 =	sshll.u32 s1, $0xD;
	s1 =	sshrl.u32 s1, $0x2  }
0xbb: {  	s3 =	sand.u32 $0x4000, s31;
	s1 =	sadd.s32 s1, s30  }
0xbc: {  	s0 =	sor.u32 s3, s0;
	s1 =	sshll.u32 s1, $0x11  }
0xbd: {  	s0 =	sor.u32 s1, s0  }
0xbe: {  	s0 =	sadd.s32 $0x8F2B, s0  }
0xbf: {  	[sflag:s0] =	ssyncadd.remote.s32 $0x1  }
0xc0: {  	_ =	sfence.sel $0xFFFF  }
0xc1: {  	[dreg:$0x0] =	wrdreg $0xFFFFFFFF;
	(pc) =	sbr.abs _section_cstart, $3  }
0xc2: {  	[dreg:$0x1] =	wrdreg $0xFFFFFFFF  }
0xc3: {  	_ =	task.clear_ibuf [dreg:s8], $0x2FFFF;
	_ =	strace $0x9FFFFFFF  }
0xc4: {  	(tm) =	ssettm $0x7FFFFFFF  }
0xc5: {  	_ =	shalt  }
tec
execute0_lowered:
.L_overlay_start_1:
0x0: {  	(tag) =	ssettag $0x1  }
0x1: {  	s3 =	rddreg [dreg:$0x0]  }
0x2: {  	s4 =	rddreg [dreg:$0x1];
	s1 =	srdreg.scid  }
0x3: {  	s0 =	stileid.u32;
	s5 =	rddreg [dreg:$0x2];
	s11 =	simm.s32 $0x400  }
0x4: {  	s12 =	simm.s32 $0x0;
	s6 =	sand.u32 $0x1, s1;
	s2 =	sshll.u32 s0, $0x1  }
0x5: {  	s1 =	rddreg [dreg:$0x3];
	s9 =	sshrl.u32 s0, $0x2;
	s7 =	sor.u32 s6, s2  }
0x6: {  	s2 =	simm.s32 $0x0;
	s9 =	smul.u32 $0x14000, s9;
	s6 =	ssub.s32 $0x2, s6  }
0x7: {  	s8 =	smul.u32 $0x4E2, s7;
	[smem:$0x7FF] =	sst s2;
	s7 =	sshll.u32 s7, $0x7  }
0x8: {  	s10 =	sshrl.u32 s6, $0x1;
	_ =	strace $0x80000047;
	s7 =	sand.u32 $0x380, s7  }
0x9: {  	s6 =	ssub.s32 s6, s10;
	s10 =	simm.s32 $0x80;
	s3 =	sadd.s32 s8, s3  }
0xa: {  	s7 =	sor.u32 s9, s7;
	s4 =	sadd.s32 s4, s8;
	s6 =	smax.u32 s6, $0x1  }
0xb: {  	s8 =	simm.s32 $0x1;
	s9 =	simm.s32 $0x4F80;
	s7 =	sshrl.u32 s7, $0x3  }
0xc: {  	v0 =	vimm.f32 $0.0e+00;
	s3 =	sadd.s32 $0x5200, s3;
	s5 =	sadd.s32 s5, s7;
	s7 =	simm.s32 $0x2800  }
.LBB2_1:
0xd: {  	s13 =	simm.s32 $0x40;
	s14 =	simm.s32 $0x0  }
.LBB2_2:
0xe: {  	p0 =	sne.s32 s13, $0x9FC0;
	[tilespmem:s14+$0x0] =	vst v0;
	s14 =	smov.u32 s13;
	s13 =	sadd.s32 $0x40, s13  }
.Ltmp0:
0xf: {  	(pc) =	sbr.rel @p0 .LBB2_2-.Ltmp0, $2  }
0x10: {  	_ =	sdelay $0x2  }
0x11: {  	s14 =	sshra.s32 s14, $0x2  }
0x12: {  	[tilespmem:s14+$0x0] =	vst v0;
	s13 =	simm.s32 $0x0  }
0x13: {  	[tilespmem:s7], [sflag:$0x1] =	stream.linear.gather [hbm4b:s3+s13], $0x2710, $0x38;
	[tilespmem:$0x7700] =	vst v63  }
0x14: {  	_ =	swait.ge [sflag:s8], $0x2710  }
0x15: {  	[sflag:s8] =	ssyncset.done $0x0  }
0x16: {  	[sflag:s8] =	ssyncadd.s32 $0xFFFFD8F0  }
0x17: {  	[tilespmem:s9], [sflag:$0x1] =	stream.linear.gather [hbm4b:s4+s13], $0x2710, $0x38;
	[tilespmem:$0x7700] =	vst v63  }
0x18: {  	_ =	swait.ge [sflag:s8], $0x2710  }
0x19: {  	[sflag:s8] =	ssyncset.done $0x0  }
0x1a: {  	s14 =	simm.s32 $0x0;
	s13 =	simm.s32 $0x40;
	[sflag:s8] =	ssyncadd.s32 $0xFFFFD8F0  }
.LBB2_4:
0x1b: {  	p0 =	sne.s32 s13, $0x9C00;
	v1 =	vld [tilespmem:s14+$0x2800];
	_ =	sdelay $0x4  }
0x1c: {  	v2 =	vld [tilespmem:s14+$0x4F80];
	v1 =	vand.u32 $0xFFFF, v1  }
.Ltmp1:
0x1d: {  	(pc) =	sbr.rel @p0 .LBB2_4-.Ltmp1, $2  }
0x1e: {  	_ =	sdelay $0x2  }
0x1f: {  	s14 =	sshra.s32 s13, $0x2;
	s13 =	sadd.s32 $0x40, s13;
	[tilespmem:v1+s2+$0x0] =	vst.idx.add.f32.msk $0xffff, v2  }
0x20: {  	v1 =	vld [tilespmem:s14+$0x2800];
	_ =	sdelay $0x4  }
0x21: {  	v2 =	vld [tilespmem:s14+$0x4F80];
	v1 =	vand.u32 $0xFFFF, v1;
	_ =	sdelay $0x2  }
0x22: {  	s12 =	sadd.s32 $0x1, s12  }
0x23: {  	p0 =	sne.s32 s12, s6  }
.Ltmp2:
0x24: {  	[tilespmem:v1+s2+$0x0] =	vst.idx.add.f32.msk $0xffff, v2;
	(pc) =	sbr.rel @p0 .LBB2_1-.Ltmp2, $4  }
0x25: {  	[hbm4b:s5+s10] =	stream.strided.scatter [tilespmem:s2], [sflag:$0x1], $0x2800, s11, s10, $0x38;
	[tilespmem:$0x7700] =	vst v63  }
0x26: {  	_ =	swait.ge [sflag:s8], $0x2800  }
0x27: {  	[sflag:s8] =	ssyncset.done $0x0  }
0x28: {  	[sflag:s8] =	ssyncadd.s32 $0xFFFFD800  }
0x29: {  	_ =	sfence.sel $0x180000  }
0x2a: {  	[bflag:$0x0] =	sbarrier.arrive $0xFFFF  }
0x2b: {  	p0 =	sne.s32 s0, $0x0;
	_ =	strace $0x90000047  }
0x2c: {  	s0 =	sadd.s32 @!p0 $0x100000, s1;
	[bflag:$0x2] =	sbarrier.arrive $0xFFFF  }
0x2d: {  	[sflag:s0] =	ssyncadd.tile.s32 @!p0 $0x1;
	_ =	shalt  }
.Lfunc_end2:
_tile_overlayer_lowered:
.L_overlay_start_2:
0x2e: {  	(tag) =	ssettag $0x2  }
0x2f: {  	s0 =	rddreg [dreg:$0x0];
	s2 =	stileid.u32  }
0x30: {  	s1 =	rddreg [dreg:$0x1];
	p0 =	sne.s32 s2, $0x0  }
0x31: {  	s3 =	rddreg [dreg:$0x2];
	[bflag:$0x3] =	sbarrier.arrive $0xFFFF;
	s2 =	simm.s32 @!p0 $0x1C01  }
0x32: {  	[timem:s3], [sflag:s2] =	dma.local @!p0 [hbm:s0], s1  }
0x33: {  	s0 =	simm.s32 @!p0 $0x1  }
0x34: {  	_ =	swait.ge @!p0 [sflag:s0], s1  }
0x35: {  	s1 =	ssub.s32 @!p0 $0x0, s1;
	[sflag:s0] =	ssyncset.done @!p0 $0x0  }
0x36: {  	[sflag:s0] =	ssyncadd.s32 @!p0 s1  }
0x37: {  	[bflag:$0x3] =	sbarrier.arrive $0xFFFF  }
0x38: {  	_ =	shalt  }

// kernel: kernel.14.cloned.1.call-start
scs
__scs_entry_jumppad:
0x0: {  	(pc) =	sbr.rel $0x88, $3  }
0x1: {  	(tag) =	ssettag $0x0;
	lr =	simm.s32 $0x1  }
0x2: {  	[smem:$0x3F9A] =	sst lr;
	_ =	strace $0xD0000000  }
0x3: {  	_ = 	snop  }
0x4: {  	_ = 	snop  }
0x5: {  	_ = 	snop  }
0x6: {  	_ = 	snop  }
0x7: {  	_ = 	snop  }
__scs_overlays_trampoline_lowered:
0x8: {  	[smem:$0x3FA9] =	sst s0  }
0x9: {  	[smem:$0x3FAA] =	sst s1  }
0xa: {  	[smem:$0x3FAB] =	sst s2  }
0xb: {  	[smem:$0x3FAC] =	sst s3  }
0xc: {  	[smem:$0x3FAD] =	sst s4  }
0xd: {  	[smem:$0x3FAE] =	sst s5  }
0xe: {  	[smem:$0x3FAF] =	sst s6  }
0xf: {  	[smem:$0x3FB0] =	sst s7  }
0x10: {  	[smem:$0x3FB1] =	sst s8  }
0x11: {  	[smem:$0x3FB2] =	sst s9;
	s0 =	simm.s32 @!p0 $0x0  }
0x12: {  	s1 =	sld [smem:$0x3F98];
	s0 =	simm.s32 @p0 $0x1  }
0x13: {  	[smem:$0x3FB3] =	sst s0;
	s0 =	simm.s32 @!p1 $0x0  }
0x14: {  	s2 =	sld [smem:$0x3F97];
	s0 =	simm.s32 @p1 $0x1  }
0x15: {  	[smem:$0x3FB4] =	sst s0;
	s0 =	simm.s32 @!p2 $0x0  }
0x16: {  	s3 =	sld [smem:$0x3FDB];
	s0 =	simm.s32 @p2 $0x1  }
0x17: {  	s4 =	simm.s32 $0x1BF5;
	[smem:$0x3FB6] =	sst s0  }
0x18: {  	s0 =	sld [smem:$0x3F99];
	_ =	swait.ge [sflag:s4], $0x0  }
0x19: {  	s7 =	sld [smem:$0x3F9A]  }
0x1a: {  	s8 =	sadd.s32 $0xFFFFE003, lr  }
0x1b: {  	s9 =	sadd.s32 $0xFFFFFEF7, lr;
	s5 =	simm.s32 $0xFFFFFFFF;
	p2 =	slt.u32 s8, $0xFFFFF086  }
0x1c: {  	p1 =	slt.u32 s9, $0xF7A;
	s5 =	simm.s32 @!p2 $0x0  }
0x1d: {  	s5 =	simm.s32 @p1 $0x1;
	p0 =	seq.s32 s7, s2  }
0x1e: {  	s7 =	smul.u32 @!p0 $0xF7A, s2;
	p2 =	seq.s32 @!p0 s5, $0x0  }
0x1f: {  	s9 =	smul.u32 $0xF7A, s1;
	s8 =	simm.s32 @!p0 $0x1BF5;
	p2 =	por !p2, p0  }
0x20: {  	[sflag:s8] =	ssyncset.s32 @!p0 $0xFFFFF086;
	s6 =	sadd.s32 @!p0 s3, s7;
	s7 =	simm.s32 @!p0 $0x108  }
0x21: {  	s3 =	sadd.s32 s3, s9;
	s6 =	sadd.s32 @!p0 $0x88, s6;
	s7 =	simm.s32 @p2 $0x1082  }
0x22: {  	[simem:s7], [sflag:s8] =	dma.local @!p0 [hbm:s6], $0xF7A  }
0x23: {  	s9 =	sor.u32 $0xD0000000, s2;
	s6 =	simm.s32 $0x108;
	_ =	swait.ge @!p0 [sflag:s8], $0x0  }
0x24: {  	s3 =	sadd.s32 $0x88, s3;
	s6 =	simm.s32 @!p1 $0x1082;
	[sflag:s4] =	ssyncset.s32 $0xFFFFF086  }
0x25: {  	[simem:s6], [sflag:s4] =	dma.local [hbm:s3], $0xF7A  }
0x26: {  	[smem:$0x3F9A] =	sst s1;
	(tag) =	ssettag s2;
	_ =	strace s9  }
0x27: {  	s1 =	sld [smem:$0x3FAA]  }
0x28: {  	s2 =	sld [smem:$0x3FAB]  }
0x29: {  	s4 =	sld [smem:$0x3FAD]  }
0x2a: {  	p0 =	seq.s32 s5, $0x0;
	s5 =	sld [smem:$0x3FAE]  }
0x2b: {  	s6 =	sld [smem:$0x3FAF]  }
0x2c: {  	s7 =	sld [smem:$0x3FB0]  }
0x2d: {  	s3 =	simm.s32 $0x108;
	s8 =	sld [smem:$0x3FB1]  }
0x2e: {  	s3 =	simm.s32 @!p0 $0x1082;
	s9 =	sld [smem:$0x3FB2]  }
0x2f: {  	lr =	sadd.s32 s0, s3;
	s0 =	sld [smem:$0x3FA9]  }
0x30: {  	s3 =	sld [smem:$0x3FAC]  }
0x31: {  	[smem:$0x3FB5] =	sst s10  }
0x32: {  	s10 =	sld [smem:$0x3FB3];
	_ =	sdelay $0x3  }
0x33: {  	p0 =	seq.s32 s10, $0x1;
	s10 =	sld [smem:$0x3FB5];
	_ =	sdelay $0x3  }
0x34: {  	[smem:$0x3FB5] =	sst s10  }
0x35: {  	s10 =	sld [smem:$0x3FB4];
	_ =	sdelay $0x3  }
0x36: {  	p1 =	seq.s32 s10, $0x1;
	s10 =	sld [smem:$0x3FB5];
	_ =	sdelay $0x3  }
0x37: {  	[smem:$0x3FB5] =	sst s10  }
0x38: {  	s10 =	sld [smem:$0x3FB6]  }
0x39: {  	_ = 	snop;
	(pc) =	sbr.ind lr, $3  }
0x3a: {  	_ = 	snop  }
0x3b: {  	_ = 	snop  }
0x3c: {  	p2 =	seq.s32 s10, $0x1;
	s10 =	sld [smem:$0x3FB5]  }
0x3d: {  	_ =	shalt  }
0x3e: {  	_ =	shalt  }
0x3f: {  	_ =	shalt  }
0x40: {  	_ =	shalt  }
0x41: {  	_ =	shalt  }
0x42: {  	_ =	shalt  }
0x43: {  	_ =	shalt  }
0x44: {  	_ =	shalt  }
0x45: {  	_ =	shalt  }
0x46: {  	_ =	shalt  }
0x47: {  	_ =	shalt  }
0x48: {  	_ =	shalt  }
0x49: {  	_ =	shalt  }
0x4a: {  	_ =	shalt  }
0x4b: {  	_ =	shalt  }
0x4c: {  	_ =	shalt  }
0x4d: {  	_ =	shalt  }
0x4e: {  	_ =	shalt  }
0x4f: {  	_ =	shalt  }
0x50: {  	_ =	shalt  }
0x51: {  	_ =	shalt  }
0x52: {  	_ =	shalt  }
0x53: {  	_ =	shalt  }
0x54: {  	_ =	shalt  }
0x55: {  	_ =	shalt  }
0x56: {  	_ =	shalt  }
0x57: {  	_ =	shalt  }
0x58: {  	_ =	shalt  }
0x59: {  	_ =	shalt  }
0x5a: {  	_ =	shalt  }
0x5b: {  	_ =	shalt  }
0x5c: {  	_ =	shalt  }
0x5d: {  	_ =	shalt  }
0x5e: {  	_ =	shalt  }
0x5f: {  	_ =	shalt  }
0x60: {  	_ =	shalt  }
0x61: {  	_ =	shalt  }
0x62: {  	_ =	shalt  }
0x63: {  	_ =	shalt  }
0x64: {  	_ =	shalt  }
0x65: {  	_ =	shalt  }
0x66: {  	_ =	shalt  }
0x67: {  	_ =	shalt  }
0x68: {  	_ =	shalt  }
0x69: {  	_ =	shalt  }
0x6a: {  	_ =	shalt  }
0x6b: {  	_ =	shalt  }
0x6c: {  	_ =	shalt  }
0x6d: {  	_ =	shalt  }
0x6e: {  	_ =	shalt  }
0x6f: {  	_ =	shalt  }
0x70: {  	_ =	shalt  }
0x71: {  	_ =	shalt  }
0x72: {  	_ =	shalt  }
0x73: {  	_ =	shalt  }
0x74: {  	_ =	shalt  }
0x75: {  	_ =	shalt  }
0x76: {  	_ =	shalt  }
0x77: {  	_ =	shalt  }
0x78: {  	_ =	shalt  }
0x79: {  	_ =	shalt  }
0x7a: {  	_ =	shalt  }
0x7b: {  	_ =	shalt  }
0x7c: {  	_ =	shalt  }
0x7d: {  	_ =	shalt  }
0x7e: {  	_ =	shalt  }
0x7f: {  	_ =	shalt  }
0x80: {  	_ =	shalt  }
0x81: {  	_ =	shalt  }
0x82: {  	_ =	shalt  }
0x83: {  	_ =	shalt  }
0x84: {  	_ =	shalt  }
0x85: {  	_ =	shalt  }
0x86: {  	_ =	shalt  }
0x87: {  	_ =	shalt  }
.Lfunc_end0:
.L_simem_size_0:
called_computation.1_lowered:
.L_overlay_start_0:
0x88: {  	s2 =	sld [smem:$0x3FD9]  }
0x89: {  	s3 =	sld [smem:$0x3FFE];
	_ =	sdelay $0x1  }
0x8a: {  	s1 =	srdreg.scid  }
0x8b: {  	s0 =	sand.u32 $0x1, s1  }
0x8c: {  	s17 =	sshll.u32 s0, $0xA;
	s2 =	sadd.s32 s3, s2  }
0x8d: {  	s2 =	sadd.s32 s2, s17  }
0x8e: {  	[smem:$0x3FC1] =	sst s2  }
0x8f: {  	_ = 	snop  }
0x90: {  	s2 =	sld [smem:$0x3FC7]  }
0x91: {  	s18 =	sld [smem:$0x3FD0];
	(tm) =	ssettm $0x1  }
0x92: {  	s4 =	sld [smem:$0x3FFB];
	_ =	sdelay $0x3  }
0x93: {  	_ =	strace s4  }
0x94: {  	s4 =	sld [smem:$0x3FFC];
	_ =	sdelay $0x3  }
0x95: {  	_ =	strace s4  }
0x96: {  	s4 =	sld [smem:$0x3FFD];
	_ =	sdelay $0x3  }
0x97: {  	_ =	strace s4  }
0x98: {  	_ =	strace $0x8FFFFFFF  }
0x99: {  	s19 =	sld [smem:$0x3FDB];
	_ =	sdelay $0x1  }
0x9a: {  	s5 =	simm.s32 $_scs_section_size  }
0x9b: {  	s6 =	simm.s32 $_size__tile_overlayer_lowered;
	s7 =	simm.s32 $_tile_overlayer_lowered  }
0x9c: {  	s22 =	simm.s32 $0x1BFF;
	s21 =	sshll.u32 s7, $0x1;
	s4 =	sadd.s32 s5, s19  }
0x9d: {  	s8 =	simm.s32 $0x0;
	s20 =	sshll.u32 s6, $0x1;
	s6 =	sadd.s32 s21, s4  }
0x9e: {  	[timem:s8], [sflag:s22] =	dma.local [hbm:s6], s20  }
0x9f: {  	_ =	swait.ge [sflag:s22], s20  }
0xa0: {  	s5 =	ssub.s32 $0x0, s20;
	[sflag:s22] =	ssyncset.done $0x0  }
0xa1: {  	[sflag:s22] =	ssyncadd.s32 s5;
	_ =	sdelay $0x1  }
0xa2: {  	s23 =	simm.s32 $0x1B8B  }
0xa3: {  	_ =	swait.ge [sflag:s23], $0x1  }
0xa4: {  	[sflag:s23] =	ssyncset.done $0x0  }
0xa5: {  	s25 =	simm.s32 $0x1B8E;
	s24 =	sld [smem:$0x3FFE];
	[sflag:s23] =	ssyncadd.s32 $0xFFFFFFFF  }
0xa6: {  	s26 =	simm.s32 $execute0_lowered;
	[smem:$0x3FD2] =	sst s25  }
0xa7: {  	s6 =	sshll.u32 s26, $0x1;
	_ =	strace $0x80000049;
	[dreg:$0x1] =	wrdreg $0xFFFFFFFF  }
0xa8: {  	s28 =	simm.s32 $_size_execute0_lowered;
	s4 =	sadd.s32 s4, s6;
	[dreg:$0x0] =	wrdreg $0x0  }
0xa9: {  	s6 =	sshll.u32 s28, $0x1;
	[dreg:$0x2] =	wrdreg s4  }
0xaa: {  	[dreg:$0x3] =	wrdreg s6  }
0xab: {  	[dreg:$0x4] =	wrdreg $0xC0  }
0xac: {  	_ =	task [dreg:s8], $0x5FFFF  }
0xad: {  	[dreg:$0x1] =	wrdreg $0xFFFFFFFF  }
0xae: {  	[dreg:$0x0] =	wrdreg $0x60  }
0xaf: {  	[dreg:$0x2] =	wrdreg s24  }
0xb0: {  	[dreg:$0x3] =	wrdreg s2  }
0xb1: {  	[dreg:$0x4] =	wrdreg s18  }
0xb2: {  	[dreg:$0x5] =	wrdreg $0x9  }
0xb3: {  	_ =	task.clear_ibuf [dreg:s8], $0x6FFFF;
	_ =	strace $0x90000049  }
0xb4: {  	s29 =	simm.s32 $0x9;
	_ =	strace $0x8000004B  }
0xb5: {  	_ =	swait.ge [sflag:s29], $0x1  }
0xb6: {  	[sflag:s29] =	ssyncadd.s32 $0xFFFFFFFF  }
0xb7: {  	_ =	strace $0x9000004B  }
0xb8: {  	_ =	sfence  }
0xb9: {  	s30 =	sld [smem:$0x0];
	_ =	sdelay $0x2  }
0xba: {  	s31 =	sshll.u32 s1, $0xD;
	s1 =	sshrl.u32 s1, $0x2  }
0xbb: {  	s3 =	sand.u32 $0x4000, s31;
	s1 =	sadd.s32 s1, s30  }
0xbc: {  	s0 =	sor.u32 s3, s0;
	s1 =	sshll.u32 s1, $0x11  }
0xbd: {  	s0 =	sor.u32 s1, s0  }
0xbe: {  	s0 =	sadd.s32 $0x8F2B, s0  }
0xbf: {  	[sflag:s0] =	ssyncadd.remote.s32 $0x1  }
0xc0: {  	_ =	sfence.sel $0xFFFF  }
0xc1: {  	[dreg:$0x0] =	wrdreg $0xFFFFFFFF;
	(pc) =	sbr.abs _section_cstart, $3  }
0xc2: {  	[dreg:$0x1] =	wrdreg $0xFFFFFFFF  }
0xc3: {  	_ =	task.clear_ibuf [dreg:s8], $0x2FFFF;
	_ =	strace $0x9FFFFFFF  }
0xc4: {  	(tm) =	ssettm $0x7FFFFFFF  }
0xc5: {  	_ =	shalt  }
tec
execute0_lowered:
.L_overlay_start_1:
0x0: {  	(tag) =	ssettag $0x1  }
0x1: {  	s3 =	rddreg [dreg:$0x0]  }
0x2: {  	s5 =	rddreg [dreg:$0x1];
	s1 =	srdreg.scid  }
0x3: {  	s0 =	stileid.u32;
	s6 =	rddreg [dreg:$0x2];
	s2 =	simm.s32 $0x0  }
0x4: {  	s10 =	simm.s32 $0x4F80;
	s4 =	sand.u32 $0x1, s1;
	s7 =	sshll.u32 s0, $0x1  }
0x5: {  	s11 =	simm.s32 $0x7700;
	s12 =	simm.s32 $0x0;
	s7 =	sor.u32 s4, s7  }
0x6: {  	[smem:$0x7FF] =	sst s2;
	s4 =	ssub.s32 $0x2, s4;
	s7 =	smul.u32 $0x4E2, s7  }
0x7: {  	s1 =	rddreg [dreg:$0x3];
	_ =	strace $0x8000004A;
	s8 =	sshrl.u32 s4, $0x1  }
0x8: {  	s8 =	ssub.s32 s4, s8;
	s9 =	sadd.s32 s7, s3;
	s3 =	sadd.s32 $0xF000, s3  }
0x9: {  	s5 =	sadd.s32 s5, s7;
	s6 =	sadd.s32 s6, s7;
	s7 =	smax.u32 s8, $0x1  }
0xa: {  	s8 =	simm.s32 $0x1;
	s4 =	sadd.s32 $0x5200, s9;
	s9 =	simm.s32 $0x2800  }
.LBB2_1:
0xb: {  	[tilespmem:s2], [sflag:$0x1] =	stream.linear.gather [hbm4b:s3+s2], $0x2800, $0x38;
	[tilespmem:$0x9E80] =	vst v63  }
0xc: {  	_ =	swait.ge [sflag:s8], $0x2800  }
0xd: {  	[sflag:s8] =	ssyncset.done $0x0  }
0xe: {  	[sflag:s8] =	ssyncadd.s32 $0xFFFFD800  }
0xf: {  	[tilespmem:s9], [sflag:$0x1] =	stream.linear.gather [hbm4b:s4+s2], $0x2710, $0x38;
	[tilespmem:$0x9E80] =	vst v63  }
0x10: {  	_ =	swait.ge [sflag:s8], $0x2710  }
0x11: {  	[sflag:s8] =	ssyncset.done $0x0  }
0x12: {  	[sflag:s8] =	ssyncadd.s32 $0xFFFFD8F0  }
0x13: {  	[tilespmem:s10], [sflag:$0x1] =	stream.linear.gather [hbm4b:s5+s2], $0x2710, $0x38;
	[tilespmem:$0x9E80] =	vst v63  }
0x14: {  	_ =	swait.ge [sflag:s8], $0x2710  }
0x15: {  	[sflag:s8] =	ssyncset.done $0x0  }
0x16: {  	s13 =	simm.s32 $0x0;
	[sflag:s8] =	ssyncadd.s32 $0xFFFFD8F0  }
0x17: {  	v0 =	vld [tilespmem:s13+$0x2800];
	_ =	sdelay $0x4  }
0x18: {  	v1 =	vand.u32 $0xFFFF, v0;
	_ =	sdelay $0x1  }
0x19: {  	v2 =	vshrl.u32 v0, $0x10;
	_ =	sdelay $0x2  }
0x1a: {  	v0 =	vld.idx.msk [tilespmem:v1+s2+$0x0], $0xffff  }
0x1b: {  	v1 =	vld [tilespmem:s13+$0x4F80]  }
0x1c: {  	s14 =	simm.s32 $0x10;
	s15 =	simm.s32 $0x80;
	v2 =	vld.idx.msk [tilespmem:v2+s2+$0x0], $0xffff  }
.LBB2_2:
0x1d: {  	p0 =	sne.s32 s15, $0x9C00;
	v3 =	vld [tilespmem:s14+$0x2800];
	_ =	sdelay $0x2  }
0x1e: {  	v0 =	vmul.f32 v1, v0;
	_ =	sdelay $0x1  }
0x1f: {  	v1 =	vand.u32 $0xFFFF, v3;
	v0 =	vmul.f32 v0, v2;
	_ =	sdelay $0x1  }
0x20: {  	v2 =	vshrl.u32 v3, $0x10;
	v0 =	vsub.f32 $0.0e+00, v0  }
.Ltmp0:
0x21: {  	(pc) =	sbr.rel @p0 .LBB2_2-.Ltmp0, $4  }
0x22: {  	[tilespmem:s13+$0x7700] =	vst v0;
	s13 =	smov.u32 s14  }
0x23: {  	v0 =	vld.idx.msk [tilespmem:v1+s2+$0x0], $0xffff  }
0x24: {  	v1 =	vld [tilespmem:s13+$0x4F80]  }
0x25: {  	s14 =	sshra.s32 s15, $0x2;
	s15 =	sadd.s32 $0x40, s15;
	v2 =	vld.idx.msk [tilespmem:v2+s2+$0x0], $0xffff  }
0x26: {  	v3 =	vld [tilespmem:s14+$0x2800];
	_ =	sdelay $0x2  }
0x27: {  	v0 =	vmul.f32 v1, v0;
	_ =	sdelay $0x1  }
0x28: {  	v61 =	vand.u32 $0xFFFF, v3;
	v0 =	vmul.f32 v0, v2;
	_ =	sdelay $0x1  }
0x29: {  	v0 =	vsub.f32 $0.0e+00, v0  }
0x2a: {  	v62 =	vshrl.u32 v3, $0x10  }
0x2b: {  	[tilespmem:s13+$0x7700] =	vst v0  }
0x2c: {  	v0 =	vld.idx.msk [tilespmem:v61+s2+$0x0], $0xffff  }
0x2d: {  	v63 =	vld [tilespmem:s14+$0x4F80];
	_ =	sdelay $0x1  }
0x2e: {  	v2 =	vld.idx.msk [tilespmem:v62+s2+$0x0], $0xffff;
	_ =	sdelay $0x2  }
0x2f: {  	v0 =	vmul.f32 v63, v0;
	_ =	sdelay $0x1  }
0x30: {  	v0 =	vmul.f32 v0, v2;
	_ =	sdelay $0x1  }
0x31: {  	s12 =	sadd.s32 $0x1, s12;
	v0 =	vsub.f32 $0.0e+00, v0  }
0x32: {  	p0 =	sne.s32 s12, s7  }
.Ltmp1:
0x33: {  	[tilespmem:s14+$0x7700] =	vst v0;
	(pc) =	sbr.rel @p0 .LBB2_1-.Ltmp1, $4  }
0x34: {  	[hbm4b:s6+s2] =	stream.linear.scatter [tilespmem:s11], [sflag:$0x1], $0x2710, $0x38;
	[tilespmem:$0x9E80] =	vst v63  }
0x35: {  	_ =	swait.ge [sflag:s8], $0x2710  }
0x36: {  	[sflag:s8] =	ssyncset.done $0x0  }
0x37: {  	[sflag:s8] =	ssyncadd.s32 $0xFFFFD8F0  }
0x38: {  	_ =	sfence.sel $0x180000  }
0x39: {  	[bflag:$0x0] =	sbarrier.arrive $0xFFFF  }
0x3a: {  	p0 =	sne.s32 s0, $0x0;
	_ =	strace $0x9000004A  }
0x3b: {  	s0 =	sadd.s32 @!p0 $0x100000, s1;
	[bflag:$0x2] =	sbarrier.arrive $0xFFFF  }
0x3c: {  	[sflag:s0] =	ssyncadd.tile.s32 @!p0 $0x1;
	_ =	shalt  }
.Lfunc_end2:
_tile_overlayer_lowered:
.L_overlay_start_2:
0x3d: {  	(tag) =	ssettag $0x2  }
0x3e: {  	s0 =	rddreg [dreg:$0x0];
	s2 =	stileid.u32  }
0x3f: {  	s1 =	rddreg [dreg:$0x1];
	p0 =	sne.s32 s2, $0x0  }
0x40: {  	s3 =	rddreg [dreg:$0x2];
	[bflag:$0x3] =	sbarrier.arrive $0xFFFF;
	s2 =	simm.s32 @!p0 $0x1C01  }
0x41: {  	[timem:s3], [sflag:s2] =	dma.local @!p0 [hbm:s0], s1  }
0x42: {  	s0 =	simm.s32 @!p0 $0x1  }
0x43: {  	_ =	swait.ge @!p0 [sflag:s0], s1  }
0x44: {  	s1 =	ssub.s32 @!p0 $0x0, s1;
	[sflag:s0] =	ssyncset.done @!p0 $0x0  }
0x45: {  	[sflag:s0] =	ssyncadd.s32 @!p0 s1  }
0x46: {  	[bflag:$0x3] =	sbarrier.arrive $0xFFFF  }
0x47: {  	_ =	shalt  }

// kernel: kernel.17.cloned.1.call-start
scs
__scs_entry_jumppad:
0x0: {  	(pc) =	sbr.rel $0x88, $3  }
0x1: {  	(tag) =	ssettag $0x0;
	lr =	simm.s32 $0x1  }
0x2: {  	[smem:$0x3F9A] =	sst lr;
	_ =	strace $0xD0000000  }
0x3: {  	_ = 	snop  }
0x4: {  	_ = 	snop  }
0x5: {  	_ = 	snop  }
0x6: {  	_ = 	snop  }
0x7: {  	_ = 	snop  }
__scs_overlays_trampoline_lowered:
0x8: {  	[smem:$0x3FA9] =	sst s0  }
0x9: {  	[smem:$0x3FAA] =	sst s1  }
0xa: {  	[smem:$0x3FAB] =	sst s2  }
0xb: {  	[smem:$0x3FAC] =	sst s3  }
0xc: {  	[smem:$0x3FAD] =	sst s4  }
0xd: {  	[smem:$0x3FAE] =	sst s5  }
0xe: {  	[smem:$0x3FAF] =	sst s6  }
0xf: {  	[smem:$0x3FB0] =	sst s7  }
0x10: {  	[smem:$0x3FB1] =	sst s8  }
0x11: {  	[smem:$0x3FB2] =	sst s9;
	s0 =	simm.s32 @!p0 $0x0  }
0x12: {  	s1 =	sld [smem:$0x3F98];
	s0 =	simm.s32 @p0 $0x1  }
0x13: {  	[smem:$0x3FB3] =	sst s0;
	s0 =	simm.s32 @!p1 $0x0  }
0x14: {  	s2 =	sld [smem:$0x3F97];
	s0 =	simm.s32 @p1 $0x1  }
0x15: {  	[smem:$0x3FB4] =	sst s0;
	s0 =	simm.s32 @!p2 $0x0  }
0x16: {  	s3 =	sld [smem:$0x3FDB];
	s0 =	simm.s32 @p2 $0x1  }
0x17: {  	s4 =	simm.s32 $0x1BF5;
	[smem:$0x3FB6] =	sst s0  }
0x18: {  	s0 =	sld [smem:$0x3F99];
	_ =	swait.ge [sflag:s4], $0x0  }
0x19: {  	s7 =	sld [smem:$0x3F9A]  }
0x1a: {  	s8 =	sadd.s32 $0xFFFFE003, lr  }
0x1b: {  	s9 =	sadd.s32 $0xFFFFFEF7, lr;
	s5 =	simm.s32 $0xFFFFFFFF;
	p2 =	slt.u32 s8, $0xFFFFF086  }
0x1c: {  	p1 =	slt.u32 s9, $0xF7A;
	s5 =	simm.s32 @!p2 $0x0  }
0x1d: {  	s5 =	simm.s32 @p1 $0x1;
	p0 =	seq.s32 s7, s2  }
0x1e: {  	s7 =	smul.u32 @!p0 $0xF7A, s2;
	p2 =	seq.s32 @!p0 s5, $0x0  }
0x1f: {  	s9 =	smul.u32 $0xF7A, s1;
	s8 =	simm.s32 @!p0 $0x1BF5;
	p2 =	por !p2, p0  }
0x20: {  	[sflag:s8] =	ssyncset.s32 @!p0 $0xFFFFF086;
	s6 =	sadd.s32 @!p0 s3, s7;
	s7 =	simm.s32 @!p0 $0x108  }
0x21: {  	s3 =	sadd.s32 s3, s9;
	s6 =	sadd.s32 @!p0 $0x88, s6;
	s7 =	simm.s32 @p2 $0x1082  }
0x22: {  	[simem:s7], [sflag:s8] =	dma.local @!p0 [hbm:s6], $0xF7A  }
0x23: {  	s9 =	sor.u32 $0xD0000000, s2;
	s6 =	simm.s32 $0x108;
	_ =	swait.ge @!p0 [sflag:s8], $0x0  }
0x24: {  	s3 =	sadd.s32 $0x88, s3;
	s6 =	simm.s32 @!p1 $0x1082;
	[sflag:s4] =	ssyncset.s32 $0xFFFFF086  }
0x25: {  	[simem:s6], [sflag:s4] =	dma.local [hbm:s3], $0xF7A  }
0x26: {  	[smem:$0x3F9A] =	sst s1;
	(tag) =	ssettag s2;
	_ =	strace s9  }
0x27: {  	s1 =	sld [smem:$0x3FAA]  }
0x28: {  	s2 =	sld [smem:$0x3FAB]  }
0x29: {  	s4 =	sld [smem:$0x3FAD]  }
0x2a: {  	p0 =	seq.s32 s5, $0x0;
	s5 =	sld [smem:$0x3FAE]  }
0x2b: {  	s6 =	sld [smem:$0x3FAF]  }
0x2c: {  	s7 =	sld [smem:$0x3FB0]  }
0x2d: {  	s3 =	simm.s32 $0x108;
	s8 =	sld [smem:$0x3FB1]  }
0x2e: {  	s3 =	simm.s32 @!p0 $0x1082;
	s9 =	sld [smem:$0x3FB2]  }
0x2f: {  	lr =	sadd.s32 s0, s3;
	s0 =	sld [smem:$0x3FA9]  }
0x30: {  	s3 =	sld [smem:$0x3FAC]  }
0x31: {  	[smem:$0x3FB5] =	sst s10  }
0x32: {  	s10 =	sld [smem:$0x3FB3];
	_ =	sdelay $0x3  }
0x33: {  	p0 =	seq.s32 s10, $0x1;
	s10 =	sld [smem:$0x3FB5];
	_ =	sdelay $0x3  }
0x34: {  	[smem:$0x3FB5] =	sst s10  }
0x35: {  	s10 =	sld [smem:$0x3FB4];
	_ =	sdelay $0x3  }
0x36: {  	p1 =	seq.s32 s10, $0x1;
	s10 =	sld [smem:$0x3FB5];
	_ =	sdelay $0x3  }
0x37: {  	[smem:$0x3FB5] =	sst s10  }
0x38: {  	s10 =	sld [smem:$0x3FB6]  }
0x39: {  	_ = 	snop;
	(pc) =	sbr.ind lr, $3  }
0x3a: {  	_ = 	snop  }
0x3b: {  	_ = 	snop  }
0x3c: {  	p2 =	seq.s32 s10, $0x1;
	s10 =	sld [smem:$0x3FB5]  }
0x3d: {  	_ =	shalt  }
0x3e: {  	_ =	shalt  }
0x3f: {  	_ =	shalt  }
0x40: {  	_ =	shalt  }
0x41: {  	_ =	shalt  }
0x42: {  	_ =	shalt  }
0x43: {  	_ =	shalt  }
0x44: {  	_ =	shalt  }
0x45: {  	_ =	shalt  }
0x46: {  	_ =	shalt  }
0x47: {  	_ =	shalt  }
0x48: {  	_ =	shalt  }
0x49: {  	_ =	shalt  }
0x4a: {  	_ =	shalt  }
0x4b: {  	_ =	shalt  }
0x4c: {  	_ =	shalt  }
0x4d: {  	_ =	shalt  }
0x4e: {  	_ =	shalt  }
0x4f: {  	_ =	shalt  }
0x50: {  	_ =	shalt  }
0x51: {  	_ =	shalt  }
0x52: {  	_ =	shalt  }
0x53: {  	_ =	shalt  }
0x54: {  	_ =	shalt  }
0x55: {  	_ =	shalt  }
0x56: {  	_ =	shalt  }
0x57: {  	_ =	shalt  }
0x58: {  	_ =	shalt  }
0x59: {  	_ =	shalt  }
0x5a: {  	_ =	shalt  }
0x5b: {  	_ =	shalt  }
0x5c: {  	_ =	shalt  }
0x5d: {  	_ =	shalt  }
0x5e: {  	_ =	shalt  }
0x5f: {  	_ =	shalt  }
0x60: {  	_ =	shalt  }
0x61: {  	_ =	shalt  }
0x62: {  	_ =	shalt  }
0x63: {  	_ =	shalt  }
0x64: {  	_ =	shalt  }
0x65: {  	_ =	shalt  }
0x66: {  	_ =	shalt  }
0x67: {  	_ =	shalt  }
0x68: {  	_ =	shalt  }
0x69: {  	_ =	shalt  }
0x6a: {  	_ =	shalt  }
0x6b: {  	_ =	shalt  }
0x6c: {  	_ =	shalt  }
0x6d: {  	_ =	shalt  }
0x6e: {  	_ =	shalt  }
0x6f: {  	_ =	shalt  }
0x70: {  	_ =	shalt  }
0x71: {  	_ =	shalt  }
0x72: {  	_ =	shalt  }
0x73: {  	_ =	shalt  }
0x74: {  	_ =	shalt  }
0x75: {  	_ =	shalt  }
0x76: {  	_ =	shalt  }
0x77: {  	_ =	shalt  }
0x78: {  	_ =	shalt  }
0x79: {  	_ =	shalt  }
0x7a: {  	_ =	shalt  }
0x7b: {  	_ =	shalt  }
0x7c: {  	_ =	shalt  }
0x7d: {  	_ =	shalt  }
0x7e: {  	_ =	shalt  }
0x7f: {  	_ =	shalt  }
0x80: {  	_ =	shalt  }
0x81: {  	_ =	shalt  }
0x82: {  	_ =	shalt  }
0x83: {  	_ =	shalt  }
0x84: {  	_ =	shalt  }
0x85: {  	_ =	shalt  }
0x86: {  	_ =	shalt  }
0x87: {  	_ =	shalt  }
.Lfunc_end0:
.L_simem_size_0:
called_computation.2_lowered:
.L_overlay_start_0:
0x88: {  	s2 =	sld [smem:$0x3FD9]  }
0x89: {  	s3 =	sld [smem:$0x3FFE];
	_ =	sdelay $0x1  }
0x8a: {  	s1 =	srdreg.scid  }
0x8b: {  	s0 =	sand.u32 $0x1, s1  }
0x8c: {  	s17 =	sshll.u32 s0, $0xA;
	s2 =	sadd.s32 s3, s2  }
0x8d: {  	s2 =	sadd.s32 s2, s17  }
0x8e: {  	[smem:$0x3FC1] =	sst s2  }
0x8f: {  	_ = 	snop  }
0x90: {  	s2 =	sld [smem:$0x3FD0];
	(tm) =	ssettm $0x1  }
0x91: {  	s18 =	sld [smem:$0x3FFB];
	_ =	sdelay $0x3  }
0x92: {  	_ =	strace s18  }
0x93: {  	s3 =	sld [smem:$0x3FFC];
	_ =	sdelay $0x3  }
0x94: {  	_ =	strace s3  }
0x95: {  	s3 =	sld [smem:$0x3FFD];
	_ =	sdelay $0x3  }
0x96: {  	_ =	strace s3  }
0x97: {  	_ =	strace $0x8FFFFFFF  }
0x98: {  	s19 =	sld [smem:$0x3FDB];
	_ =	sdelay $0x1  }
0x99: {  	s4 =	simm.s32 $_scs_section_size  }
0x9a: {  	s5 =	simm.s32 $_size__tile_overlayer_lowered;
	s6 =	simm.s32 $_tile_overlayer_lowered  }
0x9b: {  	s22 =	simm.s32 $0x1BFF;
	s21 =	sshll.u32 s6, $0x1;
	s3 =	sadd.s32 s4, s19  }
0x9c: {  	s7 =	simm.s32 $0x0;
	s20 =	sshll.u32 s5, $0x1;
	s5 =	sadd.s32 s21, s3  }
0x9d: {  	[timem:s7], [sflag:s22] =	dma.local [hbm:s5], s20  }
0x9e: {  	_ =	swait.ge [sflag:s22], s20  }
0x9f: {  	s4 =	ssub.s32 $0x0, s20;
	[sflag:s22] =	ssyncset.done $0x0  }
0xa0: {  	[sflag:s22] =	ssyncadd.s32 s4;
	_ =	sdelay $0x1  }
0xa1: {  	s23 =	simm.s32 $0x1B8B  }
0xa2: {  	_ =	swait.ge [sflag:s23], $0x1  }
0xa3: {  	[sflag:s23] =	ssyncset.done $0x0  }
0xa4: {  	s25 =	simm.s32 $0x1B8E;
	s24 =	sld [smem:$0x3FFE];
	[sflag:s23] =	ssyncadd.s32 $0xFFFFFFFF  }
0xa5: {  	s26 =	simm.s32 $execute0_lowered;
	[smem:$0x3FD2] =	sst s25  }
0xa6: {  	s5 =	sshll.u32 s26, $0x1;
	_ =	strace $0x8000004C;
	[dreg:$0x1] =	wrdreg $0xFFFFFFFF  }
0xa7: {  	s28 =	simm.s32 $_size_execute0_lowered;
	s3 =	sadd.s32 s3, s5;
	[dreg:$0x0] =	wrdreg $0x0  }
0xa8: {  	s5 =	sshll.u32 s28, $0x1;
	[dreg:$0x2] =	wrdreg s3  }
0xa9: {  	[dreg:$0x3] =	wrdreg s5  }
0xaa: {  	[dreg:$0x4] =	wrdreg $0xC0  }
0xab: {  	_ =	task [dreg:s7], $0x5FFFF  }
0xac: {  	[dreg:$0x1] =	wrdreg $0xFFFFFFFF  }
0xad: {  	[dreg:$0x0] =	wrdreg $0x60  }
0xae: {  	[dreg:$0x2] =	wrdreg s24  }
0xaf: {  	[dreg:$0x3] =	wrdreg s2  }
0xb0: {  	[dreg:$0x4] =	wrdreg $0x9  }
0xb1: {  	_ =	task.clear_ibuf [dreg:s7], $0x5FFFF;
	_ =	strace $0x9000004C  }
0xb2: {  	s29 =	simm.s32 $0x9;
	_ =	strace $0x8000004E  }
0xb3: {  	_ =	swait.ge [sflag:s29], $0x1  }
0xb4: {  	[sflag:s29] =	ssyncadd.s32 $0xFFFFFFFF  }
0xb5: {  	_ =	strace $0x9000004E  }
0xb6: {  	_ =	sfence  }
0xb7: {  	s30 =	sld [smem:$0x0];
	_ =	sdelay $0x2  }
0xb8: {  	s31 =	sshll.u32 s1, $0xD;
	s1 =	sshrl.u32 s1, $0x2  }
0xb9: {  	s3 =	sand.u32 $0x4000, s31;
	s1 =	sadd.s32 s1, s30  }
0xba: {  	s0 =	sor.u32 s3, s0;
	s1 =	sshll.u32 s1, $0x11  }
0xbb: {  	s0 =	sor.u32 s1, s0  }
0xbc: {  	s0 =	sadd.s32 $0x8F2B, s0  }
0xbd: {  	[sflag:s0] =	ssyncadd.remote.s32 $0x1  }
0xbe: {  	_ =	sfence.sel $0xFFFF  }
0xbf: {  	[dreg:$0x0] =	wrdreg $0xFFFFFFFF;
	(pc) =	sbr.abs _section_cstart, $3  }
0xc0: {  	[dreg:$0x1] =	wrdreg $0xFFFFFFFF  }
0xc1: {  	_ =	task.clear_ibuf [dreg:s7], $0x2FFFF;
	_ =	strace $0x9FFFFFFF  }
0xc2: {  	(tm) =	ssettm $0x7FFFFFFF  }
0xc3: {  	_ =	shalt  }
tec
execute0_lowered:
.L_overlay_start_1:
0x0: {  	(tag) =	ssettag $0x1  }
0x1: {  	s0 =	rddreg [dreg:$0x0]  }
0x2: {  	s2 =	rddreg [dreg:$0x1];
	s3 =	simm.s32 $0x0;
	s1 =	srdreg.scid  }
0x3: {  	s4 =	stileid.u32;
	s14 =	simm.s32 $0x80;
	s15 =	simm.s32 $0x400  }
0x4: {  	s16 =	simm.s32 $0x5;
	s17 =	simm.s32 $0x2800;
	s18 =	simm.s32 $0x5000  }
0x5: {  	s19 =	simm.s32 $0x7800;
	s22 =	simm.s32 $0x15000;
	s23 =	simm.s32 $0x17000  }
0x6: {  	s28 =	simm.s32 $0xC800;
	s29 =	simm.s32 $0xF000;
	s30 =	simm.s32 $0x11800  }
0x7: {  	s31 =	simm.s32 $0x2;
	s20 =	simm.s32 $0x0;
	[smem:$0x7FF] =	sst s3  }
0x8: {  	s1 =	sand.u32 $0x1, s1;
	s4 =	smul.u32 $0x14000, s4;
	s6 =	sadd.s32 $0xF600, s0  }
0x9: {  	_ =	strace $0x8000004D;
	s5 =	sshll.u32 s1, $0x9;
	s1 =	ssub.s32 $0x2, s1  }
0xa: {  	s5 =	sor.u32 s5, s4;
	s4 =	sadd.s32 $0x5200, s0;
	s7 =	sshrl.u32 s1, $0x1  }
0xb: {  	s0 =	sadd.s32 $0x37600, s0;
	s5 =	sshrl.u32 s5, $0x3;
	s1 =	ssub.s32 s1, s7  }
0xc: {  	s24 =	sadd.s32 s6, s5;
	s25 =	sor.u32 $0x10, s5;
	s11 =	sor.u32 $0x20, s5  }
0xd: {  	s12 =	sor.u32 $0x30, s5;
	s9 =	sadd.s32 s0, s5;
	s13 =	smax.u32 s1, $0x1  }
0xe: {  	s1 =	simm.s32 $0x0;
	[dreg:$0x3] =	wrdreg s24;
	s8 =	sadd.s32 s6, s25  }
0xf: {  	s26 =	sadd.s32 s6, s11;
	s6 =	sadd.s32 s6, s12;
	s10 =	sadd.s32 s0, s25  }
0x10: {  	s11 =	sadd.s32 s0, s11;
	s12 =	sadd.s32 s0, s12;
	[dreg:$0x4] =	wrdreg s8  }
0x11: {  	s24 =	simm.s32 $0x1;
	s25 =	simm.s32 $0x3;
	[dreg:$0x5] =	wrdreg s26  }
0x12: {  	v0 =	vimm.f32 $0.0e+00;
	s0 =	simm.s32 $0x4;
	[dreg:$0x6] =	wrdreg s6;
	s26 =	simm.s32 $0xA000  }
.LBB2_1:
0x13: {  	s5 =	rddreg [dreg:$0x3]  }
0x14: {  	[tilespmem:s3], [sflag:$0x5] =	stream.strided.gather [hbm4b:s5+s14], $0x2800, s15, s14, $0x38;
	[tilespmem:$0x18000] =	vst v63  }
0x15: {  	_ =	swait.ge [sflag:s16], $0x2800  }
0x16: {  	[sflag:s16] =	ssyncset.done $0x0  }
0x17: {  	s7 =	rddreg [dreg:$0x4];
	[sflag:s16] =	ssyncadd.s32 $0xFFFFD800  }
0x18: {  	[tilespmem:s17], [sflag:$0x5] =	stream.strided.gather [hbm4b:s7+s14], $0x2800, s15, s14, $0x38;
	[tilespmem:$0x18000] =	vst v63  }
0x19: {  	_ =	swait.ge [sflag:s16], $0x2800  }
0x1a: {  	[sflag:s16] =	ssyncset.done $0x0  }
0x1b: {  	s8 =	rddreg [dreg:$0x5];
	[sflag:s16] =	ssyncadd.s32 $0xFFFFD800  }
0x1c: {  	[tilespmem:s18], [sflag:$0x5] =	stream.strided.gather [hbm4b:s8+s14], $0x2800, s15, s14, $0x38;
	[tilespmem:$0x18000] =	vst v63  }
0x1d: {  	_ =	swait.ge [sflag:s16], $0x2800  }
0x1e: {  	[sflag:s16] =	ssyncset.done $0x0  }
0x1f: {  	s21 =	rddreg [dreg:$0x6];
	[sflag:s16] =	ssyncadd.s32 $0xFFFFD800  }
0x20: {  	[tilespmem:s19], [sflag:$0x5] =	stream.strided.gather [hbm4b:s21+s14], $0x2800, s15, s14, $0x38;
	[tilespmem:$0x18000] =	vst v63  }
0x21: {  	_ =	swait.ge [sflag:s16], $0x2800  }
0x22: {  	[sflag:s16] =	ssyncset.done $0x0  }
0x23: {  	s6 =	simm.s32 $0x40;
	s5 =	simm.s32 $0x0;
	[sflag:s16] =	ssyncadd.s32 $0xFFFFD800  }
.LBB2_2:
0x24: {  	p0 =	sne.s32 s6, $0x9FC0;
	[tilespmem:s5+$0x11800] =	vst v0;
	s7 =	smov.u32 s6;
	s6 =	sadd.s32 $0x40, s6  }
.Ltmp0:
0x25: {  	[tilespmem:s5+$0xF000] =	vst v0;
	(pc) =	sbr.rel @p0 .LBB2_2-.Ltmp0, $3  }
0x26: {  	[tilespmem:s5+$0xA000] =	vst v0  }
0x27: {  	[tilespmem:s5+$0xC800] =	vst v0;
	_ =	sdelay $0x1  }
0x28: {  	s5 =	sshra.s32 s7, $0x2  }
0x29: {  	[tilespmem:s5+$0x11800] =	vst v0  }
0x2a: {  	[tilespmem:s5+$0xF000] =	vst v0  }
0x2b: {  	[tilespmem:s5+$0xA000] =	vst v0  }
0x2c: {  	[tilespmem:s5+$0xC800] =	vst v0;
	s8 =	simm.s32 $0x14000  }
0x2d: {  	[tilespmem:s8], [sflag:$0x1] =	stream.linear.gather [hbm4b:s4+s20], $0xFA0, $0x38;
	[tilespmem:$0x18000] =	vst v63  }
0x2e: {  	s21 =	simm.s32 $0x16000  }
0x2f: {  	[tilespmem:s21], [sflag:$0x3] =	stream.linear.gather [hbm4b:s2+s20], $0xFA0, $0x38;
	[tilespmem:$0x18000] =	vst v63  }
0x30: {  	s21 =	simm.s32 $0x0  }
.LBB2_4:
0x31: {  	s5 =	smul.u32 $0x1F40, s21;
	_ =	sdelay $0x1  }
0x32: {  	s6 =	sshrl.u32 s5, $0x3  }
0x33: {  	s6 =	sadd.s32 $0x1F4, s6  }
0x34: {  	s7 =	sadd.s32 s4, s6  }
0x35: {  	[tilespmem:s22], [sflag:$0x2] =	stream.linear.gather [hbm4b:s7+s20], $0xFA0, $0x38;
	[tilespmem:$0x18000] =	vst v63  }
0x36: {  	s6 =	sadd.s32 s2, s6  }
0x37: {  	[tilespmem:s23], [sflag:$0x4] =	stream.linear.gather [hbm4b:s6+s20], $0xFA0, $0x38;
	[tilespmem:$0x18000] =	vst v63  }
0x38: {  	_ =	swait.ge [sflag:s24], $0xFA0  }
0x39: {  	[sflag:s24] =	ssyncset.done $0x0  }
0x3a: {  	[sflag:s24] =	ssyncadd.s32 $0xFFFFF060  }
0x3b: {  	_ =	swait.ge [sflag:s25], $0xFA0  }
0x3c: {  	[sflag:s25] =	ssyncset.done $0x0  }
0x3d: {  	s8 =	simm.s32 $0x0;
	[sflag:s25] =	ssyncadd.s32 $0xFFFFF060  }
0x3e: {  	v1 =	vld [tilespmem:s8+$0x14000];
	_ =	sdelay $0x4  }
0x3f: {  	v2 =	vand.u32 $0xFFFF, v1;
	_ =	sdelay $0x3  }
0x40: {  	v4 =	vld [tilespmem:s8+$0x16000]  }
0x41: {  	v3 =	vld.idx.msk [tilespmem:v2+s3+$0x0], $0xffff;
	_ =	sdelay $0x1  }
0x42: {  	v1 =	vshrl.u32 v1, $0x10;
	_ =	sdelay $0x2  }
0x43: {  	v3 =	vmul.f32 v3, v4;
	_ =	sdelay $0x1  }
0x44: {  	[tilespmem:v1+s26+$0x0] =	vst.idx.add.f32.msk $0xffff, v3  }
0x45: {  	v3 =	vld.idx.msk [tilespmem:v2+s17+$0x0], $0xffff;
	_ =	sdelay $0x4  }
0x46: {  	v3 =	vmul.f32 v3, v4;
	_ =	sdelay $0x1  }
0x47: {  	[tilespmem:v1+s28+$0x0] =	vst.idx.add.f32.msk $0xffff, v3  }
0x48: {  	v3 =	vld.idx.msk [tilespmem:v2+s18+$0x0], $0xffff;
	_ =	sdelay $0x4  }
0x49: {  	v3 =	vmul.f32 v3, v4;
	_ =	sdelay $0x1  }
0x4a: {  	[tilespmem:v1+s29+$0x0] =	vst.idx.add.f32.msk $0xffff, v3  }
0x4b: {  	v2 =	vld.idx.msk [tilespmem:v2+s19+$0x0], $0xffff;
	_ =	sdelay $0x4  }
0x4c: {  	s7 =	simm.s32 $0x80;
	s6 =	simm.s32 $0x40;
	v2 =	vmul.f32 v2, v4  }
.LBB2_5:
0x4d: {  	p0 =	sne.s32 s7, $0x3E40  }
0x4e: {  	s8 =	sshra.s32 s6, $0x2;
	s6 =	smov.u32 s7;
	s7 =	sadd.s32 $0x40, s7;
	[tilespmem:v1+s30+$0x0] =	vst.idx.add.f32.msk $0xffff, v2  }
0x4f: {  	v1 =	vld [tilespmem:s8+$0x14000];
	_ =	sdelay $0x4  }
0x50: {  	v2 =	vand.u32 $0xFFFF, v1;
	_ =	sdelay $0x4  }
0x51: {  	v3 =	vld.idx.msk [tilespmem:v2+s3+$0x0], $0xffff  }
0x52: {  	v4 =	vld [tilespmem:s8+$0x16000];
	_ =	sdelay $0x1  }
0x53: {  	v1 =	vshrl.u32 v1, $0x10;
	_ =	sdelay $0x2  }
0x54: {  	v3 =	vmul.f32 v3, v4;
	_ =	sdelay $0x1  }
0x55: {  	[tilespmem:v1+s26+$0x0] =	vst.idx.add.f32.msk $0xffff, v3  }
0x56: {  	v3 =	vld.idx.msk [tilespmem:v2+s17+$0x0], $0xffff;
	_ =	sdelay $0x5  }
0x57: {  	v3 =	vmul.f32 v3, v4;
	_ =	sdelay $0x1  }
0x58: {  	[tilespmem:v1+s28+$0x0] =	vst.idx.add.f32.msk $0xffff, v3  }
0x59: {  	v3 =	vld.idx.msk [tilespmem:v2+s18+$0x0], $0xffff;
	_ =	sdelay $0x5  }
0x5a: {  	v3 =	vmul.f32 v3, v4;
	_ =	sdelay $0x1  }
0x5b: {  	[tilespmem:v1+s29+$0x0] =	vst.idx.add.f32.msk $0xffff, v3  }
0x5c: {  	v2 =	vld.idx.msk [tilespmem:v2+s19+$0x0], $0xffff;
	_ =	sdelay $0x1  }
.Ltmp1:
0x5d: {  	(pc) =	sbr.rel @p0 .LBB2_5-.Ltmp1, $2  }
0x5e: {  	_ =	sdelay $0x2  }
0x5f: {  	v2 =	vmul.f32 v2, v4  }
0x60: {  	_ =	sdelay $0x3  }
0x61: {  	s6 =	sshra.s32 s6, $0x2;
	[tilespmem:v1+s30+$0x0] =	vst.idx.add.f32.msk $0xffff, v2  }
0x62: {  	v1 =	vld [tilespmem:s6+$0x14000];
	_ =	sdelay $0x4  }
0x63: {  	v2 =	vand.u32 $0xFFFF, v1;
	_ =	sdelay $0x3  }
0x64: {  	v4 =	vld [tilespmem:s6+$0x16000]  }
0x65: {  	v3 =	vld.idx.msk [tilespmem:v2+s3+$0x0], $0xffff;
	_ =	sdelay $0x1  }
0x66: {  	v1 =	vshrl.u32 v1, $0x10;
	_ =	sdelay $0x2  }
0x67: {  	v3 =	vmul.f32 v3, v4;
	_ =	sdelay $0x1  }
0x68: {  	[tilespmem:v1+s26+$0x0] =	vst.idx.add.f32.msk $0xffff, v3  }
0x69: {  	v3 =	vld.idx.msk [tilespmem:v2+s17+$0x0], $0xffff;
	_ =	sdelay $0x4  }
0x6a: {  	v3 =	vmul.f32 v3, v4;
	_ =	sdelay $0x1  }
0x6b: {  	[tilespmem:v1+s28+$0x0] =	vst.idx.add.f32.msk $0xffff, v3  }
0x6c: {  	v3 =	vld.idx.msk [tilespmem:v2+s18+$0x0], $0xffff;
	_ =	sdelay $0x4  }
0x6d: {  	v3 =	vmul.f32 v3, v4;
	_ =	sdelay $0x1  }
0x6e: {  	[tilespmem:v1+s29+$0x0] =	vst.idx.add.f32.msk $0xffff, v3  }
0x6f: {  	v2 =	vld.idx.msk [tilespmem:v2+s19+$0x0], $0xffff;
	_ =	sdelay $0x3  }
0x70: {  	p0 =	seq.s32 s21, $0x27  }
0x71: {  	s5 =	sshrl.u32 @!p0 s5, $0x3;
	v2 =	vmul.f32 v2, v4  }
0x72: {  	s5 =	sadd.s32 @!p0 $0x3E8, s5  }
0x73: {  	s7 =	simm.s32 @!p0 $0x0;
	s8 =	simm.s32 @!p0 $0x14000;
	s6 =	sadd.s32 @!p0 s4, s5;
	[tilespmem:v1+s30+$0x0] =	vst.idx.add.f32.msk $0xffff, v2  }
0x74: {  	[tilespmem:s8], [sflag:$0x1] =	stream.linear.gather @!p0 [hbm4b:s6+s7], $0xFA0, $0x38;
	[tilespmem:$0x18000] =	vst v63  }
0x75: {  	s5 =	sadd.s32 @!p0 s2, s5;
	s6 =	simm.s32 @!p0 $0x16000  }
0x76: {  	[tilespmem:s6], [sflag:$0x3] =	stream.linear.gather @!p0 [hbm4b:s5+s7], $0xFA0, $0x38;
	[tilespmem:$0x18000] =	vst v63  }
0x77: {  	_ =	swait.ge [sflag:s31], $0xFA0  }
0x78: {  	[sflag:s31] =	ssyncset.done $0x0  }
0x79: {  	[sflag:s31] =	ssyncadd.s32 $0xFFFFF060  }
0x7a: {  	_ =	swait.ge [sflag:s0], $0xFA0  }
0x7b: {  	[sflag:s0] =	ssyncset.done $0x0  }
0x7c: {  	s8 =	simm.s32 $0x0;
	[sflag:s0] =	ssyncadd.s32 $0xFFFFF060  }
0x7d: {  	v1 =	vld [tilespmem:s8+$0x15000];
	_ =	sdelay $0x4  }
0x7e: {  	v2 =	vand.u32 $0xFFFF, v1;
	_ =	sdelay $0x3  }
0x7f: {  	v63 =	vld [tilespmem:s8+$0x17000]  }
0x80: {  	v3 =	vld.idx.msk [tilespmem:v2+s3+$0x0], $0xffff;
	_ =	sdelay $0x1  }
0x81: {  	v1 =	vshrl.u32 v1, $0x10;
	_ =	sdelay $0x2  }
0x82: {  	v3 =	vmul.f32 v3, v63;
	_ =	sdelay $0x1  }
0x83: {  	[tilespmem:v1+s26+$0x0] =	vst.idx.add.f32.msk $0xffff, v3  }
0x84: {  	v3 =	vld.idx.msk [tilespmem:v2+s17+$0x0], $0xffff;
	_ =	sdelay $0x4  }
0x85: {  	v3 =	vmul.f32 v3, v63;
	_ =	sdelay $0x1  }
0x86: {  	[tilespmem:v1+s28+$0x0] =	vst.idx.add.f32.msk $0xffff, v3  }
0x87: {  	v3 =	vld.idx.msk [tilespmem:v2+s18+$0x0], $0xffff;
	_ =	sdelay $0x4  }
0x88: {  	v3 =	vmul.f32 v3, v63;
	_ =	sdelay $0x1  }
0x89: {  	[tilespmem:v1+s29+$0x0] =	vst.idx.add.f32.msk $0xffff, v3  }
0x8a: {  	v2 =	vld.idx.msk [tilespmem:v2+s19+$0x0], $0xffff;
	_ =	sdelay $0x4  }
0x8b: {  	s5 =	simm.s32 $0x40;
	s6 =	simm.s32 $0x80;
	v2 =	vmul.f32 v2, v63  }
.LBB2_7:
0x8c: {  	p0 =	sne.s32 s6, $0x3E40  }
0x8d: {  	s7 =	sshra.s32 s5, $0x2;
	s5 =	smov.u32 s6;
	s6 =	sadd.s32 $0x40, s6;
	[tilespmem:v1+s30+$0x0] =	vst.idx.add.f32.msk $0xffff, v2  }
0x8e: {  	v1 =	vld [tilespmem:s7+$0x15000];
	_ =	sdelay $0x4  }
0x8f: {  	v2 =	vand.u32 $0xFFFF, v1;
	_ =	sdelay $0x4  }
0x90: {  	v3 =	vld.idx.msk [tilespmem:v2+s3+$0x0], $0xffff  }
0x91: {  	v4 =	vld [tilespmem:s7+$0x17000];
	_ =	sdelay $0x1  }
0x92: {  	v1 =	vshrl.u32 v1, $0x10;
	_ =	sdelay $0x2  }
0x93: {  	v3 =	vmul.f32 v3, v4;
	_ =	sdelay $0x1  }
0x94: {  	[tilespmem:v1+s26+$0x0] =	vst.idx.add.f32.msk $0xffff, v3  }
0x95: {  	v3 =	vld.idx.msk [tilespmem:v2+s17+$0x0], $0xffff;
	_ =	sdelay $0x5  }
0x96: {  	v3 =	vmul.f32 v3, v4;
	_ =	sdelay $0x1  }
0x97: {  	[tilespmem:v1+s28+$0x0] =	vst.idx.add.f32.msk $0xffff, v3  }
0x98: {  	v3 =	vld.idx.msk [tilespmem:v2+s18+$0x0], $0xffff;
	_ =	sdelay $0x5  }
0x99: {  	v3 =	vmul.f32 v3, v4;
	_ =	sdelay $0x1  }
0x9a: {  	[tilespmem:v1+s29+$0x0] =	vst.idx.add.f32.msk $0xffff, v3  }
0x9b: {  	v2 =	vld.idx.msk [tilespmem:v2+s19+$0x0], $0xffff;
	_ =	sdelay $0x1  }
.Ltmp2:
0x9c: {  	(pc) =	sbr.rel @p0 .LBB2_7-.Ltmp2, $2  }
0x9d: {  	_ =	sdelay $0x2  }
0x9e: {  	v2 =	vmul.f32 v2, v4  }
0x9f: {  	_ =	sdelay $0x3  }
0xa0: {  	s5 =	sshra.s32 s5, $0x2;
	[tilespmem:v1+s30+$0x0] =	vst.idx.add.f32.msk $0xffff, v2  }
0xa1: {  	v1 =	vld [tilespmem:s5+$0x15000];
	_ =	sdelay $0x4  }
0xa2: {  	v2 =	vand.u32 $0xFFFF, v1;
	_ =	sdelay $0x3  }
0xa3: {  	v4 =	vld [tilespmem:s5+$0x17000]  }
0xa4: {  	v3 =	vld.idx.msk [tilespmem:v2+s3+$0x0], $0xffff;
	_ =	sdelay $0x1  }
0xa5: {  	v1 =	vshrl.u32 v1, $0x10;
	_ =	sdelay $0x2  }
0xa6: {  	v3 =	vmul.f32 v3, v4;
	_ =	sdelay $0x1  }
0xa7: {  	[tilespmem:v1+s26+$0x0] =	vst.idx.add.f32.msk $0xffff, v3  }
0xa8: {  	v3 =	vld.idx.msk [tilespmem:v2+s17+$0x0], $0xffff;
	_ =	sdelay $0x4  }
0xa9: {  	v3 =	vmul.f32 v3, v4;
	_ =	sdelay $0x1  }
0xaa: {  	[tilespmem:v1+s28+$0x0] =	vst.idx.add.f32.msk $0xffff, v3  }
0xab: {  	v3 =	vld.idx.msk [tilespmem:v2+s18+$0x0], $0xffff;
	_ =	sdelay $0x4  }
0xac: {  	v3 =	vmul.f32 v3, v4;
	_ =	sdelay $0x1  }
0xad: {  	[tilespmem:v1+s29+$0x0] =	vst.idx.add.f32.msk $0xffff, v3  }
0xae: {  	v2 =	vld.idx.msk [tilespmem:v2+s19+$0x0], $0xffff  }
0xaf: {  	s21 =	sadd.s32 $0x1, s21  }
0xb0: {  	p0 =	sne.s32 s21, $0x28  }
.Ltmp3:
0xb1: {  	_ = 	snop;
	(pc) =	sbr.rel @p0 .LBB2_4-.Ltmp3, $3  }
0xb2: {  	_ = 	snop  }
0xb3: {  	v2 =	vmul.f32 v2, v4;
	_ =	sdelay $0x1  }
0xb4: {  	[tilespmem:v1+s30+$0x0] =	vst.idx.add.f32.msk $0xffff, v2  }
0xb5: {  	[hbm4b:s9+s14] =	stream.strided.scatter [tilespmem:s26], [sflag:$0x5], $0x2800, s15, s14, $0x38;
	[tilespmem:$0x18000] =	vst v63  }
0xb6: {  	_ =	swait.ge [sflag:s16], $0x2800  }
0xb7: {  	[sflag:s16] =	ssyncset.done $0x0  }
0xb8: {  	[sflag:s16] =	ssyncadd.s32 $0xFFFFD800  }
0xb9: {  	[hbm4b:s10+s14] =	stream.strided.scatter [tilespmem:s28], [sflag:$0x5], $0x2800, s15, s14, $0x38;
	[tilespmem:$0x18000] =	vst v63  }
0xba: {  	_ =	swait.ge [sflag:s16], $0x2800  }
0xbb: {  	[sflag:s16] =	ssyncset.done $0x0  }
0xbc: {  	[sflag:s16] =	ssyncadd.s32 $0xFFFFD800  }
0xbd: {  	[hbm4b:s11+s14] =	stream.strided.scatter [tilespmem:s29], [sflag:$0x5], $0x2800, s15, s14, $0x38;
	[tilespmem:$0x18000] =	vst v63  }
0xbe: {  	s1 =	sadd.s32 $0x1, s1;
	_ =	swait.ge [sflag:s16], $0x2800  }
0xbf: {  	p0 =	sne.s32 s1, s13;
	[sflag:s16] =	ssyncset.done $0x0  }
.Ltmp4:
0xc0: {  	[sflag:s16] =	ssyncadd.s32 $0xFFFFD800;
	(pc) =	sbr.rel @p0 .LBB2_1-.Ltmp4, $4  }
0xc1: {  	[hbm4b:s12+s14] =	stream.strided.scatter [tilespmem:s30], [sflag:$0x5], $0x2800, s15, s14, $0x38;
	[tilespmem:$0x18000] =	vst v63  }
0xc2: {  	_ =	swait.ge [sflag:s16], $0x2800  }
0xc3: {  	[sflag:s16] =	ssyncset.done $0x0  }
0xc4: {  	[sflag:s16] =	ssyncadd.s32 $0xFFFFD800  }
0xc5: {  	_ =	sfence.sel $0x180000  }
0xc6: {  	[bflag:$0x0] =	sbarrier.arrive $0xFFFF  }
0xc7: {  	_ =	strace $0x9000004D  }
0xc8: {  	s0 =	stileid.u32;
	[bflag:$0x2] =	sbarrier.arrive $0xFFFF  }
0xc9: {  	p0 =	sne.s32 s0, $0x0;
	s0 =	rddreg [dreg:$0x2]  }
0xca: {  	s0 =	sadd.s32 @!p0 $0x100000, s0  }
0xcb: {  	[sflag:s0] =	ssyncadd.tile.s32 @!p0 $0x1;
	_ =	shalt  }
.Lfunc_end2:
_tile_overlayer_lowered:
.L_overlay_start_2:
0xcc: {  	(tag) =	ssettag $0x2  }
0xcd: {  	s0 =	rddreg [dreg:$0x0];
	s2 =	stileid.u32  }
0xce: {  	s1 =	rddreg [dreg:$0x1];
	p0 =	sne.s32 s2, $0x0  }
0xcf: {  	s3 =	rddreg [dreg:$0x2];
	[bflag:$0x3] =	sbarrier.arrive $0xFFFF;
	s2 =	simm.s32 @!p0 $0x1C05  }
0xd0: {  	[timem:s3], [sflag:s2] =	dma.local @!p0 [hbm:s0], s1  }
0xd1: {  	s0 =	simm.s32 @!p0 $0x5  }
0xd2: {  	_ =	swait.ge @!p0 [sflag:s0], s1  }
0xd3: {  	s1 =	ssub.s32 @!p0 $0x0, s1;
	[sflag:s0] =	ssyncset.done @!p0 $0x0  }
0xd4: {  	[sflag:s0] =	ssyncadd.s32 @!p0 s1  }
0xd5: {  	[bflag:$0x3] =	sbarrier.arrive $0xFFFF  }
0xd6: {  	_ =	shalt  }

// kernel: kernel.20.cloned.1.call-start
scs
__scs_entry_jumppad:
0x0: {  	(pc) =	sbr.rel $0x88, $3  }
0x1: {  	(tag) =	ssettag $0x0;
	lr =	simm.s32 $0x1  }
0x2: {  	[smem:$0x3F9A] =	sst lr;
	_ =	strace $0xD0000000  }
0x3: {  	_ = 	snop  }
0x4: {  	_ = 	snop  }
0x5: {  	_ = 	snop  }
0x6: {  	_ = 	snop  }
0x7: {  	_ = 	snop  }
__scs_overlays_trampoline_lowered:
0x8: {  	[smem:$0x3FA9] =	sst s0  }
0x9: {  	[smem:$0x3FAA] =	sst s1  }
0xa: {  	[smem:$0x3FAB] =	sst s2  }
0xb: {  	[smem:$0x3FAC] =	sst s3  }
0xc: {  	[smem:$0x3FAD] =	sst s4  }
0xd: {  	[smem:$0x3FAE] =	sst s5  }
0xe: {  	[smem:$0x3FAF] =	sst s6  }
0xf: {  	[smem:$0x3FB0] =	sst s7  }
0x10: {  	[smem:$0x3FB1] =	sst s8  }
0x11: {  	[smem:$0x3FB2] =	sst s9;
	s0 =	simm.s32 @!p0 $0x0  }
0x12: {  	s1 =	sld [smem:$0x3F98];
	s0 =	simm.s32 @p0 $0x1  }
0x13: {  	[smem:$0x3FB3] =	sst s0;
	s0 =	simm.s32 @!p1 $0x0  }
0x14: {  	s2 =	sld [smem:$0x3F97];
	s0 =	simm.s32 @p1 $0x1  }
0x15: {  	[smem:$0x3FB4] =	sst s0;
	s0 =	simm.s32 @!p2 $0x0  }
0x16: {  	s3 =	sld [smem:$0x3FDB];
	s0 =	simm.s32 @p2 $0x1  }
0x17: {  	s4 =	simm.s32 $0x1BF5;
	[smem:$0x3FB6] =	sst s0  }
0x18: {  	s0 =	sld [smem:$0x3F99];
	_ =	swait.ge [sflag:s4], $0x0  }
0x19: {  	s7 =	sld [smem:$0x3F9A]  }
0x1a: {  	s8 =	sadd.s32 $0xFFFFE003, lr  }
0x1b: {  	s9 =	sadd.s32 $0xFFFFFEF7, lr;
	s5 =	simm.s32 $0xFFFFFFFF;
	p2 =	slt.u32 s8, $0xFFFFF086  }
0x1c: {  	p1 =	slt.u32 s9, $0xF7A;
	s5 =	simm.s32 @!p2 $0x0  }
0x1d: {  	s5 =	simm.s32 @p1 $0x1;
	p0 =	seq.s32 s7, s2  }
0x1e: {  	s7 =	smul.u32 @!p0 $0xF7A, s2;
	p2 =	seq.s32 @!p0 s5, $0x0  }
0x1f: {  	s9 =	smul.u32 $0xF7A, s1;
	s8 =	simm.s32 @!p0 $0x1BF5;
	p2 =	por !p2, p0  }
0x20: {  	[sflag:s8] =	ssyncset.s32 @!p0 $0xFFFFF086;
	s6 =	sadd.s32 @!p0 s3, s7;
	s7 =	simm.s32 @!p0 $0x108  }
0x21: {  	s3 =	sadd.s32 s3, s9;
	s6 =	sadd.s32 @!p0 $0x88, s6;
	s7 =	simm.s32 @p2 $0x1082  }
0x22: {  	[simem:s7], [sflag:s8] =	dma.local @!p0 [hbm:s6], $0xF7A  }
0x23: {  	s9 =	sor.u32 $0xD0000000, s2;
	s6 =	simm.s32 $0x108;
	_ =	swait.ge @!p0 [sflag:s8], $0x0  }
0x24: {  	s3 =	sadd.s32 $0x88, s3;
	s6 =	simm.s32 @!p1 $0x1082;
	[sflag:s4] =	ssyncset.s32 $0xFFFFF086  }
0x25: {  	[simem:s6], [sflag:s4] =	dma.local [hbm:s3], $0xF7A  }
0x26: {  	[smem:$0x3F9A] =	sst s1;
	(tag) =	ssettag s2;
	_ =	strace s9  }
0x27: {  	s1 =	sld [smem:$0x3FAA]  }
0x28: {  	s2 =	sld [smem:$0x3FAB]  }
0x29: {  	s4 =	sld [smem:$0x3FAD]  }
0x2a: {  	p0 =	seq.s32 s5, $0x0;
	s5 =	sld [smem:$0x3FAE]  }
0x2b: {  	s6 =	sld [smem:$0x3FAF]  }
0x2c: {  	s7 =	sld [smem:$0x3FB0]  }
0x2d: {  	s3 =	simm.s32 $0x108;
	s8 =	sld [smem:$0x3FB1]  }
0x2e: {  	s3 =	simm.s32 @!p0 $0x1082;
	s9 =	sld [smem:$0x3FB2]  }
0x2f: {  	lr =	sadd.s32 s0, s3;
	s0 =	sld [smem:$0x3FA9]  }
0x30: {  	s3 =	sld [smem:$0x3FAC]  }
0x31: {  	[smem:$0x3FB5] =	sst s10  }
0x32: {  	s10 =	sld [smem:$0x3FB3];
	_ =	sdelay $0x3  }
0x33: {  	p0 =	seq.s32 s10, $0x1;
	s10 =	sld [smem:$0x3FB5];
	_ =	sdelay $0x3  }
0x34: {  	[smem:$0x3FB5] =	sst s10  }
0x35: {  	s10 =	sld [smem:$0x3FB4];
	_ =	sdelay $0x3  }
0x36: {  	p1 =	seq.s32 s10, $0x1;
	s10 =	sld [smem:$0x3FB5];
	_ =	sdelay $0x3  }
0x37: {  	[smem:$0x3FB5] =	sst s10  }
0x38: {  	s10 =	sld [smem:$0x3FB6]  }
0x39: {  	_ = 	snop;
	(pc) =	sbr.ind lr, $3  }
0x3a: {  	_ = 	snop  }
0x3b: {  	_ = 	snop  }
0x3c: {  	p2 =	seq.s32 s10, $0x1;
	s10 =	sld [smem:$0x3FB5]  }
0x3d: {  	_ =	shalt  }
0x3e: {  	_ =	shalt  }
0x3f: {  	_ =	shalt  }
0x40: {  	_ =	shalt  }
0x41: {  	_ =	shalt  }
0x42: {  	_ =	shalt  }
0x43: {  	_ =	shalt  }
0x44: {  	_ =	shalt  }
0x45: {  	_ =	shalt  }
0x46: {  	_ =	shalt  }
0x47: {  	_ =	shalt  }
0x48: {  	_ =	shalt  }
0x49: {  	_ =	shalt  }
0x4a: {  	_ =	shalt  }
0x4b: {  	_ =	shalt  }
0x4c: {  	_ =	shalt  }
0x4d: {  	_ =	shalt  }
0x4e: {  	_ =	shalt  }
0x4f: {  	_ =	shalt  }
0x50: {  	_ =	shalt  }
0x51: {  	_ =	shalt  }
0x52: {  	_ =	shalt  }
0x53: {  	_ =	shalt  }
0x54: {  	_ =	shalt  }
0x55: {  	_ =	shalt  }
0x56: {  	_ =	shalt  }
0x57: {  	_ =	shalt  }
0x58: {  	_ =	shalt  }
0x59: {  	_ =	shalt  }
0x5a: {  	_ =	shalt  }
0x5b: {  	_ =	shalt  }
0x5c: {  	_ =	shalt  }
0x5d: {  	_ =	shalt  }
0x5e: {  	_ =	shalt  }
0x5f: {  	_ =	shalt  }
0x60: {  	_ =	shalt  }
0x61: {  	_ =	shalt  }
0x62: {  	_ =	shalt  }
0x63: {  	_ =	shalt  }
0x64: {  	_ =	shalt  }
0x65: {  	_ =	shalt  }
0x66: {  	_ =	shalt  }
0x67: {  	_ =	shalt  }
0x68: {  	_ =	shalt  }
0x69: {  	_ =	shalt  }
0x6a: {  	_ =	shalt  }
0x6b: {  	_ =	shalt  }
0x6c: {  	_ =	shalt  }
0x6d: {  	_ =	shalt  }
0x6e: {  	_ =	shalt  }
0x6f: {  	_ =	shalt  }
0x70: {  	_ =	shalt  }
0x71: {  	_ =	shalt  }
0x72: {  	_ =	shalt  }
0x73: {  	_ =	shalt  }
0x74: {  	_ =	shalt  }
0x75: {  	_ =	shalt  }
0x76: {  	_ =	shalt  }
0x77: {  	_ =	shalt  }
0x78: {  	_ =	shalt  }
0x79: {  	_ =	shalt  }
0x7a: {  	_ =	shalt  }
0x7b: {  	_ =	shalt  }
0x7c: {  	_ =	shalt  }
0x7d: {  	_ =	shalt  }
0x7e: {  	_ =	shalt  }
0x7f: {  	_ =	shalt  }
0x80: {  	_ =	shalt  }
0x81: {  	_ =	shalt  }
0x82: {  	_ =	shalt  }
0x83: {  	_ =	shalt  }
0x84: {  	_ =	shalt  }
0x85: {  	_ =	shalt  }
0x86: {  	_ =	shalt  }
0x87: {  	_ =	shalt  }
.Lfunc_end0:
.L_simem_size_0:
called_computation.3_lowered:
.L_overlay_start_0:
0x88: {  	s2 =	sld [smem:$0x3FD9]  }
0x89: {  	s3 =	sld [smem:$0x3FFE];
	_ =	sdelay $0x1  }
0x8a: {  	s1 =	srdreg.scid  }
0x8b: {  	s0 =	sand.u32 $0x1, s1  }
0x8c: {  	s17 =	sshll.u32 s0, $0xA;
	s2 =	sadd.s32 s3, s2  }
0x8d: {  	s2 =	sadd.s32 s2, s17  }
0x8e: {  	[smem:$0x3FC1] =	sst s2  }
0x8f: {  	_ = 	snop  }
0x90: {  	s2 =	sld [smem:$0x3FD0];
	(tm) =	ssettm $0x1  }
0x91: {  	s18 =	sld [smem:$0x3FFB];
	_ =	sdelay $0x3  }
0x92: {  	_ =	strace s18  }
0x93: {  	s3 =	sld [smem:$0x3FFC];
	_ =	sdelay $0x3  }
0x94: {  	_ =	strace s3  }
0x95: {  	s3 =	sld [smem:$0x3FFD];
	_ =	sdelay $0x3  }
0x96: {  	_ =	strace s3  }
0x97: {  	_ =	strace $0x8FFFFFFF  }
0x98: {  	s19 =	sld [smem:$0x3FDB];
	_ =	sdelay $0x1  }
0x99: {  	s4 =	simm.s32 $_scs_section_size  }
0x9a: {  	s5 =	simm.s32 $_size__tile_overlayer_lowered;
	s6 =	simm.s32 $_tile_overlayer_lowered  }
0x9b: {  	s22 =	simm.s32 $0x1BFF;
	s21 =	sshll.u32 s6, $0x1;
	s3 =	sadd.s32 s4, s19  }
0x9c: {  	s7 =	simm.s32 $0x0;
	s20 =	sshll.u32 s5, $0x1;
	s5 =	sadd.s32 s21, s3  }
0x9d: {  	[timem:s7], [sflag:s22] =	dma.local [hbm:s5], s20  }
0x9e: {  	_ =	swait.ge [sflag:s22], s20  }
0x9f: {  	s4 =	ssub.s32 $0x0, s20;
	[sflag:s22] =	ssyncset.done $0x0  }
0xa0: {  	[sflag:s22] =	ssyncadd.s32 s4;
	_ =	sdelay $0x1  }
0xa1: {  	s23 =	simm.s32 $0x1B8B  }
0xa2: {  	_ =	swait.ge [sflag:s23], $0x1  }
0xa3: {  	[sflag:s23] =	ssyncset.done $0x0  }
0xa4: {  	s25 =	simm.s32 $0x1B8E;
	s24 =	sld [smem:$0x3FFE];
	[sflag:s23] =	ssyncadd.s32 $0xFFFFFFFF  }
0xa5: {  	s26 =	simm.s32 $execute0_lowered;
	[smem:$0x3FD2] =	sst s25  }
0xa6: {  	s5 =	sshll.u32 s26, $0x1;
	_ =	strace $0x8000004F;
	[dreg:$0x1] =	wrdreg $0xFFFFFFFF  }
0xa7: {  	s28 =	simm.s32 $_size_execute0_lowered;
	s3 =	sadd.s32 s3, s5;
	[dreg:$0x0] =	wrdreg $0x0  }
0xa8: {  	s5 =	sshll.u32 s28, $0x1;
	[dreg:$0x2] =	wrdreg s3  }
0xa9: {  	[dreg:$0x3] =	wrdreg s5  }
0xaa: {  	[dreg:$0x4] =	wrdreg $0xC0  }
0xab: {  	_ =	task [dreg:s7], $0x5FFFF  }
0xac: {  	[dreg:$0x1] =	wrdreg $0xFFFFFFFF  }
0xad: {  	[dreg:$0x0] =	wrdreg $0x60  }
0xae: {  	[dreg:$0x2] =	wrdreg s24  }
0xaf: {  	[dreg:$0x3] =	wrdreg s2  }
0xb0: {  	[dreg:$0x4] =	wrdreg $0x9  }
0xb1: {  	_ =	task.clear_ibuf [dreg:s7], $0x5FFFF;
	_ =	strace $0x9000004F  }
0xb2: {  	s29 =	simm.s32 $0x9;
	_ =	strace $0x80000051  }
0xb3: {  	_ =	swait.ge [sflag:s29], $0x1  }
0xb4: {  	[sflag:s29] =	ssyncadd.s32 $0xFFFFFFFF  }
0xb5: {  	_ =	strace $0x90000051  }
0xb6: {  	_ =	sfence  }
0xb7: {  	s30 =	sld [smem:$0x0];
	_ =	sdelay $0x2  }
0xb8: {  	s31 =	sshll.u32 s1, $0xD;
	s1 =	sshrl.u32 s1, $0x2  }
0xb9: {  	s3 =	sand.u32 $0x4000, s31;
	s1 =	sadd.s32 s1, s30  }
0xba: {  	s0 =	sor.u32 s3, s0;
	s1 =	sshll.u32 s1, $0x11  }
0xbb: {  	s0 =	sor.u32 s1, s0  }
0xbc: {  	s0 =	sadd.s32 $0x8F2B, s0  }
0xbd: {  	[sflag:s0] =	ssyncadd.remote.s32 $0x1  }
0xbe: {  	_ =	sfence.sel $0xFFFF  }
0xbf: {  	[dreg:$0x0] =	wrdreg $0xFFFFFFFF;
	(pc) =	sbr.abs _section_cstart, $3  }
0xc0: {  	[dreg:$0x1] =	wrdreg $0xFFFFFFFF  }
0xc1: {  	_ =	task.clear_ibuf [dreg:s7], $0x2FFFF;
	_ =	strace $0x9FFFFFFF  }
0xc2: {  	(tm) =	ssettm $0x7FFFFFFF  }
0xc3: {  	_ =	shalt  }
tec
execute0_lowered:
.L_overlay_start_1:
0x0: {  	(tag) =	ssettag $0x1  }
0x1: {  	s0 =	rddreg [dreg:$0x0]  }
0x2: {  	s2 =	rddreg [dreg:$0x1];
	s3 =	simm.s32 $0x0;
	s1 =	srdreg.scid  }
0x3: {  	s4 =	stileid.u32;
	s14 =	simm.s32 $0x80;
	s15 =	simm.s32 $0x400  }
0x4: {  	s16 =	simm.s32 $0x5;
	s17 =	simm.s32 $0x2800;
	s18 =	simm.s32 $0x5000  }
0x5: {  	s19 =	simm.s32 $0x7800;
	s22 =	simm.s32 $0x15000;
	s23 =	simm.s32 $0x17000  }
0x6: {  	s28 =	simm.s32 $0xC800;
	s29 =	simm.s32 $0xF000;
	s30 =	simm.s32 $0x11800  }
0x7: {  	s31 =	simm.s32 $0x2;
	s20 =	simm.s32 $0x0;
	[smem:$0x7FF] =	sst s3  }
0x8: {  	s1 =	sand.u32 $0x1, s1;
	s4 =	smul.u32 $0x14000, s4;
	s6 =	sadd.s32 $0x37600, s0  }
0x9: {  	_ =	strace $0x80000050;
	s5 =	sshll.u32 s1, $0x9;
	s1 =	ssub.s32 $0x2, s1  }
0xa: {  	s5 =	sor.u32 s5, s4;
	s4 =	sadd.s32 $0x5200, s0;
	s7 =	sshrl.u32 s1, $0x1  }
0xb: {  	s0 =	sadd.s32 $0x5F600, s0;
	s5 =	sshrl.u32 s5, $0x3;
	s1 =	ssub.s32 s1, s7  }
0xc: {  	s24 =	sadd.s32 s6, s5;
	s25 =	sor.u32 $0x10, s5;
	s11 =	sor.u32 $0x20, s5  }
0xd: {  	s12 =	sor.u32 $0x30, s5;
	s9 =	sadd.s32 s0, s5;
	s13 =	smax.u32 s1, $0x1  }
0xe: {  	s1 =	simm.s32 $0x0;
	[dreg:$0x3] =	wrdreg s24;
	s8 =	sadd.s32 s6, s25  }
0xf: {  	s26 =	sadd.s32 s6, s11;
	s6 =	sadd.s32 s6, s12;
	s10 =	sadd.s32 s0, s25  }
0x10: {  	s11 =	sadd.s32 s0, s11;
	s12 =	sadd.s32 s0, s12;
	[dreg:$0x4] =	wrdreg s8  }
0x11: {  	s24 =	simm.s32 $0x1;
	s25 =	simm.s32 $0x3;
	[dreg:$0x5] =	wrdreg s26  }
0x12: {  	v0 =	vimm.f32 $0.0e+00;
	s0 =	simm.s32 $0x4;
	[dreg:$0x6] =	wrdreg s6;
	s26 =	simm.s32 $0xA000  }
.LBB2_1:
0x13: {  	s5 =	rddreg [dreg:$0x3]  }
0x14: {  	[tilespmem:s3], [sflag:$0x5] =	stream.strided.gather [hbm4b:s5+s14], $0x2800, s15, s14, $0x38;
	[tilespmem:$0x18000] =	vst v63  }
0x15: {  	_ =	swait.ge [sflag:s16], $0x2800  }
0x16: {  	[sflag:s16] =	ssyncset.done $0x0  }
0x17: {  	s7 =	rddreg [dreg:$0x4];
	[sflag:s16] =	ssyncadd.s32 $0xFFFFD800  }
0x18: {  	[tilespmem:s17], [sflag:$0x5] =	stream.strided.gather [hbm4b:s7+s14], $0x2800, s15, s14, $0x38;
	[tilespmem:$0x18000] =	vst v63  }
0x19: {  	_ =	swait.ge [sflag:s16], $0x2800  }
0x1a: {  	[sflag:s16] =	ssyncset.done $0x0  }
0x1b: {  	s8 =	rddreg [dreg:$0x5];
	[sflag:s16] =	ssyncadd.s32 $0xFFFFD800  }
0x1c: {  	[tilespmem:s18], [sflag:$0x5] =	stream.strided.gather [hbm4b:s8+s14], $0x2800, s15, s14, $0x38;
	[tilespmem:$0x18000] =	vst v63  }
0x1d: {  	_ =	swait.ge [sflag:s16], $0x2800  }
0x1e: {  	[sflag:s16] =	ssyncset.done $0x0  }
0x1f: {  	s21 =	rddreg [dreg:$0x6];
	[sflag:s16] =	ssyncadd.s32 $0xFFFFD800  }
0x20: {  	[tilespmem:s19], [sflag:$0x5] =	stream.strided.gather [hbm4b:s21+s14], $0x2800, s15, s14, $0x38;
	[tilespmem:$0x18000] =	vst v63  }
0x21: {  	_ =	swait.ge [sflag:s16], $0x2800  }
0x22: {  	[sflag:s16] =	ssyncset.done $0x0  }
0x23: {  	s6 =	simm.s32 $0x40;
	s5 =	simm.s32 $0x0;
	[sflag:s16] =	ssyncadd.s32 $0xFFFFD800  }
.LBB2_2:
0x24: {  	p0 =	sne.s32 s6, $0x9FC0;
	[tilespmem:s5+$0x11800] =	vst v0;
	s7 =	smov.u32 s6;
	s6 =	sadd.s32 $0x40, s6  }
.Ltmp0:
0x25: {  	[tilespmem:s5+$0xF000] =	vst v0;
	(pc) =	sbr.rel @p0 .LBB2_2-.Ltmp0, $3  }
0x26: {  	[tilespmem:s5+$0xA000] =	vst v0  }
0x27: {  	[tilespmem:s5+$0xC800] =	vst v0;
	_ =	sdelay $0x1  }
0x28: {  	s5 =	sshra.s32 s7, $0x2  }
0x29: {  	[tilespmem:s5+$0x11800] =	vst v0  }
0x2a: {  	[tilespmem:s5+$0xF000] =	vst v0  }
0x2b: {  	[tilespmem:s5+$0xA000] =	vst v0  }
0x2c: {  	[tilespmem:s5+$0xC800] =	vst v0;
	s8 =	simm.s32 $0x14000  }
0x2d: {  	[tilespmem:s8], [sflag:$0x1] =	stream.linear.gather [hbm4b:s4+s20], $0xFA0, $0x38;
	[tilespmem:$0x18000] =	vst v63  }
0x2e: {  	s21 =	simm.s32 $0x16000  }
0x2f: {  	[tilespmem:s21], [sflag:$0x3] =	stream.linear.gather [hbm4b:s2+s20], $0xFA0, $0x38;
	[tilespmem:$0x18000] =	vst v63  }
0x30: {  	s21 =	simm.s32 $0x0  }
.LBB2_4:
0x31: {  	s5 =	smul.u32 $0x1F40, s21;
	_ =	sdelay $0x1  }
0x32: {  	s6 =	sshrl.u32 s5, $0x3  }
0x33: {  	s6 =	sadd.s32 $0x1F4, s6  }
0x34: {  	s7 =	sadd.s32 s4, s6  }
0x35: {  	[tilespmem:s22], [sflag:$0x2] =	stream.linear.gather [hbm4b:s7+s20], $0xFA0, $0x38;
	[tilespmem:$0x18000] =	vst v63  }
0x36: {  	s6 =	sadd.s32 s2, s6  }
0x37: {  	[tilespmem:s23], [sflag:$0x4] =	stream.linear.gather [hbm4b:s6+s20], $0xFA0, $0x38;
	[tilespmem:$0x18000] =	vst v63  }
0x38: {  	_ =	swait.ge [sflag:s24], $0xFA0  }
0x39: {  	[sflag:s24] =	ssyncset.done $0x0  }
0x3a: {  	[sflag:s24] =	ssyncadd.s32 $0xFFFFF060  }
0x3b: {  	_ =	swait.ge [sflag:s25], $0xFA0  }
0x3c: {  	[sflag:s25] =	ssyncset.done $0x0  }
0x3d: {  	s8 =	simm.s32 $0x0;
	[sflag:s25] =	ssyncadd.s32 $0xFFFFF060  }
0x3e: {  	v1 =	vld [tilespmem:s8+$0x14000];
	_ =	sdelay $0x4  }
0x3f: {  	v2 =	vand.u32 $0xFFFF, v1;
	_ =	sdelay $0x3  }
0x40: {  	v4 =	vld [tilespmem:s8+$0x16000]  }
0x41: {  	v3 =	vld.idx.msk [tilespmem:v2+s3+$0x0], $0xffff;
	_ =	sdelay $0x1  }
0x42: {  	v1 =	vshrl.u32 v1, $0x10;
	_ =	sdelay $0x2  }
0x43: {  	v3 =	vmul.f32 v3, v4;
	_ =	sdelay $0x1  }
0x44: {  	[tilespmem:v1+s26+$0x0] =	vst.idx.add.f32.msk $0xffff, v3  }
0x45: {  	v3 =	vld.idx.msk [tilespmem:v2+s17+$0x0], $0xffff;
	_ =	sdelay $0x4  }
0x46: {  	v3 =	vmul.f32 v3, v4;
	_ =	sdelay $0x1  }
0x47: {  	[tilespmem:v1+s28+$0x0] =	vst.idx.add.f32.msk $0xffff, v3  }
0x48: {  	v3 =	vld.idx.msk [tilespmem:v2+s18+$0x0], $0xffff;
	_ =	sdelay $0x4  }
0x49: {  	v3 =	vmul.f32 v3, v4;
	_ =	sdelay $0x1  }
0x4a: {  	[tilespmem:v1+s29+$0x0] =	vst.idx.add.f32.msk $0xffff, v3  }
0x4b: {  	v2 =	vld.idx.msk [tilespmem:v2+s19+$0x0], $0xffff;
	_ =	sdelay $0x4  }
0x4c: {  	s7 =	simm.s32 $0x80;
	s6 =	simm.s32 $0x40;
	v2 =	vmul.f32 v2, v4  }
.LBB2_5:
0x4d: {  	p0 =	sne.s32 s7, $0x3E40  }
0x4e: {  	s8 =	sshra.s32 s6, $0x2;
	s6 =	smov.u32 s7;
	s7 =	sadd.s32 $0x40, s7;
	[tilespmem:v1+s30+$0x0] =	vst.idx.add.f32.msk $0xffff, v2  }
0x4f: {  	v1 =	vld [tilespmem:s8+$0x14000];
	_ =	sdelay $0x4  }
0x50: {  	v2 =	vand.u32 $0xFFFF, v1;
	_ =	sdelay $0x4  }
0x51: {  	v3 =	vld.idx.msk [tilespmem:v2+s3+$0x0], $0xffff  }
0x52: {  	v4 =	vld [tilespmem:s8+$0x16000];
	_ =	sdelay $0x1  }
0x53: {  	v1 =	vshrl.u32 v1, $0x10;
	_ =	sdelay $0x2  }
0x54: {  	v3 =	vmul.f32 v3, v4;
	_ =	sdelay $0x1  }
0x55: {  	[tilespmem:v1+s26+$0x0] =	vst.idx.add.f32.msk $0xffff, v3  }
0x56: {  	v3 =	vld.idx.msk [tilespmem:v2+s17+$0x0], $0xffff;
	_ =	sdelay $0x5  }
0x57: {  	v3 =	vmul.f32 v3, v4;
	_ =	sdelay $0x1  }
0x58: {  	[tilespmem:v1+s28+$0x0] =	vst.idx.add.f32.msk $0xffff, v3  }
0x59: {  	v3 =	vld.idx.msk [tilespmem:v2+s18+$0x0], $0xffff;
	_ =	sdelay $0x5  }
0x5a: {  	v3 =	vmul.f32 v3, v4;
	_ =	sdelay $0x1  }
0x5b: {  	[tilespmem:v1+s29+$0x0] =	vst.idx.add.f32.msk $0xffff, v3  }
0x5c: {  	v2 =	vld.idx.msk [tilespmem:v2+s19+$0x0], $0xffff;
	_ =	sdelay $0x1  }
.Ltmp1:
0x5d: {  	(pc) =	sbr.rel @p0 .LBB2_5-.Ltmp1, $2  }
0x5e: {  	_ =	sdelay $0x2  }
0x5f: {  	v2 =	vmul.f32 v2, v4  }
0x60: {  	_ =	sdelay $0x3  }
0x61: {  	s6 =	sshra.s32 s6, $0x2;
	[tilespmem:v1+s30+$0x0] =	vst.idx.add.f32.msk $0xffff, v2  }
0x62: {  	v1 =	vld [tilespmem:s6+$0x14000];
	_ =	sdelay $0x4  }
0x63: {  	v2 =	vand.u32 $0xFFFF, v1;
	_ =	sdelay $0x3  }
0x64: {  	v4 =	vld [tilespmem:s6+$0x16000]  }
0x65: {  	v3 =	vld.idx.msk [tilespmem:v2+s3+$0x0], $0xffff;
	_ =	sdelay $0x1  }
0x66: {  	v1 =	vshrl.u32 v1, $0x10;
	_ =	sdelay $0x2  }
0x67: {  	v3 =	vmul.f32 v3, v4;
	_ =	sdelay $0x1  }
0x68: {  	[tilespmem:v1+s26+$0x0] =	vst.idx.add.f32.msk $0xffff, v3  }
0x69: {  	v3 =	vld.idx.msk [tilespmem:v2+s17+$0x0], $0xffff;
	_ =	sdelay $0x4  }
0x6a: {  	v3 =	vmul.f32 v3, v4;
	_ =	sdelay $0x1  }
0x6b: {  	[tilespmem:v1+s28+$0x0] =	vst.idx.add.f32.msk $0xffff, v3  }
0x6c: {  	v3 =	vld.idx.msk [tilespmem:v2+s18+$0x0], $0xffff;
	_ =	sdelay $0x4  }
0x6d: {  	v3 =	vmul.f32 v3, v4;
	_ =	sdelay $0x1  }
0x6e: {  	[tilespmem:v1+s29+$0x0] =	vst.idx.add.f32.msk $0xffff, v3  }
0x6f: {  	v2 =	vld.idx.msk [tilespmem:v2+s19+$0x0], $0xffff;
	_ =	sdelay $0x3  }
0x70: {  	p0 =	seq.s32 s21, $0x27  }
0x71: {  	s5 =	sshrl.u32 @!p0 s5, $0x3;
	v2 =	vmul.f32 v2, v4  }
0x72: {  	s5 =	sadd.s32 @!p0 $0x3E8, s5  }
0x73: {  	s7 =	simm.s32 @!p0 $0x0;
	s8 =	simm.s32 @!p0 $0x14000;
	s6 =	sadd.s32 @!p0 s4, s5;
	[tilespmem:v1+s30+$0x0] =	vst.idx.add.f32.msk $0xffff, v2  }
0x74: {  	[tilespmem:s8], [sflag:$0x1] =	stream.linear.gather @!p0 [hbm4b:s6+s7], $0xFA0, $0x38;
	[tilespmem:$0x18000] =	vst v63  }
0x75: {  	s5 =	sadd.s32 @!p0 s2, s5;
	s6 =	simm.s32 @!p0 $0x16000  }
0x76: {  	[tilespmem:s6], [sflag:$0x3] =	stream.linear.gather @!p0 [hbm4b:s5+s7], $0xFA0, $0x38;
	[tilespmem:$0x18000] =	vst v63  }
0x77: {  	_ =	swait.ge [sflag:s31], $0xFA0  }
0x78: {  	[sflag:s31] =	ssyncset.done $0x0  }
0x79: {  	[sflag:s31] =	ssyncadd.s32 $0xFFFFF060  }
0x7a: {  	_ =	swait.ge [sflag:s0], $0xFA0  }
0x7b: {  	[sflag:s0] =	ssyncset.done $0x0  }
0x7c: {  	s8 =	simm.s32 $0x0;
	[sflag:s0] =	ssyncadd.s32 $0xFFFFF060  }
0x7d: {  	v1 =	vld [tilespmem:s8+$0x15000];
	_ =	sdelay $0x4  }
0x7e: {  	v2 =	vand.u32 $0xFFFF, v1;
	_ =	sdelay $0x3  }
0x7f: {  	v63 =	vld [tilespmem:s8+$0x17000]  }
0x80: {  	v3 =	vld.idx.msk [tilespmem:v2+s3+$0x0], $0xffff;
	_ =	sdelay $0x1  }
0x81: {  	v1 =	vshrl.u32 v1, $0x10;
	_ =	sdelay $0x2  }
0x82: {  	v3 =	vmul.f32 v3, v63;
	_ =	sdelay $0x1  }
0x83: {  	[tilespmem:v1+s26+$0x0] =	vst.idx.add.f32.msk $0xffff, v3  }
0x84: {  	v3 =	vld.idx.msk [tilespmem:v2+s17+$0x0], $0xffff;
	_ =	sdelay $0x4  }
0x85: {  	v3 =	vmul.f32 v3, v63;
	_ =	sdelay $0x1  }
0x86: {  	[tilespmem:v1+s28+$0x0] =	vst.idx.add.f32.msk $0xffff, v3  }
0x87: {  	v3 =	vld.idx.msk [tilespmem:v2+s18+$0x0], $0xffff;
	_ =	sdelay $0x4  }
0x88: {  	v3 =	vmul.f32 v3, v63;
	_ =	sdelay $0x1  }
0x89: {  	[tilespmem:v1+s29+$0x0] =	vst.idx.add.f32.msk $0xffff, v3  }
0x8a: {  	v2 =	vld.idx.msk [tilespmem:v2+s19+$0x0], $0xffff;
	_ =	sdelay $0x4  }
0x8b: {  	s5 =	simm.s32 $0x40;
	s6 =	simm.s32 $0x80;
	v2 =	vmul.f32 v2, v63  }
.LBB2_7:
0x8c: {  	p0 =	sne.s32 s6, $0x3E40  }
0x8d: {  	s7 =	sshra.s32 s5, $0x2;
	s5 =	smov.u32 s6;
	s6 =	sadd.s32 $0x40, s6;
	[tilespmem:v1+s30+$0x0] =	vst.idx.add.f32.msk $0xffff, v2  }
0x8e: {  	v1 =	vld [tilespmem:s7+$0x15000];
	_ =	sdelay $0x4  }
0x8f: {  	v2 =	vand.u32 $0xFFFF, v1;
	_ =	sdelay $0x4  }
0x90: {  	v3 =	vld.idx.msk [tilespmem:v2+s3+$0x0], $0xffff  }
0x91: {  	v4 =	vld [tilespmem:s7+$0x17000];
	_ =	sdelay $0x1  }
0x92: {  	v1 =	vshrl.u32 v1, $0x10;
	_ =	sdelay $0x2  }
0x93: {  	v3 =	vmul.f32 v3, v4;
	_ =	sdelay $0x1  }
0x94: {  	[tilespmem:v1+s26+$0x0] =	vst.idx.add.f32.msk $0xffff, v3  }
0x95: {  	v3 =	vld.idx.msk [tilespmem:v2+s17+$0x0], $0xffff;
	_ =	sdelay $0x5  }
0x96: {  	v3 =	vmul.f32 v3, v4;
	_ =	sdelay $0x1  }
0x97: {  	[tilespmem:v1+s28+$0x0] =	vst.idx.add.f32.msk $0xffff, v3  }
0x98: {  	v3 =	vld.idx.msk [tilespmem:v2+s18+$0x0], $0xffff;
	_ =	sdelay $0x5  }
0x99: {  	v3 =	vmul.f32 v3, v4;
	_ =	sdelay $0x1  }
0x9a: {  	[tilespmem:v1+s29+$0x0] =	vst.idx.add.f32.msk $0xffff, v3  }
0x9b: {  	v2 =	vld.idx.msk [tilespmem:v2+s19+$0x0], $0xffff;
	_ =	sdelay $0x1  }
.Ltmp2:
0x9c: {  	(pc) =	sbr.rel @p0 .LBB2_7-.Ltmp2, $2  }
0x9d: {  	_ =	sdelay $0x2  }
0x9e: {  	v2 =	vmul.f32 v2, v4  }
0x9f: {  	_ =	sdelay $0x3  }
0xa0: {  	s5 =	sshra.s32 s5, $0x2;
	[tilespmem:v1+s30+$0x0] =	vst.idx.add.f32.msk $0xffff, v2  }
0xa1: {  	v1 =	vld [tilespmem:s5+$0x15000];
	_ =	sdelay $0x4  }
0xa2: {  	v2 =	vand.u32 $0xFFFF, v1;
	_ =	sdelay $0x3  }
0xa3: {  	v4 =	vld [tilespmem:s5+$0x17000]  }
0xa4: {  	v3 =	vld.idx.msk [tilespmem:v2+s3+$0x0], $0xffff;
	_ =	sdelay $0x1  }
0xa5: {  	v1 =	vshrl.u32 v1, $0x10;
	_ =	sdelay $0x2  }
0xa6: {  	v3 =	vmul.f32 v3, v4;
	_ =	sdelay $0x1  }
0xa7: {  	[tilespmem:v1+s26+$0x0] =	vst.idx.add.f32.msk $0xffff, v3  }
0xa8: {  	v3 =	vld.idx.msk [tilespmem:v2+s17+$0x0], $0xffff;
	_ =	sdelay $0x4  }
0xa9: {  	v3 =	vmul.f32 v3, v4;
	_ =	sdelay $0x1  }
0xaa: {  	[tilespmem:v1+s28+$0x0] =	vst.idx.add.f32.msk $0xffff, v3  }
0xab: {  	v3 =	vld.idx.msk [tilespmem:v2+s18+$0x0], $0xffff;
	_ =	sdelay $0x4  }
0xac: {  	v3 =	vmul.f32 v3, v4;
	_ =	sdelay $0x1  }
0xad: {  	[tilespmem:v1+s29+$0x0] =	vst.idx.add.f32.msk $0xffff, v3  }
0xae: {  	v2 =	vld.idx.msk [tilespmem:v2+s19+$0x0], $0xffff  }
0xaf: {  	s21 =	sadd.s32 $0x1, s21  }
0xb0: {  	p0 =	sne.s32 s21, $0x28  }
.Ltmp3:
0xb1: {  	_ = 	snop;
	(pc) =	sbr.rel @p0 .LBB2_4-.Ltmp3, $3  }
0xb2: {  	_ = 	snop  }
0xb3: {  	v2 =	vmul.f32 v2, v4;
	_ =	sdelay $0x1  }
0xb4: {  	[tilespmem:v1+s30+$0x0] =	vst.idx.add.f32.msk $0xffff, v2  }
0xb5: {  	[hbm4b:s9+s14] =	stream.strided.scatter [tilespmem:s26], [sflag:$0x5], $0x2800, s15, s14, $0x38;
	[tilespmem:$0x18000] =	vst v63  }
0xb6: {  	_ =	swait.ge [sflag:s16], $0x2800  }
0xb7: {  	[sflag:s16] =	ssyncset.done $0x0  }
0xb8: {  	[sflag:s16] =	ssyncadd.s32 $0xFFFFD800  }
0xb9: {  	[hbm4b:s10+s14] =	stream.strided.scatter [tilespmem:s28], [sflag:$0x5], $0x2800, s15, s14, $0x38;
	[tilespmem:$0x18000] =	vst v63  }
0xba: {  	_ =	swait.ge [sflag:s16], $0x2800  }
0xbb: {  	[sflag:s16] =	ssyncset.done $0x0  }
0xbc: {  	[sflag:s16] =	ssyncadd.s32 $0xFFFFD800  }
0xbd: {  	[hbm4b:s11+s14] =	stream.strided.scatter [tilespmem:s29], [sflag:$0x5], $0x2800, s15, s14, $0x38;
	[tilespmem:$0x18000] =	vst v63  }
0xbe: {  	s1 =	sadd.s32 $0x1, s1;
	_ =	swait.ge [sflag:s16], $0x2800  }
0xbf: {  	p0 =	sne.s32 s1, s13;
	[sflag:s16] =	ssyncset.done $0x0  }
.Ltmp4:
0xc0: {  	[sflag:s16] =	ssyncadd.s32 $0xFFFFD800;
	(pc) =	sbr.rel @p0 .LBB2_1-.Ltmp4, $4  }
0xc1: {  	[hbm4b:s12+s14] =	stream.strided.scatter [tilespmem:s30], [sflag:$0x5], $0x2800, s15, s14, $0x38;
	[tilespmem:$0x18000] =	vst v63  }
0xc2: {  	_ =	swait.ge [sflag:s16], $0x2800  }
0xc3: {  	[sflag:s16] =	ssyncset.done $0x0  }
0xc4: {  	[sflag:s16] =	ssyncadd.s32 $0xFFFFD800  }
0xc5: {  	_ =	sfence.sel $0x180000  }
0xc6: {  	[bflag:$0x0] =	sbarrier.arrive $0xFFFF  }
0xc7: {  	_ =	strace $0x90000050  }
0xc8: {  	s0 =	stileid.u32;
	[bflag:$0x2] =	sbarrier.arrive $0xFFFF  }
0xc9: {  	p0 =	sne.s32 s0, $0x0;
	s0 =	rddreg [dreg:$0x2]  }
0xca: {  	s0 =	sadd.s32 @!p0 $0x100000, s0  }
0xcb: {  	[sflag:s0] =	ssyncadd.tile.s32 @!p0 $0x1;
	_ =	shalt  }
.Lfunc_end2:
_tile_overlayer_lowered:
.L_overlay_start_2:
0xcc: {  	(tag) =	ssettag $0x2  }
0xcd: {  	s0 =	rddreg [dreg:$0x0];
	s2 =	stileid.u32  }
0xce: {  	s1 =	rddreg [dreg:$0x1];
	p0 =	sne.s32 s2, $0x0  }
0xcf: {  	s3 =	rddreg [dreg:$0x2];
	[bflag:$0x3] =	sbarrier.arrive $0xFFFF;
	s2 =	simm.s32 @!p0 $0x1C05  }
0xd0: {  	[timem:s3], [sflag:s2] =	dma.local @!p0 [hbm:s0], s1  }
0xd1: {  	s0 =	simm.s32 @!p0 $0x5  }
0xd2: {  	_ =	swait.ge @!p0 [sflag:s0], s1  }
0xd3: {  	s1 =	ssub.s32 @!p0 $0x0, s1;
	[sflag:s0] =	ssyncset.done @!p0 $0x0  }
0xd4: {  	[sflag:s0] =	ssyncadd.s32 @!p0 s1  }
0xd5: {  	[bflag:$0x3] =	sbarrier.arrive $0xFFFF  }
0xd6: {  	_ =	shalt  }

// kernel: kernel.23.cloned.1.call-start
scs
__scs_entry_jumppad:
0x0: {  	(pc) =	sbr.rel $0x88, $3  }
0x1: {  	(tag) =	ssettag $0x0;
	lr =	simm.s32 $0x1  }
0x2: {  	[smem:$0x3F9A] =	sst lr;
	_ =	strace $0xD0000000  }
0x3: {  	_ = 	snop  }
0x4: {  	_ = 	snop  }
0x5: {  	_ = 	snop  }
0x6: {  	_ = 	snop  }
0x7: {  	_ = 	snop  }
__scs_overlays_trampoline_lowered:
0x8: {  	[smem:$0x3FA9] =	sst s0  }
0x9: {  	[smem:$0x3FAA] =	sst s1  }
0xa: {  	[smem:$0x3FAB] =	sst s2  }
0xb: {  	[smem:$0x3FAC] =	sst s3  }
0xc: {  	[smem:$0x3FAD] =	sst s4  }
0xd: {  	[smem:$0x3FAE] =	sst s5  }
0xe: {  	[smem:$0x3FAF] =	sst s6  }
0xf: {  	[smem:$0x3FB0] =	sst s7  }
0x10: {  	[smem:$0x3FB1] =	sst s8  }
0x11: {  	[smem:$0x3FB2] =	sst s9;
	s0 =	simm.s32 @!p0 $0x0  }
0x12: {  	s1 =	sld [smem:$0x3F98];
	s0 =	simm.s32 @p0 $0x1  }
0x13: {  	[smem:$0x3FB3] =	sst s0;
	s0 =	simm.s32 @!p1 $0x0  }
0x14: {  	s2 =	sld [smem:$0x3F97];
	s0 =	simm.s32 @p1 $0x1  }
0x15: {  	[smem:$0x3FB4] =	sst s0;
	s0 =	simm.s32 @!p2 $0x0  }
0x16: {  	s3 =	sld [smem:$0x3FDB];
	s0 =	simm.s32 @p2 $0x1  }
0x17: {  	s4 =	simm.s32 $0x1BF5;
	[smem:$0x3FB6] =	sst s0  }
0x18: {  	s0 =	sld [smem:$0x3F99];
	_ =	swait.ge [sflag:s4], $0x0  }
0x19: {  	s7 =	sld [smem:$0x3F9A]  }
0x1a: {  	s8 =	sadd.s32 $0xFFFFE003, lr  }
0x1b: {  	s9 =	sadd.s32 $0xFFFFFEF7, lr;
	s5 =	simm.s32 $0xFFFFFFFF;
	p2 =	slt.u32 s8, $0xFFFFF086  }
0x1c: {  	p1 =	slt.u32 s9, $0xF7A;
	s5 =	simm.s32 @!p2 $0x0  }
0x1d: {  	s5 =	simm.s32 @p1 $0x1;
	p0 =	seq.s32 s7, s2  }
0x1e: {  	s7 =	smul.u32 @!p0 $0xF7A, s2;
	p2 =	seq.s32 @!p0 s5, $0x0  }
0x1f: {  	s9 =	smul.u32 $0xF7A, s1;
	s8 =	simm.s32 @!p0 $0x1BF5;
	p2 =	por !p2, p0  }
0x20: {  	[sflag:s8] =	ssyncset.s32 @!p0 $0xFFFFF086;
	s6 =	sadd.s32 @!p0 s3, s7;
	s7 =	simm.s32 @!p0 $0x108  }
0x21: {  	s3 =	sadd.s32 s3, s9;
	s6 =	sadd.s32 @!p0 $0x88, s6;
	s7 =	simm.s32 @p2 $0x1082  }
0x22: {  	[simem:s7], [sflag:s8] =	dma.local @!p0 [hbm:s6], $0xF7A  }
0x23: {  	s9 =	sor.u32 $0xD0000000, s2;
	s6 =	simm.s32 $0x108;
	_ =	swait.ge @!p0 [sflag:s8], $0x0  }
0x24: {  	s3 =	sadd.s32 $0x88, s3;
	s6 =	simm.s32 @!p1 $0x1082;
	[sflag:s4] =	ssyncset.s32 $0xFFFFF086  }
0x25: {  	[simem:s6], [sflag:s4] =	dma.local [hbm:s3], $0xF7A  }
0x26: {  	[smem:$0x3F9A] =	sst s1;
	(tag) =	ssettag s2;
	_ =	strace s9  }
0x27: {  	s1 =	sld [smem:$0x3FAA]  }
0x28: {  	s2 =	sld [smem:$0x3FAB]  }
0x29: {  	s4 =	sld [smem:$0x3FAD]  }
0x2a: {  	p0 =	seq.s32 s5, $0x0;
	s5 =	sld [smem:$0x3FAE]  }
0x2b: {  	s6 =	sld [smem:$0x3FAF]  }
0x2c: {  	s7 =	sld [smem:$0x3FB0]  }
0x2d: {  	s3 =	simm.s32 $0x108;
	s8 =	sld [smem:$0x3FB1]  }
0x2e: {  	s3 =	simm.s32 @!p0 $0x1082;
	s9 =	sld [smem:$0x3FB2]  }
0x2f: {  	lr =	sadd.s32 s0, s3;
	s0 =	sld [smem:$0x3FA9]  }
0x30: {  	s3 =	sld [smem:$0x3FAC]  }
0x31: {  	[smem:$0x3FB5] =	sst s10  }
0x32: {  	s10 =	sld [smem:$0x3FB3];
	_ =	sdelay $0x3  }
0x33: {  	p0 =	seq.s32 s10, $0x1;
	s10 =	sld [smem:$0x3FB5];
	_ =	sdelay $0x3  }
0x34: {  	[smem:$0x3FB5] =	sst s10  }
0x35: {  	s10 =	sld [smem:$0x3FB4];
	_ =	sdelay $0x3  }
0x36: {  	p1 =	seq.s32 s10, $0x1;
	s10 =	sld [smem:$0x3FB5];
	_ =	sdelay $0x3  }
0x37: {  	[smem:$0x3FB5] =	sst s10  }
0x38: {  	s10 =	sld [smem:$0x3FB6]  }
0x39: {  	_ = 	snop;
	(pc) =	sbr.ind lr, $3  }
0x3a: {  	_ = 	snop  }
0x3b: {  	_ = 	snop  }
0x3c: {  	p2 =	seq.s32 s10, $0x1;
	s10 =	sld [smem:$0x3FB5]  }
0x3d: {  	_ =	shalt  }
0x3e: {  	_ =	shalt  }
0x3f: {  	_ =	shalt  }
0x40: {  	_ =	shalt  }
0x41: {  	_ =	shalt  }
0x42: {  	_ =	shalt  }
0x43: {  	_ =	shalt  }
0x44: {  	_ =	shalt  }
0x45: {  	_ =	shalt  }
0x46: {  	_ =	shalt  }
0x47: {  	_ =	shalt  }
0x48: {  	_ =	shalt  }
0x49: {  	_ =	shalt  }
0x4a: {  	_ =	shalt  }
0x4b: {  	_ =	shalt  }
0x4c: {  	_ =	shalt  }
0x4d: {  	_ =	shalt  }
0x4e: {  	_ =	shalt  }
0x4f: {  	_ =	shalt  }
0x50: {  	_ =	shalt  }
0x51: {  	_ =	shalt  }
0x52: {  	_ =	shalt  }
0x53: {  	_ =	shalt  }
0x54: {  	_ =	shalt  }
0x55: {  	_ =	shalt  }
0x56: {  	_ =	shalt  }
0x57: {  	_ =	shalt  }
0x58: {  	_ =	shalt  }
0x59: {  	_ =	shalt  }
0x5a: {  	_ =	shalt  }
0x5b: {  	_ =	shalt  }
0x5c: {  	_ =	shalt  }
0x5d: {  	_ =	shalt  }
0x5e: {  	_ =	shalt  }
0x5f: {  	_ =	shalt  }
0x60: {  	_ =	shalt  }
0x61: {  	_ =	shalt  }
0x62: {  	_ =	shalt  }
0x63: {  	_ =	shalt  }
0x64: {  	_ =	shalt  }
0x65: {  	_ =	shalt  }
0x66: {  	_ =	shalt  }
0x67: {  	_ =	shalt  }
0x68: {  	_ =	shalt  }
0x69: {  	_ =	shalt  }
0x6a: {  	_ =	shalt  }
0x6b: {  	_ =	shalt  }
0x6c: {  	_ =	shalt  }
0x6d: {  	_ =	shalt  }
0x6e: {  	_ =	shalt  }
0x6f: {  	_ =	shalt  }
0x70: {  	_ =	shalt  }
0x71: {  	_ =	shalt  }
0x72: {  	_ =	shalt  }
0x73: {  	_ =	shalt  }
0x74: {  	_ =	shalt  }
0x75: {  	_ =	shalt  }
0x76: {  	_ =	shalt  }
0x77: {  	_ =	shalt  }
0x78: {  	_ =	shalt  }
0x79: {  	_ =	shalt  }
0x7a: {  	_ =	shalt  }
0x7b: {  	_ =	shalt  }
0x7c: {  	_ =	shalt  }
0x7d: {  	_ =	shalt  }
0x7e: {  	_ =	shalt  }
0x7f: {  	_ =	shalt  }
0x80: {  	_ =	shalt  }
0x81: {  	_ =	shalt  }
0x82: {  	_ =	shalt  }
0x83: {  	_ =	shalt  }
0x84: {  	_ =	shalt  }
0x85: {  	_ =	shalt  }
0x86: {  	_ =	shalt  }
0x87: {  	_ =	shalt  }
.Lfunc_end0:
.L_simem_size_0:
called_computation.4_lowered:
.L_overlay_start_0:
0x88: {  	s2 =	sld [smem:$0x3FD9]  }
0x89: {  	s3 =	sld [smem:$0x3FFE];
	_ =	sdelay $0x1  }
0x8a: {  	s1 =	srdreg.scid  }
0x8b: {  	s0 =	sand.u32 $0x1, s1  }
0x8c: {  	s17 =	sshll.u32 s0, $0xA;
	s2 =	sadd.s32 s3, s2  }
0x8d: {  	s2 =	sadd.s32 s2, s17  }
0x8e: {  	[smem:$0x3FC1] =	sst s2  }
0x8f: {  	_ = 	snop  }
0x90: {  	s2 =	sld [smem:$0x3FD0];
	(tm) =	ssettm $0x1  }
0x91: {  	s18 =	sld [smem:$0x3FFB];
	_ =	sdelay $0x3  }
0x92: {  	_ =	strace s18  }
0x93: {  	s3 =	sld [smem:$0x3FFC];
	_ =	sdelay $0x3  }
0x94: {  	_ =	strace s3  }
0x95: {  	s3 =	sld [smem:$0x3FFD];
	_ =	sdelay $0x3  }
0x96: {  	_ =	strace s3  }
0x97: {  	_ =	strace $0x8FFFFFFF  }
0x98: {  	s19 =	sld [smem:$0x3FDB];
	_ =	sdelay $0x1  }
0x99: {  	s4 =	simm.s32 $_scs_section_size  }
0x9a: {  	s5 =	simm.s32 $_size__tile_overlayer_lowered;
	s6 =	simm.s32 $_tile_overlayer_lowered  }
0x9b: {  	s22 =	simm.s32 $0x1BFF;
	s21 =	sshll.u32 s6, $0x1;
	s3 =	sadd.s32 s4, s19  }
0x9c: {  	s7 =	simm.s32 $0x0;
	s20 =	sshll.u32 s5, $0x1;
	s5 =	sadd.s32 s21, s3  }
0x9d: {  	[timem:s7], [sflag:s22] =	dma.local [hbm:s5], s20  }
0x9e: {  	_ =	swait.ge [sflag:s22], s20  }
0x9f: {  	s4 =	ssub.s32 $0x0, s20;
	[sflag:s22] =	ssyncset.done $0x0  }
0xa0: {  	[sflag:s22] =	ssyncadd.s32 s4;
	_ =	sdelay $0x1  }
0xa1: {  	s23 =	simm.s32 $0x1B8B  }
0xa2: {  	_ =	swait.ge [sflag:s23], $0x1  }
0xa3: {  	[sflag:s23] =	ssyncset.done $0x0  }
0xa4: {  	s25 =	simm.s32 $0x1B8E;
	s24 =	sld [smem:$0x3FFE];
	[sflag:s23] =	ssyncadd.s32 $0xFFFFFFFF  }
0xa5: {  	s26 =	simm.s32 $execute0_lowered;
	[smem:$0x3FD2] =	sst s25  }
0xa6: {  	s5 =	sshll.u32 s26, $0x1;
	_ =	strace $0x80000052;
	[dreg:$0x1] =	wrdreg $0xFFFFFFFF  }
0xa7: {  	s28 =	simm.s32 $_size_execute0_lowered;
	s3 =	sadd.s32 s3, s5;
	[dreg:$0x0] =	wrdreg $0x0  }
0xa8: {  	s5 =	sshll.u32 s28, $0x1;
	[dreg:$0x2] =	wrdreg s3  }
0xa9: {  	[dreg:$0x3] =	wrdreg s5  }
0xaa: {  	[dreg:$0x4] =	wrdreg $0xC0  }
0xab: {  	_ =	task [dreg:s7], $0x5FFFF  }
0xac: {  	[dreg:$0x1] =	wrdreg $0xFFFFFFFF  }
0xad: {  	[dreg:$0x0] =	wrdreg $0x60  }
0xae: {  	[dreg:$0x2] =	wrdreg s24  }
0xaf: {  	[dreg:$0x3] =	wrdreg s2  }
0xb0: {  	[dreg:$0x4] =	wrdreg $0x9  }
0xb1: {  	_ =	task.clear_ibuf [dreg:s7], $0x5FFFF;
	_ =	strace $0x90000052  }
0xb2: {  	s29 =	simm.s32 $0x9;
	_ =	strace $0x80000054  }
0xb3: {  	_ =	swait.ge [sflag:s29], $0x1  }
0xb4: {  	[sflag:s29] =	ssyncadd.s32 $0xFFFFFFFF  }
0xb5: {  	_ =	strace $0x90000054  }
0xb6: {  	_ =	sfence  }
0xb7: {  	s30 =	sld [smem:$0x0];
	_ =	sdelay $0x2  }
0xb8: {  	s31 =	sshll.u32 s1, $0xD;
	s1 =	sshrl.u32 s1, $0x2  }
0xb9: {  	s3 =	sand.u32 $0x4000, s31;
	s1 =	sadd.s32 s1, s30  }
0xba: {  	s0 =	sor.u32 s3, s0;
	s1 =	sshll.u32 s1, $0x11  }
0xbb: {  	s0 =	sor.u32 s1, s0  }
0xbc: {  	s0 =	sadd.s32 $0x8F2B, s0  }
0xbd: {  	[sflag:s0] =	ssyncadd.remote.s32 $0x1  }
0xbe: {  	_ =	sfence.sel $0xFFFF  }
0xbf: {  	[dreg:$0x0] =	wrdreg $0xFFFFFFFF;
	(pc) =	sbr.abs _section_cstart, $3  }
0xc0: {  	[dreg:$0x1] =	wrdreg $0xFFFFFFFF  }
0xc1: {  	_ =	task.clear_ibuf [dreg:s7], $0x2FFFF;
	_ =	strace $0x9FFFFFFF  }
0xc2: {  	(tm) =	ssettm $0x7FFFFFFF  }
0xc3: {  	_ =	shalt  }
tec
execute0_lowered:
.L_overlay_start_1:
0x0: {  	(tag) =	ssettag $0x1  }
0x1: {  	s0 =	rddreg [dreg:$0x0]  }
0x2: {  	s2 =	rddreg [dreg:$0x1];
	s3 =	simm.s32 $0x0;
	s1 =	srdreg.scid  }
0x3: {  	s4 =	stileid.u32;
	s14 =	simm.s32 $0x80;
	s15 =	simm.s32 $0x400  }
0x4: {  	s16 =	simm.s32 $0x5;
	s17 =	simm.s32 $0x2800;
	s18 =	simm.s32 $0x5000  }
0x5: {  	s19 =	simm.s32 $0x7800;
	s22 =	simm.s32 $0x15000;
	s23 =	simm.s32 $0x17000  }
0x6: {  	s28 =	simm.s32 $0xC800;
	s29 =	simm.s32 $0xF000;
	s30 =	simm.s32 $0x11800  }
0x7: {  	s31 =	simm.s32 $0x2;
	s20 =	simm.s32 $0x0;
	[smem:$0x7FF] =	sst s3  }
0x8: {  	s1 =	sand.u32 $0x1, s1;
	s4 =	smul.u32 $0x14000, s4;
	s6 =	sadd.s32 $0xF000, s0  }
0x9: {  	_ =	strace $0x80000053;
	s5 =	sshll.u32 s1, $0x9;
	s1 =	ssub.s32 $0x2, s1  }
0xa: {  	s5 =	sor.u32 s5, s4;
	s4 =	sadd.s32 $0x5200, s0;
	s7 =	sshrl.u32 s1, $0x1  }
0xb: {  	s0 =	sadd.s32 $0x37000, s0;
	s5 =	sshrl.u32 s5, $0x3;
	s1 =	ssub.s32 s1, s7  }
0xc: {  	s24 =	sadd.s32 s6, s5;
	s25 =	sor.u32 $0x10, s5;
	s11 =	sor.u32 $0x20, s5  }
0xd: {  	s12 =	sor.u32 $0x30, s5;
	s9 =	sadd.s32 s0, s5;
	s13 =	smax.u32 s1, $0x1  }
0xe: {  	s1 =	simm.s32 $0x0;
	[dreg:$0x3] =	wrdreg s24;
	s8 =	sadd.s32 s6, s25  }
0xf: {  	s26 =	sadd.s32 s6, s11;
	s6 =	sadd.s32 s6, s12;
	s10 =	sadd.s32 s0, s25  }
0x10: {  	s11 =	sadd.s32 s0, s11;
	s12 =	sadd.s32 s0, s12;
	[dreg:$0x4] =	wrdreg s8  }
0x11: {  	s24 =	simm.s32 $0x1;
	s25 =	simm.s32 $0x3;
	[dreg:$0x5] =	wrdreg s26  }
0x12: {  	v0 =	vimm.f32 $0.0e+00;
	s0 =	simm.s32 $0x4;
	[dreg:$0x6] =	wrdreg s6;
	s26 =	simm.s32 $0xA000  }
.LBB2_1:
0x13: {  	s5 =	rddreg [dreg:$0x3]  }
0x14: {  	[tilespmem:s3], [sflag:$0x5] =	stream.strided.gather [hbm4b:s5+s14], $0x2800, s15, s14, $0x38;
	[tilespmem:$0x18000] =	vst v63  }
0x15: {  	_ =	swait.ge [sflag:s16], $0x2800  }
0x16: {  	[sflag:s16] =	ssyncset.done $0x0  }
0x17: {  	s7 =	rddreg [dreg:$0x4];
	[sflag:s16] =	ssyncadd.s32 $0xFFFFD800  }
0x18: {  	[tilespmem:s17], [sflag:$0x5] =	stream.strided.gather [hbm4b:s7+s14], $0x2800, s15, s14, $0x38;
	[tilespmem:$0x18000] =	vst v63  }
0x19: {  	_ =	swait.ge [sflag:s16], $0x2800  }
0x1a: {  	[sflag:s16] =	ssyncset.done $0x0  }
0x1b: {  	s8 =	rddreg [dreg:$0x5];
	[sflag:s16] =	ssyncadd.s32 $0xFFFFD800  }
0x1c: {  	[tilespmem:s18], [sflag:$0x5] =	stream.strided.gather [hbm4b:s8+s14], $0x2800, s15, s14, $0x38;
	[tilespmem:$0x18000] =	vst v63  }
0x1d: {  	_ =	swait.ge [sflag:s16], $0x2800  }
0x1e: {  	[sflag:s16] =	ssyncset.done $0x0  }
0x1f: {  	s21 =	rddreg [dreg:$0x6];
	[sflag:s16] =	ssyncadd.s32 $0xFFFFD800  }
0x20: {  	[tilespmem:s19], [sflag:$0x5] =	stream.strided.gather [hbm4b:s21+s14], $0x2800, s15, s14, $0x38;
	[tilespmem:$0x18000] =	vst v63  }
0x21: {  	_ =	swait.ge [sflag:s16], $0x2800  }
0x22: {  	[sflag:s16] =	ssyncset.done $0x0  }
0x23: {  	s6 =	simm.s32 $0x40;
	s5 =	simm.s32 $0x0;
	[sflag:s16] =	ssyncadd.s32 $0xFFFFD800  }
.LBB2_2:
0x24: {  	p0 =	sne.s32 s6, $0x9FC0;
	[tilespmem:s5+$0x11800] =	vst v0;
	s7 =	smov.u32 s6;
	s6 =	sadd.s32 $0x40, s6  }
.Ltmp0:
0x25: {  	[tilespmem:s5+$0xF000] =	vst v0;
	(pc) =	sbr.rel @p0 .LBB2_2-.Ltmp0, $3  }
0x26: {  	[tilespmem:s5+$0xA000] =	vst v0  }
0x27: {  	[tilespmem:s5+$0xC800] =	vst v0;
	_ =	sdelay $0x1  }
0x28: {  	s5 =	sshra.s32 s7, $0x2  }
0x29: {  	[tilespmem:s5+$0x11800] =	vst v0  }
0x2a: {  	[tilespmem:s5+$0xF000] =	vst v0  }
0x2b: {  	[tilespmem:s5+$0xA000] =	vst v0  }
0x2c: {  	[tilespmem:s5+$0xC800] =	vst v0;
	s8 =	simm.s32 $0x14000  }
0x2d: {  	[tilespmem:s8], [sflag:$0x1] =	stream.linear.gather [hbm4b:s4+s20], $0xFA0, $0x38;
	[tilespmem:$0x18000] =	vst v63  }
0x2e: {  	s21 =	simm.s32 $0x16000  }
0x2f: {  	[tilespmem:s21], [sflag:$0x3] =	stream.linear.gather [hbm4b:s2+s20], $0xFA0, $0x38;
	[tilespmem:$0x18000] =	vst v63  }
0x30: {  	s21 =	simm.s32 $0x0  }
.LBB2_4:
0x31: {  	s5 =	smul.u32 $0x1F40, s21;
	_ =	sdelay $0x1  }
0x32: {  	s6 =	sshrl.u32 s5, $0x3  }
0x33: {  	s6 =	sadd.s32 $0x1F4, s6  }
0x34: {  	s7 =	sadd.s32 s4, s6  }
0x35: {  	[tilespmem:s22], [sflag:$0x2] =	stream.linear.gather [hbm4b:s7+s20], $0xFA0, $0x38;
	[tilespmem:$0x18000] =	vst v63  }
0x36: {  	s6 =	sadd.s32 s2, s6  }
0x37: {  	[tilespmem:s23], [sflag:$0x4] =	stream.linear.gather [hbm4b:s6+s20], $0xFA0, $0x38;
	[tilespmem:$0x18000] =	vst v63  }
0x38: {  	_ =	swait.ge [sflag:s24], $0xFA0  }
0x39: {  	[sflag:s24] =	ssyncset.done $0x0  }
0x3a: {  	[sflag:s24] =	ssyncadd.s32 $0xFFFFF060  }
0x3b: {  	_ =	swait.ge [sflag:s25], $0xFA0  }
0x3c: {  	[sflag:s25] =	ssyncset.done $0x0  }
0x3d: {  	s8 =	simm.s32 $0x0;
	[sflag:s25] =	ssyncadd.s32 $0xFFFFF060  }
0x3e: {  	v1 =	vld [tilespmem:s8+$0x14000];
	_ =	sdelay $0x4  }
0x3f: {  	v2 =	vand.u32 $0xFFFF, v1;
	_ =	sdelay $0x3  }
0x40: {  	v4 =	vld [tilespmem:s8+$0x16000]  }
0x41: {  	v3 =	vld.idx.msk [tilespmem:v2+s3+$0x0], $0xffff;
	_ =	sdelay $0x1  }
0x42: {  	v1 =	vshrl.u32 v1, $0x10;
	_ =	sdelay $0x2  }
0x43: {  	v3 =	vmul.f32 v3, v4;
	_ =	sdelay $0x1  }
0x44: {  	[tilespmem:v1+s26+$0x0] =	vst.idx.add.f32.msk $0xffff, v3  }
0x45: {  	v3 =	vld.idx.msk [tilespmem:v2+s17+$0x0], $0xffff;
	_ =	sdelay $0x4  }
0x46: {  	v3 =	vmul.f32 v3, v4;
	_ =	sdelay $0x1  }
0x47: {  	[tilespmem:v1+s28+$0x0] =	vst.idx.add.f32.msk $0xffff, v3  }
0x48: {  	v3 =	vld.idx.msk [tilespmem:v2+s18+$0x0], $0xffff;
	_ =	sdelay $0x4  }
0x49: {  	v3 =	vmul.f32 v3, v4;
	_ =	sdelay $0x1  }
0x4a: {  	[tilespmem:v1+s29+$0x0] =	vst.idx.add.f32.msk $0xffff, v3  }
0x4b: {  	v2 =	vld.idx.msk [tilespmem:v2+s19+$0x0], $0xffff;
	_ =	sdelay $0x4  }
0x4c: {  	s7 =	simm.s32 $0x80;
	s6 =	simm.s32 $0x40;
	v2 =	vmul.f32 v2, v4  }
.LBB2_5:
0x4d: {  	p0 =	sne.s32 s7, $0x3E40  }
0x4e: {  	s8 =	sshra.s32 s6, $0x2;
	s6 =	smov.u32 s7;
	s7 =	sadd.s32 $0x40, s7;
	[tilespmem:v1+s30+$0x0] =	vst.idx.add.f32.msk $0xffff, v2  }
0x4f: {  	v1 =	vld [tilespmem:s8+$0x14000];
	_ =	sdelay $0x4  }
0x50: {  	v2 =	vand.u32 $0xFFFF, v1;
	_ =	sdelay $0x4  }
0x51: {  	v3 =	vld.idx.msk [tilespmem:v2+s3+$0x0], $0xffff  }
0x52: {  	v4 =	vld [tilespmem:s8+$0x16000];
	_ =	sdelay $0x1  }
0x53: {  	v1 =	vshrl.u32 v1, $0x10;
	_ =	sdelay $0x2  }
0x54: {  	v3 =	vmul.f32 v3, v4;
	_ =	sdelay $0x1  }
0x55: {  	[tilespmem:v1+s26+$0x0] =	vst.idx.add.f32.msk $0xffff, v3  }
0x56: {  	v3 =	vld.idx.msk [tilespmem:v2+s17+$0x0], $0xffff;
	_ =	sdelay $0x5  }
0x57: {  	v3 =	vmul.f32 v3, v4;
	_ =	sdelay $0x1  }
0x58: {  	[tilespmem:v1+s28+$0x0] =	vst.idx.add.f32.msk $0xffff, v3  }
0x59: {  	v3 =	vld.idx.msk [tilespmem:v2+s18+$0x0], $0xffff;
	_ =	sdelay $0x5  }
0x5a: {  	v3 =	vmul.f32 v3, v4;
	_ =	sdelay $0x1  }
0x5b: {  	[tilespmem:v1+s29+$0x0] =	vst.idx.add.f32.msk $0xffff, v3  }
0x5c: {  	v2 =	vld.idx.msk [tilespmem:v2+s19+$0x0], $0xffff;
	_ =	sdelay $0x1  }
.Ltmp1:
0x5d: {  	(pc) =	sbr.rel @p0 .LBB2_5-.Ltmp1, $2  }
0x5e: {  	_ =	sdelay $0x2  }
0x5f: {  	v2 =	vmul.f32 v2, v4  }
0x60: {  	_ =	sdelay $0x3  }
0x61: {  	s6 =	sshra.s32 s6, $0x2;
	[tilespmem:v1+s30+$0x0] =	vst.idx.add.f32.msk $0xffff, v2  }
0x62: {  	v1 =	vld [tilespmem:s6+$0x14000];
	_ =	sdelay $0x4  }
0x63: {  	v2 =	vand.u32 $0xFFFF, v1;
	_ =	sdelay $0x3  }
0x64: {  	v4 =	vld [tilespmem:s6+$0x16000]  }
0x65: {  	v3 =	vld.idx.msk [tilespmem:v2+s3+$0x0], $0xffff;
	_ =	sdelay $0x1  }
0x66: {  	v1 =	vshrl.u32 v1, $0x10;
	_ =	sdelay $0x2  }
0x67: {  	v3 =	vmul.f32 v3, v4;
	_ =	sdelay $0x1  }
0x68: {  	[tilespmem:v1+s26+$0x0] =	vst.idx.add.f32.msk $0xffff, v3  }
0x69: {  	v3 =	vld.idx.msk [tilespmem:v2+s17+$0x0], $0xffff;
	_ =	sdelay $0x4  }
0x6a: {  	v3 =	vmul.f32 v3, v4;
	_ =	sdelay $0x1  }
0x6b: {  	[tilespmem:v1+s28+$0x0] =	vst.idx.add.f32.msk $0xffff, v3  }
0x6c: {  	v3 =	vld.idx.msk [tilespmem:v2+s18+$0x0], $0xffff;
	_ =	sdelay $0x4  }
0x6d: {  	v3 =	vmul.f32 v3, v4;
	_ =	sdelay $0x1  }
0x6e: {  	[tilespmem:v1+s29+$0x0] =	vst.idx.add.f32.msk $0xffff, v3  }
0x6f: {  	v2 =	vld.idx.msk [tilespmem:v2+s19+$0x0], $0xffff;
	_ =	sdelay $0x3  }
0x70: {  	p0 =	seq.s32 s21, $0x27  }
0x71: {  	s5 =	sshrl.u32 @!p0 s5, $0x3;
	v2 =	vmul.f32 v2, v4  }
0x72: {  	s5 =	sadd.s32 @!p0 $0x3E8, s5  }
0x73: {  	s7 =	simm.s32 @!p0 $0x0;
	s8 =	simm.s32 @!p0 $0x14000;
	s6 =	sadd.s32 @!p0 s4, s5;
	[tilespmem:v1+s30+$0x0] =	vst.idx.add.f32.msk $0xffff, v2  }
0x74: {  	[tilespmem:s8], [sflag:$0x1] =	stream.linear.gather @!p0 [hbm4b:s6+s7], $0xFA0, $0x38;
	[tilespmem:$0x18000] =	vst v63  }
0x75: {  	s5 =	sadd.s32 @!p0 s2, s5;
	s6 =	simm.s32 @!p0 $0x16000  }
0x76: {  	[tilespmem:s6], [sflag:$0x3] =	stream.linear.gather @!p0 [hbm4b:s5+s7], $0xFA0, $0x38;
	[tilespmem:$0x18000] =	vst v63  }
0x77: {  	_ =	swait.ge [sflag:s31], $0xFA0  }
0x78: {  	[sflag:s31] =	ssyncset.done $0x0  }
0x79: {  	[sflag:s31] =	ssyncadd.s32 $0xFFFFF060  }
0x7a: {  	_ =	swait.ge [sflag:s0], $0xFA0  }
0x7b: {  	[sflag:s0] =	ssyncset.done $0x0  }
0x7c: {  	s8 =	simm.s32 $0x0;
	[sflag:s0] =	ssyncadd.s32 $0xFFFFF060  }
0x7d: {  	v1 =	vld [tilespmem:s8+$0x15000];
	_ =	sdelay $0x4  }
0x7e: {  	v2 =	vand.u32 $0xFFFF, v1;
	_ =	sdelay $0x3  }
0x7f: {  	v63 =	vld [tilespmem:s8+$0x17000]  }
0x80: {  	v3 =	vld.idx.msk [tilespmem:v2+s3+$0x0], $0xffff;
	_ =	sdelay $0x1  }
0x81: {  	v1 =	vshrl.u32 v1, $0x10;
	_ =	sdelay $0x2  }
0x82: {  	v3 =	vmul.f32 v3, v63;
	_ =	sdelay $0x1  }
0x83: {  	[tilespmem:v1+s26+$0x0] =	vst.idx.add.f32.msk $0xffff, v3  }
0x84: {  	v3 =	vld.idx.msk [tilespmem:v2+s17+$0x0], $0xffff;
	_ =	sdelay $0x4  }
0x85: {  	v3 =	vmul.f32 v3, v63;
	_ =	sdelay $0x1  }
0x86: {  	[tilespmem:v1+s28+$0x0] =	vst.idx.add.f32.msk $0xffff, v3  }
0x87: {  	v3 =	vld.idx.msk [tilespmem:v2+s18+$0x0], $0xffff;
	_ =	sdelay $0x4  }
0x88: {  	v3 =	vmul.f32 v3, v63;
	_ =	sdelay $0x1  }
0x89: {  	[tilespmem:v1+s29+$0x0] =	vst.idx.add.f32.msk $0xffff, v3  }
0x8a: {  	v2 =	vld.idx.msk [tilespmem:v2+s19+$0x0], $0xffff;
	_ =	sdelay $0x4  }
0x8b: {  	s5 =	simm.s32 $0x40;
	s6 =	simm.s32 $0x80;
	v2 =	vmul.f32 v2, v63  }
.LBB2_7:
0x8c: {  	p0 =	sne.s32 s6, $0x3E40  }
0x8d: {  	s7 =	sshra.s32 s5, $0x2;
	s5 =	smov.u32 s6;
	s6 =	sadd.s32 $0x40, s6;
	[tilespmem:v1+s30+$0x0] =	vst.idx.add.f32.msk $0xffff, v2  }
0x8e: {  	v1 =	vld [tilespmem:s7+$0x15000];
	_ =	sdelay $0x4  }
0x8f: {  	v2 =	vand.u32 $0xFFFF, v1;
	_ =	sdelay $0x4  }
0x90: {  	v3 =	vld.idx.msk [tilespmem:v2+s3+$0x0], $0xffff  }
0x91: {  	v4 =	vld [tilespmem:s7+$0x17000];
	_ =	sdelay $0x1  }
0x92: {  	v1 =	vshrl.u32 v1, $0x10;
	_ =	sdelay $0x2  }
0x93: {  	v3 =	vmul.f32 v3, v4;
	_ =	sdelay $0x1  }
0x94: {  	[tilespmem:v1+s26+$0x0] =	vst.idx.add.f32.msk $0xffff, v3  }
0x95: {  	v3 =	vld.idx.msk [tilespmem:v2+s17+$0x0], $0xffff;
	_ =	sdelay $0x5  }
0x96: {  	v3 =	vmul.f32 v3, v4;
	_ =	sdelay $0x1  }
0x97: {  	[tilespmem:v1+s28+$0x0] =	vst.idx.add.f32.msk $0xffff, v3  }
0x98: {  	v3 =	vld.idx.msk [tilespmem:v2+s18+$0x0], $0xffff;
	_ =	sdelay $0x5  }
0x99: {  	v3 =	vmul.f32 v3, v4;
	_ =	sdelay $0x1  }
0x9a: {  	[tilespmem:v1+s29+$0x0] =	vst.idx.add.f32.msk $0xffff, v3  }
0x9b: {  	v2 =	vld.idx.msk [tilespmem:v2+s19+$0x0], $0xffff;
	_ =	sdelay $0x1  }
.Ltmp2:
0x9c: {  	(pc) =	sbr.rel @p0 .LBB2_7-.Ltmp2, $2  }
0x9d: {  	_ =	sdelay $0x2  }
0x9e: {  	v2 =	vmul.f32 v2, v4  }
0x9f: {  	_ =	sdelay $0x3  }
0xa0: {  	s5 =	sshra.s32 s5, $0x2;
	[tilespmem:v1+s30+$0x0] =	vst.idx.add.f32.msk $0xffff, v2  }
0xa1: {  	v1 =	vld [tilespmem:s5+$0x15000];
	_ =	sdelay $0x4  }
0xa2: {  	v2 =	vand.u32 $0xFFFF, v1;
	_ =	sdelay $0x3  }
0xa3: {  	v4 =	vld [tilespmem:s5+$0x17000]  }
0xa4: {  	v3 =	vld.idx.msk [tilespmem:v2+s3+$0x0], $0xffff;
	_ =	sdelay $0x1  }
0xa5: {  	v1 =	vshrl.u32 v1, $0x10;
	_ =	sdelay $0x2  }
0xa6: {  	v3 =	vmul.f32 v3, v4;
	_ =	sdelay $0x1  }
0xa7: {  	[tilespmem:v1+s26+$0x0] =	vst.idx.add.f32.msk $0xffff, v3  }
0xa8: {  	v3 =	vld.idx.msk [tilespmem:v2+s17+$0x0], $0xffff;
	_ =	sdelay $0x4  }
0xa9: {  	v3 =	vmul.f32 v3, v4;
	_ =	sdelay $0x1  }
0xaa: {  	[tilespmem:v1+s28+$0x0] =	vst.idx.add.f32.msk $0xffff, v3  }
0xab: {  	v3 =	vld.idx.msk [tilespmem:v2+s18+$0x0], $0xffff;
	_ =	sdelay $0x4  }
0xac: {  	v3 =	vmul.f32 v3, v4;
	_ =	sdelay $0x1  }
0xad: {  	[tilespmem:v1+s29+$0x0] =	vst.idx.add.f32.msk $0xffff, v3  }
0xae: {  	v2 =	vld.idx.msk [tilespmem:v2+s19+$0x0], $0xffff  }
0xaf: {  	s21 =	sadd.s32 $0x1, s21  }
0xb0: {  	p0 =	sne.s32 s21, $0x28  }
.Ltmp3:
0xb1: {  	_ = 	snop;
	(pc) =	sbr.rel @p0 .LBB2_4-.Ltmp3, $3  }
0xb2: {  	_ = 	snop  }
0xb3: {  	v2 =	vmul.f32 v2, v4;
	_ =	sdelay $0x1  }
0xb4: {  	[tilespmem:v1+s30+$0x0] =	vst.idx.add.f32.msk $0xffff, v2  }
0xb5: {  	[hbm4b:s9+s14] =	stream.strided.scatter [tilespmem:s26], [sflag:$0x5], $0x2800, s15, s14, $0x38;
	[tilespmem:$0x18000] =	vst v63  }
0xb6: {  	_ =	swait.ge [sflag:s16], $0x2800  }
0xb7: {  	[sflag:s16] =	ssyncset.done $0x0  }
0xb8: {  	[sflag:s16] =	ssyncadd.s32 $0xFFFFD800  }
0xb9: {  	[hbm4b:s10+s14] =	stream.strided.scatter [tilespmem:s28], [sflag:$0x5], $0x2800, s15, s14, $0x38;
	[tilespmem:$0x18000] =	vst v63  }
0xba: {  	_ =	swait.ge [sflag:s16], $0x2800  }
0xbb: {  	[sflag:s16] =	ssyncset.done $0x0  }
0xbc: {  	[sflag:s16] =	ssyncadd.s32 $0xFFFFD800  }
0xbd: {  	[hbm4b:s11+s14] =	stream.strided.scatter [tilespmem:s29], [sflag:$0x5], $0x2800, s15, s14, $0x38;
	[tilespmem:$0x18000] =	vst v63  }
0xbe: {  	s1 =	sadd.s32 $0x1, s1;
	_ =	swait.ge [sflag:s16], $0x2800  }
0xbf: {  	p0 =	sne.s32 s1, s13;
	[sflag:s16] =	ssyncset.done $0x0  }
.Ltmp4:
0xc0: {  	[sflag:s16] =	ssyncadd.s32 $0xFFFFD800;
	(pc) =	sbr.rel @p0 .LBB2_1-.Ltmp4, $4  }
0xc1: {  	[hbm4b:s12+s14] =	stream.strided.scatter [tilespmem:s30], [sflag:$0x5], $0x2800, s15, s14, $0x38;
	[tilespmem:$0x18000] =	vst v63  }
0xc2: {  	_ =	swait.ge [sflag:s16], $0x2800  }
0xc3: {  	[sflag:s16] =	ssyncset.done $0x0  }
0xc4: {  	[sflag:s16] =	ssyncadd.s32 $0xFFFFD800  }
0xc5: {  	_ =	sfence.sel $0x180000  }
0xc6: {  	[bflag:$0x0] =	sbarrier.arrive $0xFFFF  }
0xc7: {  	_ =	strace $0x90000053  }
0xc8: {  	s0 =	stileid.u32;
	[bflag:$0x2] =	sbarrier.arrive $0xFFFF  }
0xc9: {  	p0 =	sne.s32 s0, $0x0;
	s0 =	rddreg [dreg:$0x2]  }
0xca: {  	s0 =	sadd.s32 @!p0 $0x100000, s0  }
0xcb: {  	[sflag:s0] =	ssyncadd.tile.s32 @!p0 $0x1;
	_ =	shalt  }
.Lfunc_end2:
_tile_overlayer_lowered:
.L_overlay_start_2:
0xcc: {  	(tag) =	ssettag $0x2  }
0xcd: {  	s0 =	rddreg [dreg:$0x0];
	s2 =	stileid.u32  }
0xce: {  	s1 =	rddreg [dreg:$0x1];
	p0 =	sne.s32 s2, $0x0  }
0xcf: {  	s3 =	rddreg [dreg:$0x2];
	[bflag:$0x3] =	sbarrier.arrive $0xFFFF;
	s2 =	simm.s32 @!p0 $0x1C05  }
0xd0: {  	[timem:s3], [sflag:s2] =	dma.local @!p0 [hbm:s0], s1  }
0xd1: {  	s0 =	simm.s32 @!p0 $0x5  }
0xd2: {  	_ =	swait.ge @!p0 [sflag:s0], s1  }
0xd3: {  	s1 =	ssub.s32 @!p0 $0x0, s1;
	[sflag:s0] =	ssyncset.done @!p0 $0x0  }
0xd4: {  	[sflag:s0] =	ssyncadd.s32 @!p0 s1  }
0xd5: {  	[bflag:$0x3] =	sbarrier.arrive $0xFFFF  }
0xd6: {  	_ =	shalt  }

// kernel: kernel.26.cloned.1.call-start
scs
__scs_entry_jumppad:
0x0: {  	(pc) =	sbr.rel $0x88, $3  }
0x1: {  	(tag) =	ssettag $0x0;
	lr =	simm.s32 $0x1  }
0x2: {  	[smem:$0x3F9A] =	sst lr;
	_ =	strace $0xD0000000  }
0x3: {  	_ = 	snop  }
0x4: {  	_ = 	snop  }
0x5: {  	_ = 	snop  }
0x6: {  	_ = 	snop  }
0x7: {  	_ = 	snop  }
__scs_overlays_trampoline_lowered:
0x8: {  	[smem:$0x3FA9] =	sst s0  }
0x9: {  	[smem:$0x3FAA] =	sst s1  }
0xa: {  	[smem:$0x3FAB] =	sst s2  }
0xb: {  	[smem:$0x3FAC] =	sst s3  }
0xc: {  	[smem:$0x3FAD] =	sst s4  }
0xd: {  	[smem:$0x3FAE] =	sst s5  }
0xe: {  	[smem:$0x3FAF] =	sst s6  }
0xf: {  	[smem:$0x3FB0] =	sst s7  }
0x10: {  	[smem:$0x3FB1] =	sst s8  }
0x11: {  	[smem:$0x3FB2] =	sst s9;
	s0 =	simm.s32 @!p0 $0x0  }
0x12: {  	s1 =	sld [smem:$0x3F98];
	s0 =	simm.s32 @p0 $0x1  }
0x13: {  	[smem:$0x3FB3] =	sst s0;
	s0 =	simm.s32 @!p1 $0x0  }
0x14: {  	s2 =	sld [smem:$0x3F97];
	s0 =	simm.s32 @p1 $0x1  }
0x15: {  	[smem:$0x3FB4] =	sst s0;
	s0 =	simm.s32 @!p2 $0x0  }
0x16: {  	s3 =	sld [smem:$0x3FDB];
	s0 =	simm.s32 @p2 $0x1  }
0x17: {  	s4 =	simm.s32 $0x1BF5;
	[smem:$0x3FB6] =	sst s0  }
0x18: {  	s0 =	sld [smem:$0x3F99];
	_ =	swait.ge [sflag:s4], $0x0  }
0x19: {  	s7 =	sld [smem:$0x3F9A]  }
0x1a: {  	s8 =	sadd.s32 $0xFFFFE003, lr  }
0x1b: {  	s9 =	sadd.s32 $0xFFFFFEF7, lr;
	s5 =	simm.s32 $0xFFFFFFFF;
	p2 =	slt.u32 s8, $0xFFFFF086  }
0x1c: {  	p1 =	slt.u32 s9, $0xF7A;
	s5 =	simm.s32 @!p2 $0x0  }
0x1d: {  	s5 =	simm.s32 @p1 $0x1;
	p0 =	seq.s32 s7, s2  }
0x1e: {  	s7 =	smul.u32 @!p0 $0xF7A, s2;
	p2 =	seq.s32 @!p0 s5, $0x0  }
0x1f: {  	s9 =	smul.u32 $0xF7A, s1;
	s8 =	simm.s32 @!p0 $0x1BF5;
	p2 =	por !p2, p0  }
0x20: {  	[sflag:s8] =	ssyncset.s32 @!p0 $0xFFFFF086;
	s6 =	sadd.s32 @!p0 s3, s7;
	s7 =	simm.s32 @!p0 $0x108  }
0x21: {  	s3 =	sadd.s32 s3, s9;
	s6 =	sadd.s32 @!p0 $0x88, s6;
	s7 =	simm.s32 @p2 $0x1082  }
0x22: {  	[simem:s7], [sflag:s8] =	dma.local @!p0 [hbm:s6], $0xF7A  }
0x23: {  	s9 =	sor.u32 $0xD0000000, s2;
	s6 =	simm.s32 $0x108;
	_ =	swait.ge @!p0 [sflag:s8], $0x0  }
0x24: {  	s3 =	sadd.s32 $0x88, s3;
	s6 =	simm.s32 @!p1 $0x1082;
	[sflag:s4] =	ssyncset.s32 $0xFFFFF086  }
0x25: {  	[simem:s6], [sflag:s4] =	dma.local [hbm:s3], $0xF7A  }
0x26: {  	[smem:$0x3F9A] =	sst s1;
	(tag) =	ssettag s2;
	_ =	strace s9  }
0x27: {  	s1 =	sld [smem:$0x3FAA]  }
0x28: {  	s2 =	sld [smem:$0x3FAB]  }
0x29: {  	s4 =	sld [smem:$0x3FAD]  }
0x2a: {  	p0 =	seq.s32 s5, $0x0;
	s5 =	sld [smem:$0x3FAE]  }
0x2b: {  	s6 =	sld [smem:$0x3FAF]  }
0x2c: {  	s7 =	sld [smem:$0x3FB0]  }
0x2d: {  	s3 =	simm.s32 $0x108;
	s8 =	sld [smem:$0x3FB1]  }
0x2e: {  	s3 =	simm.s32 @!p0 $0x1082;
	s9 =	sld [smem:$0x3FB2]  }
0x2f: {  	lr =	sadd.s32 s0, s3;
	s0 =	sld [smem:$0x3FA9]  }
0x30: {  	s3 =	sld [smem:$0x3FAC]  }
0x31: {  	[smem:$0x3FB5] =	sst s10  }
0x32: {  	s10 =	sld [smem:$0x3FB3];
	_ =	sdelay $0x3  }
0x33: {  	p0 =	seq.s32 s10, $0x1;
	s10 =	sld [smem:$0x3FB5];
	_ =	sdelay $0x3  }
0x34: {  	[smem:$0x3FB5] =	sst s10  }
0x35: {  	s10 =	sld [smem:$0x3FB4];
	_ =	sdelay $0x3  }
0x36: {  	p1 =	seq.s32 s10, $0x1;
	s10 =	sld [smem:$0x3FB5];
	_ =	sdelay $0x3  }
0x37: {  	[smem:$0x3FB5] =	sst s10  }
0x38: {  	s10 =	sld [smem:$0x3FB6]  }
0x39: {  	_ = 	snop;
	(pc) =	sbr.ind lr, $3  }
0x3a: {  	_ = 	snop  }
0x3b: {  	_ = 	snop  }
0x3c: {  	p2 =	seq.s32 s10, $0x1;
	s10 =	sld [smem:$0x3FB5]  }
0x3d: {  	_ =	shalt  }
0x3e: {  	_ =	shalt  }
0x3f: {  	_ =	shalt  }
0x40: {  	_ =	shalt  }
0x41: {  	_ =	shalt  }
0x42: {  	_ =	shalt  }
0x43: {  	_ =	shalt  }
0x44: {  	_ =	shalt  }
0x45: {  	_ =	shalt  }
0x46: {  	_ =	shalt  }
0x47: {  	_ =	shalt  }
0x48: {  	_ =	shalt  }
0x49: {  	_ =	shalt  }
0x4a: {  	_ =	shalt  }
0x4b: {  	_ =	shalt  }
0x4c: {  	_ =	shalt  }
0x4d: {  	_ =	shalt  }
0x4e: {  	_ =	shalt  }
0x4f: {  	_ =	shalt  }
0x50: {  	_ =	shalt  }
0x51: {  	_ =	shalt  }
0x52: {  	_ =	shalt  }
0x53: {  	_ =	shalt  }
0x54: {  	_ =	shalt  }
0x55: {  	_ =	shalt  }
0x56: {  	_ =	shalt  }
0x57: {  	_ =	shalt  }
0x58: {  	_ =	shalt  }
0x59: {  	_ =	shalt  }
0x5a: {  	_ =	shalt  }
0x5b: {  	_ =	shalt  }
0x5c: {  	_ =	shalt  }
0x5d: {  	_ =	shalt  }
0x5e: {  	_ =	shalt  }
0x5f: {  	_ =	shalt  }
0x60: {  	_ =	shalt  }
0x61: {  	_ =	shalt  }
0x62: {  	_ =	shalt  }
0x63: {  	_ =	shalt  }
0x64: {  	_ =	shalt  }
0x65: {  	_ =	shalt  }
0x66: {  	_ =	shalt  }
0x67: {  	_ =	shalt  }
0x68: {  	_ =	shalt  }
0x69: {  	_ =	shalt  }
0x6a: {  	_ =	shalt  }
0x6b: {  	_ =	shalt  }
0x6c: {  	_ =	shalt  }
0x6d: {  	_ =	shalt  }
0x6e: {  	_ =	shalt  }
0x6f: {  	_ =	shalt  }
0x70: {  	_ =	shalt  }
0x71: {  	_ =	shalt  }
0x72: {  	_ =	shalt  }
0x73: {  	_ =	shalt  }
0x74: {  	_ =	shalt  }
0x75: {  	_ =	shalt  }
0x76: {  	_ =	shalt  }
0x77: {  	_ =	shalt  }
0x78: {  	_ =	shalt  }
0x79: {  	_ =	shalt  }
0x7a: {  	_ =	shalt  }
0x7b: {  	_ =	shalt  }
0x7c: {  	_ =	shalt  }
0x7d: {  	_ =	shalt  }
0x7e: {  	_ =	shalt  }
0x7f: {  	_ =	shalt  }
0x80: {  	_ =	shalt  }
0x81: {  	_ =	shalt  }
0x82: {  	_ =	shalt  }
0x83: {  	_ =	shalt  }
0x84: {  	_ =	shalt  }
0x85: {  	_ =	shalt  }
0x86: {  	_ =	shalt  }
0x87: {  	_ =	shalt  }
.Lfunc_end0:
.L_simem_size_0:
called_computation.5_lowered:
.L_overlay_start_0:
0x88: {  	s2 =	sld [smem:$0x3FD9]  }
0x89: {  	s3 =	sld [smem:$0x3FFE];
	_ =	sdelay $0x1  }
0x8a: {  	s1 =	srdreg.scid  }
0x8b: {  	s0 =	sand.u32 $0x1, s1  }
0x8c: {  	s17 =	sshll.u32 s0, $0xA;
	s2 =	sadd.s32 s3, s2  }
0x8d: {  	s2 =	sadd.s32 s2, s17  }
0x8e: {  	[smem:$0x3FC1] =	sst s2  }
0x8f: {  	_ = 	snop  }
0x90: {  	s2 =	sld [smem:$0x3FD0];
	(tm) =	ssettm $0x1  }
0x91: {  	s18 =	sld [smem:$0x3FFB];
	_ =	sdelay $0x3  }
0x92: {  	_ =	strace s18  }
0x93: {  	s3 =	sld [smem:$0x3FFC];
	_ =	sdelay $0x3  }
0x94: {  	_ =	strace s3  }
0x95: {  	s3 =	sld [smem:$0x3FFD];
	_ =	sdelay $0x3  }
0x96: {  	_ =	strace s3  }
0x97: {  	_ =	strace $0x8FFFFFFF  }
0x98: {  	s19 =	sld [smem:$0x3FDB];
	_ =	sdelay $0x1  }
0x99: {  	s4 =	simm.s32 $_scs_section_size  }
0x9a: {  	s5 =	simm.s32 $_size__tile_overlayer_lowered;
	s6 =	simm.s32 $_tile_overlayer_lowered  }
0x9b: {  	s22 =	simm.s32 $0x1BFF;
	s21 =	sshll.u32 s6, $0x1;
	s3 =	sadd.s32 s4, s19  }
0x9c: {  	s7 =	simm.s32 $0x0;
	s20 =	sshll.u32 s5, $0x1;
	s5 =	sadd.s32 s21, s3  }
0x9d: {  	[timem:s7], [sflag:s22] =	dma.local [hbm:s5], s20  }
0x9e: {  	_ =	swait.ge [sflag:s22], s20  }
0x9f: {  	s4 =	ssub.s32 $0x0, s20;
	[sflag:s22] =	ssyncset.done $0x0  }
0xa0: {  	[sflag:s22] =	ssyncadd.s32 s4;
	_ =	sdelay $0x1  }
0xa1: {  	s23 =	simm.s32 $0x1B8B  }
0xa2: {  	_ =	swait.ge [sflag:s23], $0x1  }
0xa3: {  	[sflag:s23] =	ssyncset.done $0x0  }
0xa4: {  	s25 =	simm.s32 $0x1B8E;
	s24 =	sld [smem:$0x3FFE];
	[sflag:s23] =	ssyncadd.s32 $0xFFFFFFFF  }
0xa5: {  	s26 =	simm.s32 $execute0_lowered;
	[smem:$0x3FD2] =	sst s25  }
0xa6: {  	s5 =	sshll.u32 s26, $0x1;
	_ =	strace $0x80000055;
	[dreg:$0x1] =	wrdreg $0xFFFFFFFF  }
0xa7: {  	s28 =	simm.s32 $_size_execute0_lowered;
	s3 =	sadd.s32 s3, s5;
	[dreg:$0x0] =	wrdreg $0x0  }
0xa8: {  	s5 =	sshll.u32 s28, $0x1;
	[dreg:$0x2] =	wrdreg s3  }
0xa9: {  	[dreg:$0x3] =	wrdreg s5  }
0xaa: {  	[dreg:$0x4] =	wrdreg $0xC0  }
0xab: {  	_ =	task [dreg:s7], $0x5FFFF  }
0xac: {  	[dreg:$0x1] =	wrdreg $0xFFFFFFFF  }
0xad: {  	[dreg:$0x0] =	wrdreg $0x60  }
0xae: {  	[dreg:$0x2] =	wrdreg s24  }
0xaf: {  	[dreg:$0x3] =	wrdreg s2  }
0xb0: {  	[dreg:$0x4] =	wrdreg $0x9  }
0xb1: {  	_ =	task.clear_ibuf [dreg:s7], $0x5FFFF;
	_ =	strace $0x90000055  }
0xb2: {  	s29 =	simm.s32 $0x9;
	_ =	strace $0x80000057  }
0xb3: {  	_ =	swait.ge [sflag:s29], $0x1  }
0xb4: {  	[sflag:s29] =	ssyncadd.s32 $0xFFFFFFFF  }
0xb5: {  	_ =	strace $0x90000057  }
0xb6: {  	_ =	sfence  }
0xb7: {  	s30 =	sld [smem:$0x0];
	_ =	sdelay $0x2  }
0xb8: {  	s31 =	sshll.u32 s1, $0xD;
	s1 =	sshrl.u32 s1, $0x2  }
0xb9: {  	s3 =	sand.u32 $0x4000, s31;
	s1 =	sadd.s32 s1, s30  }
0xba: {  	s0 =	sor.u32 s3, s0;
	s1 =	sshll.u32 s1, $0x11  }
0xbb: {  	s0 =	sor.u32 s1, s0  }
0xbc: {  	s0 =	sadd.s32 $0x8F2B, s0  }
0xbd: {  	[sflag:s0] =	ssyncadd.remote.s32 $0x1  }
0xbe: {  	_ =	sfence.sel $0xFFFF  }
0xbf: {  	[dreg:$0x0] =	wrdreg $0xFFFFFFFF;
	(pc) =	sbr.abs _section_cstart, $3  }
0xc0: {  	[dreg:$0x1] =	wrdreg $0xFFFFFFFF  }
0xc1: {  	_ =	task.clear_ibuf [dreg:s7], $0x2FFFF;
	_ =	strace $0x9FFFFFFF  }
0xc2: {  	(tm) =	ssettm $0x7FFFFFFF  }
0xc3: {  	_ =	shalt  }
tec
execute0_lowered:
.L_overlay_start_1:
0x0: {  	(tag) =	ssettag $0x1  }
0x1: {  	s0 =	rddreg [dreg:$0x0]  }
0x2: {  	s2 =	rddreg [dreg:$0x1];
	s3 =	simm.s32 $0x0;
	s1 =	srdreg.scid  }
0x3: {  	s4 =	stileid.u32;
	s14 =	simm.s32 $0x80;
	s15 =	simm.s32 $0x400  }
0x4: {  	s16 =	simm.s32 $0x5;
	s17 =	simm.s32 $0x2800;
	s18 =	simm.s32 $0x5000  }
0x5: {  	s19 =	simm.s32 $0x7800;
	s22 =	simm.s32 $0x15000;
	s23 =	simm.s32 $0x17000  }
0x6: {  	s28 =	simm.s32 $0xC800;
	s29 =	simm.s32 $0xF000;
	s30 =	simm.s32 $0x11800  }
0x7: {  	s31 =	simm.s32 $0x2;
	s20 =	simm.s32 $0x0;
	[smem:$0x7FF] =	sst s3  }
0x8: {  	s1 =	sand.u32 $0x1, s1;
	s4 =	smul.u32 $0x14000, s4;
	s6 =	sadd.s32 $0x37000, s0  }
0x9: {  	_ =	strace $0x80000056;
	s5 =	sshll.u32 s1, $0x9;
	s1 =	ssub.s32 $0x2, s1  }
0xa: {  	s5 =	sor.u32 s5, s4;
	s4 =	sadd.s32 $0x5200, s0;
	s7 =	sshrl.u32 s1, $0x1  }
0xb: {  	s0 =	sadd.s32 $0x5F000, s0;
	s5 =	sshrl.u32 s5, $0x3;
	s1 =	ssub.s32 s1, s7  }
0xc: {  	s24 =	sadd.s32 s6, s5;
	s25 =	sor.u32 $0x10, s5;
	s11 =	sor.u32 $0x20, s5  }
0xd: {  	s12 =	sor.u32 $0x30, s5;
	s9 =	sadd.s32 s0, s5;
	s13 =	smax.u32 s1, $0x1  }
0xe: {  	s1 =	simm.s32 $0x0;
	[dreg:$0x3] =	wrdreg s24;
	s8 =	sadd.s32 s6, s25  }
0xf: {  	s26 =	sadd.s32 s6, s11;
	s6 =	sadd.s32 s6, s12;
	s10 =	sadd.s32 s0, s25  }
0x10: {  	s11 =	sadd.s32 s0, s11;
	s12 =	sadd.s32 s0, s12;
	[dreg:$0x4] =	wrdreg s8  }
0x11: {  	s24 =	simm.s32 $0x1;
	s25 =	simm.s32 $0x3;
	[dreg:$0x5] =	wrdreg s26  }
0x12: {  	v0 =	vimm.f32 $0.0e+00;
	s0 =	simm.s32 $0x4;
	[dreg:$0x6] =	wrdreg s6;
	s26 =	simm.s32 $0xA000  }
.LBB2_1:
0x13: {  	s5 =	rddreg [dreg:$0x3]  }
0x14: {  	[tilespmem:s3], [sflag:$0x5] =	stream.strided.gather [hbm4b:s5+s14], $0x2800, s15, s14, $0x38;
	[tilespmem:$0x18000] =	vst v63  }
0x15: {  	_ =	swait.ge [sflag:s16], $0x2800  }
0x16: {  	[sflag:s16] =	ssyncset.done $0x0  }
0x17: {  	s7 =	rddreg [dreg:$0x4];
	[sflag:s16] =	ssyncadd.s32 $0xFFFFD800  }
0x18: {  	[tilespmem:s17], [sflag:$0x5] =	stream.strided.gather [hbm4b:s7+s14], $0x2800, s15, s14, $0x38;
	[tilespmem:$0x18000] =	vst v63  }
0x19: {  	_ =	swait.ge [sflag:s16], $0x2800  }
0x1a: {  	[sflag:s16] =	ssyncset.done $0x0  }
0x1b: {  	s8 =	rddreg [dreg:$0x5];
	[sflag:s16] =	ssyncadd.s32 $0xFFFFD800  }
0x1c: {  	[tilespmem:s18], [sflag:$0x5] =	stream.strided.gather [hbm4b:s8+s14], $0x2800, s15, s14, $0x38;
	[tilespmem:$0x18000] =	vst v63  }
0x1d: {  	_ =	swait.ge [sflag:s16], $0x2800  }
0x1e: {  	[sflag:s16] =	ssyncset.done $0x0  }
0x1f: {  	s21 =	rddreg [dreg:$0x6];
	[sflag:s16] =	ssyncadd.s32 $0xFFFFD800  }
0x20: {  	[tilespmem:s19], [sflag:$0x5] =	stream.strided.gather [hbm4b:s21+s14], $0x2800, s15, s14, $0x38;
	[tilespmem:$0x18000] =	vst v63  }
0x21: {  	_ =	swait.ge [sflag:s16], $0x2800  }
0x22: {  	[sflag:s16] =	ssyncset.done $0x0  }
0x23: {  	s6 =	simm.s32 $0x40;
	s5 =	simm.s32 $0x0;
	[sflag:s16] =	ssyncadd.s32 $0xFFFFD800  }
.LBB2_2:
0x24: {  	p0 =	sne.s32 s6, $0x9FC0;
	[tilespmem:s5+$0x11800] =	vst v0;
	s7 =	smov.u32 s6;
	s6 =	sadd.s32 $0x40, s6  }
.Ltmp0:
0x25: {  	[tilespmem:s5+$0xF000] =	vst v0;
	(pc) =	sbr.rel @p0 .LBB2_2-.Ltmp0, $3  }
0x26: {  	[tilespmem:s5+$0xA000] =	vst v0  }
0x27: {  	[tilespmem:s5+$0xC800] =	vst v0;
	_ =	sdelay $0x1  }
0x28: {  	s5 =	sshra.s32 s7, $0x2  }
0x29: {  	[tilespmem:s5+$0x11800] =	vst v0  }
0x2a: {  	[tilespmem:s5+$0xF000] =	vst v0  }
0x2b: {  	[tilespmem:s5+$0xA000] =	vst v0  }
0x2c: {  	[tilespmem:s5+$0xC800] =	vst v0;
	s8 =	simm.s32 $0x14000  }
0x2d: {  	[tilespmem:s8], [sflag:$0x1] =	stream.linear.gather [hbm4b:s4+s20], $0xFA0, $0x38;
	[tilespmem:$0x18000] =	vst v63  }
0x2e: {  	s21 =	simm.s32 $0x16000  }
0x2f: {  	[tilespmem:s21], [sflag:$0x3] =	stream.linear.gather [hbm4b:s2+s20], $0xFA0, $0x38;
	[tilespmem:$0x18000] =	vst v63  }
0x30: {  	s21 =	simm.s32 $0x0  }
.LBB2_4:
0x31: {  	s5 =	smul.u32 $0x1F40, s21;
	_ =	sdelay $0x1  }
0x32: {  	s6 =	sshrl.u32 s5, $0x3  }
0x33: {  	s6 =	sadd.s32 $0x1F4, s6  }
0x34: {  	s7 =	sadd.s32 s4, s6  }
0x35: {  	[tilespmem:s22], [sflag:$0x2] =	stream.linear.gather [hbm4b:s7+s20], $0xFA0, $0x38;
	[tilespmem:$0x18000] =	vst v63  }
0x36: {  	s6 =	sadd.s32 s2, s6  }
0x37: {  	[tilespmem:s23], [sflag:$0x4] =	stream.linear.gather [hbm4b:s6+s20], $0xFA0, $0x38;
	[tilespmem:$0x18000] =	vst v63  }
0x38: {  	_ =	swait.ge [sflag:s24], $0xFA0  }
0x39: {  	[sflag:s24] =	ssyncset.done $0x0  }
0x3a: {  	[sflag:s24] =	ssyncadd.s32 $0xFFFFF060  }
0x3b: {  	_ =	swait.ge [sflag:s25], $0xFA0  }
0x3c: {  	[sflag:s25] =	ssyncset.done $0x0  }
0x3d: {  	s8 =	simm.s32 $0x0;
	[sflag:s25] =	ssyncadd.s32 $0xFFFFF060  }
0x3e: {  	v1 =	vld [tilespmem:s8+$0x14000];
	_ =	sdelay $0x4  }
0x3f: {  	v2 =	vand.u32 $0xFFFF, v1;
	_ =	sdelay $0x3  }
0x40: {  	v4 =	vld [tilespmem:s8+$0x16000]  }
0x41: {  	v3 =	vld.idx.msk [tilespmem:v2+s3+$0x0], $0xffff;
	_ =	sdelay $0x1  }
0x42: {  	v1 =	vshrl.u32 v1, $0x10;
	_ =	sdelay $0x2  }
0x43: {  	v3 =	vmul.f32 v3, v4;
	_ =	sdelay $0x1  }
0x44: {  	[tilespmem:v1+s26+$0x0] =	vst.idx.add.f32.msk $0xffff, v3  }
0x45: {  	v3 =	vld.idx.msk [tilespmem:v2+s17+$0x0], $0xffff;
	_ =	sdelay $0x4  }
0x46: {  	v3 =	vmul.f32 v3, v4;
	_ =	sdelay $0x1  }
0x47: {  	[tilespmem:v1+s28+$0x0] =	vst.idx.add.f32.msk $0xffff, v3  }
0x48: {  	v3 =	vld.idx.msk [tilespmem:v2+s18+$0x0], $0xffff;
	_ =	sdelay $0x4  }
0x49: {  	v3 =	vmul.f32 v3, v4;
	_ =	sdelay $0x1  }
0x4a: {  	[tilespmem:v1+s29+$0x0] =	vst.idx.add.f32.msk $0xffff, v3  }
0x4b: {  	v2 =	vld.idx.msk [tilespmem:v2+s19+$0x0], $0xffff;
	_ =	sdelay $0x4  }
0x4c: {  	s7 =	simm.s32 $0x80;
	s6 =	simm.s32 $0x40;
	v2 =	vmul.f32 v2, v4  }
.LBB2_5:
0x4d: {  	p0 =	sne.s32 s7, $0x3E40  }
0x4e: {  	s8 =	sshra.s32 s6, $0x2;
	s6 =	smov.u32 s7;
	s7 =	sadd.s32 $0x40, s7;
	[tilespmem:v1+s30+$0x0] =	vst.idx.add.f32.msk $0xffff, v2  }
0x4f: {  	v1 =	vld [tilespmem:s8+$0x14000];
	_ =	sdelay $0x4  }
0x50: {  	v2 =	vand.u32 $0xFFFF, v1;
	_ =	sdelay $0x4  }
0x51: {  	v3 =	vld.idx.msk [tilespmem:v2+s3+$0x0], $0xffff  }
0x52: {  	v4 =	vld [tilespmem:s8+$0x16000];
	_ =	sdelay $0x1  }
0x53: {  	v1 =	vshrl.u32 v1, $0x10;
	_ =	sdelay $0x2  }
0x54: {  	v3 =	vmul.f32 v3, v4;
	_ =	sdelay $0x1  }
0x55: {  	[tilespmem:v1+s26+$0x0] =	vst.idx.add.f32.msk $0xffff, v3  }
0x56: {  	v3 =	vld.idx.msk [tilespmem:v2+s17+$0x0], $0xffff;
	_ =	sdelay $0x5  }
0x57: {  	v3 =	vmul.f32 v3, v4;
	_ =	sdelay $0x1  }
0x58: {  	[tilespmem:v1+s28+$0x0] =	vst.idx.add.f32.msk $0xffff, v3  }
0x59: {  	v3 =	vld.idx.msk [tilespmem:v2+s18+$0x0], $0xffff;
	_ =	sdelay $0x5  }
0x5a: {  	v3 =	vmul.f32 v3, v4;
	_ =	sdelay $0x1  }
0x5b: {  	[tilespmem:v1+s29+$0x0] =	vst.idx.add.f32.msk $0xffff, v3  }
0x5c: {  	v2 =	vld.idx.msk [tilespmem:v2+s19+$0x0], $0xffff;
	_ =	sdelay $0x1  }
.Ltmp1:
0x5d: {  	(pc) =	sbr.rel @p0 .LBB2_5-.Ltmp1, $2  }
0x5e: {  	_ =	sdelay $0x2  }
0x5f: {  	v2 =	vmul.f32 v2, v4  }
0x60: {  	_ =	sdelay $0x3  }
0x61: {  	s6 =	sshra.s32 s6, $0x2;
	[tilespmem:v1+s30+$0x0] =	vst.idx.add.f32.msk $0xffff, v2  }
0x62: {  	v1 =	vld [tilespmem:s6+$0x14000];
	_ =	sdelay $0x4  }
0x63: {  	v2 =	vand.u32 $0xFFFF, v1;
	_ =	sdelay $0x3  }
0x64: {  	v4 =	vld [tilespmem:s6+$0x16000]  }
0x65: {  	v3 =	vld.idx.msk [tilespmem:v2+s3+$0x0], $0xffff;
	_ =	sdelay $0x1  }
0x66: {  	v1 =	vshrl.u32 v1, $0x10;
	_ =	sdelay $0x2  }
0x67: {  	v3 =	vmul.f32 v3, v4;
	_ =	sdelay $0x1  }
0x68: {  	[tilespmem:v1+s26+$0x0] =	vst.idx.add.f32.msk $0xffff, v3  }
0x69: {  	v3 =	vld.idx.msk [tilespmem:v2+s17+$0x0], $0xffff;
	_ =	sdelay $0x4  }
0x6a: {  	v3 =	vmul.f32 v3, v4;
	_ =	sdelay $0x1  }
0x6b: {  	[tilespmem:v1+s28+$0x0] =	vst.idx.add.f32.msk $0xffff, v3  }
0x6c: {  	v3 =	vld.idx.msk [tilespmem:v2+s18+$0x0], $0xffff;
	_ =	sdelay $0x4  }
0x6d: {  	v3 =	vmul.f32 v3, v4;
	_ =	sdelay $0x1  }
0x6e: {  	[tilespmem:v1+s29+$0x0] =	vst.idx.add.f32.msk $0xffff, v3  }
0x6f: {  	v2 =	vld.idx.msk [tilespmem:v2+s19+$0x0], $0xffff;
	_ =	sdelay $0x3  }
0x70: {  	p0 =	seq.s32 s21, $0x27  }
0x71: {  	s5 =	sshrl.u32 @!p0 s5, $0x3;
	v2 =	vmul.f32 v2, v4  }
0x72: {  	s5 =	sadd.s32 @!p0 $0x3E8, s5  }
0x73: {  	s7 =	simm.s32 @!p0 $0x0;
	s8 =	simm.s32 @!p0 $0x14000;
	s6 =	sadd.s32 @!p0 s4, s5;
	[tilespmem:v1+s30+$0x0] =	vst.idx.add.f32.msk $0xffff, v2  }
0x74: {  	[tilespmem:s8], [sflag:$0x1] =	stream.linear.gather @!p0 [hbm4b:s6+s7], $0xFA0, $0x38;
	[tilespmem:$0x18000] =	vst v63  }
0x75: {  	s5 =	sadd.s32 @!p0 s2, s5;
	s6 =	simm.s32 @!p0 $0x16000  }
0x76: {  	[tilespmem:s6], [sflag:$0x3] =	stream.linear.gather @!p0 [hbm4b:s5+s7], $0xFA0, $0x38;
	[tilespmem:$0x18000] =	vst v63  }
0x77: {  	_ =	swait.ge [sflag:s31], $0xFA0  }
0x78: {  	[sflag:s31] =	ssyncset.done $0x0  }
0x79: {  	[sflag:s31] =	ssyncadd.s32 $0xFFFFF060  }
0x7a: {  	_ =	swait.ge [sflag:s0], $0xFA0  }
0x7b: {  	[sflag:s0] =	ssyncset.done $0x0  }
0x7c: {  	s8 =	simm.s32 $0x0;
	[sflag:s0] =	ssyncadd.s32 $0xFFFFF060  }
0x7d: {  	v1 =	vld [tilespmem:s8+$0x15000];
	_ =	sdelay $0x4  }
0x7e: {  	v2 =	vand.u32 $0xFFFF, v1;
	_ =	sdelay $0x3  }
0x7f: {  	v63 =	vld [tilespmem:s8+$0x17000]  }
0x80: {  	v3 =	vld.idx.msk [tilespmem:v2+s3+$0x0], $0xffff;
	_ =	sdelay $0x1  }
0x81: {  	v1 =	vshrl.u32 v1, $0x10;
	_ =	sdelay $0x2  }
0x82: {  	v3 =	vmul.f32 v3, v63;
	_ =	sdelay $0x1  }
0x83: {  	[tilespmem:v1+s26+$0x0] =	vst.idx.add.f32.msk $0xffff, v3  }
0x84: {  	v3 =	vld.idx.msk [tilespmem:v2+s17+$0x0], $0xffff;
	_ =	sdelay $0x4  }
0x85: {  	v3 =	vmul.f32 v3, v63;
	_ =	sdelay $0x1  }
0x86: {  	[tilespmem:v1+s28+$0x0] =	vst.idx.add.f32.msk $0xffff, v3  }
0x87: {  	v3 =	vld.idx.msk [tilespmem:v2+s18+$0x0], $0xffff;
	_ =	sdelay $0x4  }
0x88: {  	v3 =	vmul.f32 v3, v63;
	_ =	sdelay $0x1  }
0x89: {  	[tilespmem:v1+s29+$0x0] =	vst.idx.add.f32.msk $0xffff, v3  }
0x8a: {  	v2 =	vld.idx.msk [tilespmem:v2+s19+$0x0], $0xffff;
	_ =	sdelay $0x4  }
0x8b: {  	s5 =	simm.s32 $0x40;
	s6 =	simm.s32 $0x80;
	v2 =	vmul.f32 v2, v63  }
.LBB2_7:
0x8c: {  	p0 =	sne.s32 s6, $0x3E40  }
0x8d: {  	s7 =	sshra.s32 s5, $0x2;
	s5 =	smov.u32 s6;
	s6 =	sadd.s32 $0x40, s6;
	[tilespmem:v1+s30+$0x0] =	vst.idx.add.f32.msk $0xffff, v2  }
0x8e: {  	v1 =	vld [tilespmem:s7+$0x15000];
	_ =	sdelay $0x4  }
0x8f: {  	v2 =	vand.u32 $0xFFFF, v1;
	_ =	sdelay $0x4  }
0x90: {  	v3 =	vld.idx.msk [tilespmem:v2+s3+$0x0], $0xffff  }
0x91: {  	v4 =	vld [tilespmem:s7+$0x17000];
	_ =	sdelay $0x1  }
0x92: {  	v1 =	vshrl.u32 v1, $0x10;
	_ =	sdelay $0x2  }
0x93: {  	v3 =	vmul.f32 v3, v4;
	_ =	sdelay $0x1  }
0x94: {  	[tilespmem:v1+s26+$0x0] =	vst.idx.add.f32.msk $0xffff, v3  }
0x95: {  	v3 =	vld.idx.msk [tilespmem:v2+s17+$0x0], $0xffff;
	_ =	sdelay $0x5  }
0x96: {  	v3 =	vmul.f32 v3, v4;
	_ =	sdelay $0x1  }
0x97: {  	[tilespmem:v1+s28+$0x0] =	vst.idx.add.f32.msk $0xffff, v3  }
0x98: {  	v3 =	vld.idx.msk [tilespmem:v2+s18+$0x0], $0xffff;
	_ =	sdelay $0x5  }
0x99: {  	v3 =	vmul.f32 v3, v4;
	_ =	sdelay $0x1  }
0x9a: {  	[tilespmem:v1+s29+$0x0] =	vst.idx.add.f32.msk $0xffff, v3  }
0x9b: {  	v2 =	vld.idx.msk [tilespmem:v2+s19+$0x0], $0xffff;
	_ =	sdelay $0x1  }
.Ltmp2:
0x9c: {  	(pc) =	sbr.rel @p0 .LBB2_7-.Ltmp2, $2  }
0x9d: {  	_ =	sdelay $0x2  }
0x9e: {  	v2 =	vmul.f32 v2, v4  }
0x9f: {  	_ =	sdelay $0x3  }
0xa0: {  	s5 =	sshra.s32 s5, $0x2;
	[tilespmem:v1+s30+$0x0] =	vst.idx.add.f32.msk $0xffff, v2  }
0xa1: {  	v1 =	vld [tilespmem:s5+$0x15000];
	_ =	sdelay $0x4  }
0xa2: {  	v2 =	vand.u32 $0xFFFF, v1;
	_ =	sdelay $0x3  }
0xa3: {  	v4 =	vld [tilespmem:s5+$0x17000]  }
0xa4: {  	v3 =	vld.idx.msk [tilespmem:v2+s3+$0x0], $0xffff;
	_ =	sdelay $0x1  }
0xa5: {  	v1 =	vshrl.u32 v1, $0x10;
	_ =	sdelay $0x2  }
0xa6: {  	v3 =	vmul.f32 v3, v4;
	_ =	sdelay $0x1  }
0xa7: {  	[tilespmem:v1+s26+$0x0] =	vst.idx.add.f32.msk $0xffff, v3  }
0xa8: {  	v3 =	vld.idx.msk [tilespmem:v2+s17+$0x0], $0xffff;
	_ =	sdelay $0x4  }
0xa9: {  	v3 =	vmul.f32 v3, v4;
	_ =	sdelay $0x1  }
0xaa: {  	[tilespmem:v1+s28+$0x0] =	vst.idx.add.f32.msk $0xffff, v3  }
0xab: {  	v3 =	vld.idx.msk [tilespmem:v2+s18+$0x0], $0xffff;
	_ =	sdelay $0x4  }
0xac: {  	v3 =	vmul.f32 v3, v4;
	_ =	sdelay $0x1  }
0xad: {  	[tilespmem:v1+s29+$0x0] =	vst.idx.add.f32.msk $0xffff, v3  }
0xae: {  	v2 =	vld.idx.msk [tilespmem:v2+s19+$0x0], $0xffff  }
0xaf: {  	s21 =	sadd.s32 $0x1, s21  }
0xb0: {  	p0 =	sne.s32 s21, $0x28  }
.Ltmp3:
0xb1: {  	_ = 	snop;
	(pc) =	sbr.rel @p0 .LBB2_4-.Ltmp3, $3  }
0xb2: {  	_ = 	snop  }
0xb3: {  	v2 =	vmul.f32 v2, v4;
	_ =	sdelay $0x1  }
0xb4: {  	[tilespmem:v1+s30+$0x0] =	vst.idx.add.f32.msk $0xffff, v2  }
0xb5: {  	[hbm4b:s9+s14] =	stream.strided.scatter [tilespmem:s26], [sflag:$0x5], $0x2800, s15, s14, $0x38;
	[tilespmem:$0x18000] =	vst v63  }
0xb6: {  	_ =	swait.ge [sflag:s16], $0x2800  }
0xb7: {  	[sflag:s16] =	ssyncset.done $0x0  }
0xb8: {  	[sflag:s16] =	ssyncadd.s32 $0xFFFFD800  }
0xb9: {  	[hbm4b:s10+s14] =	stream.strided.scatter [tilespmem:s28], [sflag:$0x5], $0x2800, s15, s14, $0x38;
	[tilespmem:$0x18000] =	vst v63  }
0xba: {  	_ =	swait.ge [sflag:s16], $0x2800  }
0xbb: {  	[sflag:s16] =	ssyncset.done $0x0  }
0xbc: {  	[sflag:s16] =	ssyncadd.s32 $0xFFFFD800  }
0xbd: {  	[hbm4b:s11+s14] =	stream.strided.scatter [tilespmem:s29], [sflag:$0x5], $0x2800, s15, s14, $0x38;
	[tilespmem:$0x18000] =	vst v63  }
0xbe: {  	s1 =	sadd.s32 $0x1, s1;
	_ =	swait.ge [sflag:s16], $0x2800  }
0xbf: {  	p0 =	sne.s32 s1, s13;
	[sflag:s16] =	ssyncset.done $0x0  }
.Ltmp4:
0xc0: {  	[sflag:s16] =	ssyncadd.s32 $0xFFFFD800;
	(pc) =	sbr.rel @p0 .LBB2_1-.Ltmp4, $4  }
0xc1: {  	[hbm4b:s12+s14] =	stream.strided.scatter [tilespmem:s30], [sflag:$0x5], $0x2800, s15, s14, $0x38;
	[tilespmem:$0x18000] =	vst v63  }
0xc2: {  	_ =	swait.ge [sflag:s16], $0x2800  }
0xc3: {  	[sflag:s16] =	ssyncset.done $0x0  }
0xc4: {  	[sflag:s16] =	ssyncadd.s32 $0xFFFFD800  }
0xc5: {  	_ =	sfence.sel $0x180000  }
0xc6: {  	[bflag:$0x0] =	sbarrier.arrive $0xFFFF  }
0xc7: {  	_ =	strace $0x90000056  }
0xc8: {  	s0 =	stileid.u32;
	[bflag:$0x2] =	sbarrier.arrive $0xFFFF  }
0xc9: {  	p0 =	sne.s32 s0, $0x0;
	s0 =	rddreg [dreg:$0x2]  }
0xca: {  	s0 =	sadd.s32 @!p0 $0x100000, s0  }
0xcb: {  	[sflag:s0] =	ssyncadd.tile.s32 @!p0 $0x1;
	_ =	shalt  }
.Lfunc_end2:
_tile_overlayer_lowered:
.L_overlay_start_2:
0xcc: {  	(tag) =	ssettag $0x2  }
0xcd: {  	s0 =	rddreg [dreg:$0x0];
	s2 =	stileid.u32  }
0xce: {  	s1 =	rddreg [dreg:$0x1];
	p0 =	sne.s32 s2, $0x0  }
0xcf: {  	s3 =	rddreg [dreg:$0x2];
	[bflag:$0x3] =	sbarrier.arrive $0xFFFF;
	s2 =	simm.s32 @!p0 $0x1C05  }
0xd0: {  	[timem:s3], [sflag:s2] =	dma.local @!p0 [hbm:s0], s1  }
0xd1: {  	s0 =	simm.s32 @!p0 $0x5  }
0xd2: {  	_ =	swait.ge @!p0 [sflag:s0], s1  }
0xd3: {  	s1 =	ssub.s32 @!p0 $0x0, s1;
	[sflag:s0] =	ssyncset.done @!p0 $0x0  }
0xd4: {  	[sflag:s0] =	ssyncadd.s32 @!p0 s1  }
0xd5: {  	[bflag:$0x3] =	sbarrier.arrive $0xFFFF  }
0xd6: {  	_ =	shalt  }

</sc_bundles>
